<compile_context>
chip_gen: v7x
topology: tpu7x:2x2x1
jax: 0.10.2.dev20260603
libtpu: 0.0.44.dev20260713+nightly
codegen_flags: <defaults>
</compile_context>

<pallas_src>
import functools

import jax
import jax.numpy as jnp
from jax import lax
from jax.experimental import pallas as pl
from jax.experimental.pallas import tpu as pltpu
from jax.experimental.pallas import tpu_sc as plsc

IOU_THRESHOLD = 0.6
NMS_FILTER = 2000
BLK = 128
PAD_COORD = -1.0e6

NWORK = 32
LANES = 16
NOUT = 2048


def _nms_block_kernel(x1_ref, y1_ref, x2_ref, y2_ref,
                      keep_ref, bsum_ref, removed_ref, m_ref, suff_ref,
                      nblk: int):
    b = pl.program_id(0)

    @pl.when(b == 0)
    def _init():
        removed_ref[...] = jnp.zeros_like(removed_ref)

        def sm_body(i, carry):
            c = nblk - 1 - i
            new = jnp.maximum(jnp.max(y2_ref[pl.ds(c, 1), :]), carry)
            suff_ref[c] = new
            return new

        lax.fori_loop(0, nblk, sm_body, jnp.float32(-3e38))

    cx1 = x1_ref[pl.ds(b, 1), :]
    cy1 = y1_ref[pl.ds(b, 1), :]
    cx2 = x2_ref[pl.ds(b, 1), :]
    cy2 = y2_ref[pl.ds(b, 1), :]
    rx1 = jnp.broadcast_to(cx1, (BLK, BLK)).T
    ry1 = jnp.broadcast_to(cy1, (BLK, BLK)).T
    rx2 = jnp.broadcast_to(cx2, (BLK, BLK)).T
    ry2 = jnp.broadcast_to(cy2, (BLK, BLK)).T
    rarea = (rx2 - rx1) * (ry2 - ry1)

    def iou_gt(ccx1, ccy1, ccx2, ccy2):
        ix1 = jnp.maximum(rx1, ccx1)
        iy1 = jnp.maximum(ry1, ccy1)
        ix2 = jnp.minimum(rx2, ccx2)
        iy2 = jnp.minimum(ry2, ccy2)
        inter = jnp.maximum(ix2 - ix1, 0.0) * jnp.maximum(iy2 - iy1, 0.0)
        carea = (ccx2 - ccx1) * (ccy2 - ccy1)
        iou = inter / (rarea + carea - inter + 1e-9)
        return (iou > IOU_THRESHOLD).astype(jnp.float32)

    m = iou_gt(cx1, cy1, cx2, cy2)
    col_ids = lax.broadcasted_iota(jnp.int32, (BLK, BLK), 1)
    row_ids = lax.broadcasted_iota(jnp.int32, (BLK, BLK), 0)
    m_ref[...] = m * (col_ids > row_ids).astype(jnp.float32)

    lane = lax.broadcasted_iota(jnp.int32, (1, BLK), 1)
    keep0 = 1.0 - removed_ref[pl.ds(b, 1), :]

    def body(i, keep):
        mrow = m_ref[pl.ds(i, 1), :]
        keep_i = jnp.sum(jnp.where(lane == i, keep, 0.0))
        return keep * (1.0 - mrow * keep_i)

    CHUNK = 2

    def chunk_body(k, keep):
        base = pl.multiple_of(k * CHUNK, CHUNK)
        flag = jnp.max(m_ref[pl.ds(base, CHUNK), :])
        return lax.cond(
            flag > 0.0,
            lambda kp: lax.fori_loop(base, base + CHUNK, body, kp),
            lambda kp: kp,
            keep)

    keep = lax.fori_loop(0, BLK // CHUNK, chunk_body, keep0)
    keep_real = keep * (cy1 > -1.0e5).astype(jnp.float32)
    keep_ref[pl.ds(b, 1), :] = keep_real
    bsum_ref[pl.ds(b, 1), :] = jnp.broadcast_to(jnp.sum(keep_real), (1, BLK))

    keep_rows = jnp.broadcast_to(keep, (BLK, BLK)).T
    min_y1_b = jnp.min(cy1)

    c_hi = lax.while_loop(
        lambda c: (c < nblk) & (suff_ref[c] > min_y1_b),
        lambda c: c + 1, b + 1)

    def cross(c, _):
        ccx1 = x1_ref[pl.ds(c, 1), :]
        ccy1 = y1_ref[pl.ds(c, 1), :]
        ccx2 = x2_ref[pl.ds(c, 1), :]
        ccy2 = y2_ref[pl.ds(c, 1), :]
        mc = iou_gt(ccx1, ccy1, ccx2, ccy2) * keep_rows
        sup = jnp.max(mc, axis=0, keepdims=True)
        removed_ref[pl.ds(c, 1), :] = jnp.maximum(
            removed_ref[pl.ds(c, 1), :], sup)
        return 0

    lax.fori_loop(b + 1, c_hi, cross, 0)


def _run_nms(bs, n_pad, interpret=False):
    nblk = n_pad // BLK
    planes = [bs[:, i].reshape(nblk, BLK) for i in range(4)]
    keep, bsum = pl.pallas_call(
        functools.partial(_nms_block_kernel, nblk=nblk),
        grid=(nblk,),
        in_specs=[pl.BlockSpec((nblk, BLK), lambda b: (0, 0))] * 4,
        out_specs=[pl.BlockSpec((nblk, BLK), lambda b: (0, 0))] * 2,
        out_shape=[jax.ShapeDtypeStruct((nblk, BLK), jnp.float32),
                   jax.ShapeDtypeStruct((nblk, BLK), jnp.float32)],
        scratch_shapes=[pltpu.VMEM((nblk, BLK), jnp.float32),
                        pltpu.VMEM((BLK, BLK), jnp.float32),
                        pltpu.SMEM((nblk,), jnp.float32)],
        interpret=interpret,
    )(*planes)
    return keep.reshape(-1), bsum[:, 0]


def _fin_kernel(keep_hbm, vals_hbm, anch_hbm, wpre_hbm, out_hbm,
                keep_v, vals_v, slots_v, rows_v, wpre_v, tmp_v, sem,
                n_pad: int):
    ch = n_pad // NWORK
    ng = ch // LANES
    nc = ch // 128
    c = lax.axis_index("c")
    s = lax.axis_index("s")
    wid = s * 2 + c
    base = wid * ch

    pltpu.sync_copy(keep_hbm.at[pl.ds(base, ch)], keep_v)
    pltpu.sync_copy(vals_hbm.at[pl.ds(base, ch)], vals_v)
    pltpu.sync_copy(wpre_hbm, wpre_v)

    lanes = lax.iota(jnp.int32, LANES)
    last = lanes * 0 + (LANES - 1)
    carry = plsc.load_gather(wpre_v, [lanes * 0 + wid])

    for g in range(ng):
        kv = keep_v[pl.ds(g * LANES, LANES)]
        cur = kv
        for sh in (1, 2, 4, 8):
            tmp_v[pl.ds(0, LANES)] = cur
            sft = plsc.load_gather(tmp_v, [jnp.maximum(lanes - sh, 0)])
            cur = cur + jnp.where(lanes >= sh, sft, 0.0)
        tmp_v[pl.ds(0, LANES)] = cur
        tot = plsc.load_gather(tmp_v, [last])
        slot = (carry + cur - 1.0).astype(jnp.int32)
        ok = (kv > 0.0) & (slot < NOUT)
        slots_v[g // 8, pl.ds((g % 8) * LANES, LANES)] = (
            jnp.where(ok, slot, NOUT + wid))
        carry = carry + tot

    for j in range(nc):
        pltpu.async_copy(anch_hbm.at[vals_v.at[pl.ds(j * 128, 128)]],
                         rows_v.at[pl.ds(j * 128, 128)], sem).wait()

    zeros = jnp.zeros((LANES,), jnp.int32)

    def wcol(g, _):
        rid = lanes + g * LANES
        v = vals_v[pl.ds(g * LANES, LANES)].astype(jnp.float32)
        plsc.store_scatter(rows_v, [rid, zeros], v)
        return 0

    lax.fori_loop(0, ng, wcol, 0)

    for j in range(nc):
        pltpu.async_copy(rows_v.at[pl.ds(j * 128, 128)],
                         out_hbm.at[slots_v.at[j]], sem).wait()


def _finalize(keep, vals, anch16, wprefix, n_pad):
    ch = n_pad // NWORK
    mesh = plsc.VectorSubcoreMesh(core_axis_name="c", subcore_axis_name="s")
    out = pl.kernel(
        functools.partial(_fin_kernel, n_pad=n_pad),
        out_type=jax.ShapeDtypeStruct((NOUT + NWORK, 16), jnp.float32),
        mesh=mesh,
        compiler_params=pltpu.CompilerParams(needs_layout_passes=False,
                                             use_tc_tiling_on_sc=False),
        scratch_types=[
            pltpu.VMEM((ch,), jnp.float32),
            pltpu.VMEM((ch,), jnp.int32),
            pltpu.VMEM((ch // 128, 128), jnp.int32),
            pltpu.VMEM((ch, 16), jnp.float32),
            pltpu.VMEM((NWORK,), jnp.float32),
            pltpu.VMEM((LANES,), jnp.float32),
            pltpu.SemaphoreType.DMA,
        ],
    )(keep, vals, anch16, wprefix)
    return out


def kernel(anchors, scores):
    n = anchors.shape[0]
    grain = BLK * NWORK
    n_pad = ((n + grain - 1) // grain) * grain

    scores_fg = scores.reshape(-1, 2)[:, 1]
    top_scores_idx = jnp.argsort(scores_fg)
    top_scores = anchors[top_scores_idx, 1]
    order = jnp.argsort(-top_scores)
    bs = anchors[top_scores_idx[order]]
    bs_pad = jnp.concatenate(
        [bs, jnp.full((n_pad - n, 4), PAD_COORD, jnp.float32)], axis=0)

    keep, bsum = _run_nms(bs_pad, n_pad)

    nblk = n_pad // BLK
    csum = jnp.cumsum(bsum)
    count = csum[-1].astype(jnp.int32)
    blocks_per_w = nblk // NWORK
    wprefix = jnp.concatenate(
        [jnp.zeros((1,), jnp.float32),
         csum[blocks_per_w - 1:-1:blocks_per_w]])

    vals = jnp.concatenate(
        [order.astype(jnp.int32), jnp.zeros((n_pad - n,), jnp.int32)])
    anch16 = jnp.pad(anchors, ((0, 0), (1, 11)))

    out = _finalize(keep, vals, anch16, wprefix, n_pad)

    valid = jnp.arange(NMS_FILTER) < count
    col0 = out[:NMS_FILTER, 0].astype(jnp.int32)
    nms_idx = jnp.where(valid, col0, col0[0])
    boxes = jnp.where(valid[:, None], out[:NMS_FILTER, 1:5], out[0:1, 1:5])
    return boxes, nms_idx

# --- scband reference (transcript-rebuilt; emitter-appended) ---
"""Pipeline reference for scband-faster-rcnn-1640677507309 (READ-ONLY COPY).

The authoritative reference and input builder live on the scoring server;
editing this copy changes nothing except your own understanding.
"""

import jax, jax.numpy as jnp
import numpy as np

IOU_THRESHOLD = 0.6
NMS_FILTER = 2000
N_BOXES = 20000


def setup_inputs(seed: int = 0):
    key = jax.random.key(seed)
    k1, k2, k3 = jax.random.split(key, 3)
    # Build valid (x1, y1, x2, y2) boxes inside a ~1000x1000 image, like clipped anchors.
    xy = jax.random.uniform(k1, (N_BOXES, 2), dtype=jnp.float32) * 900.0
    wh = jax.random.uniform(k2, (N_BOXES, 2), dtype=jnp.float32) * 100.0 + 1.0
    anchors = jnp.concatenate([xy, xy + wh], axis=1).astype(jnp.float32)
    # RPN objectness scores, viewed as (N, 2) = (background, foreground) per anchor.
    scores = jax.random.uniform(k3, (N_BOXES, 2), dtype=jnp.float32)
    return {"anchors": anchors, "scores": scores}


def _box_iou_one_vs_all(box, boxes):
    x1 = jnp.maximum(box[0], boxes[:, 0])
    y1 = jnp.maximum(box[1], boxes[:, 1])
    x2 = jnp.minimum(box[2], boxes[:, 2])
    y2 = jnp.minimum(box[3], boxes[:, 3])
    inter = jnp.clip(x2 - x1, 0.0) * jnp.clip(y2 - y1, 0.0)
    area1 = (box[2] - box[0]) * (box[3] - box[1])
    area2 = (boxes[:, 2] - boxes[:, 0]) * (boxes[:, 3] - boxes[:, 1])
    return inter / (area1 + area2 - inter + 1e-9)


def _nms(boxes, scores, iou_threshold):
    # torchvision.ops.nms semantics: sort by score descending, greedily suppress
    # any remaining box with IoU > iou_threshold against a kept box.
    n = boxes.shape[0]
    order = jnp.argsort(-scores)
    bs = boxes[order]
    idxs = jnp.arange(n)

    def body(i, keep):
        iou = _box_iou_one_vs_all(bs[i], bs)
        suppress = (iou > iou_threshold) & (idxs > i) & keep[i]
        return keep & (~suppress)

    keep = jax.lax.fori_loop(0, n, body, jnp.ones((n,), dtype=bool))
    # Static-size output for jit: take first NMS_FILTER surviving indices (nms_filter truncation).
    sel = jnp.nonzero(keep, size=min(NMS_FILTER, n), fill_value=0)[0]
    return order[sel]


def reference(anchors, scores):
    # Faithful to Anchor.post_processing:
    #   scores = scores.view(-1, 2)[:, 1]
    #   top_scores_idx = scores.argsort()              (ascending, as in original)
    #   top_anchors = anchors[top_scores_idx]
    #   top_scores = anchors[top_scores_idx][:, 1]     (original uses y1 column as score)
    #   nms_idx = torchvision.ops.nms(top_anchors, top_scores, 0.6)[:nms_filter]
    #   return anchors[nms_idx], nms_idx
    scores_fg = scores.reshape(-1, 2)[:, 1]
    top_scores_idx = jnp.argsort(scores_fg)
    top_anchors = anchors[top_scores_idx]
    top_scores = anchors[top_scores_idx][:, 1]
    nms_idx = _nms(top_anchors, top_scores, IOU_THRESHOLD)
    return anchors[nms_idx], nms_idx

if __name__ == "__main__":
    import jax
    _d = setup_inputs()
    print(jax.jit(kernel)(*tuple(_d.values())))

</pallas_src>

<mosaic_0001>
#map = affine_map<(d0, d1) -> (0)>
#map1 = affine_map<(d0, d1) -> (0, 0)>
module attributes {stable_mosaic.version = 14 : i64} {
  func.func @_fin_kernel(%arg0: i32, %arg1: i32, %arg2: memref<20480xf32, #tpu.memory_space<hbm>>, %arg3: memref<20480xi32, #tpu.memory_space<hbm>>, %arg4: memref<20000x16xf32, #tpu.memory_space<hbm>>, %arg5: memref<32xf32, #tpu.memory_space<hbm>>, %arg6: memref<2080x16xf32, #tpu.memory_space<hbm>>, %arg7: memref<640xf32, #tpu.memory_space<vmem>>, %arg8: memref<640xi32, #tpu.memory_space<vmem>>, %arg9: memref<5x128xi32, #tpu.memory_space<vmem>>, %arg10: memref<640x16xf32, #tpu.memory_space<vmem>>, %arg11: memref<32xf32, #tpu.memory_space<vmem>>, %arg12: memref<16xf32, #tpu.memory_space<vmem>>, %arg13: memref<!tpu.dma_semaphore, #tpu.memory_space<semaphore_mem>>) attributes {dimension_semantics = [#tpu.dimension_semantics<core_parallel>, #tpu.dimension_semantics<subcore_parallel>], iteration_bounds = array<i64: 2, 16>, scalar_prefetch = 0 : i64, scratch_operands = 7 : i64, tpu.core_type = #tpu.core_type<sc_vector_subcore>, window_params = [{transform_indices = #map}, {transform_indices = #map}, {transform_indices = #map1}, {transform_indices = #map}, {transform_indices = #map1}]} {
    %mul3A = arith.constant 2 : i32
    %mul3A_0 = arith.muli %arg1, %mul3A : i32
    %add3A = arith.addi %mul3A_0, %arg0 : i32
    %mul3A_1 = arith.constant 640 : i32
    %mul3A_2 = arith.muli %add3A, %mul3A_1 : i32
    "tpu.region"() ({
      %run_scoped3A = tpu.sem_alloc : memref<!tpu.dma_semaphore, #tpu.memory_space<semaphore_mem>>
      %dma_start3A_3788 = tpu.memref_slice %arg2[%mul3A_2] : memref<20480xf32, #tpu.memory_space<hbm>> -> memref<640xf32, #tpu.memory_space<hbm>>
      %dma_start3A_3789 = tpu.memref_slice %arg2[%mul3A_2] : memref<20480xf32, #tpu.memory_space<hbm>> -> memref<640xf32, #tpu.memory_space<hbm>>
      tpu.enqueue_dma source(%dma_start3A_3789 : memref<640xf32, #tpu.memory_space<hbm>>) target(%arg7 : memref<640xf32, #tpu.memory_space<vmem>>) target_semaphore(%run_scoped3A : memref<!tpu.dma_semaphore, #tpu.memory_space<semaphore_mem>>)
      %dma_wait3A_3790 = tpu.memref_slice %arg2[%mul3A_2] : memref<20480xf32, #tpu.memory_space<hbm>> -> memref<640xf32, #tpu.memory_space<hbm>>
      %dma_wait3A_3791 = tpu.memref_slice %arg2[%mul3A_2] : memref<20480xf32, #tpu.memory_space<hbm>> -> memref<640xf32, #tpu.memory_space<hbm>>
      tpu.wait_dma2 semaphore(%run_scoped3A : memref<!tpu.dma_semaphore, #tpu.memory_space<semaphore_mem>>) src(%dma_wait3A_3791 : memref<640xf32, #tpu.memory_space<hbm>>) dst(%arg7 : memref<640xf32, #tpu.memory_space<vmem>>)
      tpu.yield
    }) : () -> ()
    "tpu.region"() ({
      %run_scoped3A = tpu.sem_alloc : memref<!tpu.dma_semaphore, #tpu.memory_space<semaphore_mem>>
      %dma_start3A_3788 = tpu.memref_slice %arg3[%mul3A_2] : memref<20480xi32, #tpu.memory_space<hbm>> -> memref<640xi32, #tpu.memory_space<hbm>>
      %dma_start3A_3789 = tpu.memref_slice %arg3[%mul3A_2] : memref<20480xi32, #tpu.memory_space<hbm>> -> memref<640xi32, #tpu.memory_space<hbm>>
      tpu.enqueue_dma source(%dma_start3A_3789 : memref<640xi32, #tpu.memory_space<hbm>>) target(%arg8 : memref<640xi32, #tpu.memory_space<vmem>>) target_semaphore(%run_scoped3A : memref<!tpu.dma_semaphore, #tpu.memory_space<semaphore_mem>>)
      %dma_wait3A_3790 = tpu.memref_slice %arg3[%mul3A_2] : memref<20480xi32, #tpu.memory_space<hbm>> -> memref<640xi32, #tpu.memory_space<hbm>>
      %dma_wait3A_3791 = tpu.memref_slice %arg3[%mul3A_2] : memref<20480xi32, #tpu.memory_space<hbm>> -> memref<640xi32, #tpu.memory_space<hbm>>
      tpu.wait_dma2 semaphore(%run_scoped3A : memref<!tpu.dma_semaphore, #tpu.memory_space<semaphore_mem>>) src(%dma_wait3A_3791 : memref<640xi32, #tpu.memory_space<hbm>>) dst(%arg8 : memref<640xi32, #tpu.memory_space<vmem>>)
      tpu.yield
    }) : () -> ()
    "tpu.region"() ({
      %run_scoped3A = tpu.sem_alloc : memref<!tpu.dma_semaphore, #tpu.memory_space<semaphore_mem>>
      tpu.enqueue_dma source(%arg5 : memref<32xf32, #tpu.memory_space<hbm>>) target(%arg11 : memref<32xf32, #tpu.memory_space<vmem>>) target_semaphore(%run_scoped3A : memref<!tpu.dma_semaphore, #tpu.memory_space<semaphore_mem>>)
      tpu.wait_dma2 semaphore(%run_scoped3A : memref<!tpu.dma_semaphore, #tpu.memory_space<semaphore_mem>>) src(%arg5 : memref<32xf32, #tpu.memory_space<hbm>>) dst(%arg11 : memref<32xf32, #tpu.memory_space<vmem>>)
      tpu.yield
    }) : () -> ()
    %iota3A = tpu.iota {dimensions = array<i32: 0>} : vector<16xi32>
    %mul3A_3 = arith.constant 0 : i32
    %mul3A_4 = vector.broadcast %mul3A_3 : i32 to vector<16xi32>
    %mul3A_5 = arith.muli %iota3A, %mul3A_4 : vector<16xi32>
    %add3A_6 = arith.constant 15 : i32
    %add3A_7 = vector.broadcast %add3A_6 : i32 to vector<16xi32>
    %add3A_8 = arith.addi %mul3A_5, %add3A_7 : vector<16xi32>
    %mul3A_9 = arith.constant 0 : i32
    %mul3A_10 = vector.broadcast %mul3A_9 : i32 to vector<16xi32>
    %mul3A_11 = arith.muli %iota3A, %mul3A_10 : vector<16xi32>
    %add3A_12 = vector.broadcast %add3A : i32 to vector<16xi32>
    %add3A_13 = arith.addi %mul3A_11, %add3A_12 : vector<16xi32>
    %gather3A = tpu.vector_load_idx %arg11[%add3A_13] : memref<32xf32, #tpu.memory_space<vmem>>[vector<16xi32>], vector<16xf32>,
    %get3A = arith.constant 0 : index
    %get3A_14 = tpu.vector_load %arg7[%get3A] {strides = array<i32>} : memref<640xf32, #tpu.memory_space<vmem>>, vector<16xf32>,
    %swap3A = arith.constant 0 : index
    %swap3A_15 = tpu.vector_load %arg12[%swap3A] {strides = array<i32>} : memref<16xf32, #tpu.memory_space<vmem>>, vector<16xf32>,
    tpu.vector_store %arg12[%swap3A], %get3A_14 {strides = array<i32>} : memref<16xf32, #tpu.memory_space<vmem>>, vector<16xf32>,
    %sub3A = arith.constant 1 : i32
    %sub3A_16 = vector.broadcast %sub3A : i32 to vector<16xi32>
    %sub3A_17 = arith.subi %iota3A, %sub3A_16 : vector<16xi32>
    %max3A = arith.constant 0 : i32
    %max3A_18 = vector.broadcast %max3A : i32 to vector<16xi32>
    %max3A_19 = arith.maxsi %sub3A_17, %max3A_18 : vector<16xi32>
    %gather3A_20 = tpu.vector_load_idx %arg12[%max3A_19] : memref<16xf32, #tpu.memory_space<vmem>>[vector<16xi32>], vector<16xf32>,
    %ge3A = arith.constant 1 : i32
    %ge3A_21 = vector.broadcast %ge3A : i32 to vector<16xi32>
    %ge3A_22 = arith.cmpi sge, %iota3A, %ge3A_21 : vector<16xi32>
    %jit3A = arith.constant 0.000000e+00 : f32
    %broadcast_in_dim3A = vector.broadcast %jit3A : f32 to vector<16xf32>
    %select_n3A = arith.select %ge3A_22, %gather3A_20, %broadcast_in_dim3A : vector<16xi1>, vector<16xf32>
    %add3A_23 = arith.addf %get3A_14, %select_n3A : vector<16xf32>
    %swap3A_24 = arith.constant 0 : index
    %swap3A_25 = tpu.vector_load %arg12[%swap3A_24] {strides = array<i32>} : memref<16xf32, #tpu.memory_space<vmem>>, vector<16xf32>,
    tpu.vector_store %arg12[%swap3A_24], %add3A_23 {strides = array<i32>} : memref<16xf32, #tpu.memory_space<vmem>>, vector<16xf32>,
    %sub3A_26 = arith.constant 2 : i32
    %sub3A_27 = vector.broadcast %sub3A_26 : i32 to vector<16xi32>
    %sub3A_28 = arith.subi %iota3A, %sub3A_27 : vector<16xi32>
    %max3A_29 = arith.constant 0 : i32
    %max3A_30 = vector.broadcast %max3A_29 : i32 to vector<16xi32>
    %max3A_31 = arith.maxsi %sub3A_28, %max3A_30 : vector<16xi32>
    %gather3A_32 = tpu.vector_load_idx %arg12[%max3A_31] : memref<16xf32, #tpu.memory_space<vmem>>[vector<16xi32>], vector<16xf32>,
    %ge3A_33 = arith.constant 2 : i32
    %ge3A_34 = vector.broadcast %ge3A_33 : i32 to vector<16xi32>
    %ge3A_35 = arith.cmpi sge, %iota3A, %ge3A_34 : vector<16xi32>
    %jit3A_36 = arith.constant 0.000000e+00 : f32
    %broadcast_in_dim3A_37 = vector.broadcast %jit3A_36 : f32 to vector<16xf32>
    %select_n3A_38 = arith.select %ge3A_35, %gather3A_32, %broadcast_in_dim3A_37 : vector<16xi1>, vector<16xf32>
    %add3A_39 = arith.addf %add3A_23, %select_n3A_38 : vector<16xf32>
    %swap3A_40 = arith.constant 0 : index
    %swap3A_41 = tpu.vector_load %arg12[%swap3A_40] {strides = array<i32>} : memref<16xf32, #tpu.memory_space<vmem>>, vector<16xf32>,
    tpu.vector_store %arg12[%swap3A_40], %add3A_39 {strides = array<i32>} : memref<16xf32, #tpu.memory_space<vmem>>, vector<16xf32>,
    %sub3A_42 = arith.constant 4 : i32
    %sub3A_43 = vector.broadcast %sub3A_42 : i32 to vector<16xi32>
    %sub3A_44 = arith.subi %iota3A, %sub3A_43 : vector<16xi32>
    %max3A_45 = arith.constant 0 : i32
    %max3A_46 = vector.broadcast %max3A_45 : i32 to vector<16xi32>
    %max3A_47 = arith.maxsi %sub3A_44, %max3A_46 : vector<16xi32>
    %gather3A_48 = tpu.vector_load_idx %arg12[%max3A_47] : memref<16xf32, #tpu.memory_space<vmem>>[vector<16xi32>], vector<16xf32>,
    %ge3A_49 = arith.constant 4 : i32
    %ge3A_50 = vector.broadcast %ge3A_49 : i32 to vector<16xi32>
    %ge3A_51 = arith.cmpi sge, %iota3A, %ge3A_50 : vector<16xi32>
    %jit3A_52 = arith.constant 0.000000e+00 : f32
    %broadcast_in_dim3A_53 = vector.broadcast %jit3A_52 : f32 to vector<16xf32>
    %select_n3A_54 = arith.select %ge3A_51, %gather3A_48, %broadcast_in_dim3A_53 : vector<16xi1>, vector<16xf32>
    %add3A_55 = arith.addf %add3A_39, %select_n3A_54 : vector<16xf32>
    %swap3A_56 = arith.constant 0 : index
    %swap3A_57 = tpu.vector_load %arg12[%swap3A_56] {strides = array<i32>} : memref<16xf32, #tpu.memory_space<vmem>>, vector<16xf32>,
    tpu.vector_store %arg12[%swap3A_56], %add3A_55 {strides = array<i32>} : memref<16xf32, #tpu.memory_space<vmem>>, vector<16xf32>,
    %sub3A_58 = arith.constant 8 : i32
    %sub3A_59 = vector.broadcast %sub3A_58 : i32 to vector<16xi32>
    %sub3A_60 = arith.subi %iota3A, %sub3A_59 : vector<16xi32>
    %max3A_61 = arith.constant 0 : i32
    %max3A_62 = vector.broadcast %max3A_61 : i32 to vector<16xi32>
    %max3A_63 = arith.maxsi %sub3A_60, %max3A_62 : vector<16xi32>
    %gather3A_64 = tpu.vector_load_idx %arg12[%max3A_63] : memref<16xf32, #tpu.memory_space<vmem>>[vector<16xi32>], vector<16xf32>,
    %ge3A_65 = arith.constant 8 : i32
    %ge3A_66 = vector.broadcast %ge3A_65 : i32 to vector<16xi32>
    %ge3A_67 = arith.cmpi sge, %iota3A, %ge3A_66 : vector<16xi32>
    %jit3A_68 = arith.constant 0.000000e+00 : f32
    %broadcast_in_dim3A_69 = vector.broadcast %jit3A_68 : f32 to vector<16xf32>
    %select_n3A_70 = arith.select %ge3A_67, %gather3A_64, %broadcast_in_dim3A_69 : vector<16xi1>, vector<16xf32>
    %add3A_71 = arith.addf %add3A_55, %select_n3A_70 : vector<16xf32>
    %swap3A_72 = arith.constant 0 : index
    %swap3A_73 = tpu.vector_load %arg12[%swap3A_72] {strides = array<i32>} : memref<16xf32, #tpu.memory_space<vmem>>, vector<16xf32>,
    tpu.vector_store %arg12[%swap3A_72], %add3A_71 {strides = array<i32>} : memref<16xf32, #tpu.memory_space<vmem>>, vector<16xf32>,
    %gather3A_74 = tpu.vector_load_idx %arg12[%add3A_8] : memref<16xf32, #tpu.memory_space<vmem>>[vector<16xi32>], vector<16xf32>,
    %add3A_75 = arith.addf %gather3A, %add3A_71 : vector<16xf32>
    %sub3A_76 = arith.constant 1.000000e+00 : f32
    %sub3A_77 = vector.broadcast %sub3A_76 : f32 to vector<16xf32>
    %sub3A_78 = arith.subf %add3A_75, %sub3A_77 : vector<16xf32>
    %convert_element_type3A = arith.fptosi %sub3A_78 : vector<16xf32> to vector<16xi32>
    %gt3A = arith.constant 0.000000e+00 : f32
    %gt3A_79 = vector.broadcast %gt3A : f32 to vector<16xf32>
    %gt3A_80 = arith.cmpf ogt, %get3A_14, %gt3A_79 : vector<16xf32>
    %lt3A = arith.constant 2048 : i32
    %lt3A_81 = vector.broadcast %lt3A : i32 to vector<16xi32>
    %lt3A_82 = arith.cmpi slt, %convert_element_type3A, %lt3A_81 : vector<16xi32>
    %and3A = arith.andi %gt3A_80, %lt3A_82 : vector<16xi1>
    %add3A_83 = arith.constant 2048 : i32
    %add3A_84 = arith.addi %add3A_83, %add3A : i32
    %broadcast_in_dim3A_85 = vector.broadcast %add3A_84 : i32 to vector<16xi32>
    %select_n3A_86 = arith.select %and3A, %convert_element_type3A, %broadcast_in_dim3A_85 : vector<16xi1>, vector<16xi32>
    %swap3A_87 = arith.constant 0 : i32
    %swap3A_88 = arith.index_cast %swap3A_87 : i32 to index
    %swap3A_89 = arith.constant 0 : index
    %swap3A_90 = tpu.vector_load %arg9[%swap3A_88, %swap3A_89] {strides = array<i32>} : memref<5x128xi32, #tpu.memory_space<vmem>>, vector<16xi32>,
    tpu.vector_store %arg9[%swap3A_88, %swap3A_89], %select_n3A_86 {strides = array<i32>} : memref<5x128xi32, #tpu.memory_space<vmem>>, vector<16xi32>,
    %add3A_91 = arith.addf %gather3A, %gather3A_74 : vector<16xf32>
    %get3A_92 = arith.constant 16 : index
    %get3A_93 = tpu.vector_load %arg7[%get3A_92] {strides = array<i32>} : memref<640xf32, #tpu.memory_space<vmem>>, vector<16xf32>,
    %swap3A_94 = arith.constant 0 : index
    %swap3A_95 = tpu.vector_load %arg12[%swap3A_94] {strides = array<i32>} : memref<16xf32, #tpu.memory_space<vmem>>, vector<16xf32>,
    tpu.vector_store %arg12[%swap3A_94], %get3A_93 {strides = array<i32>} : memref<16xf32, #tpu.memory_space<vmem>>, vector<16xf32>,
    %sub3A_96 = arith.constant 1 : i32
    %sub3A_97 = vector.broadcast %sub3A_96 : i32 to vector<16xi32>
    %sub3A_98 = arith.subi %iota3A, %sub3A_97 : vector<16xi32>
    %max3A_99 = arith.constant 0 : i32
    %max3A_100 = vector.broadcast %max3A_99 : i32 to vector<16xi32>
    %max3A_101 = arith.maxsi %sub3A_98, %max3A_100 : vector<16xi32>
    %gather3A_102 = tpu.vector_load_idx %arg12[%max3A_101] : memref<16xf32, #tpu.memory_space<vmem>>[vector<16xi32>], vector<16xf32>,
    %ge3A_103 = arith.constant 1 : i32
    %ge3A_104 = vector.broadcast %ge3A_103 : i32 to vector<16xi32>
    %ge3A_105 = arith.cmpi sge, %iota3A, %ge3A_104 : vector<16xi32>
    %jit3A_106 = arith.constant 0.000000e+00 : f32
    %broadcast_in_dim3A_107 = vector.broadcast %jit3A_106 : f32 to vector<16xf32>
    %select_n3A_108 = arith.select %ge3A_105, %gather3A_102, %broadcast_in_dim3A_107 : vector<16xi1>, vector<16xf32>
    %add3A_109 = arith.addf %get3A_93, %select_n3A_108 : vector<16xf32>
    %swap3A_110 = arith.constant 0 : index
    %swap3A_111 = tpu.vector_load %arg12[%swap3A_110] {strides = array<i32>} : memref<16xf32, #tpu.memory_space<vmem>>, vector<16xf32>,
    tpu.vector_store %arg12[%swap3A_110], %add3A_109 {strides = array<i32>} : memref<16xf32, #tpu.memory_space<vmem>>, vector<16xf32>,
    %sub3A_112 = arith.constant 2 : i32
    %sub3A_113 = vector.broadcast %sub3A_112 : i32 to vector<16xi32>
    %sub3A_114 = arith.subi %iota3A, %sub3A_113 : vector<16xi32>
    %max3A_115 = arith.constant 0 : i32
    %max3A_116 = vector.broadcast %max3A_115 : i32 to vector<16xi32>
    %max3A_117 = arith.maxsi %sub3A_114, %max3A_116 : vector<16xi32>
    %gather3A_118 = tpu.vector_load_idx %arg12[%max3A_117] : memref<16xf32, #tpu.memory_space<vmem>>[vector<16xi32>], vector<16xf32>,
    %ge3A_119 = arith.constant 2 : i32
    %ge3A_120 = vector.broadcast %ge3A_119 : i32 to vector<16xi32>
    %ge3A_121 = arith.cmpi sge, %iota3A, %ge3A_120 : vector<16xi32>
    %jit3A_122 = arith.constant 0.000000e+00 : f32
    %broadcast_in_dim3A_123 = vector.broadcast %jit3A_122 : f32 to vector<16xf32>
    %select_n3A_124 = arith.select %ge3A_121, %gather3A_118, %broadcast_in_dim3A_123 : vector<16xi1>, vector<16xf32>
    %add3A_125 = arith.addf %add3A_109, %select_n3A_124 : vector<16xf32>
    %swap3A_126 = arith.constant 0 : index
    %swap3A_127 = tpu.vector_load %arg12[%swap3A_126] {strides = array<i32>} : memref<16xf32, #tpu.memory_space<vmem>>, vector<16xf32>,
    tpu.vector_store %arg12[%swap3A_126], %add3A_125 {strides = array<i32>} : memref<16xf32, #tpu.memory_space<vmem>>, vector<16xf32>,
    %sub3A_128 = arith.constant 4 : i32
    %sub3A_129 = vector.broadcast %sub3A_128 : i32 to vector<16xi32>
    %sub3A_130 = arith.subi %iota3A, %sub3A_129 : vector<16xi32>
    %max3A_131 = arith.constant 0 : i32
    %max3A_132 = vector.broadcast %max3A_131 : i32 to vector<16xi32>
    %max3A_133 = arith.maxsi %sub3A_130, %max3A_132 : vector<16xi32>
    %gather3A_134 = tpu.vector_load_idx %arg12[%max3A_133] : memref<16xf32, #tpu.memory_space<vmem>>[vector<16xi32>], vector<16xf32>,
    %ge3A_135 = arith.constant 4 : i32
    %ge3A_136 = vector.broadcast %ge3A_135 : i32 to vector<16xi32>
    %ge3A_137 = arith.cmpi sge, %iota3A, %ge3A_136 : vector<16xi32>
    %jit3A_138 = arith.constant 0.000000e+00 : f32
    %broadcast_in_dim3A_139 = vector.broadcast %jit3A_138 : f32 to vector<16xf32>
    %select_n3A_140 = arith.select %ge3A_137, %gather3A_134, %broadcast_in_dim3A_139 : vector<16xi1>, vector<16xf32>
    %add3A_141 = arith.addf %add3A_125, %select_n3A_140 : vector<16xf32>
    %swap3A_142 = arith.constant 0 : index
    %swap3A_143 = tpu.vector_load %arg12[%swap3A_142] {strides = array<i32>} : memref<16xf32, #tpu.memory_space<vmem>>, vector<16xf32>,
    tpu.vector_store %arg12[%swap3A_142], %add3A_141 {strides = array<i32>} : memref<16xf32, #tpu.memory_space<vmem>>, vector<16xf32>,
    %sub3A_144 = arith.constant 8 : i32
    %sub3A_145 = vector.broadcast %sub3A_144 : i32 to vector<16xi32>
    %sub3A_146 = arith.subi %iota3A, %sub3A_145 : vector<16xi32>
    %max3A_147 = arith.constant 0 : i32
    %max3A_148 = vector.broadcast %max3A_147 : i32 to vector<16xi32>
    %max3A_149 = arith.maxsi %sub3A_146, %max3A_148 : vector<16xi32>
    %gather3A_150 = tpu.vector_load_idx %arg12[%max3A_149] : memref<16xf32, #tpu.memory_space<vmem>>[vector<16xi32>], vector<16xf32>,
    %ge3A_151 = arith.constant 8 : i32
    %ge3A_152 = vector.broadcast %ge3A_151 : i32 to vector<16xi32>
    %ge3A_153 = arith.cmpi sge, %iota3A, %ge3A_152 : vector<16xi32>
    %jit3A_154 = arith.constant 0.000000e+00 : f32
    %broadcast_in_dim3A_155 = vector.broadcast %jit3A_154 : f32 to vector<16xf32>
    %select_n3A_156 = arith.select %ge3A_153, %gather3A_150, %broadcast_in_dim3A_155 : vector<16xi1>, vector<16xf32>
    %add3A_157 = arith.addf %add3A_141, %select_n3A_156 : vector<16xf32>
    %swap3A_158 = arith.constant 0 : index
    %swap3A_159 = tpu.vector_load %arg12[%swap3A_158] {strides = array<i32>} : memref<16xf32, #tpu.memory_space<vmem>>, vector<16xf32>,
    tpu.vector_store %arg12[%swap3A_158], %add3A_157 {strides = array<i32>} : memref<16xf32, #tpu.memory_space<vmem>>, vector<16xf32>,
    %gather3A_160 = tpu.vector_load_idx %arg12[%add3A_8] : memref<16xf32, #tpu.memory_space<vmem>>[vector<16xi32>], vector<16xf32>,
    %add3A_161 = arith.addf %add3A_91, %add3A_157 : vector<16xf32>
    %sub3A_162 = arith.constant 1.000000e+00 : f32
    %sub3A_163 = vector.broadcast %sub3A_162 : f32 to vector<16xf32>
    %sub3A_164 = arith.subf %add3A_161, %sub3A_163 : vector<16xf32>
    %convert_element_type3A_165 = arith.fptosi %sub3A_164 : vector<16xf32> to vector<16xi32>
    %gt3A_166 = arith.constant 0.000000e+00 : f32
    %gt3A_167 = vector.broadcast %gt3A_166 : f32 to vector<16xf32>
    %gt3A_168 = arith.cmpf ogt, %get3A_93, %gt3A_167 : vector<16xf32>
    %lt3A_169 = arith.constant 2048 : i32
    %lt3A_170 = vector.broadcast %lt3A_169 : i32 to vector<16xi32>
    %lt3A_171 = arith.cmpi slt, %convert_element_type3A_165, %lt3A_170 : vector<16xi32>
    %and3A_172 = arith.andi %gt3A_168, %lt3A_171 : vector<16xi1>
    %add3A_173 = arith.constant 2048 : i32
    %add3A_174 = arith.addi %add3A_173, %add3A : i32
    %broadcast_in_dim3A_175 = vector.broadcast %add3A_174 : i32 to vector<16xi32>
    %select_n3A_176 = arith.select %and3A_172, %convert_element_type3A_165, %broadcast_in_dim3A_175 : vector<16xi1>, vector<16xi32>
    %swap3A_177 = arith.constant 0 : i32
    %swap3A_178 = arith.index_cast %swap3A_177 : i32 to index
    %swap3A_179 = arith.constant 16 : index
    %swap3A_180 = tpu.vector_load %arg9[%swap3A_178, %swap3A_179] {strides = array<i32>} : memref<5x128xi32, #tpu.memory_space<vmem>>, vector<16xi32>,
    tpu.vector_store %arg9[%swap3A_178, %swap3A_179], %select_n3A_176 {strides = array<i32>} : memref<5x128xi32, #tpu.memory_space<vmem>>, vector<16xi32>,
    %add3A_181 = arith.addf %add3A_91, %gather3A_160 : vector<16xf32>
    %get3A_182 = arith.constant 32 : index
    %get3A_183 = tpu.vector_load %arg7[%get3A_182] {strides = array<i32>} : memref<640xf32, #tpu.memory_space<vmem>>, vector<16xf32>,
    %swap3A_184 = arith.constant 0 : index
    %swap3A_185 = tpu.vector_load %arg12[%swap3A_184] {strides = array<i32>} : memref<16xf32, #tpu.memory_space<vmem>>, vector<16xf32>,
    tpu.vector_store %arg12[%swap3A_184], %get3A_183 {strides = array<i32>} : memref<16xf32, #tpu.memory_space<vmem>>, vector<16xf32>,
    %sub3A_186 = arith.constant 1 : i32
    %sub3A_187 = vector.broadcast %sub3A_186 : i32 to vector<16xi32>
    %sub3A_188 = arith.subi %iota3A, %sub3A_187 : vector<16xi32>
    %max3A_189 = arith.constant 0 : i32
    %max3A_190 = vector.broadcast %max3A_189 : i32 to vector<16xi32>
    %max3A_191 = arith.maxsi %sub3A_188, %max3A_190 : vector<16xi32>
    %gather3A_192 = tpu.vector_load_idx %arg12[%max3A_191] : memref<16xf32, #tpu.memory_space<vmem>>[vector<16xi32>], vector<16xf32>,
    %ge3A_193 = arith.constant 1 : i32
    %ge3A_194 = vector.broadcast %ge3A_193 : i32 to vector<16xi32>
    %ge3A_195 = arith.cmpi sge, %iota3A, %ge3A_194 : vector<16xi32>
    %jit3A_196 = arith.constant 0.000000e+00 : f32
    %broadcast_in_dim3A_197 = vector.broadcast %jit3A_196 : f32 to vector<16xf32>
    %select_n3A_198 = arith.select %ge3A_195, %gather3A_192, %broadcast_in_dim3A_197 : vector<16xi1>, vector<16xf32>
    %add3A_199 = arith.addf %get3A_183, %select_n3A_198 : vector<16xf32>
    %swap3A_200 = arith.constant 0 : index
    %swap3A_201 = tpu.vector_load %arg12[%swap3A_200] {strides = array<i32>} : memref<16xf32, #tpu.memory_space<vmem>>, vector<16xf32>,
    tpu.vector_store %arg12[%swap3A_200], %add3A_199 {strides = array<i32>} : memref<16xf32, #tpu.memory_space<vmem>>, vector<16xf32>,
    %sub3A_202 = arith.constant 2 : i32
    %sub3A_203 = vector.broadcast %sub3A_202 : i32 to vector<16xi32>
    %sub3A_204 = arith.subi %iota3A, %sub3A_203 : vector<16xi32>
    %max3A_205 = arith.constant 0 : i32
    %max3A_206 = vector.broadcast %max3A_205 : i32 to vector<16xi32>
    %max3A_207 = arith.maxsi %sub3A_204, %max3A_206 : vector<16xi32>
    %gather3A_208 = tpu.vector_load_idx %arg12[%max3A_207] : memref<16xf32, #tpu.memory_space<vmem>>[vector<16xi32>], vector<16xf32>,
    %ge3A_209 = arith.constant 2 : i32
    %ge3A_210 = vector.broadcast %ge3A_209 : i32 to vector<16xi32>
    %ge3A_211 = arith.cmpi sge, %iota3A, %ge3A_210 : vector<16xi32>
    %jit3A_212 = arith.constant 0.000000e+00 : f32
    %broadcast_in_dim3A_213 = vector.broadcast %jit3A_212 : f32 to vector<16xf32>
    %select_n3A_214 = arith.select %ge3A_211, %gather3A_208, %broadcast_in_dim3A_213 : vector<16xi1>, vector<16xf32>
    %add3A_215 = arith.addf %add3A_199, %select_n3A_214 : vector<16xf32>
    %swap3A_216 = arith.constant 0 : index
    %swap3A_217 = tpu.vector_load %arg12[%swap3A_216] {strides = array<i32>} : memref<16xf32, #tpu.memory_space<vmem>>, vector<16xf32>,
    tpu.vector_store %arg12[%swap3A_216], %add3A_215 {strides = array<i32>} : memref<16xf32, #tpu.memory_space<vmem>>, vector<16xf32>,
    %sub3A_218 = arith.constant 4 : i32
    %sub3A_219 = vector.broadcast %sub3A_218 : i32 to vector<16xi32>
    %sub3A_220 = arith.subi %iota3A, %sub3A_219 : vector<16xi32>
    %max3A_221 = arith.constant 0 : i32
    %max3A_222 = vector.broadcast %max3A_221 : i32 to vector<16xi32>
    %max3A_223 = arith.maxsi %sub3A_220, %max3A_222 : vector<16xi32>
    %gather3A_224 = tpu.vector_load_idx %arg12[%max3A_223] : memref<16xf32, #tpu.memory_space<vmem>>[vector<16xi32>], vector<16xf32>,
    %ge3A_225 = arith.constant 4 : i32
    %ge3A_226 = vector.broadcast %ge3A_225 : i32 to vector<16xi32>
    %ge3A_227 = arith.cmpi sge, %iota3A, %ge3A_226 : vector<16xi32>
    %jit3A_228 = arith.constant 0.000000e+00 : f32
    %broadcast_in_dim3A_229 = vector.broadcast %jit3A_228 : f32 to vector<16xf32>
    %select_n3A_230 = arith.select %ge3A_227, %gather3A_224, %broadcast_in_dim3A_229 : vector<16xi1>, vector<16xf32>
    %add3A_231 = arith.addf %add3A_215, %select_n3A_230 : vector<16xf32>
    %swap3A_232 = arith.constant 0 : index
    %swap3A_233 = tpu.vector_load %arg12[%swap3A_232] {strides = array<i32>} : memref<16xf32, #tpu.memory_space<vmem>>, vector<16xf32>,
    tpu.vector_store %arg12[%swap3A_232], %add3A_231 {strides = array<i32>} : memref<16xf32, #tpu.memory_space<vmem>>, vector<16xf32>,
    %sub3A_234 = arith.constant 8 : i32
    %sub3A_235 = vector.broadcast %sub3A_234 : i32 to vector<16xi32>
    %sub3A_236 = arith.subi %iota3A, %sub3A_235 : vector<16xi32>
    %max3A_237 = arith.constant 0 : i32
    %max3A_238 = vector.broadcast %max3A_237 : i32 to vector<16xi32>
    %max3A_239 = arith.maxsi %sub3A_236, %max3A_238 : vector<16xi32>
    %gather3A_240 = tpu.vector_load_idx %arg12[%max3A_239] : memref<16xf32, #tpu.memory_space<vmem>>[vector<16xi32>], vector<16xf32>,
    %ge3A_241 = arith.constant 8 : i32
    %ge3A_242 = vector.broadcast %ge3A_241 : i32 to vector<16xi32>
    %ge3A_243 = arith.cmpi sge, %iota3A, %ge3A_242 : vector<16xi32>
    %jit3A_244 = arith.constant 0.000000e+00 : f32
    %broadcast_in_dim3A_245 = vector.broadcast %jit3A_244 : f32 to vector<16xf32>
    %select_n3A_246 = arith.select %ge3A_243, %gather3A_240, %broadcast_in_dim3A_245 : vector<16xi1>, vector<16xf32>
    %add3A_247 = arith.addf %add3A_231, %select_n3A_246 : vector<16xf32>
    %swap3A_248 = arith.constant 0 : index
    %swap3A_249 = tpu.vector_load %arg12[%swap3A_248] {strides = array<i32>} : memref<16xf32, #tpu.memory_space<vmem>>, vector<16xf32>,
    tpu.vector_store %arg12[%swap3A_248], %add3A_247 {strides = array<i32>} : memref<16xf32, #tpu.memory_space<vmem>>, vector<16xf32>,
    %gather3A_250 = tpu.vector_load_idx %arg12[%add3A_8] : memref<16xf32, #tpu.memory_space<vmem>>[vector<16xi32>], vector<16xf32>,
    %add3A_251 = arith.addf %add3A_181, %add3A_247 : vector<16xf32>
    %sub3A_252 = arith.constant 1.000000e+00 : f32
    %sub3A_253 = vector.broadcast %sub3A_252 : f32 to vector<16xf32>
    %sub3A_254 = arith.subf %add3A_251, %sub3A_253 : vector<16xf32>
    %convert_element_type3A_255 = arith.fptosi %sub3A_254 : vector<16xf32> to vector<16xi32>
    %gt3A_256 = arith.constant 0.000000e+00 : f32
    %gt3A_257 = vector.broadcast %gt3A_256 : f32 to vector<16xf32>
    %gt3A_258 = arith.cmpf ogt, %get3A_183, %gt3A_257 : vector<16xf32>
    %lt3A_259 = arith.constant 2048 : i32
    %lt3A_260 = vector.broadcast %lt3A_259 : i32 to vector<16xi32>
    %lt3A_261 = arith.cmpi slt, %convert_element_type3A_255, %lt3A_260 : vector<16xi32>
    %and3A_262 = arith.andi %gt3A_258, %lt3A_261 : vector<16xi1>
    %add3A_263 = arith.constant 2048 : i32
    %add3A_264 = arith.addi %add3A_263, %add3A : i32
    %broadcast_in_dim3A_265 = vector.broadcast %add3A_264 : i32 to vector<16xi32>
    %select_n3A_266 = arith.select %and3A_262, %convert_element_type3A_255, %broadcast_in_dim3A_265 : vector<16xi1>, vector<16xi32>
    %swap3A_267 = arith.constant 0 : i32
    %swap3A_268 = arith.index_cast %swap3A_267 : i32 to index
    %swap3A_269 = arith.constant 32 : index
    %swap3A_270 = tpu.vector_load %arg9[%swap3A_268, %swap3A_269] {strides = array<i32>} : memref<5x128xi32, #tpu.memory_space<vmem>>, vector<16xi32>,
    tpu.vector_store %arg9[%swap3A_268, %swap3A_269], %select_n3A_266 {strides = array<i32>} : memref<5x128xi32, #tpu.memory_space<vmem>>, vector<16xi32>,
    %add3A_271 = arith.addf %add3A_181, %gather3A_250 : vector<16xf32>
    %get3A_272 = arith.constant 48 : index
    %get3A_273 = tpu.vector_load %arg7[%get3A_272] {strides = array<i32>} : memref<640xf32, #tpu.memory_space<vmem>>, vector<16xf32>,
    %swap3A_274 = arith.constant 0 : index
    %swap3A_275 = tpu.vector_load %arg12[%swap3A_274] {strides = array<i32>} : memref<16xf32, #tpu.memory_space<vmem>>, vector<16xf32>,
    tpu.vector_store %arg12[%swap3A_274], %get3A_273 {strides = array<i32>} : memref<16xf32, #tpu.memory_space<vmem>>, vector<16xf32>,
    %sub3A_276 = arith.constant 1 : i32
    %sub3A_277 = vector.broadcast %sub3A_276 : i32 to vector<16xi32>
    %sub3A_278 = arith.subi %iota3A, %sub3A_277 : vector<16xi32>
    %max3A_279 = arith.constant 0 : i32
    %max3A_280 = vector.broadcast %max3A_279 : i32 to vector<16xi32>
    %max3A_281 = arith.maxsi %sub3A_278, %max3A_280 : vector<16xi32>
    %gather3A_282 = tpu.vector_load_idx %arg12[%max3A_281] : memref<16xf32, #tpu.memory_space<vmem>>[vector<16xi32>], vector<16xf32>,
    %ge3A_283 = arith.constant 1 : i32
    %ge3A_284 = vector.broadcast %ge3A_283 : i32 to vector<16xi32>
    %ge3A_285 = arith.cmpi sge, %iota3A, %ge3A_284 : vector<16xi32>
    %jit3A_286 = arith.constant 0.000000e+00 : f32
    %broadcast_in_dim3A_287 = vector.broadcast %jit3A_286 : f32 to vector<16xf32>
    %select_n3A_288 = arith.select %ge3A_285, %gather3A_282, %broadcast_in_dim3A_287 : vector<16xi1>, vector<16xf32>
    %add3A_289 = arith.addf %get3A_273, %select_n3A_288 : vector<16xf32>
    %swap3A_290 = arith.constant 0 : index
    %swap3A_291 = tpu.vector_load %arg12[%swap3A_290] {strides = array<i32>} : memref<16xf32, #tpu.memory_space<vmem>>, vector<16xf32>,
    tpu.vector_store %arg12[%swap3A_290], %add3A_289 {strides = array<i32>} : memref<16xf32, #tpu.memory_space<vmem>>, vector<16xf32>,
    %sub3A_292 = arith.constant 2 : i32
    %sub3A_293 = vector.broadcast %sub3A_292 : i32 to vector<16xi32>
    %sub3A_294 = arith.subi %iota3A, %sub3A_293 : vector<16xi32>
    %max3A_295 = arith.constant 0 : i32
    %max3A_296 = vector.broadcast %max3A_295 : i32 to vector<16xi32>
    %max3A_297 = arith.maxsi %sub3A_294, %max3A_296 : vector<16xi32>
    %gather3A_298 = tpu.vector_load_idx %arg12[%max3A_297] : memref<16xf32, #tpu.memory_space<vmem>>[vector<16xi32>], vector<16xf32>,
    %ge3A_299 = arith.constant 2 : i32
    %ge3A_300 = vector.broadcast %ge3A_299 : i32 to vector<16xi32>
    %ge3A_301 = arith.cmpi sge, %iota3A, %ge3A_300 : vector<16xi32>
    %jit3A_302 = arith.constant 0.000000e+00 : f32
    %broadcast_in_dim3A_303 = vector.broadcast %jit3A_302 : f32 to vector<16xf32>
    %select_n3A_304 = arith.select %ge3A_301, %gather3A_298, %broadcast_in_dim3A_303 : vector<16xi1>, vector<16xf32>
    %add3A_305 = arith.addf %add3A_289, %select_n3A_304 : vector<16xf32>
    %swap3A_306 = arith.constant 0 : index
    %swap3A_307 = tpu.vector_load %arg12[%swap3A_306] {strides = array<i32>} : memref<16xf32, #tpu.memory_space<vmem>>, vector<16xf32>,
    tpu.vector_store %arg12[%swap3A_306], %add3A_305 {strides = array<i32>} : memref<16xf32, #tpu.memory_space<vmem>>, vector<16xf32>,
    %sub3A_308 = arith.constant 4 : i32
    %sub3A_309 = vector.broadcast %sub3A_308 : i32 to vector<16xi32>
    %sub3A_310 = arith.subi %iota3A, %sub3A_309 : vector<16xi32>
    %max3A_311 = arith.constant 0 : i32
    %max3A_312 = vector.broadcast %max3A_311 : i32 to vector<16xi32>
    %max3A_313 = arith.maxsi %sub3A_310, %max3A_312 : vector<16xi32>
    %gather3A_314 = tpu.vector_load_idx %arg12[%max3A_313] : memref<16xf32, #tpu.memory_space<vmem>>[vector<16xi32>], vector<16xf32>,
    %ge3A_315 = arith.constant 4 : i32
    %ge3A_316 = vector.broadcast %ge3A_315 : i32 to vector<16xi32>
    %ge3A_317 = arith.cmpi sge, %iota3A, %ge3A_316 : vector<16xi32>
    %jit3A_318 = arith.constant 0.000000e+00 : f32
    %broadcast_in_dim3A_319 = vector.broadcast %jit3A_318 : f32 to vector<16xf32>
    %select_n3A_320 = arith.select %ge3A_317, %gather3A_314, %broadcast_in_dim3A_319 : vector<16xi1>, vector<16xf32>
    %add3A_321 = arith.addf %add3A_305, %select_n3A_320 : vector<16xf32>
    %swap3A_322 = arith.constant 0 : index
    %swap3A_323 = tpu.vector_load %arg12[%swap3A_322] {strides = array<i32>} : memref<16xf32, #tpu.memory_space<vmem>>, vector<16xf32>,
    tpu.vector_store %arg12[%swap3A_322], %add3A_321 {strides = array<i32>} : memref<16xf32, #tpu.memory_space<vmem>>, vector<16xf32>,
    %sub3A_324 = arith.constant 8 : i32
    %sub3A_325 = vector.broadcast %sub3A_324 : i32 to vector<16xi32>
    %sub3A_326 = arith.subi %iota3A, %sub3A_325 : vector<16xi32>
    %max3A_327 = arith.constant 0 : i32
    %max3A_328 = vector.broadcast %max3A_327 : i32 to vector<16xi32>
    %max3A_329 = arith.maxsi %sub3A_326, %max3A_328 : vector<16xi32>
    %gather3A_330 = tpu.vector_load_idx %arg12[%max3A_329] : memref<16xf32, #tpu.memory_space<vmem>>[vector<16xi32>], vector<16xf32>,
    %ge3A_331 = arith.constant 8 : i32
    %ge3A_332 = vector.broadcast %ge3A_331 : i32 to vector<16xi32>
    %ge3A_333 = arith.cmpi sge, %iota3A, %ge3A_332 : vector<16xi32>
    %jit3A_334 = arith.constant 0.000000e+00 : f32
    %broadcast_in_dim3A_335 = vector.broadcast %jit3A_334 : f32 to vector<16xf32>
    %select_n3A_336 = arith.select %ge3A_333, %gather3A_330, %broadcast_in_dim3A_335 : vector<16xi1>, vector<16xf32>
    %add3A_337 = arith.addf %add3A_321, %select_n3A_336 : vector<16xf32>
    %swap3A_338 = arith.constant 0 : index
    %swap3A_339 = tpu.vector_load %arg12[%swap3A_338] {strides = array<i32>} : memref<16xf32, #tpu.memory_space<vmem>>, vector<16xf32>,
    tpu.vector_store %arg12[%swap3A_338], %add3A_337 {strides = array<i32>} : memref<16xf32, #tpu.memory_space<vmem>>, vector<16xf32>,
    %gather3A_340 = tpu.vector_load_idx %arg12[%add3A_8] : memref<16xf32, #tpu.memory_space<vmem>>[vector<16xi32>], vector<16xf32>,
    %add3A_341 = arith.addf %add3A_271, %add3A_337 : vector<16xf32>
    %sub3A_342 = arith.constant 1.000000e+00 : f32
    %sub3A_343 = vector.broadcast %sub3A_342 : f32 to vector<16xf32>
    %sub3A_344 = arith.subf %add3A_341, %sub3A_343 : vector<16xf32>
    %convert_element_type3A_345 = arith.fptosi %sub3A_344 : vector<16xf32> to vector<16xi32>
    %gt3A_346 = arith.constant 0.000000e+00 : f32
    %gt3A_347 = vector.broadcast %gt3A_346 : f32 to vector<16xf32>
    %gt3A_348 = arith.cmpf ogt, %get3A_273, %gt3A_347 : vector<16xf32>
    %lt3A_349 = arith.constant 2048 : i32
    %lt3A_350 = vector.broadcast %lt3A_349 : i32 to vector<16xi32>
    %lt3A_351 = arith.cmpi slt, %convert_element_type3A_345, %lt3A_350 : vector<16xi32>
    %and3A_352 = arith.andi %gt3A_348, %lt3A_351 : vector<16xi1>
    %add3A_353 = arith.constant 2048 : i32
    %add3A_354 = arith.addi %add3A_353, %add3A : i32
    %broadcast_in_dim3A_355 = vector.broadcast %add3A_354 : i32 to vector<16xi32>
    %select_n3A_356 = arith.select %and3A_352, %convert_element_type3A_345, %broadcast_in_dim3A_355 : vector<16xi1>, vector<16xi32>
    %swap3A_357 = arith.constant 0 : i32
    %swap3A_358 = arith.index_cast %swap3A_357 : i32 to index
    %swap3A_359 = arith.constant 48 : index
    %swap3A_360 = tpu.vector_load %arg9[%swap3A_358, %swap3A_359] {strides = array<i32>} : memref<5x128xi32, #tpu.memory_space<vmem>>, vector<16xi32>,
    tpu.vector_store %arg9[%swap3A_358, %swap3A_359], %select_n3A_356 {strides = array<i32>} : memref<5x128xi32, #tpu.memory_space<vmem>>, vector<16xi32>,
    %add3A_361 = arith.addf %add3A_271, %gather3A_340 : vector<16xf32>
    %get3A_362 = arith.constant 64 : index
    %get3A_363 = tpu.vector_load %arg7[%get3A_362] {strides = array<i32>} : memref<640xf32, #tpu.memory_space<vmem>>, vector<16xf32>,
    %swap3A_364 = arith.constant 0 : index
    %swap3A_365 = tpu.vector_load %arg12[%swap3A_364] {strides = array<i32>} : memref<16xf32, #tpu.memory_space<vmem>>, vector<16xf32>,
    tpu.vector_store %arg12[%swap3A_364], %get3A_363 {strides = array<i32>} : memref<16xf32, #tpu.memory_space<vmem>>, vector<16xf32>,
    %sub3A_366 = arith.constant 1 : i32
    %sub3A_367 = vector.broadcast %sub3A_366 : i32 to vector<16xi32>
    %sub3A_368 = arith.subi %iota3A, %sub3A_367 : vector<16xi32>
    %max3A_369 = arith.constant 0 : i32
    %max3A_370 = vector.broadcast %max3A_369 : i32 to vector<16xi32>
    %max3A_371 = arith.maxsi %sub3A_368, %max3A_370 : vector<16xi32>
    %gather3A_372 = tpu.vector_load_idx %arg12[%max3A_371] : memref<16xf32, #tpu.memory_space<vmem>>[vector<16xi32>], vector<16xf32>,
    %ge3A_373 = arith.constant 1 : i32
    %ge3A_374 = vector.broadcast %ge3A_373 : i32 to vector<16xi32>
    %ge3A_375 = arith.cmpi sge, %iota3A, %ge3A_374 : vector<16xi32>
    %jit3A_376 = arith.constant 0.000000e+00 : f32
    %broadcast_in_dim3A_377 = vector.broadcast %jit3A_376 : f32 to vector<16xf32>
    %select_n3A_378 = arith.select %ge3A_375, %gather3A_372, %broadcast_in_dim3A_377 : vector<16xi1>, vector<16xf32>
    %add3A_379 = arith.addf %get3A_363, %select_n3A_378 : vector<16xf32>
    %swap3A_380 = arith.constant 0 : index
    %swap3A_381 = tpu.vector_load %arg12[%swap3A_380] {strides = array<i32>} : memref<16xf32, #tpu.memory_space<vmem>>, vector<16xf32>,
    tpu.vector_store %arg12[%swap3A_380], %add3A_379 {strides = array<i32>} : memref<16xf32, #tpu.memory_space<vmem>>, vector<16xf32>,
    %sub3A_382 = arith.constant 2 : i32
    %sub3A_383 = vector.broadcast %sub3A_382 : i32 to vector<16xi32>
    %sub3A_384 = arith.subi %iota3A, %sub3A_383 : vector<16xi32>
    %max3A_385 = arith.constant 0 : i32
    %max3A_386 = vector.broadcast %max3A_385 : i32 to vector<16xi32>
    %max3A_387 = arith.maxsi %sub3A_384, %max3A_386 : vector<16xi32>
    %gather3A_388 = tpu.vector_load_idx %arg12[%max3A_387] : memref<16xf32, #tpu.memory_space<vmem>>[vector<16xi32>], vector<16xf32>,
    %ge3A_389 = arith.constant 2 : i32
    %ge3A_390 = vector.broadcast %ge3A_389 : i32 to vector<16xi32>
    %ge3A_391 = arith.cmpi sge, %iota3A, %ge3A_390 : vector<16xi32>
    %jit3A_392 = arith.constant 0.000000e+00 : f32
    %broadcast_in_dim3A_393 = vector.broadcast %jit3A_392 : f32 to vector<16xf32>
    %select_n3A_394 = arith.select %ge3A_391, %gather3A_388, %broadcast_in_dim3A_393 : vector<16xi1>, vector<16xf32>
    %add3A_395 = arith.addf %add3A_379, %select_n3A_394 : vector<16xf32>
    %swap3A_396 = arith.constant 0 : index
    %swap3A_397 = tpu.vector_load %arg12[%swap3A_396] {strides = array<i32>} : memref<16xf32, #tpu.memory_space<vmem>>, vector<16xf32>,
    tpu.vector_store %arg12[%swap3A_396], %add3A_395 {strides = array<i32>} : memref<16xf32, #tpu.memory_space<vmem>>, vector<16xf32>,
    %sub3A_398 = arith.constant 4 : i32
    %sub3A_399 = vector.broadcast %sub3A_398 : i32 to vector<16xi32>
    %sub3A_400 = arith.subi %iota3A, %sub3A_399 : vector<16xi32>
    %max3A_401 = arith.constant 0 : i32
    %max3A_402 = vector.broadcast %max3A_401 : i32 to vector<16xi32>
    %max3A_403 = arith.maxsi %sub3A_400, %max3A_402 : vector<16xi32>
    %gather3A_404 = tpu.vector_load_idx %arg12[%max3A_403] : memref<16xf32, #tpu.memory_space<vmem>>[vector<16xi32>], vector<16xf32>,
    %ge3A_405 = arith.constant 4 : i32
    %ge3A_406 = vector.broadcast %ge3A_405 : i32 to vector<16xi32>
    %ge3A_407 = arith.cmpi sge, %iota3A, %ge3A_406 : vector<16xi32>
    %jit3A_408 = arith.constant 0.000000e+00 : f32
    %broadcast_in_dim3A_409 = vector.broadcast %jit3A_408 : f32 to vector<16xf32>
    %select_n3A_410 = arith.select %ge3A_407, %gather3A_404, %broadcast_in_dim3A_409 : vector<16xi1>, vector<16xf32>
    %add3A_411 = arith.addf %add3A_395, %select_n3A_410 : vector<16xf32>
    %swap3A_412 = arith.constant 0 : index
    %swap3A_413 = tpu.vector_load %arg12[%swap3A_412] {strides = array<i32>} : memref<16xf32, #tpu.memory_space<vmem>>, vector<16xf32>,
    tpu.vector_store %arg12[%swap3A_412], %add3A_411 {strides = array<i32>} : memref<16xf32, #tpu.memory_space<vmem>>, vector<16xf32>,
    %sub3A_414 = arith.constant 8 : i32
    %sub3A_415 = vector.broadcast %sub3A_414 : i32 to vector<16xi32>
    %sub3A_416 = arith.subi %iota3A, %sub3A_415 : vector<16xi32>
    %max3A_417 = arith.constant 0 : i32
    %max3A_418 = vector.broadcast %max3A_417 : i32 to vector<16xi32>
    %max3A_419 = arith.maxsi %sub3A_416, %max3A_418 : vector<16xi32>
    %gather3A_420 = tpu.vector_load_idx %arg12[%max3A_419] : memref<16xf32, #tpu.memory_space<vmem>>[vector<16xi32>], vector<16xf32>,
    %ge3A_421 = arith.constant 8 : i32
    %ge3A_422 = vector.broadcast %ge3A_421 : i32 to vector<16xi32>
    %ge3A_423 = arith.cmpi sge, %iota3A, %ge3A_422 : vector<16xi32>
    %jit3A_424 = arith.constant 0.000000e+00 : f32
    %broadcast_in_dim3A_425 = vector.broadcast %jit3A_424 : f32 to vector<16xf32>
    %select_n3A_426 = arith.select %ge3A_423, %gather3A_420, %broadcast_in_dim3A_425 : vector<16xi1>, vector<16xf32>
    %add3A_427 = arith.addf %add3A_411, %select_n3A_426 : vector<16xf32>
    %swap3A_428 = arith.constant 0 : index
    %swap3A_429 = tpu.vector_load %arg12[%swap3A_428] {strides = array<i32>} : memref<16xf32, #tpu.memory_space<vmem>>, vector<16xf32>,
    tpu.vector_store %arg12[%swap3A_428], %add3A_427 {strides = array<i32>} : memref<16xf32, #tpu.memory_space<vmem>>, vector<16xf32>,
    %gather3A_430 = tpu.vector_load_idx %arg12[%add3A_8] : memref<16xf32, #tpu.memory_space<vmem>>[vector<16xi32>], vector<16xf32>,
    %add3A_431 = arith.addf %add3A_361, %add3A_427 : vector<16xf32>
    %sub3A_432 = arith.constant 1.000000e+00 : f32
    %sub3A_433 = vector.broadcast %sub3A_432 : f32 to vector<16xf32>
    %sub3A_434 = arith.subf %add3A_431, %sub3A_433 : vector<16xf32>
    %convert_element_type3A_435 = arith.fptosi %sub3A_434 : vector<16xf32> to vector<16xi32>
    %gt3A_436 = arith.constant 0.000000e+00 : f32
    %gt3A_437 = vector.broadcast %gt3A_436 : f32 to vector<16xf32>
    %gt3A_438 = arith.cmpf ogt, %get3A_363, %gt3A_437 : vector<16xf32>
    %lt3A_439 = arith.constant 2048 : i32
    %lt3A_440 = vector.broadcast %lt3A_439 : i32 to vector<16xi32>
    %lt3A_441 = arith.cmpi slt, %convert_element_type3A_435, %lt3A_440 : vector<16xi32>
    %and3A_442 = arith.andi %gt3A_438, %lt3A_441 : vector<16xi1>
    %add3A_443 = arith.constant 2048 : i32
    %add3A_444 = arith.addi %add3A_443, %add3A : i32
    %broadcast_in_dim3A_445 = vector.broadcast %add3A_444 : i32 to vector<16xi32>
    %select_n3A_446 = arith.select %and3A_442, %convert_element_type3A_435, %broadcast_in_dim3A_445 : vector<16xi1>, vector<16xi32>
    %swap3A_447 = arith.constant 0 : i32
    %swap3A_448 = arith.index_cast %swap3A_447 : i32 to index
    %swap3A_449 = arith.constant 64 : index
    %swap3A_450 = tpu.vector_load %arg9[%swap3A_448, %swap3A_449] {strides = array<i32>} : memref<5x128xi32, #tpu.memory_space<vmem>>, vector<16xi32>,
    tpu.vector_store %arg9[%swap3A_448, %swap3A_449], %select_n3A_446 {strides = array<i32>} : memref<5x128xi32, #tpu.memory_space<vmem>>, vector<16xi32>,
    %add3A_451 = arith.addf %add3A_361, %gather3A_430 : vector<16xf32>
    %get3A_452 = arith.constant 80 : index
    %get3A_453 = tpu.vector_load %arg7[%get3A_452] {strides = array<i32>} : memref<640xf32, #tpu.memory_space<vmem>>, vector<16xf32>,
    %swap3A_454 = arith.constant 0 : index
    %swap3A_455 = tpu.vector_load %arg12[%swap3A_454] {strides = array<i32>} : memref<16xf32, #tpu.memory_space<vmem>>, vector<16xf32>,
    tpu.vector_store %arg12[%swap3A_454], %get3A_453 {strides = array<i32>} : memref<16xf32, #tpu.memory_space<vmem>>, vector<16xf32>,
    %sub3A_456 = arith.constant 1 : i32
    %sub3A_457 = vector.broadcast %sub3A_456 : i32 to vector<16xi32>
    %sub3A_458 = arith.subi %iota3A, %sub3A_457 : vector<16xi32>
    %max3A_459 = arith.constant 0 : i32
    %max3A_460 = vector.broadcast %max3A_459 : i32 to vector<16xi32>
    %max3A_461 = arith.maxsi %sub3A_458, %max3A_460 : vector<16xi32>
    %gather3A_462 = tpu.vector_load_idx %arg12[%max3A_461] : memref<16xf32, #tpu.memory_space<vmem>>[vector<16xi32>], vector<16xf32>,
    %ge3A_463 = arith.constant 1 : i32
    %ge3A_464 = vector.broadcast %ge3A_463 : i32 to vector<16xi32>
    %ge3A_465 = arith.cmpi sge, %iota3A, %ge3A_464 : vector<16xi32>
    %jit3A_466 = arith.constant 0.000000e+00 : f32
    %broadcast_in_dim3A_467 = vector.broadcast %jit3A_466 : f32 to vector<16xf32>
    %select_n3A_468 = arith.select %ge3A_465, %gather3A_462, %broadcast_in_dim3A_467 : vector<16xi1>, vector<16xf32>
    %add3A_469 = arith.addf %get3A_453, %select_n3A_468 : vector<16xf32>
    %swap3A_470 = arith.constant 0 : index
    %swap3A_471 = tpu.vector_load %arg12[%swap3A_470] {strides = array<i32>} : memref<16xf32, #tpu.memory_space<vmem>>, vector<16xf32>,
    tpu.vector_store %arg12[%swap3A_470], %add3A_469 {strides = array<i32>} : memref<16xf32, #tpu.memory_space<vmem>>, vector<16xf32>,
    %sub3A_472 = arith.constant 2 : i32
    %sub3A_473 = vector.broadcast %sub3A_472 : i32 to vector<16xi32>
    %sub3A_474 = arith.subi %iota3A, %sub3A_473 : vector<16xi32>
    %max3A_475 = arith.constant 0 : i32
    %max3A_476 = vector.broadcast %max3A_475 : i32 to vector<16xi32>
    %max3A_477 = arith.maxsi %sub3A_474, %max3A_476 : vector<16xi32>
    %gather3A_478 = tpu.vector_load_idx %arg12[%max3A_477] : memref<16xf32, #tpu.memory_space<vmem>>[vector<16xi32>], vector<16xf32>,
    %ge3A_479 = arith.constant 2 : i32
    %ge3A_480 = vector.broadcast %ge3A_479 : i32 to vector<16xi32>
    %ge3A_481 = arith.cmpi sge, %iota3A, %ge3A_480 : vector<16xi32>
    %jit3A_482 = arith.constant 0.000000e+00 : f32
    %broadcast_in_dim3A_483 = vector.broadcast %jit3A_482 : f32 to vector<16xf32>
    %select_n3A_484 = arith.select %ge3A_481, %gather3A_478, %broadcast_in_dim3A_483 : vector<16xi1>, vector<16xf32>
    %add3A_485 = arith.addf %add3A_469, %select_n3A_484 : vector<16xf32>
    %swap3A_486 = arith.constant 0 : index
    %swap3A_487 = tpu.vector_load %arg12[%swap3A_486] {strides = array<i32>} : memref<16xf32, #tpu.memory_space<vmem>>, vector<16xf32>,
    tpu.vector_store %arg12[%swap3A_486], %add3A_485 {strides = array<i32>} : memref<16xf32, #tpu.memory_space<vmem>>, vector<16xf32>,
    %sub3A_488 = arith.constant 4 : i32
    %sub3A_489 = vector.broadcast %sub3A_488 : i32 to vector<16xi32>
    %sub3A_490 = arith.subi %iota3A, %sub3A_489 : vector<16xi32>
    %max3A_491 = arith.constant 0 : i32
    %max3A_492 = vector.broadcast %max3A_491 : i32 to vector<16xi32>
    %max3A_493 = arith.maxsi %sub3A_490, %max3A_492 : vector<16xi32>
    %gather3A_494 = tpu.vector_load_idx %arg12[%max3A_493] : memref<16xf32, #tpu.memory_space<vmem>>[vector<16xi32>], vector<16xf32>,
    %ge3A_495 = arith.constant 4 : i32
    %ge3A_496 = vector.broadcast %ge3A_495 : i32 to vector<16xi32>
    %ge3A_497 = arith.cmpi sge, %iota3A, %ge3A_496 : vector<16xi32>
    %jit3A_498 = arith.constant 0.000000e+00 : f32
    %broadcast_in_dim3A_499 = vector.broadcast %jit3A_498 : f32 to vector<16xf32>
    %select_n3A_500 = arith.select %ge3A_497, %gather3A_494, %broadcast_in_dim3A_499 : vector<16xi1>, vector<16xf32>
    %add3A_501 = arith.addf %add3A_485, %select_n3A_500 : vector<16xf32>
    %swap3A_502 = arith.constant 0 : index
    %swap3A_503 = tpu.vector_load %arg12[%swap3A_502] {strides = array<i32>} : memref<16xf32, #tpu.memory_space<vmem>>, vector<16xf32>,
    tpu.vector_store %arg12[%swap3A_502], %add3A_501 {strides = array<i32>} : memref<16xf32, #tpu.memory_space<vmem>>, vector<16xf32>,
    %sub3A_504 = arith.constant 8 : i32
    %sub3A_505 = vector.broadcast %sub3A_504 : i32 to vector<16xi32>
    %sub3A_506 = arith.subi %iota3A, %sub3A_505 : vector<16xi32>
    %max3A_507 = arith.constant 0 : i32
    %max3A_508 = vector.broadcast %max3A_507 : i32 to vector<16xi32>
    %max3A_509 = arith.maxsi %sub3A_506, %max3A_508 : vector<16xi32>
    %gather3A_510 = tpu.vector_load_idx %arg12[%max3A_509] : memref<16xf32, #tpu.memory_space<vmem>>[vector<16xi32>], vector<16xf32>,
    %ge3A_511 = arith.constant 8 : i32
    %ge3A_512 = vector.broadcast %ge3A_511 : i32 to vector<16xi32>
    %ge3A_513 = arith.cmpi sge, %iota3A, %ge3A_512 : vector<16xi32>
    %jit3A_514 = arith.constant 0.000000e+00 : f32
    %broadcast_in_dim3A_515 = vector.broadcast %jit3A_514 : f32 to vector<16xf32>
    %select_n3A_516 = arith.select %ge3A_513, %gather3A_510, %broadcast_in_dim3A_515 : vector<16xi1>, vector<16xf32>
    %add3A_517 = arith.addf %add3A_501, %select_n3A_516 : vector<16xf32>
    %swap3A_518 = arith.constant 0 : index
    %swap3A_519 = tpu.vector_load %arg12[%swap3A_518] {strides = array<i32>} : memref<16xf32, #tpu.memory_space<vmem>>, vector<16xf32>,
    tpu.vector_store %arg12[%swap3A_518], %add3A_517 {strides = array<i32>} : memref<16xf32, #tpu.memory_space<vmem>>, vector<16xf32>,
    %gather3A_520 = tpu.vector_load_idx %arg12[%add3A_8] : memref<16xf32, #tpu.memory_space<vmem>>[vector<16xi32>], vector<16xf32>,
    %add3A_521 = arith.addf %add3A_451, %add3A_517 : vector<16xf32>
    %sub3A_522 = arith.constant 1.000000e+00 : f32
    %sub3A_523 = vector.broadcast %sub3A_522 : f32 to vector<16xf32>
    %sub3A_524 = arith.subf %add3A_521, %sub3A_523 : vector<16xf32>
    %convert_element_type3A_525 = arith.fptosi %sub3A_524 : vector<16xf32> to vector<16xi32>
    %gt3A_526 = arith.constant 0.000000e+00 : f32
    %gt3A_527 = vector.broadcast %gt3A_526 : f32 to vector<16xf32>
    %gt3A_528 = arith.cmpf ogt, %get3A_453, %gt3A_527 : vector<16xf32>
    %lt3A_529 = arith.constant 2048 : i32
    %lt3A_530 = vector.broadcast %lt3A_529 : i32 to vector<16xi32>
    %lt3A_531 = arith.cmpi slt, %convert_element_type3A_525, %lt3A_530 : vector<16xi32>
    %and3A_532 = arith.andi %gt3A_528, %lt3A_531 : vector<16xi1>
    %add3A_533 = arith.constant 2048 : i32
    %add3A_534 = arith.addi %add3A_533, %add3A : i32
    %broadcast_in_dim3A_535 = vector.broadcast %add3A_534 : i32 to vector<16xi32>
    %select_n3A_536 = arith.select %and3A_532, %convert_element_type3A_525, %broadcast_in_dim3A_535 : vector<16xi1>, vector<16xi32>
    %swap3A_537 = arith.constant 0 : i32
    %swap3A_538 = arith.index_cast %swap3A_537 : i32 to index
    %swap3A_539 = arith.constant 80 : index
    %swap3A_540 = tpu.vector_load %arg9[%swap3A_538, %swap3A_539] {strides = array<i32>} : memref<5x128xi32, #tpu.memory_space<vmem>>, vector<16xi32>,
    tpu.vector_store %arg9[%swap3A_538, %swap3A_539], %select_n3A_536 {strides = array<i32>} : memref<5x128xi32, #tpu.memory_space<vmem>>, vector<16xi32>,
    %add3A_541 = arith.addf %add3A_451, %gather3A_520 : vector<16xf32>
    %get3A_542 = arith.constant 96 : index
    %get3A_543 = tpu.vector_load %arg7[%get3A_542] {strides = array<i32>} : memref<640xf32, #tpu.memory_space<vmem>>, vector<16xf32>,
    %swap3A_544 = arith.constant 0 : index
    %swap3A_545 = tpu.vector_load %arg12[%swap3A_544] {strides = array<i32>} : memref<16xf32, #tpu.memory_space<vmem>>, vector<16xf32>,
    tpu.vector_store %arg12[%swap3A_544], %get3A_543 {strides = array<i32>} : memref<16xf32, #tpu.memory_space<vmem>>, vector<16xf32>,
    %sub3A_546 = arith.constant 1 : i32
    %sub3A_547 = vector.broadcast %sub3A_546 : i32 to vector<16xi32>
    %sub3A_548 = arith.subi %iota3A, %sub3A_547 : vector<16xi32>
    %max3A_549 = arith.constant 0 : i32
    %max3A_550 = vector.broadcast %max3A_549 : i32 to vector<16xi32>
    %max3A_551 = arith.maxsi %sub3A_548, %max3A_550 : vector<16xi32>
    %gather3A_552 = tpu.vector_load_idx %arg12[%max3A_551] : memref<16xf32, #tpu.memory_space<vmem>>[vector<16xi32>], vector<16xf32>,
    %ge3A_553 = arith.constant 1 : i32
    %ge3A_554 = vector.broadcast %ge3A_553 : i32 to vector<16xi32>
    %ge3A_555 = arith.cmpi sge, %iota3A, %ge3A_554 : vector<16xi32>
    %jit3A_556 = arith.constant 0.000000e+00 : f32
    %broadcast_in_dim3A_557 = vector.broadcast %jit3A_556 : f32 to vector<16xf32>
    %select_n3A_558 = arith.select %ge3A_555, %gather3A_552, %broadcast_in_dim3A_557 : vector<16xi1>, vector<16xf32>
    %add3A_559 = arith.addf %get3A_543, %select_n3A_558 : vector<16xf32>
    %swap3A_560 = arith.constant 0 : index
    %swap3A_561 = tpu.vector_load %arg12[%swap3A_560] {strides = array<i32>} : memref<16xf32, #tpu.memory_space<vmem>>, vector<16xf32>,
    tpu.vector_store %arg12[%swap3A_560], %add3A_559 {strides = array<i32>} : memref<16xf32, #tpu.memory_space<vmem>>, vector<16xf32>,
    %sub3A_562 = arith.constant 2 : i32
    %sub3A_563 = vector.broadcast %sub3A_562 : i32 to vector<16xi32>
    %sub3A_564 = arith.subi %iota3A, %sub3A_563 : vector<16xi32>
    %max3A_565 = arith.constant 0 : i32
    %max3A_566 = vector.broadcast %max3A_565 : i32 to vector<16xi32>
    %max3A_567 = arith.maxsi %sub3A_564, %max3A_566 : vector<16xi32>
    %gather3A_568 = tpu.vector_load_idx %arg12[%max3A_567] : memref<16xf32, #tpu.memory_space<vmem>>[vector<16xi32>], vector<16xf32>,
    %ge3A_569 = arith.constant 2 : i32
    %ge3A_570 = vector.broadcast %ge3A_569 : i32 to vector<16xi32>
    %ge3A_571 = arith.cmpi sge, %iota3A, %ge3A_570 : vector<16xi32>
    %jit3A_572 = arith.constant 0.000000e+00 : f32
    %broadcast_in_dim3A_573 = vector.broadcast %jit3A_572 : f32 to vector<16xf32>
    %select_n3A_574 = arith.select %ge3A_571, %gather3A_568, %broadcast_in_dim3A_573 : vector<16xi1>, vector<16xf32>
    %add3A_575 = arith.addf %add3A_559, %select_n3A_574 : vector<16xf32>
    %swap3A_576 = arith.constant 0 : index
    %swap3A_577 = tpu.vector_load %arg12[%swap3A_576] {strides = array<i32>} : memref<16xf32, #tpu.memory_space<vmem>>, vector<16xf32>,
    tpu.vector_store %arg12[%swap3A_576], %add3A_575 {strides = array<i32>} : memref<16xf32, #tpu.memory_space<vmem>>, vector<16xf32>,
    %sub3A_578 = arith.constant 4 : i32
    %sub3A_579 = vector.broadcast %sub3A_578 : i32 to vector<16xi32>
    %sub3A_580 = arith.subi %iota3A, %sub3A_579 : vector<16xi32>
    %max3A_581 = arith.constant 0 : i32
    %max3A_582 = vector.broadcast %max3A_581 : i32 to vector<16xi32>
    %max3A_583 = arith.maxsi %sub3A_580, %max3A_582 : vector<16xi32>
    %gather3A_584 = tpu.vector_load_idx %arg12[%max3A_583] : memref<16xf32, #tpu.memory_space<vmem>>[vector<16xi32>], vector<16xf32>,
    %ge3A_585 = arith.constant 4 : i32
    %ge3A_586 = vector.broadcast %ge3A_585 : i32 to vector<16xi32>
    %ge3A_587 = arith.cmpi sge, %iota3A, %ge3A_586 : vector<16xi32>
    %jit3A_588 = arith.constant 0.000000e+00 : f32
    %broadcast_in_dim3A_589 = vector.broadcast %jit3A_588 : f32 to vector<16xf32>
    %select_n3A_590 = arith.select %ge3A_587, %gather3A_584, %broadcast_in_dim3A_589 : vector<16xi1>, vector<16xf32>
    %add3A_591 = arith.addf %add3A_575, %select_n3A_590 : vector<16xf32>
    %swap3A_592 = arith.constant 0 : index
    %swap3A_593 = tpu.vector_load %arg12[%swap3A_592] {strides = array<i32>} : memref<16xf32, #tpu.memory_space<vmem>>, vector<16xf32>,
    tpu.vector_store %arg12[%swap3A_592], %add3A_591 {strides = array<i32>} : memref<16xf32, #tpu.memory_space<vmem>>, vector<16xf32>,
    %sub3A_594 = arith.constant 8 : i32
    %sub3A_595 = vector.broadcast %sub3A_594 : i32 to vector<16xi32>
    %sub3A_596 = arith.subi %iota3A, %sub3A_595 : vector<16xi32>
    %max3A_597 = arith.constant 0 : i32
    %max3A_598 = vector.broadcast %max3A_597 : i32 to vector<16xi32>
    %max3A_599 = arith.maxsi %sub3A_596, %max3A_598 : vector<16xi32>
    %gather3A_600 = tpu.vector_load_idx %arg12[%max3A_599] : memref<16xf32, #tpu.memory_space<vmem>>[vector<16xi32>], vector<16xf32>,
    %ge3A_601 = arith.constant 8 : i32
    %ge3A_602 = vector.broadcast %ge3A_601 : i32 to vector<16xi32>
    %ge3A_603 = arith.cmpi sge, %iota3A, %ge3A_602 : vector<16xi32>
    %jit3A_604 = arith.constant 0.000000e+00 : f32
    %broadcast_in_dim3A_605 = vector.broadcast %jit3A_604 : f32 to vector<16xf32>
    %select_n3A_606 = arith.select %ge3A_603, %gather3A_600, %broadcast_in_dim3A_605 : vector<16xi1>, vector<16xf32>
    %add3A_607 = arith.addf %add3A_591, %select_n3A_606 : vector<16xf32>
    %swap3A_608 = arith.constant 0 : index
    %swap3A_609 = tpu.vector_load %arg12[%swap3A_608] {strides = array<i32>} : memref<16xf32, #tpu.memory_space<vmem>>, vector<16xf32>,
    tpu.vector_store %arg12[%swap3A_608], %add3A_607 {strides = array<i32>} : memref<16xf32, #tpu.memory_space<vmem>>, vector<16xf32>,
    %gather3A_610 = tpu.vector_load_idx %arg12[%add3A_8] : memref<16xf32, #tpu.memory_space<vmem>>[vector<16xi32>], vector<16xf32>,
    %add3A_611 = arith.addf %add3A_541, %add3A_607 : vector<16xf32>
    %sub3A_612 = arith.constant 1.000000e+00 : f32
    %sub3A_613 = vector.broadcast %sub3A_612 : f32 to vector<16xf32>
    %sub3A_614 = arith.subf %add3A_611, %sub3A_613 : vector<16xf32>
    %convert_element_type3A_615 = arith.fptosi %sub3A_614 : vector<16xf32> to vector<16xi32>
    %gt3A_616 = arith.constant 0.000000e+00 : f32
    %gt3A_617 = vector.broadcast %gt3A_616 : f32 to vector<16xf32>
    %gt3A_618 = arith.cmpf ogt, %get3A_543, %gt3A_617 : vector<16xf32>
    %lt3A_619 = arith.constant 2048 : i32
    %lt3A_620 = vector.broadcast %lt3A_619 : i32 to vector<16xi32>
    %lt3A_621 = arith.cmpi slt, %convert_element_type3A_615, %lt3A_620 : vector<16xi32>
    %and3A_622 = arith.andi %gt3A_618, %lt3A_621 : vector<16xi1>
    %add3A_623 = arith.constant 2048 : i32
    %add3A_624 = arith.addi %add3A_623, %add3A : i32
    %broadcast_in_dim3A_625 = vector.broadcast %add3A_624 : i32 to vector<16xi32>
    %select_n3A_626 = arith.select %and3A_622, %convert_element_type3A_615, %broadcast_in_dim3A_625 : vector<16xi1>, vector<16xi32>
    %swap3A_627 = arith.constant 0 : i32
    %swap3A_628 = arith.index_cast %swap3A_627 : i32 to index
    %swap3A_629 = arith.constant 96 : index
    %swap3A_630 = tpu.vector_load %arg9[%swap3A_628, %swap3A_629] {strides = array<i32>} : memref<5x128xi32, #tpu.memory_space<vmem>>, vector<16xi32>,
    tpu.vector_store %arg9[%swap3A_628, %swap3A_629], %select_n3A_626 {strides = array<i32>} : memref<5x128xi32, #tpu.memory_space<vmem>>, vector<16xi32>,
    %add3A_631 = arith.addf %add3A_541, %gather3A_610 : vector<16xf32>
    %get3A_632 = arith.constant 112 : index
    %get3A_633 = tpu.vector_load %arg7[%get3A_632] {strides = array<i32>} : memref<640xf32, #tpu.memory_space<vmem>>, vector<16xf32>,
    %swap3A_634 = arith.constant 0 : index
    %swap3A_635 = tpu.vector_load %arg12[%swap3A_634] {strides = array<i32>} : memref<16xf32, #tpu.memory_space<vmem>>, vector<16xf32>,
    tpu.vector_store %arg12[%swap3A_634], %get3A_633 {strides = array<i32>} : memref<16xf32, #tpu.memory_space<vmem>>, vector<16xf32>,
    %sub3A_636 = arith.constant 1 : i32
    %sub3A_637 = vector.broadcast %sub3A_636 : i32 to vector<16xi32>
    %sub3A_638 = arith.subi %iota3A, %sub3A_637 : vector<16xi32>
    %max3A_639 = arith.constant 0 : i32
    %max3A_640 = vector.broadcast %max3A_639 : i32 to vector<16xi32>
    %max3A_641 = arith.maxsi %sub3A_638, %max3A_640 : vector<16xi32>
    %gather3A_642 = tpu.vector_load_idx %arg12[%max3A_641] : memref<16xf32, #tpu.memory_space<vmem>>[vector<16xi32>], vector<16xf32>,
    %ge3A_643 = arith.constant 1 : i32
    %ge3A_644 = vector.broadcast %ge3A_643 : i32 to vector<16xi32>
    %ge3A_645 = arith.cmpi sge, %iota3A, %ge3A_644 : vector<16xi32>
    %jit3A_646 = arith.constant 0.000000e+00 : f32
    %broadcast_in_dim3A_647 = vector.broadcast %jit3A_646 : f32 to vector<16xf32>
    %select_n3A_648 = arith.select %ge3A_645, %gather3A_642, %broadcast_in_dim3A_647 : vector<16xi1>, vector<16xf32>
    %add3A_649 = arith.addf %get3A_633, %select_n3A_648 : vector<16xf32>
    %swap3A_650 = arith.constant 0 : index
    %swap3A_651 = tpu.vector_load %arg12[%swap3A_650] {strides = array<i32>} : memref<16xf32, #tpu.memory_space<vmem>>, vector<16xf32>,
    tpu.vector_store %arg12[%swap3A_650], %add3A_649 {strides = array<i32>} : memref<16xf32, #tpu.memory_space<vmem>>, vector<16xf32>,
    %sub3A_652 = arith.constant 2 : i32
    %sub3A_653 = vector.broadcast %sub3A_652 : i32 to vector<16xi32>
    %sub3A_654 = arith.subi %iota3A, %sub3A_653 : vector<16xi32>
    %max3A_655 = arith.constant 0 : i32
    %max3A_656 = vector.broadcast %max3A_655 : i32 to vector<16xi32>
    %max3A_657 = arith.maxsi %sub3A_654, %max3A_656 : vector<16xi32>
    %gather3A_658 = tpu.vector_load_idx %arg12[%max3A_657] : memref<16xf32, #tpu.memory_space<vmem>>[vector<16xi32>], vector<16xf32>,
    %ge3A_659 = arith.constant 2 : i32
    %ge3A_660 = vector.broadcast %ge3A_659 : i32 to vector<16xi32>
    %ge3A_661 = arith.cmpi sge, %iota3A, %ge3A_660 : vector<16xi32>
    %jit3A_662 = arith.constant 0.000000e+00 : f32
    %broadcast_in_dim3A_663 = vector.broadcast %jit3A_662 : f32 to vector<16xf32>
    %select_n3A_664 = arith.select %ge3A_661, %gather3A_658, %broadcast_in_dim3A_663 : vector<16xi1>, vector<16xf32>
    %add3A_665 = arith.addf %add3A_649, %select_n3A_664 : vector<16xf32>
    %swap3A_666 = arith.constant 0 : index
    %swap3A_667 = tpu.vector_load %arg12[%swap3A_666] {strides = array<i32>} : memref<16xf32, #tpu.memory_space<vmem>>, vector<16xf32>,
    tpu.vector_store %arg12[%swap3A_666], %add3A_665 {strides = array<i32>} : memref<16xf32, #tpu.memory_space<vmem>>, vector<16xf32>,
    %sub3A_668 = arith.constant 4 : i32
    %sub3A_669 = vector.broadcast %sub3A_668 : i32 to vector<16xi32>
    %sub3A_670 = arith.subi %iota3A, %sub3A_669 : vector<16xi32>
    %max3A_671 = arith.constant 0 : i32
    %max3A_672 = vector.broadcast %max3A_671 : i32 to vector<16xi32>
    %max3A_673 = arith.maxsi %sub3A_670, %max3A_672 : vector<16xi32>
    %gather3A_674 = tpu.vector_load_idx %arg12[%max3A_673] : memref<16xf32, #tpu.memory_space<vmem>>[vector<16xi32>], vector<16xf32>,
    %ge3A_675 = arith.constant 4 : i32
    %ge3A_676 = vector.broadcast %ge3A_675 : i32 to vector<16xi32>
    %ge3A_677 = arith.cmpi sge, %iota3A, %ge3A_676 : vector<16xi32>
    %jit3A_678 = arith.constant 0.000000e+00 : f32
    %broadcast_in_dim3A_679 = vector.broadcast %jit3A_678 : f32 to vector<16xf32>
    %select_n3A_680 = arith.select %ge3A_677, %gather3A_674, %broadcast_in_dim3A_679 : vector<16xi1>, vector<16xf32>
    %add3A_681 = arith.addf %add3A_665, %select_n3A_680 : vector<16xf32>
    %swap3A_682 = arith.constant 0 : index
    %swap3A_683 = tpu.vector_load %arg12[%swap3A_682] {strides = array<i32>} : memref<16xf32, #tpu.memory_space<vmem>>, vector<16xf32>,
    tpu.vector_store %arg12[%swap3A_682], %add3A_681 {strides = array<i32>} : memref<16xf32, #tpu.memory_space<vmem>>, vector<16xf32>,
    %sub3A_684 = arith.constant 8 : i32
    %sub3A_685 = vector.broadcast %sub3A_684 : i32 to vector<16xi32>
    %sub3A_686 = arith.subi %iota3A, %sub3A_685 : vector<16xi32>
    %max3A_687 = arith.constant 0 : i32
    %max3A_688 = vector.broadcast %max3A_687 : i32 to vector<16xi32>
    %max3A_689 = arith.maxsi %sub3A_686, %max3A_688 : vector<16xi32>
    %gather3A_690 = tpu.vector_load_idx %arg12[%max3A_689] : memref<16xf32, #tpu.memory_space<vmem>>[vector<16xi32>], vector<16xf32>,
    %ge3A_691 = arith.constant 8 : i32
    %ge3A_692 = vector.broadcast %ge3A_691 : i32 to vector<16xi32>
    %ge3A_693 = arith.cmpi sge, %iota3A, %ge3A_692 : vector<16xi32>
    %jit3A_694 = arith.constant 0.000000e+00 : f32
    %broadcast_in_dim3A_695 = vector.broadcast %jit3A_694 : f32 to vector<16xf32>
    %select_n3A_696 = arith.select %ge3A_693, %gather3A_690, %broadcast_in_dim3A_695 : vector<16xi1>, vector<16xf32>
    %add3A_697 = arith.addf %add3A_681, %select_n3A_696 : vector<16xf32>
    %swap3A_698 = arith.constant 0 : index
    %swap3A_699 = tpu.vector_load %arg12[%swap3A_698] {strides = array<i32>} : memref<16xf32, #tpu.memory_space<vmem>>, vector<16xf32>,
    tpu.vector_store %arg12[%swap3A_698], %add3A_697 {strides = array<i32>} : memref<16xf32, #tpu.memory_space<vmem>>, vector<16xf32>,
    %gather3A_700 = tpu.vector_load_idx %arg12[%add3A_8] : memref<16xf32, #tpu.memory_space<vmem>>[vector<16xi32>], vector<16xf32>,
    %add3A_701 = arith.addf %add3A_631, %add3A_697 : vector<16xf32>
    %sub3A_702 = arith.constant 1.000000e+00 : f32
    %sub3A_703 = vector.broadcast %sub3A_702 : f32 to vector<16xf32>
    %sub3A_704 = arith.subf %add3A_701, %sub3A_703 : vector<16xf32>
    %convert_element_type3A_705 = arith.fptosi %sub3A_704 : vector<16xf32> to vector<16xi32>
    %gt3A_706 = arith.constant 0.000000e+00 : f32
    %gt3A_707 = vector.broadcast %gt3A_706 : f32 to vector<16xf32>
    %gt3A_708 = arith.cmpf ogt, %get3A_633, %gt3A_707 : vector<16xf32>
    %lt3A_709 = arith.constant 2048 : i32
    %lt3A_710 = vector.broadcast %lt3A_709 : i32 to vector<16xi32>
    %lt3A_711 = arith.cmpi slt, %convert_element_type3A_705, %lt3A_710 : vector<16xi32>
    %and3A_712 = arith.andi %gt3A_708, %lt3A_711 : vector<16xi1>
    %add3A_713 = arith.constant 2048 : i32
    %add3A_714 = arith.addi %add3A_713, %add3A : i32
    %broadcast_in_dim3A_715 = vector.broadcast %add3A_714 : i32 to vector<16xi32>
    %select_n3A_716 = arith.select %and3A_712, %convert_element_type3A_705, %broadcast_in_dim3A_715 : vector<16xi1>, vector<16xi32>
    %swap3A_717 = arith.constant 0 : i32
    %swap3A_718 = arith.index_cast %swap3A_717 : i32 to index
    %swap3A_719 = arith.constant 112 : index
    %swap3A_720 = tpu.vector_load %arg9[%swap3A_718, %swap3A_719] {strides = array<i32>} : memref<5x128xi32, #tpu.memory_space<vmem>>, vector<16xi32>,
    tpu.vector_store %arg9[%swap3A_718, %swap3A_719], %select_n3A_716 {strides = array<i32>} : memref<5x128xi32, #tpu.memory_space<vmem>>, vector<16xi32>,
    %add3A_721 = arith.addf %add3A_631, %gather3A_700 : vector<16xf32>
    %get3A_722 = arith.constant 128 : index
    %get3A_723 = tpu.vector_load %arg7[%get3A_722] {strides = array<i32>} : memref<640xf32, #tpu.memory_space<vmem>>, vector<16xf32>,
    %swap3A_724 = arith.constant 0 : index
    %swap3A_725 = tpu.vector_load %arg12[%swap3A_724] {strides = array<i32>} : memref<16xf32, #tpu.memory_space<vmem>>, vector<16xf32>,
    tpu.vector_store %arg12[%swap3A_724], %get3A_723 {strides = array<i32>} : memref<16xf32, #tpu.memory_space<vmem>>, vector<16xf32>,
    %sub3A_726 = arith.constant 1 : i32
    %sub3A_727 = vector.broadcast %sub3A_726 : i32 to vector<16xi32>
    %sub3A_728 = arith.subi %iota3A, %sub3A_727 : vector<16xi32>
    %max3A_729 = arith.constant 0 : i32
    %max3A_730 = vector.broadcast %max3A_729 : i32 to vector<16xi32>
    %max3A_731 = arith.maxsi %sub3A_728, %max3A_730 : vector<16xi32>
    %gather3A_732 = tpu.vector_load_idx %arg12[%max3A_731] : memref<16xf32, #tpu.memory_space<vmem>>[vector<16xi32>], vector<16xf32>,
    %ge3A_733 = arith.constant 1 : i32
    %ge3A_734 = vector.broadcast %ge3A_733 : i32 to vector<16xi32>
    %ge3A_735 = arith.cmpi sge, %iota3A, %ge3A_734 : vector<16xi32>
    %jit3A_736 = arith.constant 0.000000e+00 : f32
    %broadcast_in_dim3A_737 = vector.broadcast %jit3A_736 : f32 to vector<16xf32>
    %select_n3A_738 = arith.select %ge3A_735, %gather3A_732, %broadcast_in_dim3A_737 : vector<16xi1>, vector<16xf32>
    %add3A_739 = arith.addf %get3A_723, %select_n3A_738 : vector<16xf32>
    %swap3A_740 = arith.constant 0 : index
    %swap3A_741 = tpu.vector_load %arg12[%swap3A_740] {strides = array<i32>} : memref<16xf32, #tpu.memory_space<vmem>>, vector<16xf32>,
    tpu.vector_store %arg12[%swap3A_740], %add3A_739 {strides = array<i32>} : memref<16xf32, #tpu.memory_space<vmem>>, vector<16xf32>,
    %sub3A_742 = arith.constant 2 : i32
    %sub3A_743 = vector.broadcast %sub3A_742 : i32 to vector<16xi32>
    %sub3A_744 = arith.subi %iota3A, %sub3A_743 : vector<16xi32>
    %max3A_745 = arith.constant 0 : i32
    %max3A_746 = vector.broadcast %max3A_745 : i32 to vector<16xi32>
    %max3A_747 = arith.maxsi %sub3A_744, %max3A_746 : vector<16xi32>
    %gather3A_748 = tpu.vector_load_idx %arg12[%max3A_747] : memref<16xf32, #tpu.memory_space<vmem>>[vector<16xi32>], vector<16xf32>,
    %ge3A_749 = arith.constant 2 : i32
    %ge3A_750 = vector.broadcast %ge3A_749 : i32 to vector<16xi32>
    %ge3A_751 = arith.cmpi sge, %iota3A, %ge3A_750 : vector<16xi32>
    %jit3A_752 = arith.constant 0.000000e+00 : f32
    %broadcast_in_dim3A_753 = vector.broadcast %jit3A_752 : f32 to vector<16xf32>
    %select_n3A_754 = arith.select %ge3A_751, %gather3A_748, %broadcast_in_dim3A_753 : vector<16xi1>, vector<16xf32>
    %add3A_755 = arith.addf %add3A_739, %select_n3A_754 : vector<16xf32>
    %swap3A_756 = arith.constant 0 : index
    %swap3A_757 = tpu.vector_load %arg12[%swap3A_756] {strides = array<i32>} : memref<16xf32, #tpu.memory_space<vmem>>, vector<16xf32>,
    tpu.vector_store %arg12[%swap3A_756], %add3A_755 {strides = array<i32>} : memref<16xf32, #tpu.memory_space<vmem>>, vector<16xf32>,
    %sub3A_758 = arith.constant 4 : i32
    %sub3A_759 = vector.broadcast %sub3A_758 : i32 to vector<16xi32>
    %sub3A_760 = arith.subi %iota3A, %sub3A_759 : vector<16xi32>
    %max3A_761 = arith.constant 0 : i32
    %max3A_762 = vector.broadcast %max3A_761 : i32 to vector<16xi32>
    %max3A_763 = arith.maxsi %sub3A_760, %max3A_762 : vector<16xi32>
    %gather3A_764 = tpu.vector_load_idx %arg12[%max3A_763] : memref<16xf32, #tpu.memory_space<vmem>>[vector<16xi32>], vector<16xf32>,
    %ge3A_765 = arith.constant 4 : i32
    %ge3A_766 = vector.broadcast %ge3A_765 : i32 to vector<16xi32>
    %ge3A_767 = arith.cmpi sge, %iota3A, %ge3A_766 : vector<16xi32>
    %jit3A_768 = arith.constant 0.000000e+00 : f32
    %broadcast_in_dim3A_769 = vector.broadcast %jit3A_768 : f32 to vector<16xf32>
    %select_n3A_770 = arith.select %ge3A_767, %gather3A_764, %broadcast_in_dim3A_769 : vector<16xi1>, vector<16xf32>
    %add3A_771 = arith.addf %add3A_755, %select_n3A_770 : vector<16xf32>
    %swap3A_772 = arith.constant 0 : index
    %swap3A_773 = tpu.vector_load %arg12[%swap3A_772] {strides = array<i32>} : memref<16xf32, #tpu.memory_space<vmem>>, vector<16xf32>,
    tpu.vector_store %arg12[%swap3A_772], %add3A_771 {strides = array<i32>} : memref<16xf32, #tpu.memory_space<vmem>>, vector<16xf32>,
    %sub3A_774 = arith.constant 8 : i32
    %sub3A_775 = vector.broadcast %sub3A_774 : i32 to vector<16xi32>
    %sub3A_776 = arith.subi %iota3A, %sub3A_775 : vector<16xi32>
    %max3A_777 = arith.constant 0 : i32
    %max3A_778 = vector.broadcast %max3A_777 : i32 to vector<16xi32>
    %max3A_779 = arith.maxsi %sub3A_776, %max3A_778 : vector<16xi32>
    %gather3A_780 = tpu.vector_load_idx %arg12[%max3A_779] : memref<16xf32, #tpu.memory_space<vmem>>[vector<16xi32>], vector<16xf32>,
    %ge3A_781 = arith.constant 8 : i32
    %ge3A_782 = vector.broadcast %ge3A_781 : i32 to vector<16xi32>
    %ge3A_783 = arith.cmpi sge, %iota3A, %ge3A_782 : vector<16xi32>
    %jit3A_784 = arith.constant 0.000000e+00 : f32
    %broadcast_in_dim3A_785 = vector.broadcast %jit3A_784 : f32 to vector<16xf32>
    %select_n3A_786 = arith.select %ge3A_783, %gather3A_780, %broadcast_in_dim3A_785 : vector<16xi1>, vector<16xf32>
    %add3A_787 = arith.addf %add3A_771, %select_n3A_786 : vector<16xf32>
    %swap3A_788 = arith.constant 0 : index
    %swap3A_789 = tpu.vector_load %arg12[%swap3A_788] {strides = array<i32>} : memref<16xf32, #tpu.memory_space<vmem>>, vector<16xf32>,
    tpu.vector_store %arg12[%swap3A_788], %add3A_787 {strides = array<i32>} : memref<16xf32, #tpu.memory_space<vmem>>, vector<16xf32>,
    %gather3A_790 = tpu.vector_load_idx %arg12[%add3A_8] : memref<16xf32, #tpu.memory_space<vmem>>[vector<16xi32>], vector<16xf32>,
    %add3A_791 = arith.addf %add3A_721, %add3A_787 : vector<16xf32>
    %sub3A_792 = arith.constant 1.000000e+00 : f32
    %sub3A_793 = vector.broadcast %sub3A_792 : f32 to vector<16xf32>
    %sub3A_794 = arith.subf %add3A_791, %sub3A_793 : vector<16xf32>
    %convert_element_type3A_795 = arith.fptosi %sub3A_794 : vector<16xf32> to vector<16xi32>
    %gt3A_796 = arith.constant 0.000000e+00 : f32
    %gt3A_797 = vector.broadcast %gt3A_796 : f32 to vector<16xf32>
    %gt3A_798 = arith.cmpf ogt, %get3A_723, %gt3A_797 : vector<16xf32>
    %lt3A_799 = arith.constant 2048 : i32
    %lt3A_800 = vector.broadcast %lt3A_799 : i32 to vector<16xi32>
    %lt3A_801 = arith.cmpi slt, %convert_element_type3A_795, %lt3A_800 : vector<16xi32>
    %and3A_802 = arith.andi %gt3A_798, %lt3A_801 : vector<16xi1>
    %add3A_803 = arith.constant 2048 : i32
    %add3A_804 = arith.addi %add3A_803, %add3A : i32
    %broadcast_in_dim3A_805 = vector.broadcast %add3A_804 : i32 to vector<16xi32>
    %select_n3A_806 = arith.select %and3A_802, %convert_element_type3A_795, %broadcast_in_dim3A_805 : vector<16xi1>, vector<16xi32>
    %swap3A_807 = arith.constant 1 : i32
    %swap3A_808 = arith.index_cast %swap3A_807 : i32 to index
    %swap3A_809 = arith.constant 0 : index
    %swap3A_810 = tpu.vector_load %arg9[%swap3A_808, %swap3A_809] {strides = array<i32>} : memref<5x128xi32, #tpu.memory_space<vmem>>, vector<16xi32>,
    tpu.vector_store %arg9[%swap3A_808, %swap3A_809], %select_n3A_806 {strides = array<i32>} : memref<5x128xi32, #tpu.memory_space<vmem>>, vector<16xi32>,
    %add3A_811 = arith.addf %add3A_721, %gather3A_790 : vector<16xf32>
    %get3A_812 = arith.constant 144 : index
    %get3A_813 = tpu.vector_load %arg7[%get3A_812] {strides = array<i32>} : memref<640xf32, #tpu.memory_space<vmem>>, vector<16xf32>,
    %swap3A_814 = arith.constant 0 : index
    %swap3A_815 = tpu.vector_load %arg12[%swap3A_814] {strides = array<i32>} : memref<16xf32, #tpu.memory_space<vmem>>, vector<16xf32>,
    tpu.vector_store %arg12[%swap3A_814], %get3A_813 {strides = array<i32>} : memref<16xf32, #tpu.memory_space<vmem>>, vector<16xf32>,
    %sub3A_816 = arith.constant 1 : i32
    %sub3A_817 = vector.broadcast %sub3A_816 : i32 to vector<16xi32>
    %sub3A_818 = arith.subi %iota3A, %sub3A_817 : vector<16xi32>
    %max3A_819 = arith.constant 0 : i32
    %max3A_820 = vector.broadcast %max3A_819 : i32 to vector<16xi32>
    %max3A_821 = arith.maxsi %sub3A_818, %max3A_820 : vector<16xi32>
    %gather3A_822 = tpu.vector_load_idx %arg12[%max3A_821] : memref<16xf32, #tpu.memory_space<vmem>>[vector<16xi32>], vector<16xf32>,
    %ge3A_823 = arith.constant 1 : i32
    %ge3A_824 = vector.broadcast %ge3A_823 : i32 to vector<16xi32>
    %ge3A_825 = arith.cmpi sge, %iota3A, %ge3A_824 : vector<16xi32>
    %jit3A_826 = arith.constant 0.000000e+00 : f32
    %broadcast_in_dim3A_827 = vector.broadcast %jit3A_826 : f32 to vector<16xf32>
    %select_n3A_828 = arith.select %ge3A_825, %gather3A_822, %broadcast_in_dim3A_827 : vector<16xi1>, vector<16xf32>
    %add3A_829 = arith.addf %get3A_813, %select_n3A_828 : vector<16xf32>
    %swap3A_830 = arith.constant 0 : index
    %swap3A_831 = tpu.vector_load %arg12[%swap3A_830] {strides = array<i32>} : memref<16xf32, #tpu.memory_space<vmem>>, vector<16xf32>,
    tpu.vector_store %arg12[%swap3A_830], %add3A_829 {strides = array<i32>} : memref<16xf32, #tpu.memory_space<vmem>>, vector<16xf32>,
    %sub3A_832 = arith.constant 2 : i32
    %sub3A_833 = vector.broadcast %sub3A_832 : i32 to vector<16xi32>
    %sub3A_834 = arith.subi %iota3A, %sub3A_833 : vector<16xi32>
    %max3A_835 = arith.constant 0 : i32
    %max3A_836 = vector.broadcast %max3A_835 : i32 to vector<16xi32>
    %max3A_837 = arith.maxsi %sub3A_834, %max3A_836 : vector<16xi32>
    %gather3A_838 = tpu.vector_load_idx %arg12[%max3A_837] : memref<16xf32, #tpu.memory_space<vmem>>[vector<16xi32>], vector<16xf32>,
    %ge3A_839 = arith.constant 2 : i32
    %ge3A_840 = vector.broadcast %ge3A_839 : i32 to vector<16xi32>
    %ge3A_841 = arith.cmpi sge, %iota3A, %ge3A_840 : vector<16xi32>
    %jit3A_842 = arith.constant 0.000000e+00 : f32
    %broadcast_in_dim3A_843 = vector.broadcast %jit3A_842 : f32 to vector<16xf32>
    %select_n3A_844 = arith.select %ge3A_841, %gather3A_838, %broadcast_in_dim3A_843 : vector<16xi1>, vector<16xf32>
    %add3A_845 = arith.addf %add3A_829, %select_n3A_844 : vector<16xf32>
    %swap3A_846 = arith.constant 0 : index
    %swap3A_847 = tpu.vector_load %arg12[%swap3A_846] {strides = array<i32>} : memref<16xf32, #tpu.memory_space<vmem>>, vector<16xf32>,
    tpu.vector_store %arg12[%swap3A_846], %add3A_845 {strides = array<i32>} : memref<16xf32, #tpu.memory_space<vmem>>, vector<16xf32>,
    %sub3A_848 = arith.constant 4 : i32
    %sub3A_849 = vector.broadcast %sub3A_848 : i32 to vector<16xi32>
    %sub3A_850 = arith.subi %iota3A, %sub3A_849 : vector<16xi32>
    %max3A_851 = arith.constant 0 : i32
    %max3A_852 = vector.broadcast %max3A_851 : i32 to vector<16xi32>
    %max3A_853 = arith.maxsi %sub3A_850, %max3A_852 : vector<16xi32>
    %gather3A_854 = tpu.vector_load_idx %arg12[%max3A_853] : memref<16xf32, #tpu.memory_space<vmem>>[vector<16xi32>], vector<16xf32>,
    %ge3A_855 = arith.constant 4 : i32
    %ge3A_856 = vector.broadcast %ge3A_855 : i32 to vector<16xi32>
    %ge3A_857 = arith.cmpi sge, %iota3A, %ge3A_856 : vector<16xi32>
    %jit3A_858 = arith.constant 0.000000e+00 : f32
    %broadcast_in_dim3A_859 = vector.broadcast %jit3A_858 : f32 to vector<16xf32>
    %select_n3A_860 = arith.select %ge3A_857, %gather3A_854, %broadcast_in_dim3A_859 : vector<16xi1>, vector<16xf32>
    %add3A_861 = arith.addf %add3A_845, %select_n3A_860 : vector<16xf32>
    %swap3A_862 = arith.constant 0 : index
    %swap3A_863 = tpu.vector_load %arg12[%swap3A_862] {strides = array<i32>} : memref<16xf32, #tpu.memory_space<vmem>>, vector<16xf32>,
    tpu.vector_store %arg12[%swap3A_862], %add3A_861 {strides = array<i32>} : memref<16xf32, #tpu.memory_space<vmem>>, vector<16xf32>,
    %sub3A_864 = arith.constant 8 : i32
    %sub3A_865 = vector.broadcast %sub3A_864 : i32 to vector<16xi32>
    %sub3A_866 = arith.subi %iota3A, %sub3A_865 : vector<16xi32>
    %max3A_867 = arith.constant 0 : i32
    %max3A_868 = vector.broadcast %max3A_867 : i32 to vector<16xi32>
    %max3A_869 = arith.maxsi %sub3A_866, %max3A_868 : vector<16xi32>
    %gather3A_870 = tpu.vector_load_idx %arg12[%max3A_869] : memref<16xf32, #tpu.memory_space<vmem>>[vector<16xi32>], vector<16xf32>,
    %ge3A_871 = arith.constant 8 : i32
    %ge3A_872 = vector.broadcast %ge3A_871 : i32 to vector<16xi32>
    %ge3A_873 = arith.cmpi sge, %iota3A, %ge3A_872 : vector<16xi32>
    %jit3A_874 = arith.constant 0.000000e+00 : f32
    %broadcast_in_dim3A_875 = vector.broadcast %jit3A_874 : f32 to vector<16xf32>
    %select_n3A_876 = arith.select %ge3A_873, %gather3A_870, %broadcast_in_dim3A_875 : vector<16xi1>, vector<16xf32>
    %add3A_877 = arith.addf %add3A_861, %select_n3A_876 : vector<16xf32>
    %swap3A_878 = arith.constant 0 : index
    %swap3A_879 = tpu.vector_load %arg12[%swap3A_878] {strides = array<i32>} : memref<16xf32, #tpu.memory_space<vmem>>, vector<16xf32>,
    tpu.vector_store %arg12[%swap3A_878], %add3A_877 {strides = array<i32>} : memref<16xf32, #tpu.memory_space<vmem>>, vector<16xf32>,
    %gather3A_880 = tpu.vector_load_idx %arg12[%add3A_8] : memref<16xf32, #tpu.memory_space<vmem>>[vector<16xi32>], vector<16xf32>,
    %add3A_881 = arith.addf %add3A_811, %add3A_877 : vector<16xf32>
    %sub3A_882 = arith.constant 1.000000e+00 : f32
    %sub3A_883 = vector.broadcast %sub3A_882 : f32 to vector<16xf32>
    %sub3A_884 = arith.subf %add3A_881, %sub3A_883 : vector<16xf32>
    %convert_element_type3A_885 = arith.fptosi %sub3A_884 : vector<16xf32> to vector<16xi32>
    %gt3A_886 = arith.constant 0.000000e+00 : f32
    %gt3A_887 = vector.broadcast %gt3A_886 : f32 to vector<16xf32>
    %gt3A_888 = arith.cmpf ogt, %get3A_813, %gt3A_887 : vector<16xf32>
    %lt3A_889 = arith.constant 2048 : i32
    %lt3A_890 = vector.broadcast %lt3A_889 : i32 to vector<16xi32>
    %lt3A_891 = arith.cmpi slt, %convert_element_type3A_885, %lt3A_890 : vector<16xi32>
    %and3A_892 = arith.andi %gt3A_888, %lt3A_891 : vector<16xi1>
    %add3A_893 = arith.constant 2048 : i32
    %add3A_894 = arith.addi %add3A_893, %add3A : i32
    %broadcast_in_dim3A_895 = vector.broadcast %add3A_894 : i32 to vector<16xi32>
    %select_n3A_896 = arith.select %and3A_892, %convert_element_type3A_885, %broadcast_in_dim3A_895 : vector<16xi1>, vector<16xi32>
    %swap3A_897 = arith.constant 1 : i32
    %swap3A_898 = arith.index_cast %swap3A_897 : i32 to index
    %swap3A_899 = arith.constant 16 : index
    %swap3A_900 = tpu.vector_load %arg9[%swap3A_898, %swap3A_899] {strides = array<i32>} : memref<5x128xi32, #tpu.memory_space<vmem>>, vector<16xi32>,
    tpu.vector_store %arg9[%swap3A_898, %swap3A_899], %select_n3A_896 {strides = array<i32>} : memref<5x128xi32, #tpu.memory_space<vmem>>, vector<16xi32>,
    %add3A_901 = arith.addf %add3A_811, %gather3A_880 : vector<16xf32>
    %get3A_902 = arith.constant 160 : index
    %get3A_903 = tpu.vector_load %arg7[%get3A_902] {strides = array<i32>} : memref<640xf32, #tpu.memory_space<vmem>>, vector<16xf32>,
    %swap3A_904 = arith.constant 0 : index
    %swap3A_905 = tpu.vector_load %arg12[%swap3A_904] {strides = array<i32>} : memref<16xf32, #tpu.memory_space<vmem>>, vector<16xf32>,
    tpu.vector_store %arg12[%swap3A_904], %get3A_903 {strides = array<i32>} : memref<16xf32, #tpu.memory_space<vmem>>, vector<16xf32>,
    %sub3A_906 = arith.constant 1 : i32
    %sub3A_907 = vector.broadcast %sub3A_906 : i32 to vector<16xi32>
    %sub3A_908 = arith.subi %iota3A, %sub3A_907 : vector<16xi32>
    %max3A_909 = arith.constant 0 : i32
    %max3A_910 = vector.broadcast %max3A_909 : i32 to vector<16xi32>
    %max3A_911 = arith.maxsi %sub3A_908, %max3A_910 : vector<16xi32>
    %gather3A_912 = tpu.vector_load_idx %arg12[%max3A_911] : memref<16xf32, #tpu.memory_space<vmem>>[vector<16xi32>], vector<16xf32>,
    %ge3A_913 = arith.constant 1 : i32
    %ge3A_914 = vector.broadcast %ge3A_913 : i32 to vector<16xi32>
    %ge3A_915 = arith.cmpi sge, %iota3A, %ge3A_914 : vector<16xi32>
    %jit3A_916 = arith.constant 0.000000e+00 : f32
    %broadcast_in_dim3A_917 = vector.broadcast %jit3A_916 : f32 to vector<16xf32>
    %select_n3A_918 = arith.select %ge3A_915, %gather3A_912, %broadcast_in_dim3A_917 : vector<16xi1>, vector<16xf32>
    %add3A_919 = arith.addf %get3A_903, %select_n3A_918 : vector<16xf32>
    %swap3A_920 = arith.constant 0 : index
    %swap3A_921 = tpu.vector_load %arg12[%swap3A_920] {strides = array<i32>} : memref<16xf32, #tpu.memory_space<vmem>>, vector<16xf32>,
    tpu.vector_store %arg12[%swap3A_920], %add3A_919 {strides = array<i32>} : memref<16xf32, #tpu.memory_space<vmem>>, vector<16xf32>,
    %sub3A_922 = arith.constant 2 : i32
    %sub3A_923 = vector.broadcast %sub3A_922 : i32 to vector<16xi32>
    %sub3A_924 = arith.subi %iota3A, %sub3A_923 : vector<16xi32>
    %max3A_925 = arith.constant 0 : i32
    %max3A_926 = vector.broadcast %max3A_925 : i32 to vector<16xi32>
    %max3A_927 = arith.maxsi %sub3A_924, %max3A_926 : vector<16xi32>
    %gather3A_928 = tpu.vector_load_idx %arg12[%max3A_927] : memref<16xf32, #tpu.memory_space<vmem>>[vector<16xi32>], vector<16xf32>,
    %ge3A_929 = arith.constant 2 : i32
    %ge3A_930 = vector.broadcast %ge3A_929 : i32 to vector<16xi32>
    %ge3A_931 = arith.cmpi sge, %iota3A, %ge3A_930 : vector<16xi32>
    %jit3A_932 = arith.constant 0.000000e+00 : f32
    %broadcast_in_dim3A_933 = vector.broadcast %jit3A_932 : f32 to vector<16xf32>
    %select_n3A_934 = arith.select %ge3A_931, %gather3A_928, %broadcast_in_dim3A_933 : vector<16xi1>, vector<16xf32>
    %add3A_935 = arith.addf %add3A_919, %select_n3A_934 : vector<16xf32>
    %swap3A_936 = arith.constant 0 : index
    %swap3A_937 = tpu.vector_load %arg12[%swap3A_936] {strides = array<i32>} : memref<16xf32, #tpu.memory_space<vmem>>, vector<16xf32>,
    tpu.vector_store %arg12[%swap3A_936], %add3A_935 {strides = array<i32>} : memref<16xf32, #tpu.memory_space<vmem>>, vector<16xf32>,
    %sub3A_938 = arith.constant 4 : i32
    %sub3A_939 = vector.broadcast %sub3A_938 : i32 to vector<16xi32>
    %sub3A_940 = arith.subi %iota3A, %sub3A_939 : vector<16xi32>
    %max3A_941 = arith.constant 0 : i32
    %max3A_942 = vector.broadcast %max3A_941 : i32 to vector<16xi32>
    %max3A_943 = arith.maxsi %sub3A_940, %max3A_942 : vector<16xi32>
    %gather3A_944 = tpu.vector_load_idx %arg12[%max3A_943] : memref<16xf32, #tpu.memory_space<vmem>>[vector<16xi32>], vector<16xf32>,
    %ge3A_945 = arith.constant 4 : i32
    %ge3A_946 = vector.broadcast %ge3A_945 : i32 to vector<16xi32>
    %ge3A_947 = arith.cmpi sge, %iota3A, %ge3A_946 : vector<16xi32>
    %jit3A_948 = arith.constant 0.000000e+00 : f32
    %broadcast_in_dim3A_949 = vector.broadcast %jit3A_948 : f32 to vector<16xf32>
    %select_n3A_950 = arith.select %ge3A_947, %gather3A_944, %broadcast_in_dim3A_949 : vector<16xi1>, vector<16xf32>
    %add3A_951 = arith.addf %add3A_935, %select_n3A_950 : vector<16xf32>
    %swap3A_952 = arith.constant 0 : index
    %swap3A_953 = tpu.vector_load %arg12[%swap3A_952] {strides = array<i32>} : memref<16xf32, #tpu.memory_space<vmem>>, vector<16xf32>,
    tpu.vector_store %arg12[%swap3A_952], %add3A_951 {strides = array<i32>} : memref<16xf32, #tpu.memory_space<vmem>>, vector<16xf32>,
    %sub3A_954 = arith.constant 8 : i32
    %sub3A_955 = vector.broadcast %sub3A_954 : i32 to vector<16xi32>
    %sub3A_956 = arith.subi %iota3A, %sub3A_955 : vector<16xi32>
    %max3A_957 = arith.constant 0 : i32
    %max3A_958 = vector.broadcast %max3A_957 : i32 to vector<16xi32>
    %max3A_959 = arith.maxsi %sub3A_956, %max3A_958 : vector<16xi32>
    %gather3A_960 = tpu.vector_load_idx %arg12[%max3A_959] : memref<16xf32, #tpu.memory_space<vmem>>[vector<16xi32>], vector<16xf32>,
    %ge3A_961 = arith.constant 8 : i32
    %ge3A_962 = vector.broadcast %ge3A_961 : i32 to vector<16xi32>
    %ge3A_963 = arith.cmpi sge, %iota3A, %ge3A_962 : vector<16xi32>
    %jit3A_964 = arith.constant 0.000000e+00 : f32
    %broadcast_in_dim3A_965 = vector.broadcast %jit3A_964 : f32 to vector<16xf32>
    %select_n3A_966 = arith.select %ge3A_963, %gather3A_960, %broadcast_in_dim3A_965 : vector<16xi1>, vector<16xf32>
    %add3A_967 = arith.addf %add3A_951, %select_n3A_966 : vector<16xf32>
    %swap3A_968 = arith.constant 0 : index
    %swap3A_969 = tpu.vector_load %arg12[%swap3A_968] {strides = array<i32>} : memref<16xf32, #tpu.memory_space<vmem>>, vector<16xf32>,
    tpu.vector_store %arg12[%swap3A_968], %add3A_967 {strides = array<i32>} : memref<16xf32, #tpu.memory_space<vmem>>, vector<16xf32>,
    %gather3A_970 = tpu.vector_load_idx %arg12[%add3A_8] : memref<16xf32, #tpu.memory_space<vmem>>[vector<16xi32>], vector<16xf32>,
    %add3A_971 = arith.addf %add3A_901, %add3A_967 : vector<16xf32>
    %sub3A_972 = arith.constant 1.000000e+00 : f32
    %sub3A_973 = vector.broadcast %sub3A_972 : f32 to vector<16xf32>
    %sub3A_974 = arith.subf %add3A_971, %sub3A_973 : vector<16xf32>
    %convert_element_type3A_975 = arith.fptosi %sub3A_974 : vector<16xf32> to vector<16xi32>
    %gt3A_976 = arith.constant 0.000000e+00 : f32
    %gt3A_977 = vector.broadcast %gt3A_976 : f32 to vector<16xf32>
    %gt3A_978 = arith.cmpf ogt, %get3A_903, %gt3A_977 : vector<16xf32>
    %lt3A_979 = arith.constant 2048 : i32
    %lt3A_980 = vector.broadcast %lt3A_979 : i32 to vector<16xi32>
    %lt3A_981 = arith.cmpi slt, %convert_element_type3A_975, %lt3A_980 : vector<16xi32>
    %and3A_982 = arith.andi %gt3A_978, %lt3A_981 : vector<16xi1>
    %add3A_983 = arith.constant 2048 : i32
    %add3A_984 = arith.addi %add3A_983, %add3A : i32
    %broadcast_in_dim3A_985 = vector.broadcast %add3A_984 : i32 to vector<16xi32>
    %select_n3A_986 = arith.select %and3A_982, %convert_element_type3A_975, %broadcast_in_dim3A_985 : vector<16xi1>, vector<16xi32>
    %swap3A_987 = arith.constant 1 : i32
    %swap3A_988 = arith.index_cast %swap3A_987 : i32 to index
    %swap3A_989 = arith.constant 32 : index
    %swap3A_990 = tpu.vector_load %arg9[%swap3A_988, %swap3A_989] {strides = array<i32>} : memref<5x128xi32, #tpu.memory_space<vmem>>, vector<16xi32>,
    tpu.vector_store %arg9[%swap3A_988, %swap3A_989], %select_n3A_986 {strides = array<i32>} : memref<5x128xi32, #tpu.memory_space<vmem>>, vector<16xi32>,
    %add3A_991 = arith.addf %add3A_901, %gather3A_970 : vector<16xf32>
    %get3A_992 = arith.constant 176 : index
    %get3A_993 = tpu.vector_load %arg7[%get3A_992] {strides = array<i32>} : memref<640xf32, #tpu.memory_space<vmem>>, vector<16xf32>,
    %swap3A_994 = arith.constant 0 : index
    %swap3A_995 = tpu.vector_load %arg12[%swap3A_994] {strides = array<i32>} : memref<16xf32, #tpu.memory_space<vmem>>, vector<16xf32>,
    tpu.vector_store %arg12[%swap3A_994], %get3A_993 {strides = array<i32>} : memref<16xf32, #tpu.memory_space<vmem>>, vector<16xf32>,
    %sub3A_996 = arith.constant 1 : i32
    %sub3A_997 = vector.broadcast %sub3A_996 : i32 to vector<16xi32>
    %sub3A_998 = arith.subi %iota3A, %sub3A_997 : vector<16xi32>
    %max3A_999 = arith.constant 0 : i32
    %max3A_1000 = vector.broadcast %max3A_999 : i32 to vector<16xi32>
    %max3A_1001 = arith.maxsi %sub3A_998, %max3A_1000 : vector<16xi32>
    %gather3A_1002 = tpu.vector_load_idx %arg12[%max3A_1001] : memref<16xf32, #tpu.memory_space<vmem>>[vector<16xi32>], vector<16xf32>,
    %ge3A_1003 = arith.constant 1 : i32
    %ge3A_1004 = vector.broadcast %ge3A_1003 : i32 to vector<16xi32>
    %ge3A_1005 = arith.cmpi sge, %iota3A, %ge3A_1004 : vector<16xi32>
    %jit3A_1006 = arith.constant 0.000000e+00 : f32
    %broadcast_in_dim3A_1007 = vector.broadcast %jit3A_1006 : f32 to vector<16xf32>
    %select_n3A_1008 = arith.select %ge3A_1005, %gather3A_1002, %broadcast_in_dim3A_1007 : vector<16xi1>, vector<16xf32>
    %add3A_1009 = arith.addf %get3A_993, %select_n3A_1008 : vector<16xf32>
    %swap3A_1010 = arith.constant 0 : index
    %swap3A_1011 = tpu.vector_load %arg12[%swap3A_1010] {strides = array<i32>} : memref<16xf32, #tpu.memory_space<vmem>>, vector<16xf32>,
    tpu.vector_store %arg12[%swap3A_1010], %add3A_1009 {strides = array<i32>} : memref<16xf32, #tpu.memory_space<vmem>>, vector<16xf32>,
    %sub3A_1012 = arith.constant 2 : i32
    %sub3A_1013 = vector.broadcast %sub3A_1012 : i32 to vector<16xi32>
    %sub3A_1014 = arith.subi %iota3A, %sub3A_1013 : vector<16xi32>
    %max3A_1015 = arith.constant 0 : i32
    %max3A_1016 = vector.broadcast %max3A_1015 : i32 to vector<16xi32>
    %max3A_1017 = arith.maxsi %sub3A_1014, %max3A_1016 : vector<16xi32>
    %gather3A_1018 = tpu.vector_load_idx %arg12[%max3A_1017] : memref<16xf32, #tpu.memory_space<vmem>>[vector<16xi32>], vector<16xf32>,
    %ge3A_1019 = arith.constant 2 : i32
    %ge3A_1020 = vector.broadcast %ge3A_1019 : i32 to vector<16xi32>
    %ge3A_1021 = arith.cmpi sge, %iota3A, %ge3A_1020 : vector<16xi32>
    %jit3A_1022 = arith.constant 0.000000e+00 : f32
    %broadcast_in_dim3A_1023 = vector.broadcast %jit3A_1022 : f32 to vector<16xf32>
    %select_n3A_1024 = arith.select %ge3A_1021, %gather3A_1018, %broadcast_in_dim3A_1023 : vector<16xi1>, vector<16xf32>
    %add3A_1025 = arith.addf %add3A_1009, %select_n3A_1024 : vector<16xf32>
    %swap3A_1026 = arith.constant 0 : index
    %swap3A_1027 = tpu.vector_load %arg12[%swap3A_1026] {strides = array<i32>} : memref<16xf32, #tpu.memory_space<vmem>>, vector<16xf32>,
    tpu.vector_store %arg12[%swap3A_1026], %add3A_1025 {strides = array<i32>} : memref<16xf32, #tpu.memory_space<vmem>>, vector<16xf32>,
    %sub3A_1028 = arith.constant 4 : i32
    %sub3A_1029 = vector.broadcast %sub3A_1028 : i32 to vector<16xi32>
    %sub3A_1030 = arith.subi %iota3A, %sub3A_1029 : vector<16xi32>
    %max3A_1031 = arith.constant 0 : i32
    %max3A_1032 = vector.broadcast %max3A_1031 : i32 to vector<16xi32>
    %max3A_1033 = arith.maxsi %sub3A_1030, %max3A_1032 : vector<16xi32>
    %gather3A_1034 = tpu.vector_load_idx %arg12[%max3A_1033] : memref<16xf32, #tpu.memory_space<vmem>>[vector<16xi32>], vector<16xf32>,
    %ge3A_1035 = arith.constant 4 : i32
    %ge3A_1036 = vector.broadcast %ge3A_1035 : i32 to vector<16xi32>
    %ge3A_1037 = arith.cmpi sge, %iota3A, %ge3A_1036 : vector<16xi32>
    %jit3A_1038 = arith.constant 0.000000e+00 : f32
    %broadcast_in_dim3A_1039 = vector.broadcast %jit3A_1038 : f32 to vector<16xf32>
    %select_n3A_1040 = arith.select %ge3A_1037, %gather3A_1034, %broadcast_in_dim3A_1039 : vector<16xi1>, vector<16xf32>
    %add3A_1041 = arith.addf %add3A_1025, %select_n3A_1040 : vector<16xf32>
    %swap3A_1042 = arith.constant 0 : index
    %swap3A_1043 = tpu.vector_load %arg12[%swap3A_1042] {strides = array<i32>} : memref<16xf32, #tpu.memory_space<vmem>>, vector<16xf32>,
    tpu.vector_store %arg12[%swap3A_1042], %add3A_1041 {strides = array<i32>} : memref<16xf32, #tpu.memory_space<vmem>>, vector<16xf32>,
    %sub3A_1044 = arith.constant 8 : i32
    %sub3A_1045 = vector.broadcast %sub3A_1044 : i32 to vector<16xi32>
    %sub3A_1046 = arith.subi %iota3A, %sub3A_1045 : vector<16xi32>
    %max3A_1047 = arith.constant 0 : i32
    %max3A_1048 = vector.broadcast %max3A_1047 : i32 to vector<16xi32>
    %max3A_1049 = arith.maxsi %sub3A_1046, %max3A_1048 : vector<16xi32>
    %gather3A_1050 = tpu.vector_load_idx %arg12[%max3A_1049] : memref<16xf32, #tpu.memory_space<vmem>>[vector<16xi32>], vector<16xf32>,
    %ge3A_1051 = arith.constant 8 : i32
    %ge3A_1052 = vector.broadcast %ge3A_1051 : i32 to vector<16xi32>
    %ge3A_1053 = arith.cmpi sge, %iota3A, %ge3A_1052 : vector<16xi32>
    %jit3A_1054 = arith.constant 0.000000e+00 : f32
    %broadcast_in_dim3A_1055 = vector.broadcast %jit3A_1054 : f32 to vector<16xf32>
    %select_n3A_1056 = arith.select %ge3A_1053, %gather3A_1050, %broadcast_in_dim3A_1055 : vector<16xi1>, vector<16xf32>
    %add3A_1057 = arith.addf %add3A_1041, %select_n3A_1056 : vector<16xf32>
    %swap3A_1058 = arith.constant 0 : index
    %swap3A_1059 = tpu.vector_load %arg12[%swap3A_1058] {strides = array<i32>} : memref<16xf32, #tpu.memory_space<vmem>>, vector<16xf32>,
    tpu.vector_store %arg12[%swap3A_1058], %add3A_1057 {strides = array<i32>} : memref<16xf32, #tpu.memory_space<vmem>>, vector<16xf32>,
    %gather3A_1060 = tpu.vector_load_idx %arg12[%add3A_8] : memref<16xf32, #tpu.memory_space<vmem>>[vector<16xi32>], vector<16xf32>,
    %add3A_1061 = arith.addf %add3A_991, %add3A_1057 : vector<16xf32>
    %sub3A_1062 = arith.constant 1.000000e+00 : f32
    %sub3A_1063 = vector.broadcast %sub3A_1062 : f32 to vector<16xf32>
    %sub3A_1064 = arith.subf %add3A_1061, %sub3A_1063 : vector<16xf32>
    %convert_element_type3A_1065 = arith.fptosi %sub3A_1064 : vector<16xf32> to vector<16xi32>
    %gt3A_1066 = arith.constant 0.000000e+00 : f32
    %gt3A_1067 = vector.broadcast %gt3A_1066 : f32 to vector<16xf32>
    %gt3A_1068 = arith.cmpf ogt, %get3A_993, %gt3A_1067 : vector<16xf32>
    %lt3A_1069 = arith.constant 2048 : i32
    %lt3A_1070 = vector.broadcast %lt3A_1069 : i32 to vector<16xi32>
    %lt3A_1071 = arith.cmpi slt, %convert_element_type3A_1065, %lt3A_1070 : vector<16xi32>
    %and3A_1072 = arith.andi %gt3A_1068, %lt3A_1071 : vector<16xi1>
    %add3A_1073 = arith.constant 2048 : i32
    %add3A_1074 = arith.addi %add3A_1073, %add3A : i32
    %broadcast_in_dim3A_1075 = vector.broadcast %add3A_1074 : i32 to vector<16xi32>
    %select_n3A_1076 = arith.select %and3A_1072, %convert_element_type3A_1065, %broadcast_in_dim3A_1075 : vector<16xi1>, vector<16xi32>
    %swap3A_1077 = arith.constant 1 : i32
    %swap3A_1078 = arith.index_cast %swap3A_1077 : i32 to index
    %swap3A_1079 = arith.constant 48 : index
    %swap3A_1080 = tpu.vector_load %arg9[%swap3A_1078, %swap3A_1079] {strides = array<i32>} : memref<5x128xi32, #tpu.memory_space<vmem>>, vector<16xi32>,
    tpu.vector_store %arg9[%swap3A_1078, %swap3A_1079], %select_n3A_1076 {strides = array<i32>} : memref<5x128xi32, #tpu.memory_space<vmem>>, vector<16xi32>,
    %add3A_1081 = arith.addf %add3A_991, %gather3A_1060 : vector<16xf32>
    %get3A_1082 = arith.constant 192 : index
    %get3A_1083 = tpu.vector_load %arg7[%get3A_1082] {strides = array<i32>} : memref<640xf32, #tpu.memory_space<vmem>>, vector<16xf32>,
    %swap3A_1084 = arith.constant 0 : index
    %swap3A_1085 = tpu.vector_load %arg12[%swap3A_1084] {strides = array<i32>} : memref<16xf32, #tpu.memory_space<vmem>>, vector<16xf32>,
    tpu.vector_store %arg12[%swap3A_1084], %get3A_1083 {strides = array<i32>} : memref<16xf32, #tpu.memory_space<vmem>>, vector<16xf32>,
    %sub3A_1086 = arith.constant 1 : i32
    %sub3A_1087 = vector.broadcast %sub3A_1086 : i32 to vector<16xi32>
    %sub3A_1088 = arith.subi %iota3A, %sub3A_1087 : vector<16xi32>
    %max3A_1089 = arith.constant 0 : i32
    %max3A_1090 = vector.broadcast %max3A_1089 : i32 to vector<16xi32>
    %max3A_1091 = arith.maxsi %sub3A_1088, %max3A_1090 : vector<16xi32>
    %gather3A_1092 = tpu.vector_load_idx %arg12[%max3A_1091] : memref<16xf32, #tpu.memory_space<vmem>>[vector<16xi32>], vector<16xf32>,
    %ge3A_1093 = arith.constant 1 : i32
    %ge3A_1094 = vector.broadcast %ge3A_1093 : i32 to vector<16xi32>
    %ge3A_1095 = arith.cmpi sge, %iota3A, %ge3A_1094 : vector<16xi32>
    %jit3A_1096 = arith.constant 0.000000e+00 : f32
    %broadcast_in_dim3A_1097 = vector.broadcast %jit3A_1096 : f32 to vector<16xf32>
    %select_n3A_1098 = arith.select %ge3A_1095, %gather3A_1092, %broadcast_in_dim3A_1097 : vector<16xi1>, vector<16xf32>
    %add3A_1099 = arith.addf %get3A_1083, %select_n3A_1098 : vector<16xf32>
    %swap3A_1100 = arith.constant 0 : index
    %swap3A_1101 = tpu.vector_load %arg12[%swap3A_1100] {strides = array<i32>} : memref<16xf32, #tpu.memory_space<vmem>>, vector<16xf32>,
    tpu.vector_store %arg12[%swap3A_1100], %add3A_1099 {strides = array<i32>} : memref<16xf32, #tpu.memory_space<vmem>>, vector<16xf32>,
    %sub3A_1102 = arith.constant 2 : i32
    %sub3A_1103 = vector.broadcast %sub3A_1102 : i32 to vector<16xi32>
    %sub3A_1104 = arith.subi %iota3A, %sub3A_1103 : vector<16xi32>
    %max3A_1105 = arith.constant 0 : i32
    %max3A_1106 = vector.broadcast %max3A_1105 : i32 to vector<16xi32>
    %max3A_1107 = arith.maxsi %sub3A_1104, %max3A_1106 : vector<16xi32>
    %gather3A_1108 = tpu.vector_load_idx %arg12[%max3A_1107] : memref<16xf32, #tpu.memory_space<vmem>>[vector<16xi32>], vector<16xf32>,
    %ge3A_1109 = arith.constant 2 : i32
    %ge3A_1110 = vector.broadcast %ge3A_1109 : i32 to vector<16xi32>
    %ge3A_1111 = arith.cmpi sge, %iota3A, %ge3A_1110 : vector<16xi32>
    %jit3A_1112 = arith.constant 0.000000e+00 : f32
    %broadcast_in_dim3A_1113 = vector.broadcast %jit3A_1112 : f32 to vector<16xf32>
    %select_n3A_1114 = arith.select %ge3A_1111, %gather3A_1108, %broadcast_in_dim3A_1113 : vector<16xi1>, vector<16xf32>
    %add3A_1115 = arith.addf %add3A_1099, %select_n3A_1114 : vector<16xf32>
    %swap3A_1116 = arith.constant 0 : index
    %swap3A_1117 = tpu.vector_load %arg12[%swap3A_1116] {strides = array<i32>} : memref<16xf32, #tpu.memory_space<vmem>>, vector<16xf32>,
    tpu.vector_store %arg12[%swap3A_1116], %add3A_1115 {strides = array<i32>} : memref<16xf32, #tpu.memory_space<vmem>>, vector<16xf32>,
    %sub3A_1118 = arith.constant 4 : i32
    %sub3A_1119 = vector.broadcast %sub3A_1118 : i32 to vector<16xi32>
    %sub3A_1120 = arith.subi %iota3A, %sub3A_1119 : vector<16xi32>
    %max3A_1121 = arith.constant 0 : i32
    %max3A_1122 = vector.broadcast %max3A_1121 : i32 to vector<16xi32>
    %max3A_1123 = arith.maxsi %sub3A_1120, %max3A_1122 : vector<16xi32>
    %gather3A_1124 = tpu.vector_load_idx %arg12[%max3A_1123] : memref<16xf32, #tpu.memory_space<vmem>>[vector<16xi32>], vector<16xf32>,
    %ge3A_1125 = arith.constant 4 : i32
    %ge3A_1126 = vector.broadcast %ge3A_1125 : i32 to vector<16xi32>
    %ge3A_1127 = arith.cmpi sge, %iota3A, %ge3A_1126 : vector<16xi32>
    %jit3A_1128 = arith.constant 0.000000e+00 : f32
    %broadcast_in_dim3A_1129 = vector.broadcast %jit3A_1128 : f32 to vector<16xf32>
    %select_n3A_1130 = arith.select %ge3A_1127, %gather3A_1124, %broadcast_in_dim3A_1129 : vector<16xi1>, vector<16xf32>
    %add3A_1131 = arith.addf %add3A_1115, %select_n3A_1130 : vector<16xf32>
    %swap3A_1132 = arith.constant 0 : index
    %swap3A_1133 = tpu.vector_load %arg12[%swap3A_1132] {strides = array<i32>} : memref<16xf32, #tpu.memory_space<vmem>>, vector<16xf32>,
    tpu.vector_store %arg12[%swap3A_1132], %add3A_1131 {strides = array<i32>} : memref<16xf32, #tpu.memory_space<vmem>>, vector<16xf32>,
    %sub3A_1134 = arith.constant 8 : i32
    %sub3A_1135 = vector.broadcast %sub3A_1134 : i32 to vector<16xi32>
    %sub3A_1136 = arith.subi %iota3A, %sub3A_1135 : vector<16xi32>
    %max3A_1137 = arith.constant 0 : i32
    %max3A_1138 = vector.broadcast %max3A_1137 : i32 to vector<16xi32>
    %max3A_1139 = arith.maxsi %sub3A_1136, %max3A_1138 : vector<16xi32>
    %gather3A_1140 = tpu.vector_load_idx %arg12[%max3A_1139] : memref<16xf32, #tpu.memory_space<vmem>>[vector<16xi32>], vector<16xf32>,
    %ge3A_1141 = arith.constant 8 : i32
    %ge3A_1142 = vector.broadcast %ge3A_1141 : i32 to vector<16xi32>
    %ge3A_1143 = arith.cmpi sge, %iota3A, %ge3A_1142 : vector<16xi32>
    %jit3A_1144 = arith.constant 0.000000e+00 : f32
    %broadcast_in_dim3A_1145 = vector.broadcast %jit3A_1144 : f32 to vector<16xf32>
    %select_n3A_1146 = arith.select %ge3A_1143, %gather3A_1140, %broadcast_in_dim3A_1145 : vector<16xi1>, vector<16xf32>
    %add3A_1147 = arith.addf %add3A_1131, %select_n3A_1146 : vector<16xf32>
    %swap3A_1148 = arith.constant 0 : index
    %swap3A_1149 = tpu.vector_load %arg12[%swap3A_1148] {strides = array<i32>} : memref<16xf32, #tpu.memory_space<vmem>>, vector<16xf32>,
    tpu.vector_store %arg12[%swap3A_1148], %add3A_1147 {strides = array<i32>} : memref<16xf32, #tpu.memory_space<vmem>>, vector<16xf32>,
    %gather3A_1150 = tpu.vector_load_idx %arg12[%add3A_8] : memref<16xf32, #tpu.memory_space<vmem>>[vector<16xi32>], vector<16xf32>,
    %add3A_1151 = arith.addf %add3A_1081, %add3A_1147 : vector<16xf32>
    %sub3A_1152 = arith.constant 1.000000e+00 : f32
    %sub3A_1153 = vector.broadcast %sub3A_1152 : f32 to vector<16xf32>
    %sub3A_1154 = arith.subf %add3A_1151, %sub3A_1153 : vector<16xf32>
    %convert_element_type3A_1155 = arith.fptosi %sub3A_1154 : vector<16xf32> to vector<16xi32>
    %gt3A_1156 = arith.constant 0.000000e+00 : f32
    %gt3A_1157 = vector.broadcast %gt3A_1156 : f32 to vector<16xf32>
    %gt3A_1158 = arith.cmpf ogt, %get3A_1083, %gt3A_1157 : vector<16xf32>
    %lt3A_1159 = arith.constant 2048 : i32
    %lt3A_1160 = vector.broadcast %lt3A_1159 : i32 to vector<16xi32>
    %lt3A_1161 = arith.cmpi slt, %convert_element_type3A_1155, %lt3A_1160 : vector<16xi32>
    %and3A_1162 = arith.andi %gt3A_1158, %lt3A_1161 : vector<16xi1>
    %add3A_1163 = arith.constant 2048 : i32
    %add3A_1164 = arith.addi %add3A_1163, %add3A : i32
    %broadcast_in_dim3A_1165 = vector.broadcast %add3A_1164 : i32 to vector<16xi32>
    %select_n3A_1166 = arith.select %and3A_1162, %convert_element_type3A_1155, %broadcast_in_dim3A_1165 : vector<16xi1>, vector<16xi32>
    %swap3A_1167 = arith.constant 1 : i32
    %swap3A_1168 = arith.index_cast %swap3A_1167 : i32 to index
    %swap3A_1169 = arith.constant 64 : index
    %swap3A_1170 = tpu.vector_load %arg9[%swap3A_1168, %swap3A_1169] {strides = array<i32>} : memref<5x128xi32, #tpu.memory_space<vmem>>, vector<16xi32>,
    tpu.vector_store %arg9[%swap3A_1168, %swap3A_1169], %select_n3A_1166 {strides = array<i32>} : memref<5x128xi32, #tpu.memory_space<vmem>>, vector<16xi32>,
    %add3A_1171 = arith.addf %add3A_1081, %gather3A_1150 : vector<16xf32>
    %get3A_1172 = arith.constant 208 : index
    %get3A_1173 = tpu.vector_load %arg7[%get3A_1172] {strides = array<i32>} : memref<640xf32, #tpu.memory_space<vmem>>, vector<16xf32>,
    %swap3A_1174 = arith.constant 0 : index
    %swap3A_1175 = tpu.vector_load %arg12[%swap3A_1174] {strides = array<i32>} : memref<16xf32, #tpu.memory_space<vmem>>, vector<16xf32>,
    tpu.vector_store %arg12[%swap3A_1174], %get3A_1173 {strides = array<i32>} : memref<16xf32, #tpu.memory_space<vmem>>, vector<16xf32>,
    %sub3A_1176 = arith.constant 1 : i32
    %sub3A_1177 = vector.broadcast %sub3A_1176 : i32 to vector<16xi32>
    %sub3A_1178 = arith.subi %iota3A, %sub3A_1177 : vector<16xi32>
    %max3A_1179 = arith.constant 0 : i32
    %max3A_1180 = vector.broadcast %max3A_1179 : i32 to vector<16xi32>
    %max3A_1181 = arith.maxsi %sub3A_1178, %max3A_1180 : vector<16xi32>
    %gather3A_1182 = tpu.vector_load_idx %arg12[%max3A_1181] : memref<16xf32, #tpu.memory_space<vmem>>[vector<16xi32>], vector<16xf32>,
    %ge3A_1183 = arith.constant 1 : i32
    %ge3A_1184 = vector.broadcast %ge3A_1183 : i32 to vector<16xi32>
    %ge3A_1185 = arith.cmpi sge, %iota3A, %ge3A_1184 : vector<16xi32>
    %jit3A_1186 = arith.constant 0.000000e+00 : f32
    %broadcast_in_dim3A_1187 = vector.broadcast %jit3A_1186 : f32 to vector<16xf32>
    %select_n3A_1188 = arith.select %ge3A_1185, %gather3A_1182, %broadcast_in_dim3A_1187 : vector<16xi1>, vector<16xf32>
    %add3A_1189 = arith.addf %get3A_1173, %select_n3A_1188 : vector<16xf32>
    %swap3A_1190 = arith.constant 0 : index
    %swap3A_1191 = tpu.vector_load %arg12[%swap3A_1190] {strides = array<i32>} : memref<16xf32, #tpu.memory_space<vmem>>, vector<16xf32>,
    tpu.vector_store %arg12[%swap3A_1190], %add3A_1189 {strides = array<i32>} : memref<16xf32, #tpu.memory_space<vmem>>, vector<16xf32>,
    %sub3A_1192 = arith.constant 2 : i32
    %sub3A_1193 = vector.broadcast %sub3A_1192 : i32 to vector<16xi32>
    %sub3A_1194 = arith.subi %iota3A, %sub3A_1193 : vector<16xi32>
    %max3A_1195 = arith.constant 0 : i32
    %max3A_1196 = vector.broadcast %max3A_1195 : i32 to vector<16xi32>
    %max3A_1197 = arith.maxsi %sub3A_1194, %max3A_1196 : vector<16xi32>
    %gather3A_1198 = tpu.vector_load_idx %arg12[%max3A_1197] : memref<16xf32, #tpu.memory_space<vmem>>[vector<16xi32>], vector<16xf32>,
    %ge3A_1199 = arith.constant 2 : i32
    %ge3A_1200 = vector.broadcast %ge3A_1199 : i32 to vector<16xi32>
    %ge3A_1201 = arith.cmpi sge, %iota3A, %ge3A_1200 : vector<16xi32>
    %jit3A_1202 = arith.constant 0.000000e+00 : f32
    %broadcast_in_dim3A_1203 = vector.broadcast %jit3A_1202 : f32 to vector<16xf32>
    %select_n3A_1204 = arith.select %ge3A_1201, %gather3A_1198, %broadcast_in_dim3A_1203 : vector<16xi1>, vector<16xf32>
    %add3A_1205 = arith.addf %add3A_1189, %select_n3A_1204 : vector<16xf32>
    %swap3A_1206 = arith.constant 0 : index
    %swap3A_1207 = tpu.vector_load %arg12[%swap3A_1206] {strides = array<i32>} : memref<16xf32, #tpu.memory_space<vmem>>, vector<16xf32>,
    tpu.vector_store %arg12[%swap3A_1206], %add3A_1205 {strides = array<i32>} : memref<16xf32, #tpu.memory_space<vmem>>, vector<16xf32>,
    %sub3A_1208 = arith.constant 4 : i32
    %sub3A_1209 = vector.broadcast %sub3A_1208 : i32 to vector<16xi32>
    %sub3A_1210 = arith.subi %iota3A, %sub3A_1209 : vector<16xi32>
    %max3A_1211 = arith.constant 0 : i32
    %max3A_1212 = vector.broadcast %max3A_1211 : i32 to vector<16xi32>
    %max3A_1213 = arith.maxsi %sub3A_1210, %max3A_1212 : vector<16xi32>
    %gather3A_1214 = tpu.vector_load_idx %arg12[%max3A_1213] : memref<16xf32, #tpu.memory_space<vmem>>[vector<16xi32>], vector<16xf32>,
    %ge3A_1215 = arith.constant 4 : i32
    %ge3A_1216 = vector.broadcast %ge3A_1215 : i32 to vector<16xi32>
    %ge3A_1217 = arith.cmpi sge, %iota3A, %ge3A_1216 : vector<16xi32>
    %jit3A_1218 = arith.constant 0.000000e+00 : f32
    %broadcast_in_dim3A_1219 = vector.broadcast %jit3A_1218 : f32 to vector<16xf32>
    %select_n3A_1220 = arith.select %ge3A_1217, %gather3A_1214, %broadcast_in_dim3A_1219 : vector<16xi1>, vector<16xf32>
    %add3A_1221 = arith.addf %add3A_1205, %select_n3A_1220 : vector<16xf32>
    %swap3A_1222 = arith.constant 0 : index
    %swap3A_1223 = tpu.vector_load %arg12[%swap3A_1222] {strides = array<i32>} : memref<16xf32, #tpu.memory_space<vmem>>, vector<16xf32>,
    tpu.vector_store %arg12[%swap3A_1222], %add3A_1221 {strides = array<i32>} : memref<16xf32, #tpu.memory_space<vmem>>, vector<16xf32>,
    %sub3A_1224 = arith.constant 8 : i32
    %sub3A_1225 = vector.broadcast %sub3A_1224 : i32 to vector<16xi32>
    %sub3A_1226 = arith.subi %iota3A, %sub3A_1225 : vector<16xi32>
    %max3A_1227 = arith.constant 0 : i32
    %max3A_1228 = vector.broadcast %max3A_1227 : i32 to vector<16xi32>
    %max3A_1229 = arith.maxsi %sub3A_1226, %max3A_1228 : vector<16xi32>
    %gather3A_1230 = tpu.vector_load_idx %arg12[%max3A_1229] : memref<16xf32, #tpu.memory_space<vmem>>[vector<16xi32>], vector<16xf32>,
    %ge3A_1231 = arith.constant 8 : i32
    %ge3A_1232 = vector.broadcast %ge3A_1231 : i32 to vector<16xi32>
    %ge3A_1233 = arith.cmpi sge, %iota3A, %ge3A_1232 : vector<16xi32>
    %jit3A_1234 = arith.constant 0.000000e+00 : f32
    %broadcast_in_dim3A_1235 = vector.broadcast %jit3A_1234 : f32 to vector<16xf32>
    %select_n3A_1236 = arith.select %ge3A_1233, %gather3A_1230, %broadcast_in_dim3A_1235 : vector<16xi1>, vector<16xf32>
    %add3A_1237 = arith.addf %add3A_1221, %select_n3A_1236 : vector<16xf32>
    %swap3A_1238 = arith.constant 0 : index
    %swap3A_1239 = tpu.vector_load %arg12[%swap3A_1238] {strides = array<i32>} : memref<16xf32, #tpu.memory_space<vmem>>, vector<16xf32>,
    tpu.vector_store %arg12[%swap3A_1238], %add3A_1237 {strides = array<i32>} : memref<16xf32, #tpu.memory_space<vmem>>, vector<16xf32>,
    %gather3A_1240 = tpu.vector_load_idx %arg12[%add3A_8] : memref<16xf32, #tpu.memory_space<vmem>>[vector<16xi32>], vector<16xf32>,
    %add3A_1241 = arith.addf %add3A_1171, %add3A_1237 : vector<16xf32>
    %sub3A_1242 = arith.constant 1.000000e+00 : f32
    %sub3A_1243 = vector.broadcast %sub3A_1242 : f32 to vector<16xf32>
    %sub3A_1244 = arith.subf %add3A_1241, %sub3A_1243 : vector<16xf32>
    %convert_element_type3A_1245 = arith.fptosi %sub3A_1244 : vector<16xf32> to vector<16xi32>
    %gt3A_1246 = arith.constant 0.000000e+00 : f32
    %gt3A_1247 = vector.broadcast %gt3A_1246 : f32 to vector<16xf32>
    %gt3A_1248 = arith.cmpf ogt, %get3A_1173, %gt3A_1247 : vector<16xf32>
    %lt3A_1249 = arith.constant 2048 : i32
    %lt3A_1250 = vector.broadcast %lt3A_1249 : i32 to vector<16xi32>
    %lt3A_1251 = arith.cmpi slt, %convert_element_type3A_1245, %lt3A_1250 : vector<16xi32>
    %and3A_1252 = arith.andi %gt3A_1248, %lt3A_1251 : vector<16xi1>
    %add3A_1253 = arith.constant 2048 : i32
    %add3A_1254 = arith.addi %add3A_1253, %add3A : i32
    %broadcast_in_dim3A_1255 = vector.broadcast %add3A_1254 : i32 to vector<16xi32>
    %select_n3A_1256 = arith.select %and3A_1252, %convert_element_type3A_1245, %broadcast_in_dim3A_1255 : vector<16xi1>, vector<16xi32>
    %swap3A_1257 = arith.constant 1 : i32
    %swap3A_1258 = arith.index_cast %swap3A_1257 : i32 to index
    %swap3A_1259 = arith.constant 80 : index
    %swap3A_1260 = tpu.vector_load %arg9[%swap3A_1258, %swap3A_1259] {strides = array<i32>} : memref<5x128xi32, #tpu.memory_space<vmem>>, vector<16xi32>,
    tpu.vector_store %arg9[%swap3A_1258, %swap3A_1259], %select_n3A_1256 {strides = array<i32>} : memref<5x128xi32, #tpu.memory_space<vmem>>, vector<16xi32>,
    %add3A_1261 = arith.addf %add3A_1171, %gather3A_1240 : vector<16xf32>
    %get3A_1262 = arith.constant 224 : index
    %get3A_1263 = tpu.vector_load %arg7[%get3A_1262] {strides = array<i32>} : memref<640xf32, #tpu.memory_space<vmem>>, vector<16xf32>,
    %swap3A_1264 = arith.constant 0 : index
    %swap3A_1265 = tpu.vector_load %arg12[%swap3A_1264] {strides = array<i32>} : memref<16xf32, #tpu.memory_space<vmem>>, vector<16xf32>,
    tpu.vector_store %arg12[%swap3A_1264], %get3A_1263 {strides = array<i32>} : memref<16xf32, #tpu.memory_space<vmem>>, vector<16xf32>,
    %sub3A_1266 = arith.constant 1 : i32
    %sub3A_1267 = vector.broadcast %sub3A_1266 : i32 to vector<16xi32>
    %sub3A_1268 = arith.subi %iota3A, %sub3A_1267 : vector<16xi32>
    %max3A_1269 = arith.constant 0 : i32
    %max3A_1270 = vector.broadcast %max3A_1269 : i32 to vector<16xi32>
    %max3A_1271 = arith.maxsi %sub3A_1268, %max3A_1270 : vector<16xi32>
    %gather3A_1272 = tpu.vector_load_idx %arg12[%max3A_1271] : memref<16xf32, #tpu.memory_space<vmem>>[vector<16xi32>], vector<16xf32>,
    %ge3A_1273 = arith.constant 1 : i32
    %ge3A_1274 = vector.broadcast %ge3A_1273 : i32 to vector<16xi32>
    %ge3A_1275 = arith.cmpi sge, %iota3A, %ge3A_1274 : vector<16xi32>
    %jit3A_1276 = arith.constant 0.000000e+00 : f32
    %broadcast_in_dim3A_1277 = vector.broadcast %jit3A_1276 : f32 to vector<16xf32>
    %select_n3A_1278 = arith.select %ge3A_1275, %gather3A_1272, %broadcast_in_dim3A_1277 : vector<16xi1>, vector<16xf32>
    %add3A_1279 = arith.addf %get3A_1263, %select_n3A_1278 : vector<16xf32>
    %swap3A_1280 = arith.constant 0 : index
    %swap3A_1281 = tpu.vector_load %arg12[%swap3A_1280] {strides = array<i32>} : memref<16xf32, #tpu.memory_space<vmem>>, vector<16xf32>,
    tpu.vector_store %arg12[%swap3A_1280], %add3A_1279 {strides = array<i32>} : memref<16xf32, #tpu.memory_space<vmem>>, vector<16xf32>,
    %sub3A_1282 = arith.constant 2 : i32
    %sub3A_1283 = vector.broadcast %sub3A_1282 : i32 to vector<16xi32>
    %sub3A_1284 = arith.subi %iota3A, %sub3A_1283 : vector<16xi32>
    %max3A_1285 = arith.constant 0 : i32
    %max3A_1286 = vector.broadcast %max3A_1285 : i32 to vector<16xi32>
    %max3A_1287 = arith.maxsi %sub3A_1284, %max3A_1286 : vector<16xi32>
    %gather3A_1288 = tpu.vector_load_idx %arg12[%max3A_1287] : memref<16xf32, #tpu.memory_space<vmem>>[vector<16xi32>], vector<16xf32>,
    %ge3A_1289 = arith.constant 2 : i32
    %ge3A_1290 = vector.broadcast %ge3A_1289 : i32 to vector<16xi32>
    %ge3A_1291 = arith.cmpi sge, %iota3A, %ge3A_1290 : vector<16xi32>
    %jit3A_1292 = arith.constant 0.000000e+00 : f32
    %broadcast_in_dim3A_1293 = vector.broadcast %jit3A_1292 : f32 to vector<16xf32>
    %select_n3A_1294 = arith.select %ge3A_1291, %gather3A_1288, %broadcast_in_dim3A_1293 : vector<16xi1>, vector<16xf32>
    %add3A_1295 = arith.addf %add3A_1279, %select_n3A_1294 : vector<16xf32>
    %swap3A_1296 = arith.constant 0 : index
    %swap3A_1297 = tpu.vector_load %arg12[%swap3A_1296] {strides = array<i32>} : memref<16xf32, #tpu.memory_space<vmem>>, vector<16xf32>,
    tpu.vector_store %arg12[%swap3A_1296], %add3A_1295 {strides = array<i32>} : memref<16xf32, #tpu.memory_space<vmem>>, vector<16xf32>,
    %sub3A_1298 = arith.constant 4 : i32
    %sub3A_1299 = vector.broadcast %sub3A_1298 : i32 to vector<16xi32>
    %sub3A_1300 = arith.subi %iota3A, %sub3A_1299 : vector<16xi32>
    %max3A_1301 = arith.constant 0 : i32
    %max3A_1302 = vector.broadcast %max3A_1301 : i32 to vector<16xi32>
    %max3A_1303 = arith.maxsi %sub3A_1300, %max3A_1302 : vector<16xi32>
    %gather3A_1304 = tpu.vector_load_idx %arg12[%max3A_1303] : memref<16xf32, #tpu.memory_space<vmem>>[vector<16xi32>], vector<16xf32>,
    %ge3A_1305 = arith.constant 4 : i32
    %ge3A_1306 = vector.broadcast %ge3A_1305 : i32 to vector<16xi32>
    %ge3A_1307 = arith.cmpi sge, %iota3A, %ge3A_1306 : vector<16xi32>
    %jit3A_1308 = arith.constant 0.000000e+00 : f32
    %broadcast_in_dim3A_1309 = vector.broadcast %jit3A_1308 : f32 to vector<16xf32>
    %select_n3A_1310 = arith.select %ge3A_1307, %gather3A_1304, %broadcast_in_dim3A_1309 : vector<16xi1>, vector<16xf32>
    %add3A_1311 = arith.addf %add3A_1295, %select_n3A_1310 : vector<16xf32>
    %swap3A_1312 = arith.constant 0 : index
    %swap3A_1313 = tpu.vector_load %arg12[%swap3A_1312] {strides = array<i32>} : memref<16xf32, #tpu.memory_space<vmem>>, vector<16xf32>,
    tpu.vector_store %arg12[%swap3A_1312], %add3A_1311 {strides = array<i32>} : memref<16xf32, #tpu.memory_space<vmem>>, vector<16xf32>,
    %sub3A_1314 = arith.constant 8 : i32
    %sub3A_1315 = vector.broadcast %sub3A_1314 : i32 to vector<16xi32>
    %sub3A_1316 = arith.subi %iota3A, %sub3A_1315 : vector<16xi32>
    %max3A_1317 = arith.constant 0 : i32
    %max3A_1318 = vector.broadcast %max3A_1317 : i32 to vector<16xi32>
    %max3A_1319 = arith.maxsi %sub3A_1316, %max3A_1318 : vector<16xi32>
    %gather3A_1320 = tpu.vector_load_idx %arg12[%max3A_1319] : memref<16xf32, #tpu.memory_space<vmem>>[vector<16xi32>], vector<16xf32>,
    %ge3A_1321 = arith.constant 8 : i32
    %ge3A_1322 = vector.broadcast %ge3A_1321 : i32 to vector<16xi32>
    %ge3A_1323 = arith.cmpi sge, %iota3A, %ge3A_1322 : vector<16xi32>
    %jit3A_1324 = arith.constant 0.000000e+00 : f32
    %broadcast_in_dim3A_1325 = vector.broadcast %jit3A_1324 : f32 to vector<16xf32>
    %select_n3A_1326 = arith.select %ge3A_1323, %gather3A_1320, %broadcast_in_dim3A_1325 : vector<16xi1>, vector<16xf32>
    %add3A_1327 = arith.addf %add3A_1311, %select_n3A_1326 : vector<16xf32>
    %swap3A_1328 = arith.constant 0 : index
    %swap3A_1329 = tpu.vector_load %arg12[%swap3A_1328] {strides = array<i32>} : memref<16xf32, #tpu.memory_space<vmem>>, vector<16xf32>,
    tpu.vector_store %arg12[%swap3A_1328], %add3A_1327 {strides = array<i32>} : memref<16xf32, #tpu.memory_space<vmem>>, vector<16xf32>,
    %gather3A_1330 = tpu.vector_load_idx %arg12[%add3A_8] : memref<16xf32, #tpu.memory_space<vmem>>[vector<16xi32>], vector<16xf32>,
    %add3A_1331 = arith.addf %add3A_1261, %add3A_1327 : vector<16xf32>
    %sub3A_1332 = arith.constant 1.000000e+00 : f32
    %sub3A_1333 = vector.broadcast %sub3A_1332 : f32 to vector<16xf32>
    %sub3A_1334 = arith.subf %add3A_1331, %sub3A_1333 : vector<16xf32>
    %convert_element_type3A_1335 = arith.fptosi %sub3A_1334 : vector<16xf32> to vector<16xi32>
    %gt3A_1336 = arith.constant 0.000000e+00 : f32
    %gt3A_1337 = vector.broadcast %gt3A_1336 : f32 to vector<16xf32>
    %gt3A_1338 = arith.cmpf ogt, %get3A_1263, %gt3A_1337 : vector<16xf32>
    %lt3A_1339 = arith.constant 2048 : i32
    %lt3A_1340 = vector.broadcast %lt3A_1339 : i32 to vector<16xi32>
    %lt3A_1341 = arith.cmpi slt, %convert_element_type3A_1335, %lt3A_1340 : vector<16xi32>
    %and3A_1342 = arith.andi %gt3A_1338, %lt3A_1341 : vector<16xi1>
    %add3A_1343 = arith.constant 2048 : i32
    %add3A_1344 = arith.addi %add3A_1343, %add3A : i32
    %broadcast_in_dim3A_1345 = vector.broadcast %add3A_1344 : i32 to vector<16xi32>
    %select_n3A_1346 = arith.select %and3A_1342, %convert_element_type3A_1335, %broadcast_in_dim3A_1345 : vector<16xi1>, vector<16xi32>
    %swap3A_1347 = arith.constant 1 : i32
    %swap3A_1348 = arith.index_cast %swap3A_1347 : i32 to index
    %swap3A_1349 = arith.constant 96 : index
    %swap3A_1350 = tpu.vector_load %arg9[%swap3A_1348, %swap3A_1349] {strides = array<i32>} : memref<5x128xi32, #tpu.memory_space<vmem>>, vector<16xi32>,
    tpu.vector_store %arg9[%swap3A_1348, %swap3A_1349], %select_n3A_1346 {strides = array<i32>} : memref<5x128xi32, #tpu.memory_space<vmem>>, vector<16xi32>,
    %add3A_1351 = arith.addf %add3A_1261, %gather3A_1330 : vector<16xf32>
    %get3A_1352 = arith.constant 240 : index
    %get3A_1353 = tpu.vector_load %arg7[%get3A_1352] {strides = array<i32>} : memref<640xf32, #tpu.memory_space<vmem>>, vector<16xf32>,
    %swap3A_1354 = arith.constant 0 : index
    %swap3A_1355 = tpu.vector_load %arg12[%swap3A_1354] {strides = array<i32>} : memref<16xf32, #tpu.memory_space<vmem>>, vector<16xf32>,
    tpu.vector_store %arg12[%swap3A_1354], %get3A_1353 {strides = array<i32>} : memref<16xf32, #tpu.memory_space<vmem>>, vector<16xf32>,
    %sub3A_1356 = arith.constant 1 : i32
    %sub3A_1357 = vector.broadcast %sub3A_1356 : i32 to vector<16xi32>
    %sub3A_1358 = arith.subi %iota3A, %sub3A_1357 : vector<16xi32>
    %max3A_1359 = arith.constant 0 : i32
    %max3A_1360 = vector.broadcast %max3A_1359 : i32 to vector<16xi32>
    %max3A_1361 = arith.maxsi %sub3A_1358, %max3A_1360 : vector<16xi32>
    %gather3A_1362 = tpu.vector_load_idx %arg12[%max3A_1361] : memref<16xf32, #tpu.memory_space<vmem>>[vector<16xi32>], vector<16xf32>,
    %ge3A_1363 = arith.constant 1 : i32
    %ge3A_1364 = vector.broadcast %ge3A_1363 : i32 to vector<16xi32>
    %ge3A_1365 = arith.cmpi sge, %iota3A, %ge3A_1364 : vector<16xi32>
    %jit3A_1366 = arith.constant 0.000000e+00 : f32
    %broadcast_in_dim3A_1367 = vector.broadcast %jit3A_1366 : f32 to vector<16xf32>
    %select_n3A_1368 = arith.select %ge3A_1365, %gather3A_1362, %broadcast_in_dim3A_1367 : vector<16xi1>, vector<16xf32>
    %add3A_1369 = arith.addf %get3A_1353, %select_n3A_1368 : vector<16xf32>
    %swap3A_1370 = arith.constant 0 : index
    %swap3A_1371 = tpu.vector_load %arg12[%swap3A_1370] {strides = array<i32>} : memref<16xf32, #tpu.memory_space<vmem>>, vector<16xf32>,
    tpu.vector_store %arg12[%swap3A_1370], %add3A_1369 {strides = array<i32>} : memref<16xf32, #tpu.memory_space<vmem>>, vector<16xf32>,
    %sub3A_1372 = arith.constant 2 : i32
    %sub3A_1373 = vector.broadcast %sub3A_1372 : i32 to vector<16xi32>
    %sub3A_1374 = arith.subi %iota3A, %sub3A_1373 : vector<16xi32>
    %max3A_1375 = arith.constant 0 : i32
    %max3A_1376 = vector.broadcast %max3A_1375 : i32 to vector<16xi32>
    %max3A_1377 = arith.maxsi %sub3A_1374, %max3A_1376 : vector<16xi32>
    %gather3A_1378 = tpu.vector_load_idx %arg12[%max3A_1377] : memref<16xf32, #tpu.memory_space<vmem>>[vector<16xi32>], vector<16xf32>,
    %ge3A_1379 = arith.constant 2 : i32
    %ge3A_1380 = vector.broadcast %ge3A_1379 : i32 to vector<16xi32>
    %ge3A_1381 = arith.cmpi sge, %iota3A, %ge3A_1380 : vector<16xi32>
    %jit3A_1382 = arith.constant 0.000000e+00 : f32
    %broadcast_in_dim3A_1383 = vector.broadcast %jit3A_1382 : f32 to vector<16xf32>
    %select_n3A_1384 = arith.select %ge3A_1381, %gather3A_1378, %broadcast_in_dim3A_1383 : vector<16xi1>, vector<16xf32>
    %add3A_1385 = arith.addf %add3A_1369, %select_n3A_1384 : vector<16xf32>
    %swap3A_1386 = arith.constant 0 : index
    %swap3A_1387 = tpu.vector_load %arg12[%swap3A_1386] {strides = array<i32>} : memref<16xf32, #tpu.memory_space<vmem>>, vector<16xf32>,
    tpu.vector_store %arg12[%swap3A_1386], %add3A_1385 {strides = array<i32>} : memref<16xf32, #tpu.memory_space<vmem>>, vector<16xf32>,
    %sub3A_1388 = arith.constant 4 : i32
    %sub3A_1389 = vector.broadcast %sub3A_1388 : i32 to vector<16xi32>
    %sub3A_1390 = arith.subi %iota3A, %sub3A_1389 : vector<16xi32>
    %max3A_1391 = arith.constant 0 : i32
    %max3A_1392 = vector.broadcast %max3A_1391 : i32 to vector<16xi32>
    %max3A_1393 = arith.maxsi %sub3A_1390, %max3A_1392 : vector<16xi32>
    %gather3A_1394 = tpu.vector_load_idx %arg12[%max3A_1393] : memref<16xf32, #tpu.memory_space<vmem>>[vector<16xi32>], vector<16xf32>,
    %ge3A_1395 = arith.constant 4 : i32
    %ge3A_1396 = vector.broadcast %ge3A_1395 : i32 to vector<16xi32>
    %ge3A_1397 = arith.cmpi sge, %iota3A, %ge3A_1396 : vector<16xi32>
    %jit3A_1398 = arith.constant 0.000000e+00 : f32
    %broadcast_in_dim3A_1399 = vector.broadcast %jit3A_1398 : f32 to vector<16xf32>
    %select_n3A_1400 = arith.select %ge3A_1397, %gather3A_1394, %broadcast_in_dim3A_1399 : vector<16xi1>, vector<16xf32>
    %add3A_1401 = arith.addf %add3A_1385, %select_n3A_1400 : vector<16xf32>
    %swap3A_1402 = arith.constant 0 : index
    %swap3A_1403 = tpu.vector_load %arg12[%swap3A_1402] {strides = array<i32>} : memref<16xf32, #tpu.memory_space<vmem>>, vector<16xf32>,
    tpu.vector_store %arg12[%swap3A_1402], %add3A_1401 {strides = array<i32>} : memref<16xf32, #tpu.memory_space<vmem>>, vector<16xf32>,
    %sub3A_1404 = arith.constant 8 : i32
    %sub3A_1405 = vector.broadcast %sub3A_1404 : i32 to vector<16xi32>
    %sub3A_1406 = arith.subi %iota3A, %sub3A_1405 : vector<16xi32>
    %max3A_1407 = arith.constant 0 : i32
    %max3A_1408 = vector.broadcast %max3A_1407 : i32 to vector<16xi32>
    %max3A_1409 = arith.maxsi %sub3A_1406, %max3A_1408 : vector<16xi32>
    %gather3A_1410 = tpu.vector_load_idx %arg12[%max3A_1409] : memref<16xf32, #tpu.memory_space<vmem>>[vector<16xi32>], vector<16xf32>,
    %ge3A_1411 = arith.constant 8 : i32
    %ge3A_1412 = vector.broadcast %ge3A_1411 : i32 to vector<16xi32>
    %ge3A_1413 = arith.cmpi sge, %iota3A, %ge3A_1412 : vector<16xi32>
    %jit3A_1414 = arith.constant 0.000000e+00 : f32
    %broadcast_in_dim3A_1415 = vector.broadcast %jit3A_1414 : f32 to vector<16xf32>
    %select_n3A_1416 = arith.select %ge3A_1413, %gather3A_1410, %broadcast_in_dim3A_1415 : vector<16xi1>, vector<16xf32>
    %add3A_1417 = arith.addf %add3A_1401, %select_n3A_1416 : vector<16xf32>
    %swap3A_1418 = arith.constant 0 : index
    %swap3A_1419 = tpu.vector_load %arg12[%swap3A_1418] {strides = array<i32>} : memref<16xf32, #tpu.memory_space<vmem>>, vector<16xf32>,
    tpu.vector_store %arg12[%swap3A_1418], %add3A_1417 {strides = array<i32>} : memref<16xf32, #tpu.memory_space<vmem>>, vector<16xf32>,
    %gather3A_1420 = tpu.vector_load_idx %arg12[%add3A_8] : memref<16xf32, #tpu.memory_space<vmem>>[vector<16xi32>], vector<16xf32>,
    %add3A_1421 = arith.addf %add3A_1351, %add3A_1417 : vector<16xf32>
    %sub3A_1422 = arith.constant 1.000000e+00 : f32
    %sub3A_1423 = vector.broadcast %sub3A_1422 : f32 to vector<16xf32>
    %sub3A_1424 = arith.subf %add3A_1421, %sub3A_1423 : vector<16xf32>
    %convert_element_type3A_1425 = arith.fptosi %sub3A_1424 : vector<16xf32> to vector<16xi32>
    %gt3A_1426 = arith.constant 0.000000e+00 : f32
    %gt3A_1427 = vector.broadcast %gt3A_1426 : f32 to vector<16xf32>
    %gt3A_1428 = arith.cmpf ogt, %get3A_1353, %gt3A_1427 : vector<16xf32>
    %lt3A_1429 = arith.constant 2048 : i32
    %lt3A_1430 = vector.broadcast %lt3A_1429 : i32 to vector<16xi32>
    %lt3A_1431 = arith.cmpi slt, %convert_element_type3A_1425, %lt3A_1430 : vector<16xi32>
    %and3A_1432 = arith.andi %gt3A_1428, %lt3A_1431 : vector<16xi1>
    %add3A_1433 = arith.constant 2048 : i32
    %add3A_1434 = arith.addi %add3A_1433, %add3A : i32
    %broadcast_in_dim3A_1435 = vector.broadcast %add3A_1434 : i32 to vector<16xi32>
    %select_n3A_1436 = arith.select %and3A_1432, %convert_element_type3A_1425, %broadcast_in_dim3A_1435 : vector<16xi1>, vector<16xi32>
    %swap3A_1437 = arith.constant 1 : i32
    %swap3A_1438 = arith.index_cast %swap3A_1437 : i32 to index
    %swap3A_1439 = arith.constant 112 : index
    %swap3A_1440 = tpu.vector_load %arg9[%swap3A_1438, %swap3A_1439] {strides = array<i32>} : memref<5x128xi32, #tpu.memory_space<vmem>>, vector<16xi32>,
    tpu.vector_store %arg9[%swap3A_1438, %swap3A_1439], %select_n3A_1436 {strides = array<i32>} : memref<5x128xi32, #tpu.memory_space<vmem>>, vector<16xi32>,
    %add3A_1441 = arith.addf %add3A_1351, %gather3A_1420 : vector<16xf32>
    %get3A_1442 = arith.constant 256 : index
    %get3A_1443 = tpu.vector_load %arg7[%get3A_1442] {strides = array<i32>} : memref<640xf32, #tpu.memory_space<vmem>>, vector<16xf32>,
    %swap3A_1444 = arith.constant 0 : index
    %swap3A_1445 = tpu.vector_load %arg12[%swap3A_1444] {strides = array<i32>} : memref<16xf32, #tpu.memory_space<vmem>>, vector<16xf32>,
    tpu.vector_store %arg12[%swap3A_1444], %get3A_1443 {strides = array<i32>} : memref<16xf32, #tpu.memory_space<vmem>>, vector<16xf32>,
    %sub3A_1446 = arith.constant 1 : i32
    %sub3A_1447 = vector.broadcast %sub3A_1446 : i32 to vector<16xi32>
    %sub3A_1448 = arith.subi %iota3A, %sub3A_1447 : vector<16xi32>
    %max3A_1449 = arith.constant 0 : i32
    %max3A_1450 = vector.broadcast %max3A_1449 : i32 to vector<16xi32>
    %max3A_1451 = arith.maxsi %sub3A_1448, %max3A_1450 : vector<16xi32>
    %gather3A_1452 = tpu.vector_load_idx %arg12[%max3A_1451] : memref<16xf32, #tpu.memory_space<vmem>>[vector<16xi32>], vector<16xf32>,
    %ge3A_1453 = arith.constant 1 : i32
    %ge3A_1454 = vector.broadcast %ge3A_1453 : i32 to vector<16xi32>
    %ge3A_1455 = arith.cmpi sge, %iota3A, %ge3A_1454 : vector<16xi32>
    %jit3A_1456 = arith.constant 0.000000e+00 : f32
    %broadcast_in_dim3A_1457 = vector.broadcast %jit3A_1456 : f32 to vector<16xf32>
    %select_n3A_1458 = arith.select %ge3A_1455, %gather3A_1452, %broadcast_in_dim3A_1457 : vector<16xi1>, vector<16xf32>
    %add3A_1459 = arith.addf %get3A_1443, %select_n3A_1458 : vector<16xf32>
    %swap3A_1460 = arith.constant 0 : index
    %swap3A_1461 = tpu.vector_load %arg12[%swap3A_1460] {strides = array<i32>} : memref<16xf32, #tpu.memory_space<vmem>>, vector<16xf32>,
    tpu.vector_store %arg12[%swap3A_1460], %add3A_1459 {strides = array<i32>} : memref<16xf32, #tpu.memory_space<vmem>>, vector<16xf32>,
    %sub3A_1462 = arith.constant 2 : i32
    %sub3A_1463 = vector.broadcast %sub3A_1462 : i32 to vector<16xi32>
    %sub3A_1464 = arith.subi %iota3A, %sub3A_1463 : vector<16xi32>
    %max3A_1465 = arith.constant 0 : i32
    %max3A_1466 = vector.broadcast %max3A_1465 : i32 to vector<16xi32>
    %max3A_1467 = arith.maxsi %sub3A_1464, %max3A_1466 : vector<16xi32>
    %gather3A_1468 = tpu.vector_load_idx %arg12[%max3A_1467] : memref<16xf32, #tpu.memory_space<vmem>>[vector<16xi32>], vector<16xf32>,
    %ge3A_1469 = arith.constant 2 : i32
    %ge3A_1470 = vector.broadcast %ge3A_1469 : i32 to vector<16xi32>
    %ge3A_1471 = arith.cmpi sge, %iota3A, %ge3A_1470 : vector<16xi32>
    %jit3A_1472 = arith.constant 0.000000e+00 : f32
    %broadcast_in_dim3A_1473 = vector.broadcast %jit3A_1472 : f32 to vector<16xf32>
    %select_n3A_1474 = arith.select %ge3A_1471, %gather3A_1468, %broadcast_in_dim3A_1473 : vector<16xi1>, vector<16xf32>
    %add3A_1475 = arith.addf %add3A_1459, %select_n3A_1474 : vector<16xf32>
    %swap3A_1476 = arith.constant 0 : index
    %swap3A_1477 = tpu.vector_load %arg12[%swap3A_1476] {strides = array<i32>} : memref<16xf32, #tpu.memory_space<vmem>>, vector<16xf32>,
    tpu.vector_store %arg12[%swap3A_1476], %add3A_1475 {strides = array<i32>} : memref<16xf32, #tpu.memory_space<vmem>>, vector<16xf32>,
    %sub3A_1478 = arith.constant 4 : i32
    %sub3A_1479 = vector.broadcast %sub3A_1478 : i32 to vector<16xi32>
    %sub3A_1480 = arith.subi %iota3A, %sub3A_1479 : vector<16xi32>
    %max3A_1481 = arith.constant 0 : i32
    %max3A_1482 = vector.broadcast %max3A_1481 : i32 to vector<16xi32>
    %max3A_1483 = arith.maxsi %sub3A_1480, %max3A_1482 : vector<16xi32>
    %gather3A_1484 = tpu.vector_load_idx %arg12[%max3A_1483] : memref<16xf32, #tpu.memory_space<vmem>>[vector<16xi32>], vector<16xf32>,
    %ge3A_1485 = arith.constant 4 : i32
    %ge3A_1486 = vector.broadcast %ge3A_1485 : i32 to vector<16xi32>
    %ge3A_1487 = arith.cmpi sge, %iota3A, %ge3A_1486 : vector<16xi32>
    %jit3A_1488 = arith.constant 0.000000e+00 : f32
    %broadcast_in_dim3A_1489 = vector.broadcast %jit3A_1488 : f32 to vector<16xf32>
    %select_n3A_1490 = arith.select %ge3A_1487, %gather3A_1484, %broadcast_in_dim3A_1489 : vector<16xi1>, vector<16xf32>
    %add3A_1491 = arith.addf %add3A_1475, %select_n3A_1490 : vector<16xf32>
    %swap3A_1492 = arith.constant 0 : index
    %swap3A_1493 = tpu.vector_load %arg12[%swap3A_1492] {strides = array<i32>} : memref<16xf32, #tpu.memory_space<vmem>>, vector<16xf32>,
    tpu.vector_store %arg12[%swap3A_1492], %add3A_1491 {strides = array<i32>} : memref<16xf32, #tpu.memory_space<vmem>>, vector<16xf32>,
    %sub3A_1494 = arith.constant 8 : i32
    %sub3A_1495 = vector.broadcast %sub3A_1494 : i32 to vector<16xi32>
    %sub3A_1496 = arith.subi %iota3A, %sub3A_1495 : vector<16xi32>
    %max3A_1497 = arith.constant 0 : i32
    %max3A_1498 = vector.broadcast %max3A_1497 : i32 to vector<16xi32>
    %max3A_1499 = arith.maxsi %sub3A_1496, %max3A_1498 : vector<16xi32>
    %gather3A_1500 = tpu.vector_load_idx %arg12[%max3A_1499] : memref<16xf32, #tpu.memory_space<vmem>>[vector<16xi32>], vector<16xf32>,
    %ge3A_1501 = arith.constant 8 : i32
    %ge3A_1502 = vector.broadcast %ge3A_1501 : i32 to vector<16xi32>
    %ge3A_1503 = arith.cmpi sge, %iota3A, %ge3A_1502 : vector<16xi32>
    %jit3A_1504 = arith.constant 0.000000e+00 : f32
    %broadcast_in_dim3A_1505 = vector.broadcast %jit3A_1504 : f32 to vector<16xf32>
    %select_n3A_1506 = arith.select %ge3A_1503, %gather3A_1500, %broadcast_in_dim3A_1505 : vector<16xi1>, vector<16xf32>
    %add3A_1507 = arith.addf %add3A_1491, %select_n3A_1506 : vector<16xf32>
    %swap3A_1508 = arith.constant 0 : index
    %swap3A_1509 = tpu.vector_load %arg12[%swap3A_1508] {strides = array<i32>} : memref<16xf32, #tpu.memory_space<vmem>>, vector<16xf32>,
    tpu.vector_store %arg12[%swap3A_1508], %add3A_1507 {strides = array<i32>} : memref<16xf32, #tpu.memory_space<vmem>>, vector<16xf32>,
    %gather3A_1510 = tpu.vector_load_idx %arg12[%add3A_8] : memref<16xf32, #tpu.memory_space<vmem>>[vector<16xi32>], vector<16xf32>,
    %add3A_1511 = arith.addf %add3A_1441, %add3A_1507 : vector<16xf32>
    %sub3A_1512 = arith.constant 1.000000e+00 : f32
    %sub3A_1513 = vector.broadcast %sub3A_1512 : f32 to vector<16xf32>
    %sub3A_1514 = arith.subf %add3A_1511, %sub3A_1513 : vector<16xf32>
    %convert_element_type3A_1515 = arith.fptosi %sub3A_1514 : vector<16xf32> to vector<16xi32>
    %gt3A_1516 = arith.constant 0.000000e+00 : f32
    %gt3A_1517 = vector.broadcast %gt3A_1516 : f32 to vector<16xf32>
    %gt3A_1518 = arith.cmpf ogt, %get3A_1443, %gt3A_1517 : vector<16xf32>
    %lt3A_1519 = arith.constant 2048 : i32
    %lt3A_1520 = vector.broadcast %lt3A_1519 : i32 to vector<16xi32>
    %lt3A_1521 = arith.cmpi slt, %convert_element_type3A_1515, %lt3A_1520 : vector<16xi32>
    %and3A_1522 = arith.andi %gt3A_1518, %lt3A_1521 : vector<16xi1>
    %add3A_1523 = arith.constant 2048 : i32
    %add3A_1524 = arith.addi %add3A_1523, %add3A : i32
    %broadcast_in_dim3A_1525 = vector.broadcast %add3A_1524 : i32 to vector<16xi32>
    %select_n3A_1526 = arith.select %and3A_1522, %convert_element_type3A_1515, %broadcast_in_dim3A_1525 : vector<16xi1>, vector<16xi32>
    %swap3A_1527 = arith.constant 2 : i32
    %swap3A_1528 = arith.index_cast %swap3A_1527 : i32 to index
    %swap3A_1529 = arith.constant 0 : index
    %swap3A_1530 = tpu.vector_load %arg9[%swap3A_1528, %swap3A_1529] {strides = array<i32>} : memref<5x128xi32, #tpu.memory_space<vmem>>, vector<16xi32>,
    tpu.vector_store %arg9[%swap3A_1528, %swap3A_1529], %select_n3A_1526 {strides = array<i32>} : memref<5x128xi32, #tpu.memory_space<vmem>>, vector<16xi32>,
    %add3A_1531 = arith.addf %add3A_1441, %gather3A_1510 : vector<16xf32>
    %get3A_1532 = arith.constant 272 : index
    %get3A_1533 = tpu.vector_load %arg7[%get3A_1532] {strides = array<i32>} : memref<640xf32, #tpu.memory_space<vmem>>, vector<16xf32>,
    %swap3A_1534 = arith.constant 0 : index
    %swap3A_1535 = tpu.vector_load %arg12[%swap3A_1534] {strides = array<i32>} : memref<16xf32, #tpu.memory_space<vmem>>, vector<16xf32>,
    tpu.vector_store %arg12[%swap3A_1534], %get3A_1533 {strides = array<i32>} : memref<16xf32, #tpu.memory_space<vmem>>, vector<16xf32>,
    %sub3A_1536 = arith.constant 1 : i32
    %sub3A_1537 = vector.broadcast %sub3A_1536 : i32 to vector<16xi32>
    %sub3A_1538 = arith.subi %iota3A, %sub3A_1537 : vector<16xi32>
    %max3A_1539 = arith.constant 0 : i32
    %max3A_1540 = vector.broadcast %max3A_1539 : i32 to vector<16xi32>
    %max3A_1541 = arith.maxsi %sub3A_1538, %max3A_1540 : vector<16xi32>
    %gather3A_1542 = tpu.vector_load_idx %arg12[%max3A_1541] : memref<16xf32, #tpu.memory_space<vmem>>[vector<16xi32>], vector<16xf32>,
    %ge3A_1543 = arith.constant 1 : i32
    %ge3A_1544 = vector.broadcast %ge3A_1543 : i32 to vector<16xi32>
    %ge3A_1545 = arith.cmpi sge, %iota3A, %ge3A_1544 : vector<16xi32>
    %jit3A_1546 = arith.constant 0.000000e+00 : f32
    %broadcast_in_dim3A_1547 = vector.broadcast %jit3A_1546 : f32 to vector<16xf32>
    %select_n3A_1548 = arith.select %ge3A_1545, %gather3A_1542, %broadcast_in_dim3A_1547 : vector<16xi1>, vector<16xf32>
    %add3A_1549 = arith.addf %get3A_1533, %select_n3A_1548 : vector<16xf32>
    %swap3A_1550 = arith.constant 0 : index
    %swap3A_1551 = tpu.vector_load %arg12[%swap3A_1550] {strides = array<i32>} : memref<16xf32, #tpu.memory_space<vmem>>, vector<16xf32>,
    tpu.vector_store %arg12[%swap3A_1550], %add3A_1549 {strides = array<i32>} : memref<16xf32, #tpu.memory_space<vmem>>, vector<16xf32>,
    %sub3A_1552 = arith.constant 2 : i32
    %sub3A_1553 = vector.broadcast %sub3A_1552 : i32 to vector<16xi32>
    %sub3A_1554 = arith.subi %iota3A, %sub3A_1553 : vector<16xi32>
    %max3A_1555 = arith.constant 0 : i32
    %max3A_1556 = vector.broadcast %max3A_1555 : i32 to vector<16xi32>
    %max3A_1557 = arith.maxsi %sub3A_1554, %max3A_1556 : vector<16xi32>
    %gather3A_1558 = tpu.vector_load_idx %arg12[%max3A_1557] : memref<16xf32, #tpu.memory_space<vmem>>[vector<16xi32>], vector<16xf32>,
    %ge3A_1559 = arith.constant 2 : i32
    %ge3A_1560 = vector.broadcast %ge3A_1559 : i32 to vector<16xi32>
    %ge3A_1561 = arith.cmpi sge, %iota3A, %ge3A_1560 : vector<16xi32>
    %jit3A_1562 = arith.constant 0.000000e+00 : f32
    %broadcast_in_dim3A_1563 = vector.broadcast %jit3A_1562 : f32 to vector<16xf32>
    %select_n3A_1564 = arith.select %ge3A_1561, %gather3A_1558, %broadcast_in_dim3A_1563 : vector<16xi1>, vector<16xf32>
    %add3A_1565 = arith.addf %add3A_1549, %select_n3A_1564 : vector<16xf32>
    %swap3A_1566 = arith.constant 0 : index
    %swap3A_1567 = tpu.vector_load %arg12[%swap3A_1566] {strides = array<i32>} : memref<16xf32, #tpu.memory_space<vmem>>, vector<16xf32>,
    tpu.vector_store %arg12[%swap3A_1566], %add3A_1565 {strides = array<i32>} : memref<16xf32, #tpu.memory_space<vmem>>, vector<16xf32>,
    %sub3A_1568 = arith.constant 4 : i32
    %sub3A_1569 = vector.broadcast %sub3A_1568 : i32 to vector<16xi32>
    %sub3A_1570 = arith.subi %iota3A, %sub3A_1569 : vector<16xi32>
    %max3A_1571 = arith.constant 0 : i32
    %max3A_1572 = vector.broadcast %max3A_1571 : i32 to vector<16xi32>
    %max3A_1573 = arith.maxsi %sub3A_1570, %max3A_1572 : vector<16xi32>
    %gather3A_1574 = tpu.vector_load_idx %arg12[%max3A_1573] : memref<16xf32, #tpu.memory_space<vmem>>[vector<16xi32>], vector<16xf32>,
    %ge3A_1575 = arith.constant 4 : i32
    %ge3A_1576 = vector.broadcast %ge3A_1575 : i32 to vector<16xi32>
    %ge3A_1577 = arith.cmpi sge, %iota3A, %ge3A_1576 : vector<16xi32>
    %jit3A_1578 = arith.constant 0.000000e+00 : f32
    %broadcast_in_dim3A_1579 = vector.broadcast %jit3A_1578 : f32 to vector<16xf32>
    %select_n3A_1580 = arith.select %ge3A_1577, %gather3A_1574, %broadcast_in_dim3A_1579 : vector<16xi1>, vector<16xf32>
    %add3A_1581 = arith.addf %add3A_1565, %select_n3A_1580 : vector<16xf32>
    %swap3A_1582 = arith.constant 0 : index
    %swap3A_1583 = tpu.vector_load %arg12[%swap3A_1582] {strides = array<i32>} : memref<16xf32, #tpu.memory_space<vmem>>, vector<16xf32>,
    tpu.vector_store %arg12[%swap3A_1582], %add3A_1581 {strides = array<i32>} : memref<16xf32, #tpu.memory_space<vmem>>, vector<16xf32>,
    %sub3A_1584 = arith.constant 8 : i32
    %sub3A_1585 = vector.broadcast %sub3A_1584 : i32 to vector<16xi32>
    %sub3A_1586 = arith.subi %iota3A, %sub3A_1585 : vector<16xi32>
    %max3A_1587 = arith.constant 0 : i32
    %max3A_1588 = vector.broadcast %max3A_1587 : i32 to vector<16xi32>
    %max3A_1589 = arith.maxsi %sub3A_1586, %max3A_1588 : vector<16xi32>
    %gather3A_1590 = tpu.vector_load_idx %arg12[%max3A_1589] : memref<16xf32, #tpu.memory_space<vmem>>[vector<16xi32>], vector<16xf32>,
    %ge3A_1591 = arith.constant 8 : i32
    %ge3A_1592 = vector.broadcast %ge3A_1591 : i32 to vector<16xi32>
    %ge3A_1593 = arith.cmpi sge, %iota3A, %ge3A_1592 : vector<16xi32>
    %jit3A_1594 = arith.constant 0.000000e+00 : f32
    %broadcast_in_dim3A_1595 = vector.broadcast %jit3A_1594 : f32 to vector<16xf32>
    %select_n3A_1596 = arith.select %ge3A_1593, %gather3A_1590, %broadcast_in_dim3A_1595 : vector<16xi1>, vector<16xf32>
    %add3A_1597 = arith.addf %add3A_1581, %select_n3A_1596 : vector<16xf32>
    %swap3A_1598 = arith.constant 0 : index
    %swap3A_1599 = tpu.vector_load %arg12[%swap3A_1598] {strides = array<i32>} : memref<16xf32, #tpu.memory_space<vmem>>, vector<16xf32>,
    tpu.vector_store %arg12[%swap3A_1598], %add3A_1597 {strides = array<i32>} : memref<16xf32, #tpu.memory_space<vmem>>, vector<16xf32>,
    %gather3A_1600 = tpu.vector_load_idx %arg12[%add3A_8] : memref<16xf32, #tpu.memory_space<vmem>>[vector<16xi32>], vector<16xf32>,
    %add3A_1601 = arith.addf %add3A_1531, %add3A_1597 : vector<16xf32>
    %sub3A_1602 = arith.constant 1.000000e+00 : f32
    %sub3A_1603 = vector.broadcast %sub3A_1602 : f32 to vector<16xf32>
    %sub3A_1604 = arith.subf %add3A_1601, %sub3A_1603 : vector<16xf32>
    %convert_element_type3A_1605 = arith.fptosi %sub3A_1604 : vector<16xf32> to vector<16xi32>
    %gt3A_1606 = arith.constant 0.000000e+00 : f32
    %gt3A_1607 = vector.broadcast %gt3A_1606 : f32 to vector<16xf32>
    %gt3A_1608 = arith.cmpf ogt, %get3A_1533, %gt3A_1607 : vector<16xf32>
    %lt3A_1609 = arith.constant 2048 : i32
    %lt3A_1610 = vector.broadcast %lt3A_1609 : i32 to vector<16xi32>
    %lt3A_1611 = arith.cmpi slt, %convert_element_type3A_1605, %lt3A_1610 : vector<16xi32>
    %and3A_1612 = arith.andi %gt3A_1608, %lt3A_1611 : vector<16xi1>
    %add3A_1613 = arith.constant 2048 : i32
    %add3A_1614 = arith.addi %add3A_1613, %add3A : i32
    %broadcast_in_dim3A_1615 = vector.broadcast %add3A_1614 : i32 to vector<16xi32>
    %select_n3A_1616 = arith.select %and3A_1612, %convert_element_type3A_1605, %broadcast_in_dim3A_1615 : vector<16xi1>, vector<16xi32>
    %swap3A_1617 = arith.constant 2 : i32
    %swap3A_1618 = arith.index_cast %swap3A_1617 : i32 to index
    %swap3A_1619 = arith.constant 16 : index
    %swap3A_1620 = tpu.vector_load %arg9[%swap3A_1618, %swap3A_1619] {strides = array<i32>} : memref<5x128xi32, #tpu.memory_space<vmem>>, vector<16xi32>,
    tpu.vector_store %arg9[%swap3A_1618, %swap3A_1619], %select_n3A_1616 {strides = array<i32>} : memref<5x128xi32, #tpu.memory_space<vmem>>, vector<16xi32>,
    %add3A_1621 = arith.addf %add3A_1531, %gather3A_1600 : vector<16xf32>
    %get3A_1622 = arith.constant 288 : index
    %get3A_1623 = tpu.vector_load %arg7[%get3A_1622] {strides = array<i32>} : memref<640xf32, #tpu.memory_space<vmem>>, vector<16xf32>,
    %swap3A_1624 = arith.constant 0 : index
    %swap3A_1625 = tpu.vector_load %arg12[%swap3A_1624] {strides = array<i32>} : memref<16xf32, #tpu.memory_space<vmem>>, vector<16xf32>,
    tpu.vector_store %arg12[%swap3A_1624], %get3A_1623 {strides = array<i32>} : memref<16xf32, #tpu.memory_space<vmem>>, vector<16xf32>,
    %sub3A_1626 = arith.constant 1 : i32
    %sub3A_1627 = vector.broadcast %sub3A_1626 : i32 to vector<16xi32>
    %sub3A_1628 = arith.subi %iota3A, %sub3A_1627 : vector<16xi32>
    %max3A_1629 = arith.constant 0 : i32
    %max3A_1630 = vector.broadcast %max3A_1629 : i32 to vector<16xi32>
    %max3A_1631 = arith.maxsi %sub3A_1628, %max3A_1630 : vector<16xi32>
    %gather3A_1632 = tpu.vector_load_idx %arg12[%max3A_1631] : memref<16xf32, #tpu.memory_space<vmem>>[vector<16xi32>], vector<16xf32>,
    %ge3A_1633 = arith.constant 1 : i32
    %ge3A_1634 = vector.broadcast %ge3A_1633 : i32 to vector<16xi32>
    %ge3A_1635 = arith.cmpi sge, %iota3A, %ge3A_1634 : vector<16xi32>
    %jit3A_1636 = arith.constant 0.000000e+00 : f32
    %broadcast_in_dim3A_1637 = vector.broadcast %jit3A_1636 : f32 to vector<16xf32>
    %select_n3A_1638 = arith.select %ge3A_1635, %gather3A_1632, %broadcast_in_dim3A_1637 : vector<16xi1>, vector<16xf32>
    %add3A_1639 = arith.addf %get3A_1623, %select_n3A_1638 : vector<16xf32>
    %swap3A_1640 = arith.constant 0 : index
    %swap3A_1641 = tpu.vector_load %arg12[%swap3A_1640] {strides = array<i32>} : memref<16xf32, #tpu.memory_space<vmem>>, vector<16xf32>,
    tpu.vector_store %arg12[%swap3A_1640], %add3A_1639 {strides = array<i32>} : memref<16xf32, #tpu.memory_space<vmem>>, vector<16xf32>,
    %sub3A_1642 = arith.constant 2 : i32
    %sub3A_1643 = vector.broadcast %sub3A_1642 : i32 to vector<16xi32>
    %sub3A_1644 = arith.subi %iota3A, %sub3A_1643 : vector<16xi32>
    %max3A_1645 = arith.constant 0 : i32
    %max3A_1646 = vector.broadcast %max3A_1645 : i32 to vector<16xi32>
    %max3A_1647 = arith.maxsi %sub3A_1644, %max3A_1646 : vector<16xi32>
    %gather3A_1648 = tpu.vector_load_idx %arg12[%max3A_1647] : memref<16xf32, #tpu.memory_space<vmem>>[vector<16xi32>], vector<16xf32>,
    %ge3A_1649 = arith.constant 2 : i32
    %ge3A_1650 = vector.broadcast %ge3A_1649 : i32 to vector<16xi32>
    %ge3A_1651 = arith.cmpi sge, %iota3A, %ge3A_1650 : vector<16xi32>
    %jit3A_1652 = arith.constant 0.000000e+00 : f32
    %broadcast_in_dim3A_1653 = vector.broadcast %jit3A_1652 : f32 to vector<16xf32>
    %select_n3A_1654 = arith.select %ge3A_1651, %gather3A_1648, %broadcast_in_dim3A_1653 : vector<16xi1>, vector<16xf32>
    %add3A_1655 = arith.addf %add3A_1639, %select_n3A_1654 : vector<16xf32>
    %swap3A_1656 = arith.constant 0 : index
    %swap3A_1657 = tpu.vector_load %arg12[%swap3A_1656] {strides = array<i32>} : memref<16xf32, #tpu.memory_space<vmem>>, vector<16xf32>,
    tpu.vector_store %arg12[%swap3A_1656], %add3A_1655 {strides = array<i32>} : memref<16xf32, #tpu.memory_space<vmem>>, vector<16xf32>,
    %sub3A_1658 = arith.constant 4 : i32
    %sub3A_1659 = vector.broadcast %sub3A_1658 : i32 to vector<16xi32>
    %sub3A_1660 = arith.subi %iota3A, %sub3A_1659 : vector<16xi32>
    %max3A_1661 = arith.constant 0 : i32
    %max3A_1662 = vector.broadcast %max3A_1661 : i32 to vector<16xi32>
    %max3A_1663 = arith.maxsi %sub3A_1660, %max3A_1662 : vector<16xi32>
    %gather3A_1664 = tpu.vector_load_idx %arg12[%max3A_1663] : memref<16xf32, #tpu.memory_space<vmem>>[vector<16xi32>], vector<16xf32>,
    %ge3A_1665 = arith.constant 4 : i32
    %ge3A_1666 = vector.broadcast %ge3A_1665 : i32 to vector<16xi32>
    %ge3A_1667 = arith.cmpi sge, %iota3A, %ge3A_1666 : vector<16xi32>
    %jit3A_1668 = arith.constant 0.000000e+00 : f32
    %broadcast_in_dim3A_1669 = vector.broadcast %jit3A_1668 : f32 to vector<16xf32>
    %select_n3A_1670 = arith.select %ge3A_1667, %gather3A_1664, %broadcast_in_dim3A_1669 : vector<16xi1>, vector<16xf32>
    %add3A_1671 = arith.addf %add3A_1655, %select_n3A_1670 : vector<16xf32>
    %swap3A_1672 = arith.constant 0 : index
    %swap3A_1673 = tpu.vector_load %arg12[%swap3A_1672] {strides = array<i32>} : memref<16xf32, #tpu.memory_space<vmem>>, vector<16xf32>,
    tpu.vector_store %arg12[%swap3A_1672], %add3A_1671 {strides = array<i32>} : memref<16xf32, #tpu.memory_space<vmem>>, vector<16xf32>,
    %sub3A_1674 = arith.constant 8 : i32
    %sub3A_1675 = vector.broadcast %sub3A_1674 : i32 to vector<16xi32>
    %sub3A_1676 = arith.subi %iota3A, %sub3A_1675 : vector<16xi32>
    %max3A_1677 = arith.constant 0 : i32
    %max3A_1678 = vector.broadcast %max3A_1677 : i32 to vector<16xi32>
    %max3A_1679 = arith.maxsi %sub3A_1676, %max3A_1678 : vector<16xi32>
    %gather3A_1680 = tpu.vector_load_idx %arg12[%max3A_1679] : memref<16xf32, #tpu.memory_space<vmem>>[vector<16xi32>], vector<16xf32>,
    %ge3A_1681 = arith.constant 8 : i32
    %ge3A_1682 = vector.broadcast %ge3A_1681 : i32 to vector<16xi32>
    %ge3A_1683 = arith.cmpi sge, %iota3A, %ge3A_1682 : vector<16xi32>
    %jit3A_1684 = arith.constant 0.000000e+00 : f32
    %broadcast_in_dim3A_1685 = vector.broadcast %jit3A_1684 : f32 to vector<16xf32>
    %select_n3A_1686 = arith.select %ge3A_1683, %gather3A_1680, %broadcast_in_dim3A_1685 : vector<16xi1>, vector<16xf32>
    %add3A_1687 = arith.addf %add3A_1671, %select_n3A_1686 : vector<16xf32>
    %swap3A_1688 = arith.constant 0 : index
    %swap3A_1689 = tpu.vector_load %arg12[%swap3A_1688] {strides = array<i32>} : memref<16xf32, #tpu.memory_space<vmem>>, vector<16xf32>,
    tpu.vector_store %arg12[%swap3A_1688], %add3A_1687 {strides = array<i32>} : memref<16xf32, #tpu.memory_space<vmem>>, vector<16xf32>,
    %gather3A_1690 = tpu.vector_load_idx %arg12[%add3A_8] : memref<16xf32, #tpu.memory_space<vmem>>[vector<16xi32>], vector<16xf32>,
    %add3A_1691 = arith.addf %add3A_1621, %add3A_1687 : vector<16xf32>
    %sub3A_1692 = arith.constant 1.000000e+00 : f32
    %sub3A_1693 = vector.broadcast %sub3A_1692 : f32 to vector<16xf32>
    %sub3A_1694 = arith.subf %add3A_1691, %sub3A_1693 : vector<16xf32>
    %convert_element_type3A_1695 = arith.fptosi %sub3A_1694 : vector<16xf32> to vector<16xi32>
    %gt3A_1696 = arith.constant 0.000000e+00 : f32
    %gt3A_1697 = vector.broadcast %gt3A_1696 : f32 to vector<16xf32>
    %gt3A_1698 = arith.cmpf ogt, %get3A_1623, %gt3A_1697 : vector<16xf32>
    %lt3A_1699 = arith.constant 2048 : i32
    %lt3A_1700 = vector.broadcast %lt3A_1699 : i32 to vector<16xi32>
    %lt3A_1701 = arith.cmpi slt, %convert_element_type3A_1695, %lt3A_1700 : vector<16xi32>
    %and3A_1702 = arith.andi %gt3A_1698, %lt3A_1701 : vector<16xi1>
    %add3A_1703 = arith.constant 2048 : i32
    %add3A_1704 = arith.addi %add3A_1703, %add3A : i32
    %broadcast_in_dim3A_1705 = vector.broadcast %add3A_1704 : i32 to vector<16xi32>
    %select_n3A_1706 = arith.select %and3A_1702, %convert_element_type3A_1695, %broadcast_in_dim3A_1705 : vector<16xi1>, vector<16xi32>
    %swap3A_1707 = arith.constant 2 : i32
    %swap3A_1708 = arith.index_cast %swap3A_1707 : i32 to index
    %swap3A_1709 = arith.constant 32 : index
    %swap3A_1710 = tpu.vector_load %arg9[%swap3A_1708, %swap3A_1709] {strides = array<i32>} : memref<5x128xi32, #tpu.memory_space<vmem>>, vector<16xi32>,
    tpu.vector_store %arg9[%swap3A_1708, %swap3A_1709], %select_n3A_1706 {strides = array<i32>} : memref<5x128xi32, #tpu.memory_space<vmem>>, vector<16xi32>,
    %add3A_1711 = arith.addf %add3A_1621, %gather3A_1690 : vector<16xf32>
    %get3A_1712 = arith.constant 304 : index
    %get3A_1713 = tpu.vector_load %arg7[%get3A_1712] {strides = array<i32>} : memref<640xf32, #tpu.memory_space<vmem>>, vector<16xf32>,
    %swap3A_1714 = arith.constant 0 : index
    %swap3A_1715 = tpu.vector_load %arg12[%swap3A_1714] {strides = array<i32>} : memref<16xf32, #tpu.memory_space<vmem>>, vector<16xf32>,
    tpu.vector_store %arg12[%swap3A_1714], %get3A_1713 {strides = array<i32>} : memref<16xf32, #tpu.memory_space<vmem>>, vector<16xf32>,
    %sub3A_1716 = arith.constant 1 : i32
    %sub3A_1717 = vector.broadcast %sub3A_1716 : i32 to vector<16xi32>
    %sub3A_1718 = arith.subi %iota3A, %sub3A_1717 : vector<16xi32>
    %max3A_1719 = arith.constant 0 : i32
    %max3A_1720 = vector.broadcast %max3A_1719 : i32 to vector<16xi32>
    %max3A_1721 = arith.maxsi %sub3A_1718, %max3A_1720 : vector<16xi32>
    %gather3A_1722 = tpu.vector_load_idx %arg12[%max3A_1721] : memref<16xf32, #tpu.memory_space<vmem>>[vector<16xi32>], vector<16xf32>,
    %ge3A_1723 = arith.constant 1 : i32
    %ge3A_1724 = vector.broadcast %ge3A_1723 : i32 to vector<16xi32>
    %ge3A_1725 = arith.cmpi sge, %iota3A, %ge3A_1724 : vector<16xi32>
    %jit3A_1726 = arith.constant 0.000000e+00 : f32
    %broadcast_in_dim3A_1727 = vector.broadcast %jit3A_1726 : f32 to vector<16xf32>
    %select_n3A_1728 = arith.select %ge3A_1725, %gather3A_1722, %broadcast_in_dim3A_1727 : vector<16xi1>, vector<16xf32>
    %add3A_1729 = arith.addf %get3A_1713, %select_n3A_1728 : vector<16xf32>
    %swap3A_1730 = arith.constant 0 : index
    %swap3A_1731 = tpu.vector_load %arg12[%swap3A_1730] {strides = array<i32>} : memref<16xf32, #tpu.memory_space<vmem>>, vector<16xf32>,
    tpu.vector_store %arg12[%swap3A_1730], %add3A_1729 {strides = array<i32>} : memref<16xf32, #tpu.memory_space<vmem>>, vector<16xf32>,
    %sub3A_1732 = arith.constant 2 : i32
    %sub3A_1733 = vector.broadcast %sub3A_1732 : i32 to vector<16xi32>
    %sub3A_1734 = arith.subi %iota3A, %sub3A_1733 : vector<16xi32>
    %max3A_1735 = arith.constant 0 : i32
    %max3A_1736 = vector.broadcast %max3A_1735 : i32 to vector<16xi32>
    %max3A_1737 = arith.maxsi %sub3A_1734, %max3A_1736 : vector<16xi32>
    %gather3A_1738 = tpu.vector_load_idx %arg12[%max3A_1737] : memref<16xf32, #tpu.memory_space<vmem>>[vector<16xi32>], vector<16xf32>,
    %ge3A_1739 = arith.constant 2 : i32
    %ge3A_1740 = vector.broadcast %ge3A_1739 : i32 to vector<16xi32>
    %ge3A_1741 = arith.cmpi sge, %iota3A, %ge3A_1740 : vector<16xi32>
    %jit3A_1742 = arith.constant 0.000000e+00 : f32
    %broadcast_in_dim3A_1743 = vector.broadcast %jit3A_1742 : f32 to vector<16xf32>
    %select_n3A_1744 = arith.select %ge3A_1741, %gather3A_1738, %broadcast_in_dim3A_1743 : vector<16xi1>, vector<16xf32>
    %add3A_1745 = arith.addf %add3A_1729, %select_n3A_1744 : vector<16xf32>
    %swap3A_1746 = arith.constant 0 : index
    %swap3A_1747 = tpu.vector_load %arg12[%swap3A_1746] {strides = array<i32>} : memref<16xf32, #tpu.memory_space<vmem>>, vector<16xf32>,
    tpu.vector_store %arg12[%swap3A_1746], %add3A_1745 {strides = array<i32>} : memref<16xf32, #tpu.memory_space<vmem>>, vector<16xf32>,
    %sub3A_1748 = arith.constant 4 : i32
    %sub3A_1749 = vector.broadcast %sub3A_1748 : i32 to vector<16xi32>
    %sub3A_1750 = arith.subi %iota3A, %sub3A_1749 : vector<16xi32>
    %max3A_1751 = arith.constant 0 : i32
    %max3A_1752 = vector.broadcast %max3A_1751 : i32 to vector<16xi32>
    %max3A_1753 = arith.maxsi %sub3A_1750, %max3A_1752 : vector<16xi32>
    %gather3A_1754 = tpu.vector_load_idx %arg12[%max3A_1753] : memref<16xf32, #tpu.memory_space<vmem>>[vector<16xi32>], vector<16xf32>,
    %ge3A_1755 = arith.constant 4 : i32
    %ge3A_1756 = vector.broadcast %ge3A_1755 : i32 to vector<16xi32>
    %ge3A_1757 = arith.cmpi sge, %iota3A, %ge3A_1756 : vector<16xi32>
    %jit3A_1758 = arith.constant 0.000000e+00 : f32
    %broadcast_in_dim3A_1759 = vector.broadcast %jit3A_1758 : f32 to vector<16xf32>
    %select_n3A_1760 = arith.select %ge3A_1757, %gather3A_1754, %broadcast_in_dim3A_1759 : vector<16xi1>, vector<16xf32>
    %add3A_1761 = arith.addf %add3A_1745, %select_n3A_1760 : vector<16xf32>
    %swap3A_1762 = arith.constant 0 : index
    %swap3A_1763 = tpu.vector_load %arg12[%swap3A_1762] {strides = array<i32>} : memref<16xf32, #tpu.memory_space<vmem>>, vector<16xf32>,
    tpu.vector_store %arg12[%swap3A_1762], %add3A_1761 {strides = array<i32>} : memref<16xf32, #tpu.memory_space<vmem>>, vector<16xf32>,
    %sub3A_1764 = arith.constant 8 : i32
    %sub3A_1765 = vector.broadcast %sub3A_1764 : i32 to vector<16xi32>
    %sub3A_1766 = arith.subi %iota3A, %sub3A_1765 : vector<16xi32>
    %max3A_1767 = arith.constant 0 : i32
    %max3A_1768 = vector.broadcast %max3A_1767 : i32 to vector<16xi32>
    %max3A_1769 = arith.maxsi %sub3A_1766, %max3A_1768 : vector<16xi32>
    %gather3A_1770 = tpu.vector_load_idx %arg12[%max3A_1769] : memref<16xf32, #tpu.memory_space<vmem>>[vector<16xi32>], vector<16xf32>,
    %ge3A_1771 = arith.constant 8 : i32
    %ge3A_1772 = vector.broadcast %ge3A_1771 : i32 to vector<16xi32>
    %ge3A_1773 = arith.cmpi sge, %iota3A, %ge3A_1772 : vector<16xi32>
    %jit3A_1774 = arith.constant 0.000000e+00 : f32
    %broadcast_in_dim3A_1775 = vector.broadcast %jit3A_1774 : f32 to vector<16xf32>
    %select_n3A_1776 = arith.select %ge3A_1773, %gather3A_1770, %broadcast_in_dim3A_1775 : vector<16xi1>, vector<16xf32>
    %add3A_1777 = arith.addf %add3A_1761, %select_n3A_1776 : vector<16xf32>
    %swap3A_1778 = arith.constant 0 : index
    %swap3A_1779 = tpu.vector_load %arg12[%swap3A_1778] {strides = array<i32>} : memref<16xf32, #tpu.memory_space<vmem>>, vector<16xf32>,
    tpu.vector_store %arg12[%swap3A_1778], %add3A_1777 {strides = array<i32>} : memref<16xf32, #tpu.memory_space<vmem>>, vector<16xf32>,
    %gather3A_1780 = tpu.vector_load_idx %arg12[%add3A_8] : memref<16xf32, #tpu.memory_space<vmem>>[vector<16xi32>], vector<16xf32>,
    %add3A_1781 = arith.addf %add3A_1711, %add3A_1777 : vector<16xf32>
    %sub3A_1782 = arith.constant 1.000000e+00 : f32
    %sub3A_1783 = vector.broadcast %sub3A_1782 : f32 to vector<16xf32>
    %sub3A_1784 = arith.subf %add3A_1781, %sub3A_1783 : vector<16xf32>
    %convert_element_type3A_1785 = arith.fptosi %sub3A_1784 : vector<16xf32> to vector<16xi32>
    %gt3A_1786 = arith.constant 0.000000e+00 : f32
    %gt3A_1787 = vector.broadcast %gt3A_1786 : f32 to vector<16xf32>
    %gt3A_1788 = arith.cmpf ogt, %get3A_1713, %gt3A_1787 : vector<16xf32>
    %lt3A_1789 = arith.constant 2048 : i32
    %lt3A_1790 = vector.broadcast %lt3A_1789 : i32 to vector<16xi32>
    %lt3A_1791 = arith.cmpi slt, %convert_element_type3A_1785, %lt3A_1790 : vector<16xi32>
    %and3A_1792 = arith.andi %gt3A_1788, %lt3A_1791 : vector<16xi1>
    %add3A_1793 = arith.constant 2048 : i32
    %add3A_1794 = arith.addi %add3A_1793, %add3A : i32
    %broadcast_in_dim3A_1795 = vector.broadcast %add3A_1794 : i32 to vector<16xi32>
    %select_n3A_1796 = arith.select %and3A_1792, %convert_element_type3A_1785, %broadcast_in_dim3A_1795 : vector<16xi1>, vector<16xi32>
    %swap3A_1797 = arith.constant 2 : i32
    %swap3A_1798 = arith.index_cast %swap3A_1797 : i32 to index
    %swap3A_1799 = arith.constant 48 : index
    %swap3A_1800 = tpu.vector_load %arg9[%swap3A_1798, %swap3A_1799] {strides = array<i32>} : memref<5x128xi32, #tpu.memory_space<vmem>>, vector<16xi32>,
    tpu.vector_store %arg9[%swap3A_1798, %swap3A_1799], %select_n3A_1796 {strides = array<i32>} : memref<5x128xi32, #tpu.memory_space<vmem>>, vector<16xi32>,
    %add3A_1801 = arith.addf %add3A_1711, %gather3A_1780 : vector<16xf32>
    %get3A_1802 = arith.constant 320 : index
    %get3A_1803 = tpu.vector_load %arg7[%get3A_1802] {strides = array<i32>} : memref<640xf32, #tpu.memory_space<vmem>>, vector<16xf32>,
    %swap3A_1804 = arith.constant 0 : index
    %swap3A_1805 = tpu.vector_load %arg12[%swap3A_1804] {strides = array<i32>} : memref<16xf32, #tpu.memory_space<vmem>>, vector<16xf32>,
    tpu.vector_store %arg12[%swap3A_1804], %get3A_1803 {strides = array<i32>} : memref<16xf32, #tpu.memory_space<vmem>>, vector<16xf32>,
    %sub3A_1806 = arith.constant 1 : i32
    %sub3A_1807 = vector.broadcast %sub3A_1806 : i32 to vector<16xi32>
    %sub3A_1808 = arith.subi %iota3A, %sub3A_1807 : vector<16xi32>
    %max3A_1809 = arith.constant 0 : i32
    %max3A_1810 = vector.broadcast %max3A_1809 : i32 to vector<16xi32>
    %max3A_1811 = arith.maxsi %sub3A_1808, %max3A_1810 : vector<16xi32>
    %gather3A_1812 = tpu.vector_load_idx %arg12[%max3A_1811] : memref<16xf32, #tpu.memory_space<vmem>>[vector<16xi32>], vector<16xf32>,
    %ge3A_1813 = arith.constant 1 : i32
    %ge3A_1814 = vector.broadcast %ge3A_1813 : i32 to vector<16xi32>
    %ge3A_1815 = arith.cmpi sge, %iota3A, %ge3A_1814 : vector<16xi32>
    %jit3A_1816 = arith.constant 0.000000e+00 : f32
    %broadcast_in_dim3A_1817 = vector.broadcast %jit3A_1816 : f32 to vector<16xf32>
    %select_n3A_1818 = arith.select %ge3A_1815, %gather3A_1812, %broadcast_in_dim3A_1817 : vector<16xi1>, vector<16xf32>
    %add3A_1819 = arith.addf %get3A_1803, %select_n3A_1818 : vector<16xf32>
    %swap3A_1820 = arith.constant 0 : index
    %swap3A_1821 = tpu.vector_load %arg12[%swap3A_1820] {strides = array<i32>} : memref<16xf32, #tpu.memory_space<vmem>>, vector<16xf32>,
    tpu.vector_store %arg12[%swap3A_1820], %add3A_1819 {strides = array<i32>} : memref<16xf32, #tpu.memory_space<vmem>>, vector<16xf32>,
    %sub3A_1822 = arith.constant 2 : i32
    %sub3A_1823 = vector.broadcast %sub3A_1822 : i32 to vector<16xi32>
    %sub3A_1824 = arith.subi %iota3A, %sub3A_1823 : vector<16xi32>
    %max3A_1825 = arith.constant 0 : i32
    %max3A_1826 = vector.broadcast %max3A_1825 : i32 to vector<16xi32>
    %max3A_1827 = arith.maxsi %sub3A_1824, %max3A_1826 : vector<16xi32>
    %gather3A_1828 = tpu.vector_load_idx %arg12[%max3A_1827] : memref<16xf32, #tpu.memory_space<vmem>>[vector<16xi32>], vector<16xf32>,
    %ge3A_1829 = arith.constant 2 : i32
    %ge3A_1830 = vector.broadcast %ge3A_1829 : i32 to vector<16xi32>
    %ge3A_1831 = arith.cmpi sge, %iota3A, %ge3A_1830 : vector<16xi32>
    %jit3A_1832 = arith.constant 0.000000e+00 : f32
    %broadcast_in_dim3A_1833 = vector.broadcast %jit3A_1832 : f32 to vector<16xf32>
    %select_n3A_1834 = arith.select %ge3A_1831, %gather3A_1828, %broadcast_in_dim3A_1833 : vector<16xi1>, vector<16xf32>
    %add3A_1835 = arith.addf %add3A_1819, %select_n3A_1834 : vector<16xf32>
    %swap3A_1836 = arith.constant 0 : index
    %swap3A_1837 = tpu.vector_load %arg12[%swap3A_1836] {strides = array<i32>} : memref<16xf32, #tpu.memory_space<vmem>>, vector<16xf32>,
    tpu.vector_store %arg12[%swap3A_1836], %add3A_1835 {strides = array<i32>} : memref<16xf32, #tpu.memory_space<vmem>>, vector<16xf32>,
    %sub3A_1838 = arith.constant 4 : i32
    %sub3A_1839 = vector.broadcast %sub3A_1838 : i32 to vector<16xi32>
    %sub3A_1840 = arith.subi %iota3A, %sub3A_1839 : vector<16xi32>
    %max3A_1841 = arith.constant 0 : i32
    %max3A_1842 = vector.broadcast %max3A_1841 : i32 to vector<16xi32>
    %max3A_1843 = arith.maxsi %sub3A_1840, %max3A_1842 : vector<16xi32>
    %gather3A_1844 = tpu.vector_load_idx %arg12[%max3A_1843] : memref<16xf32, #tpu.memory_space<vmem>>[vector<16xi32>], vector<16xf32>,
    %ge3A_1845 = arith.constant 4 : i32
    %ge3A_1846 = vector.broadcast %ge3A_1845 : i32 to vector<16xi32>
    %ge3A_1847 = arith.cmpi sge, %iota3A, %ge3A_1846 : vector<16xi32>
    %jit3A_1848 = arith.constant 0.000000e+00 : f32
    %broadcast_in_dim3A_1849 = vector.broadcast %jit3A_1848 : f32 to vector<16xf32>
    %select_n3A_1850 = arith.select %ge3A_1847, %gather3A_1844, %broadcast_in_dim3A_1849 : vector<16xi1>, vector<16xf32>
    %add3A_1851 = arith.addf %add3A_1835, %select_n3A_1850 : vector<16xf32>
    %swap3A_1852 = arith.constant 0 : index
    %swap3A_1853 = tpu.vector_load %arg12[%swap3A_1852] {strides = array<i32>} : memref<16xf32, #tpu.memory_space<vmem>>, vector<16xf32>,
    tpu.vector_store %arg12[%swap3A_1852], %add3A_1851 {strides = array<i32>} : memref<16xf32, #tpu.memory_space<vmem>>, vector<16xf32>,
    %sub3A_1854 = arith.constant 8 : i32
    %sub3A_1855 = vector.broadcast %sub3A_1854 : i32 to vector<16xi32>
    %sub3A_1856 = arith.subi %iota3A, %sub3A_1855 : vector<16xi32>
    %max3A_1857 = arith.constant 0 : i32
    %max3A_1858 = vector.broadcast %max3A_1857 : i32 to vector<16xi32>
    %max3A_1859 = arith.maxsi %sub3A_1856, %max3A_1858 : vector<16xi32>
    %gather3A_1860 = tpu.vector_load_idx %arg12[%max3A_1859] : memref<16xf32, #tpu.memory_space<vmem>>[vector<16xi32>], vector<16xf32>,
    %ge3A_1861 = arith.constant 8 : i32
    %ge3A_1862 = vector.broadcast %ge3A_1861 : i32 to vector<16xi32>
    %ge3A_1863 = arith.cmpi sge, %iota3A, %ge3A_1862 : vector<16xi32>
    %jit3A_1864 = arith.constant 0.000000e+00 : f32
    %broadcast_in_dim3A_1865 = vector.broadcast %jit3A_1864 : f32 to vector<16xf32>
    %select_n3A_1866 = arith.select %ge3A_1863, %gather3A_1860, %broadcast_in_dim3A_1865 : vector<16xi1>, vector<16xf32>
    %add3A_1867 = arith.addf %add3A_1851, %select_n3A_1866 : vector<16xf32>
    %swap3A_1868 = arith.constant 0 : index
    %swap3A_1869 = tpu.vector_load %arg12[%swap3A_1868] {strides = array<i32>} : memref<16xf32, #tpu.memory_space<vmem>>, vector<16xf32>,
    tpu.vector_store %arg12[%swap3A_1868], %add3A_1867 {strides = array<i32>} : memref<16xf32, #tpu.memory_space<vmem>>, vector<16xf32>,
    %gather3A_1870 = tpu.vector_load_idx %arg12[%add3A_8] : memref<16xf32, #tpu.memory_space<vmem>>[vector<16xi32>], vector<16xf32>,
    %add3A_1871 = arith.addf %add3A_1801, %add3A_1867 : vector<16xf32>
    %sub3A_1872 = arith.constant 1.000000e+00 : f32
    %sub3A_1873 = vector.broadcast %sub3A_1872 : f32 to vector<16xf32>
    %sub3A_1874 = arith.subf %add3A_1871, %sub3A_1873 : vector<16xf32>
    %convert_element_type3A_1875 = arith.fptosi %sub3A_1874 : vector<16xf32> to vector<16xi32>
    %gt3A_1876 = arith.constant 0.000000e+00 : f32
    %gt3A_1877 = vector.broadcast %gt3A_1876 : f32 to vector<16xf32>
    %gt3A_1878 = arith.cmpf ogt, %get3A_1803, %gt3A_1877 : vector<16xf32>
    %lt3A_1879 = arith.constant 2048 : i32
    %lt3A_1880 = vector.broadcast %lt3A_1879 : i32 to vector<16xi32>
    %lt3A_1881 = arith.cmpi slt, %convert_element_type3A_1875, %lt3A_1880 : vector<16xi32>
    %and3A_1882 = arith.andi %gt3A_1878, %lt3A_1881 : vector<16xi1>
    %add3A_1883 = arith.constant 2048 : i32
    %add3A_1884 = arith.addi %add3A_1883, %add3A : i32
    %broadcast_in_dim3A_1885 = vector.broadcast %add3A_1884 : i32 to vector<16xi32>
    %select_n3A_1886 = arith.select %and3A_1882, %convert_element_type3A_1875, %broadcast_in_dim3A_1885 : vector<16xi1>, vector<16xi32>
    %swap3A_1887 = arith.constant 2 : i32
    %swap3A_1888 = arith.index_cast %swap3A_1887 : i32 to index
    %swap3A_1889 = arith.constant 64 : index
    %swap3A_1890 = tpu.vector_load %arg9[%swap3A_1888, %swap3A_1889] {strides = array<i32>} : memref<5x128xi32, #tpu.memory_space<vmem>>, vector<16xi32>,
    tpu.vector_store %arg9[%swap3A_1888, %swap3A_1889], %select_n3A_1886 {strides = array<i32>} : memref<5x128xi32, #tpu.memory_space<vmem>>, vector<16xi32>,
    %add3A_1891 = arith.addf %add3A_1801, %gather3A_1870 : vector<16xf32>
    %get3A_1892 = arith.constant 336 : index
    %get3A_1893 = tpu.vector_load %arg7[%get3A_1892] {strides = array<i32>} : memref<640xf32, #tpu.memory_space<vmem>>, vector<16xf32>,
    %swap3A_1894 = arith.constant 0 : index
    %swap3A_1895 = tpu.vector_load %arg12[%swap3A_1894] {strides = array<i32>} : memref<16xf32, #tpu.memory_space<vmem>>, vector<16xf32>,
    tpu.vector_store %arg12[%swap3A_1894], %get3A_1893 {strides = array<i32>} : memref<16xf32, #tpu.memory_space<vmem>>, vector<16xf32>,
    %sub3A_1896 = arith.constant 1 : i32
    %sub3A_1897 = vector.broadcast %sub3A_1896 : i32 to vector<16xi32>
    %sub3A_1898 = arith.subi %iota3A, %sub3A_1897 : vector<16xi32>
    %max3A_1899 = arith.constant 0 : i32
    %max3A_1900 = vector.broadcast %max3A_1899 : i32 to vector<16xi32>
    %max3A_1901 = arith.maxsi %sub3A_1898, %max3A_1900 : vector<16xi32>
    %gather3A_1902 = tpu.vector_load_idx %arg12[%max3A_1901] : memref<16xf32, #tpu.memory_space<vmem>>[vector<16xi32>], vector<16xf32>,
    %ge3A_1903 = arith.constant 1 : i32
    %ge3A_1904 = vector.broadcast %ge3A_1903 : i32 to vector<16xi32>
    %ge3A_1905 = arith.cmpi sge, %iota3A, %ge3A_1904 : vector<16xi32>
    %jit3A_1906 = arith.constant 0.000000e+00 : f32
    %broadcast_in_dim3A_1907 = vector.broadcast %jit3A_1906 : f32 to vector<16xf32>
    %select_n3A_1908 = arith.select %ge3A_1905, %gather3A_1902, %broadcast_in_dim3A_1907 : vector<16xi1>, vector<16xf32>
    %add3A_1909 = arith.addf %get3A_1893, %select_n3A_1908 : vector<16xf32>
    %swap3A_1910 = arith.constant 0 : index
    %swap3A_1911 = tpu.vector_load %arg12[%swap3A_1910] {strides = array<i32>} : memref<16xf32, #tpu.memory_space<vmem>>, vector<16xf32>,
    tpu.vector_store %arg12[%swap3A_1910], %add3A_1909 {strides = array<i32>} : memref<16xf32, #tpu.memory_space<vmem>>, vector<16xf32>,
    %sub3A_1912 = arith.constant 2 : i32
    %sub3A_1913 = vector.broadcast %sub3A_1912 : i32 to vector<16xi32>
    %sub3A_1914 = arith.subi %iota3A, %sub3A_1913 : vector<16xi32>
    %max3A_1915 = arith.constant 0 : i32
    %max3A_1916 = vector.broadcast %max3A_1915 : i32 to vector<16xi32>
    %max3A_1917 = arith.maxsi %sub3A_1914, %max3A_1916 : vector<16xi32>
    %gather3A_1918 = tpu.vector_load_idx %arg12[%max3A_1917] : memref<16xf32, #tpu.memory_space<vmem>>[vector<16xi32>], vector<16xf32>,
    %ge3A_1919 = arith.constant 2 : i32
    %ge3A_1920 = vector.broadcast %ge3A_1919 : i32 to vector<16xi32>
    %ge3A_1921 = arith.cmpi sge, %iota3A, %ge3A_1920 : vector<16xi32>
    %jit3A_1922 = arith.constant 0.000000e+00 : f32
    %broadcast_in_dim3A_1923 = vector.broadcast %jit3A_1922 : f32 to vector<16xf32>
    %select_n3A_1924 = arith.select %ge3A_1921, %gather3A_1918, %broadcast_in_dim3A_1923 : vector<16xi1>, vector<16xf32>
    %add3A_1925 = arith.addf %add3A_1909, %select_n3A_1924 : vector<16xf32>
    %swap3A_1926 = arith.constant 0 : index
    %swap3A_1927 = tpu.vector_load %arg12[%swap3A_1926] {strides = array<i32>} : memref<16xf32, #tpu.memory_space<vmem>>, vector<16xf32>,
    tpu.vector_store %arg12[%swap3A_1926], %add3A_1925 {strides = array<i32>} : memref<16xf32, #tpu.memory_space<vmem>>, vector<16xf32>,
    %sub3A_1928 = arith.constant 4 : i32
    %sub3A_1929 = vector.broadcast %sub3A_1928 : i32 to vector<16xi32>
    %sub3A_1930 = arith.subi %iota3A, %sub3A_1929 : vector<16xi32>
    %max3A_1931 = arith.constant 0 : i32
    %max3A_1932 = vector.broadcast %max3A_1931 : i32 to vector<16xi32>
    %max3A_1933 = arith.maxsi %sub3A_1930, %max3A_1932 : vector<16xi32>
    %gather3A_1934 = tpu.vector_load_idx %arg12[%max3A_1933] : memref<16xf32, #tpu.memory_space<vmem>>[vector<16xi32>], vector<16xf32>,
    %ge3A_1935 = arith.constant 4 : i32
    %ge3A_1936 = vector.broadcast %ge3A_1935 : i32 to vector<16xi32>
    %ge3A_1937 = arith.cmpi sge, %iota3A, %ge3A_1936 : vector<16xi32>
    %jit3A_1938 = arith.constant 0.000000e+00 : f32
    %broadcast_in_dim3A_1939 = vector.broadcast %jit3A_1938 : f32 to vector<16xf32>
    %select_n3A_1940 = arith.select %ge3A_1937, %gather3A_1934, %broadcast_in_dim3A_1939 : vector<16xi1>, vector<16xf32>
    %add3A_1941 = arith.addf %add3A_1925, %select_n3A_1940 : vector<16xf32>
    %swap3A_1942 = arith.constant 0 : index
    %swap3A_1943 = tpu.vector_load %arg12[%swap3A_1942] {strides = array<i32>} : memref<16xf32, #tpu.memory_space<vmem>>, vector<16xf32>,
    tpu.vector_store %arg12[%swap3A_1942], %add3A_1941 {strides = array<i32>} : memref<16xf32, #tpu.memory_space<vmem>>, vector<16xf32>,
    %sub3A_1944 = arith.constant 8 : i32
    %sub3A_1945 = vector.broadcast %sub3A_1944 : i32 to vector<16xi32>
    %sub3A_1946 = arith.subi %iota3A, %sub3A_1945 : vector<16xi32>
    %max3A_1947 = arith.constant 0 : i32
    %max3A_1948 = vector.broadcast %max3A_1947 : i32 to vector<16xi32>
    %max3A_1949 = arith.maxsi %sub3A_1946, %max3A_1948 : vector<16xi32>
    %gather3A_1950 = tpu.vector_load_idx %arg12[%max3A_1949] : memref<16xf32, #tpu.memory_space<vmem>>[vector<16xi32>], vector<16xf32>,
    %ge3A_1951 = arith.constant 8 : i32
    %ge3A_1952 = vector.broadcast %ge3A_1951 : i32 to vector<16xi32>
    %ge3A_1953 = arith.cmpi sge, %iota3A, %ge3A_1952 : vector<16xi32>
    %jit3A_1954 = arith.constant 0.000000e+00 : f32
    %broadcast_in_dim3A_1955 = vector.broadcast %jit3A_1954 : f32 to vector<16xf32>
    %select_n3A_1956 = arith.select %ge3A_1953, %gather3A_1950, %broadcast_in_dim3A_1955 : vector<16xi1>, vector<16xf32>
    %add3A_1957 = arith.addf %add3A_1941, %select_n3A_1956 : vector<16xf32>
    %swap3A_1958 = arith.constant 0 : index
    %swap3A_1959 = tpu.vector_load %arg12[%swap3A_1958] {strides = array<i32>} : memref<16xf32, #tpu.memory_space<vmem>>, vector<16xf32>,
    tpu.vector_store %arg12[%swap3A_1958], %add3A_1957 {strides = array<i32>} : memref<16xf32, #tpu.memory_space<vmem>>, vector<16xf32>,
    %gather3A_1960 = tpu.vector_load_idx %arg12[%add3A_8] : memref<16xf32, #tpu.memory_space<vmem>>[vector<16xi32>], vector<16xf32>,
    %add3A_1961 = arith.addf %add3A_1891, %add3A_1957 : vector<16xf32>
    %sub3A_1962 = arith.constant 1.000000e+00 : f32
    %sub3A_1963 = vector.broadcast %sub3A_1962 : f32 to vector<16xf32>
    %sub3A_1964 = arith.subf %add3A_1961, %sub3A_1963 : vector<16xf32>
    %convert_element_type3A_1965 = arith.fptosi %sub3A_1964 : vector<16xf32> to vector<16xi32>
    %gt3A_1966 = arith.constant 0.000000e+00 : f32
    %gt3A_1967 = vector.broadcast %gt3A_1966 : f32 to vector<16xf32>
    %gt3A_1968 = arith.cmpf ogt, %get3A_1893, %gt3A_1967 : vector<16xf32>
    %lt3A_1969 = arith.constant 2048 : i32
    %lt3A_1970 = vector.broadcast %lt3A_1969 : i32 to vector<16xi32>
    %lt3A_1971 = arith.cmpi slt, %convert_element_type3A_1965, %lt3A_1970 : vector<16xi32>
    %and3A_1972 = arith.andi %gt3A_1968, %lt3A_1971 : vector<16xi1>
    %add3A_1973 = arith.constant 2048 : i32
    %add3A_1974 = arith.addi %add3A_1973, %add3A : i32
    %broadcast_in_dim3A_1975 = vector.broadcast %add3A_1974 : i32 to vector<16xi32>
    %select_n3A_1976 = arith.select %and3A_1972, %convert_element_type3A_1965, %broadcast_in_dim3A_1975 : vector<16xi1>, vector<16xi32>
    %swap3A_1977 = arith.constant 2 : i32
    %swap3A_1978 = arith.index_cast %swap3A_1977 : i32 to index
    %swap3A_1979 = arith.constant 80 : index
    %swap3A_1980 = tpu.vector_load %arg9[%swap3A_1978, %swap3A_1979] {strides = array<i32>} : memref<5x128xi32, #tpu.memory_space<vmem>>, vector<16xi32>,
    tpu.vector_store %arg9[%swap3A_1978, %swap3A_1979], %select_n3A_1976 {strides = array<i32>} : memref<5x128xi32, #tpu.memory_space<vmem>>, vector<16xi32>,
    %add3A_1981 = arith.addf %add3A_1891, %gather3A_1960 : vector<16xf32>
    %get3A_1982 = arith.constant 352 : index
    %get3A_1983 = tpu.vector_load %arg7[%get3A_1982] {strides = array<i32>} : memref<640xf32, #tpu.memory_space<vmem>>, vector<16xf32>,
    %swap3A_1984 = arith.constant 0 : index
    %swap3A_1985 = tpu.vector_load %arg12[%swap3A_1984] {strides = array<i32>} : memref<16xf32, #tpu.memory_space<vmem>>, vector<16xf32>,
    tpu.vector_store %arg12[%swap3A_1984], %get3A_1983 {strides = array<i32>} : memref<16xf32, #tpu.memory_space<vmem>>, vector<16xf32>,
    %sub3A_1986 = arith.constant 1 : i32
    %sub3A_1987 = vector.broadcast %sub3A_1986 : i32 to vector<16xi32>
    %sub3A_1988 = arith.subi %iota3A, %sub3A_1987 : vector<16xi32>
    %max3A_1989 = arith.constant 0 : i32
    %max3A_1990 = vector.broadcast %max3A_1989 : i32 to vector<16xi32>
    %max3A_1991 = arith.maxsi %sub3A_1988, %max3A_1990 : vector<16xi32>
    %gather3A_1992 = tpu.vector_load_idx %arg12[%max3A_1991] : memref<16xf32, #tpu.memory_space<vmem>>[vector<16xi32>], vector<16xf32>,
    %ge3A_1993 = arith.constant 1 : i32
    %ge3A_1994 = vector.broadcast %ge3A_1993 : i32 to vector<16xi32>
    %ge3A_1995 = arith.cmpi sge, %iota3A, %ge3A_1994 : vector<16xi32>
    %jit3A_1996 = arith.constant 0.000000e+00 : f32
    %broadcast_in_dim3A_1997 = vector.broadcast %jit3A_1996 : f32 to vector<16xf32>
    %select_n3A_1998 = arith.select %ge3A_1995, %gather3A_1992, %broadcast_in_dim3A_1997 : vector<16xi1>, vector<16xf32>
    %add3A_1999 = arith.addf %get3A_1983, %select_n3A_1998 : vector<16xf32>
    %swap3A_2000 = arith.constant 0 : index
    %swap3A_2001 = tpu.vector_load %arg12[%swap3A_2000] {strides = array<i32>} : memref<16xf32, #tpu.memory_space<vmem>>, vector<16xf32>,
    tpu.vector_store %arg12[%swap3A_2000], %add3A_1999 {strides = array<i32>} : memref<16xf32, #tpu.memory_space<vmem>>, vector<16xf32>,
    %sub3A_2002 = arith.constant 2 : i32
    %sub3A_2003 = vector.broadcast %sub3A_2002 : i32 to vector<16xi32>
    %sub3A_2004 = arith.subi %iota3A, %sub3A_2003 : vector<16xi32>
    %max3A_2005 = arith.constant 0 : i32
    %max3A_2006 = vector.broadcast %max3A_2005 : i32 to vector<16xi32>
    %max3A_2007 = arith.maxsi %sub3A_2004, %max3A_2006 : vector<16xi32>
    %gather3A_2008 = tpu.vector_load_idx %arg12[%max3A_2007] : memref<16xf32, #tpu.memory_space<vmem>>[vector<16xi32>], vector<16xf32>,
    %ge3A_2009 = arith.constant 2 : i32
    %ge3A_2010 = vector.broadcast %ge3A_2009 : i32 to vector<16xi32>
    %ge3A_2011 = arith.cmpi sge, %iota3A, %ge3A_2010 : vector<16xi32>
    %jit3A_2012 = arith.constant 0.000000e+00 : f32
    %broadcast_in_dim3A_2013 = vector.broadcast %jit3A_2012 : f32 to vector<16xf32>
    %select_n3A_2014 = arith.select %ge3A_2011, %gather3A_2008, %broadcast_in_dim3A_2013 : vector<16xi1>, vector<16xf32>
    %add3A_2015 = arith.addf %add3A_1999, %select_n3A_2014 : vector<16xf32>
    %swap3A_2016 = arith.constant 0 : index
    %swap3A_2017 = tpu.vector_load %arg12[%swap3A_2016] {strides = array<i32>} : memref<16xf32, #tpu.memory_space<vmem>>, vector<16xf32>,
    tpu.vector_store %arg12[%swap3A_2016], %add3A_2015 {strides = array<i32>} : memref<16xf32, #tpu.memory_space<vmem>>, vector<16xf32>,
    %sub3A_2018 = arith.constant 4 : i32
    %sub3A_2019 = vector.broadcast %sub3A_2018 : i32 to vector<16xi32>
    %sub3A_2020 = arith.subi %iota3A, %sub3A_2019 : vector<16xi32>
    %max3A_2021 = arith.constant 0 : i32
    %max3A_2022 = vector.broadcast %max3A_2021 : i32 to vector<16xi32>
    %max3A_2023 = arith.maxsi %sub3A_2020, %max3A_2022 : vector<16xi32>
    %gather3A_2024 = tpu.vector_load_idx %arg12[%max3A_2023] : memref<16xf32, #tpu.memory_space<vmem>>[vector<16xi32>], vector<16xf32>,
    %ge3A_2025 = arith.constant 4 : i32
    %ge3A_2026 = vector.broadcast %ge3A_2025 : i32 to vector<16xi32>
    %ge3A_2027 = arith.cmpi sge, %iota3A, %ge3A_2026 : vector<16xi32>
    %jit3A_2028 = arith.constant 0.000000e+00 : f32
    %broadcast_in_dim3A_2029 = vector.broadcast %jit3A_2028 : f32 to vector<16xf32>
    %select_n3A_2030 = arith.select %ge3A_2027, %gather3A_2024, %broadcast_in_dim3A_2029 : vector<16xi1>, vector<16xf32>
    %add3A_2031 = arith.addf %add3A_2015, %select_n3A_2030 : vector<16xf32>
    %swap3A_2032 = arith.constant 0 : index
    %swap3A_2033 = tpu.vector_load %arg12[%swap3A_2032] {strides = array<i32>} : memref<16xf32, #tpu.memory_space<vmem>>, vector<16xf32>,
    tpu.vector_store %arg12[%swap3A_2032], %add3A_2031 {strides = array<i32>} : memref<16xf32, #tpu.memory_space<vmem>>, vector<16xf32>,
    %sub3A_2034 = arith.constant 8 : i32
    %sub3A_2035 = vector.broadcast %sub3A_2034 : i32 to vector<16xi32>
    %sub3A_2036 = arith.subi %iota3A, %sub3A_2035 : vector<16xi32>
    %max3A_2037 = arith.constant 0 : i32
    %max3A_2038 = vector.broadcast %max3A_2037 : i32 to vector<16xi32>
    %max3A_2039 = arith.maxsi %sub3A_2036, %max3A_2038 : vector<16xi32>
    %gather3A_2040 = tpu.vector_load_idx %arg12[%max3A_2039] : memref<16xf32, #tpu.memory_space<vmem>>[vector<16xi32>], vector<16xf32>,
    %ge3A_2041 = arith.constant 8 : i32
    %ge3A_2042 = vector.broadcast %ge3A_2041 : i32 to vector<16xi32>
    %ge3A_2043 = arith.cmpi sge, %iota3A, %ge3A_2042 : vector<16xi32>
    %jit3A_2044 = arith.constant 0.000000e+00 : f32
    %broadcast_in_dim3A_2045 = vector.broadcast %jit3A_2044 : f32 to vector<16xf32>
    %select_n3A_2046 = arith.select %ge3A_2043, %gather3A_2040, %broadcast_in_dim3A_2045 : vector<16xi1>, vector<16xf32>
    %add3A_2047 = arith.addf %add3A_2031, %select_n3A_2046 : vector<16xf32>
    %swap3A_2048 = arith.constant 0 : index
    %swap3A_2049 = tpu.vector_load %arg12[%swap3A_2048] {strides = array<i32>} : memref<16xf32, #tpu.memory_space<vmem>>, vector<16xf32>,
    tpu.vector_store %arg12[%swap3A_2048], %add3A_2047 {strides = array<i32>} : memref<16xf32, #tpu.memory_space<vmem>>, vector<16xf32>,
    %gather3A_2050 = tpu.vector_load_idx %arg12[%add3A_8] : memref<16xf32, #tpu.memory_space<vmem>>[vector<16xi32>], vector<16xf32>,
    %add3A_2051 = arith.addf %add3A_1981, %add3A_2047 : vector<16xf32>
    %sub3A_2052 = arith.constant 1.000000e+00 : f32
    %sub3A_2053 = vector.broadcast %sub3A_2052 : f32 to vector<16xf32>
    %sub3A_2054 = arith.subf %add3A_2051, %sub3A_2053 : vector<16xf32>
    %convert_element_type3A_2055 = arith.fptosi %sub3A_2054 : vector<16xf32> to vector<16xi32>
    %gt3A_2056 = arith.constant 0.000000e+00 : f32
    %gt3A_2057 = vector.broadcast %gt3A_2056 : f32 to vector<16xf32>
    %gt3A_2058 = arith.cmpf ogt, %get3A_1983, %gt3A_2057 : vector<16xf32>
    %lt3A_2059 = arith.constant 2048 : i32
    %lt3A_2060 = vector.broadcast %lt3A_2059 : i32 to vector<16xi32>
    %lt3A_2061 = arith.cmpi slt, %convert_element_type3A_2055, %lt3A_2060 : vector<16xi32>
    %and3A_2062 = arith.andi %gt3A_2058, %lt3A_2061 : vector<16xi1>
    %add3A_2063 = arith.constant 2048 : i32
    %add3A_2064 = arith.addi %add3A_2063, %add3A : i32
    %broadcast_in_dim3A_2065 = vector.broadcast %add3A_2064 : i32 to vector<16xi32>
    %select_n3A_2066 = arith.select %and3A_2062, %convert_element_type3A_2055, %broadcast_in_dim3A_2065 : vector<16xi1>, vector<16xi32>
    %swap3A_2067 = arith.constant 2 : i32
    %swap3A_2068 = arith.index_cast %swap3A_2067 : i32 to index
    %swap3A_2069 = arith.constant 96 : index
    %swap3A_2070 = tpu.vector_load %arg9[%swap3A_2068, %swap3A_2069] {strides = array<i32>} : memref<5x128xi32, #tpu.memory_space<vmem>>, vector<16xi32>,
    tpu.vector_store %arg9[%swap3A_2068, %swap3A_2069], %select_n3A_2066 {strides = array<i32>} : memref<5x128xi32, #tpu.memory_space<vmem>>, vector<16xi32>,
    %add3A_2071 = arith.addf %add3A_1981, %gather3A_2050 : vector<16xf32>
    %get3A_2072 = arith.constant 368 : index
    %get3A_2073 = tpu.vector_load %arg7[%get3A_2072] {strides = array<i32>} : memref<640xf32, #tpu.memory_space<vmem>>, vector<16xf32>,
    %swap3A_2074 = arith.constant 0 : index
    %swap3A_2075 = tpu.vector_load %arg12[%swap3A_2074] {strides = array<i32>} : memref<16xf32, #tpu.memory_space<vmem>>, vector<16xf32>,
    tpu.vector_store %arg12[%swap3A_2074], %get3A_2073 {strides = array<i32>} : memref<16xf32, #tpu.memory_space<vmem>>, vector<16xf32>,
    %sub3A_2076 = arith.constant 1 : i32
    %sub3A_2077 = vector.broadcast %sub3A_2076 : i32 to vector<16xi32>
    %sub3A_2078 = arith.subi %iota3A, %sub3A_2077 : vector<16xi32>
    %max3A_2079 = arith.constant 0 : i32
    %max3A_2080 = vector.broadcast %max3A_2079 : i32 to vector<16xi32>
    %max3A_2081 = arith.maxsi %sub3A_2078, %max3A_2080 : vector<16xi32>
    %gather3A_2082 = tpu.vector_load_idx %arg12[%max3A_2081] : memref<16xf32, #tpu.memory_space<vmem>>[vector<16xi32>], vector<16xf32>,
    %ge3A_2083 = arith.constant 1 : i32
    %ge3A_2084 = vector.broadcast %ge3A_2083 : i32 to vector<16xi32>
    %ge3A_2085 = arith.cmpi sge, %iota3A, %ge3A_2084 : vector<16xi32>
    %jit3A_2086 = arith.constant 0.000000e+00 : f32
    %broadcast_in_dim3A_2087 = vector.broadcast %jit3A_2086 : f32 to vector<16xf32>
    %select_n3A_2088 = arith.select %ge3A_2085, %gather3A_2082, %broadcast_in_dim3A_2087 : vector<16xi1>, vector<16xf32>
    %add3A_2089 = arith.addf %get3A_2073, %select_n3A_2088 : vector<16xf32>
    %swap3A_2090 = arith.constant 0 : index
    %swap3A_2091 = tpu.vector_load %arg12[%swap3A_2090] {strides = array<i32>} : memref<16xf32, #tpu.memory_space<vmem>>, vector<16xf32>,
    tpu.vector_store %arg12[%swap3A_2090], %add3A_2089 {strides = array<i32>} : memref<16xf32, #tpu.memory_space<vmem>>, vector<16xf32>,
    %sub3A_2092 = arith.constant 2 : i32
    %sub3A_2093 = vector.broadcast %sub3A_2092 : i32 to vector<16xi32>
    %sub3A_2094 = arith.subi %iota3A, %sub3A_2093 : vector<16xi32>
    %max3A_2095 = arith.constant 0 : i32
    %max3A_2096 = vector.broadcast %max3A_2095 : i32 to vector<16xi32>
    %max3A_2097 = arith.maxsi %sub3A_2094, %max3A_2096 : vector<16xi32>
    %gather3A_2098 = tpu.vector_load_idx %arg12[%max3A_2097] : memref<16xf32, #tpu.memory_space<vmem>>[vector<16xi32>], vector<16xf32>,
    %ge3A_2099 = arith.constant 2 : i32
    %ge3A_2100 = vector.broadcast %ge3A_2099 : i32 to vector<16xi32>
    %ge3A_2101 = arith.cmpi sge, %iota3A, %ge3A_2100 : vector<16xi32>
    %jit3A_2102 = arith.constant 0.000000e+00 : f32
    %broadcast_in_dim3A_2103 = vector.broadcast %jit3A_2102 : f32 to vector<16xf32>
    %select_n3A_2104 = arith.select %ge3A_2101, %gather3A_2098, %broadcast_in_dim3A_2103 : vector<16xi1>, vector<16xf32>
    %add3A_2105 = arith.addf %add3A_2089, %select_n3A_2104 : vector<16xf32>
    %swap3A_2106 = arith.constant 0 : index
    %swap3A_2107 = tpu.vector_load %arg12[%swap3A_2106] {strides = array<i32>} : memref<16xf32, #tpu.memory_space<vmem>>, vector<16xf32>,
    tpu.vector_store %arg12[%swap3A_2106], %add3A_2105 {strides = array<i32>} : memref<16xf32, #tpu.memory_space<vmem>>, vector<16xf32>,
    %sub3A_2108 = arith.constant 4 : i32
    %sub3A_2109 = vector.broadcast %sub3A_2108 : i32 to vector<16xi32>
    %sub3A_2110 = arith.subi %iota3A, %sub3A_2109 : vector<16xi32>
    %max3A_2111 = arith.constant 0 : i32
    %max3A_2112 = vector.broadcast %max3A_2111 : i32 to vector<16xi32>
    %max3A_2113 = arith.maxsi %sub3A_2110, %max3A_2112 : vector<16xi32>
    %gather3A_2114 = tpu.vector_load_idx %arg12[%max3A_2113] : memref<16xf32, #tpu.memory_space<vmem>>[vector<16xi32>], vector<16xf32>,
    %ge3A_2115 = arith.constant 4 : i32
    %ge3A_2116 = vector.broadcast %ge3A_2115 : i32 to vector<16xi32>
    %ge3A_2117 = arith.cmpi sge, %iota3A, %ge3A_2116 : vector<16xi32>
    %jit3A_2118 = arith.constant 0.000000e+00 : f32
    %broadcast_in_dim3A_2119 = vector.broadcast %jit3A_2118 : f32 to vector<16xf32>
    %select_n3A_2120 = arith.select %ge3A_2117, %gather3A_2114, %broadcast_in_dim3A_2119 : vector<16xi1>, vector<16xf32>
    %add3A_2121 = arith.addf %add3A_2105, %select_n3A_2120 : vector<16xf32>
    %swap3A_2122 = arith.constant 0 : index
    %swap3A_2123 = tpu.vector_load %arg12[%swap3A_2122] {strides = array<i32>} : memref<16xf32, #tpu.memory_space<vmem>>, vector<16xf32>,
    tpu.vector_store %arg12[%swap3A_2122], %add3A_2121 {strides = array<i32>} : memref<16xf32, #tpu.memory_space<vmem>>, vector<16xf32>,
    %sub3A_2124 = arith.constant 8 : i32
    %sub3A_2125 = vector.broadcast %sub3A_2124 : i32 to vector<16xi32>
    %sub3A_2126 = arith.subi %iota3A, %sub3A_2125 : vector<16xi32>
    %max3A_2127 = arith.constant 0 : i32
    %max3A_2128 = vector.broadcast %max3A_2127 : i32 to vector<16xi32>
    %max3A_2129 = arith.maxsi %sub3A_2126, %max3A_2128 : vector<16xi32>
    %gather3A_2130 = tpu.vector_load_idx %arg12[%max3A_2129] : memref<16xf32, #tpu.memory_space<vmem>>[vector<16xi32>], vector<16xf32>,
    %ge3A_2131 = arith.constant 8 : i32
    %ge3A_2132 = vector.broadcast %ge3A_2131 : i32 to vector<16xi32>
    %ge3A_2133 = arith.cmpi sge, %iota3A, %ge3A_2132 : vector<16xi32>
    %jit3A_2134 = arith.constant 0.000000e+00 : f32
    %broadcast_in_dim3A_2135 = vector.broadcast %jit3A_2134 : f32 to vector<16xf32>
    %select_n3A_2136 = arith.select %ge3A_2133, %gather3A_2130, %broadcast_in_dim3A_2135 : vector<16xi1>, vector<16xf32>
    %add3A_2137 = arith.addf %add3A_2121, %select_n3A_2136 : vector<16xf32>
    %swap3A_2138 = arith.constant 0 : index
    %swap3A_2139 = tpu.vector_load %arg12[%swap3A_2138] {strides = array<i32>} : memref<16xf32, #tpu.memory_space<vmem>>, vector<16xf32>,
    tpu.vector_store %arg12[%swap3A_2138], %add3A_2137 {strides = array<i32>} : memref<16xf32, #tpu.memory_space<vmem>>, vector<16xf32>,
    %gather3A_2140 = tpu.vector_load_idx %arg12[%add3A_8] : memref<16xf32, #tpu.memory_space<vmem>>[vector<16xi32>], vector<16xf32>,
    %add3A_2141 = arith.addf %add3A_2071, %add3A_2137 : vector<16xf32>
    %sub3A_2142 = arith.constant 1.000000e+00 : f32
    %sub3A_2143 = vector.broadcast %sub3A_2142 : f32 to vector<16xf32>
    %sub3A_2144 = arith.subf %add3A_2141, %sub3A_2143 : vector<16xf32>
    %convert_element_type3A_2145 = arith.fptosi %sub3A_2144 : vector<16xf32> to vector<16xi32>
    %gt3A_2146 = arith.constant 0.000000e+00 : f32
    %gt3A_2147 = vector.broadcast %gt3A_2146 : f32 to vector<16xf32>
    %gt3A_2148 = arith.cmpf ogt, %get3A_2073, %gt3A_2147 : vector<16xf32>
    %lt3A_2149 = arith.constant 2048 : i32
    %lt3A_2150 = vector.broadcast %lt3A_2149 : i32 to vector<16xi32>
    %lt3A_2151 = arith.cmpi slt, %convert_element_type3A_2145, %lt3A_2150 : vector<16xi32>
    %and3A_2152 = arith.andi %gt3A_2148, %lt3A_2151 : vector<16xi1>
    %add3A_2153 = arith.constant 2048 : i32
    %add3A_2154 = arith.addi %add3A_2153, %add3A : i32
    %broadcast_in_dim3A_2155 = vector.broadcast %add3A_2154 : i32 to vector<16xi32>
    %select_n3A_2156 = arith.select %and3A_2152, %convert_element_type3A_2145, %broadcast_in_dim3A_2155 : vector<16xi1>, vector<16xi32>
    %swap3A_2157 = arith.constant 2 : i32
    %swap3A_2158 = arith.index_cast %swap3A_2157 : i32 to index
    %swap3A_2159 = arith.constant 112 : index
    %swap3A_2160 = tpu.vector_load %arg9[%swap3A_2158, %swap3A_2159] {strides = array<i32>} : memref<5x128xi32, #tpu.memory_space<vmem>>, vector<16xi32>,
    tpu.vector_store %arg9[%swap3A_2158, %swap3A_2159], %select_n3A_2156 {strides = array<i32>} : memref<5x128xi32, #tpu.memory_space<vmem>>, vector<16xi32>,
    %add3A_2161 = arith.addf %add3A_2071, %gather3A_2140 : vector<16xf32>
    %get3A_2162 = arith.constant 384 : index
    %get3A_2163 = tpu.vector_load %arg7[%get3A_2162] {strides = array<i32>} : memref<640xf32, #tpu.memory_space<vmem>>, vector<16xf32>,
    %swap3A_2164 = arith.constant 0 : index
    %swap3A_2165 = tpu.vector_load %arg12[%swap3A_2164] {strides = array<i32>} : memref<16xf32, #tpu.memory_space<vmem>>, vector<16xf32>,
    tpu.vector_store %arg12[%swap3A_2164], %get3A_2163 {strides = array<i32>} : memref<16xf32, #tpu.memory_space<vmem>>, vector<16xf32>,
    %sub3A_2166 = arith.constant 1 : i32
    %sub3A_2167 = vector.broadcast %sub3A_2166 : i32 to vector<16xi32>
    %sub3A_2168 = arith.subi %iota3A, %sub3A_2167 : vector<16xi32>
    %max3A_2169 = arith.constant 0 : i32
    %max3A_2170 = vector.broadcast %max3A_2169 : i32 to vector<16xi32>
    %max3A_2171 = arith.maxsi %sub3A_2168, %max3A_2170 : vector<16xi32>
    %gather3A_2172 = tpu.vector_load_idx %arg12[%max3A_2171] : memref<16xf32, #tpu.memory_space<vmem>>[vector<16xi32>], vector<16xf32>,
    %ge3A_2173 = arith.constant 1 : i32
    %ge3A_2174 = vector.broadcast %ge3A_2173 : i32 to vector<16xi32>
    %ge3A_2175 = arith.cmpi sge, %iota3A, %ge3A_2174 : vector<16xi32>
    %jit3A_2176 = arith.constant 0.000000e+00 : f32
    %broadcast_in_dim3A_2177 = vector.broadcast %jit3A_2176 : f32 to vector<16xf32>
    %select_n3A_2178 = arith.select %ge3A_2175, %gather3A_2172, %broadcast_in_dim3A_2177 : vector<16xi1>, vector<16xf32>
    %add3A_2179 = arith.addf %get3A_2163, %select_n3A_2178 : vector<16xf32>
    %swap3A_2180 = arith.constant 0 : index
    %swap3A_2181 = tpu.vector_load %arg12[%swap3A_2180] {strides = array<i32>} : memref<16xf32, #tpu.memory_space<vmem>>, vector<16xf32>,
    tpu.vector_store %arg12[%swap3A_2180], %add3A_2179 {strides = array<i32>} : memref<16xf32, #tpu.memory_space<vmem>>, vector<16xf32>,
    %sub3A_2182 = arith.constant 2 : i32
    %sub3A_2183 = vector.broadcast %sub3A_2182 : i32 to vector<16xi32>
    %sub3A_2184 = arith.subi %iota3A, %sub3A_2183 : vector<16xi32>
    %max3A_2185 = arith.constant 0 : i32
    %max3A_2186 = vector.broadcast %max3A_2185 : i32 to vector<16xi32>
    %max3A_2187 = arith.maxsi %sub3A_2184, %max3A_2186 : vector<16xi32>
    %gather3A_2188 = tpu.vector_load_idx %arg12[%max3A_2187] : memref<16xf32, #tpu.memory_space<vmem>>[vector<16xi32>], vector<16xf32>,
    %ge3A_2189 = arith.constant 2 : i32
    %ge3A_2190 = vector.broadcast %ge3A_2189 : i32 to vector<16xi32>
    %ge3A_2191 = arith.cmpi sge, %iota3A, %ge3A_2190 : vector<16xi32>
    %jit3A_2192 = arith.constant 0.000000e+00 : f32
    %broadcast_in_dim3A_2193 = vector.broadcast %jit3A_2192 : f32 to vector<16xf32>
    %select_n3A_2194 = arith.select %ge3A_2191, %gather3A_2188, %broadcast_in_dim3A_2193 : vector<16xi1>, vector<16xf32>
    %add3A_2195 = arith.addf %add3A_2179, %select_n3A_2194 : vector<16xf32>
    %swap3A_2196 = arith.constant 0 : index
    %swap3A_2197 = tpu.vector_load %arg12[%swap3A_2196] {strides = array<i32>} : memref<16xf32, #tpu.memory_space<vmem>>, vector<16xf32>,
    tpu.vector_store %arg12[%swap3A_2196], %add3A_2195 {strides = array<i32>} : memref<16xf32, #tpu.memory_space<vmem>>, vector<16xf32>,
    %sub3A_2198 = arith.constant 4 : i32
    %sub3A_2199 = vector.broadcast %sub3A_2198 : i32 to vector<16xi32>
    %sub3A_2200 = arith.subi %iota3A, %sub3A_2199 : vector<16xi32>
    %max3A_2201 = arith.constant 0 : i32
    %max3A_2202 = vector.broadcast %max3A_2201 : i32 to vector<16xi32>
    %max3A_2203 = arith.maxsi %sub3A_2200, %max3A_2202 : vector<16xi32>
    %gather3A_2204 = tpu.vector_load_idx %arg12[%max3A_2203] : memref<16xf32, #tpu.memory_space<vmem>>[vector<16xi32>], vector<16xf32>,
    %ge3A_2205 = arith.constant 4 : i32
    %ge3A_2206 = vector.broadcast %ge3A_2205 : i32 to vector<16xi32>
    %ge3A_2207 = arith.cmpi sge, %iota3A, %ge3A_2206 : vector<16xi32>
    %jit3A_2208 = arith.constant 0.000000e+00 : f32
    %broadcast_in_dim3A_2209 = vector.broadcast %jit3A_2208 : f32 to vector<16xf32>
    %select_n3A_2210 = arith.select %ge3A_2207, %gather3A_2204, %broadcast_in_dim3A_2209 : vector<16xi1>, vector<16xf32>
    %add3A_2211 = arith.addf %add3A_2195, %select_n3A_2210 : vector<16xf32>
    %swap3A_2212 = arith.constant 0 : index
    %swap3A_2213 = tpu.vector_load %arg12[%swap3A_2212] {strides = array<i32>} : memref<16xf32, #tpu.memory_space<vmem>>, vector<16xf32>,
    tpu.vector_store %arg12[%swap3A_2212], %add3A_2211 {strides = array<i32>} : memref<16xf32, #tpu.memory_space<vmem>>, vector<16xf32>,
    %sub3A_2214 = arith.constant 8 : i32
    %sub3A_2215 = vector.broadcast %sub3A_2214 : i32 to vector<16xi32>
    %sub3A_2216 = arith.subi %iota3A, %sub3A_2215 : vector<16xi32>
    %max3A_2217 = arith.constant 0 : i32
    %max3A_2218 = vector.broadcast %max3A_2217 : i32 to vector<16xi32>
    %max3A_2219 = arith.maxsi %sub3A_2216, %max3A_2218 : vector<16xi32>
    %gather3A_2220 = tpu.vector_load_idx %arg12[%max3A_2219] : memref<16xf32, #tpu.memory_space<vmem>>[vector<16xi32>], vector<16xf32>,
    %ge3A_2221 = arith.constant 8 : i32
    %ge3A_2222 = vector.broadcast %ge3A_2221 : i32 to vector<16xi32>
    %ge3A_2223 = arith.cmpi sge, %iota3A, %ge3A_2222 : vector<16xi32>
    %jit3A_2224 = arith.constant 0.000000e+00 : f32
    %broadcast_in_dim3A_2225 = vector.broadcast %jit3A_2224 : f32 to vector<16xf32>
    %select_n3A_2226 = arith.select %ge3A_2223, %gather3A_2220, %broadcast_in_dim3A_2225 : vector<16xi1>, vector<16xf32>
    %add3A_2227 = arith.addf %add3A_2211, %select_n3A_2226 : vector<16xf32>
    %swap3A_2228 = arith.constant 0 : index
    %swap3A_2229 = tpu.vector_load %arg12[%swap3A_2228] {strides = array<i32>} : memref<16xf32, #tpu.memory_space<vmem>>, vector<16xf32>,
    tpu.vector_store %arg12[%swap3A_2228], %add3A_2227 {strides = array<i32>} : memref<16xf32, #tpu.memory_space<vmem>>, vector<16xf32>,
    %gather3A_2230 = tpu.vector_load_idx %arg12[%add3A_8] : memref<16xf32, #tpu.memory_space<vmem>>[vector<16xi32>], vector<16xf32>,
    %add3A_2231 = arith.addf %add3A_2161, %add3A_2227 : vector<16xf32>
    %sub3A_2232 = arith.constant 1.000000e+00 : f32
    %sub3A_2233 = vector.broadcast %sub3A_2232 : f32 to vector<16xf32>
    %sub3A_2234 = arith.subf %add3A_2231, %sub3A_2233 : vector<16xf32>
    %convert_element_type3A_2235 = arith.fptosi %sub3A_2234 : vector<16xf32> to vector<16xi32>
    %gt3A_2236 = arith.constant 0.000000e+00 : f32
    %gt3A_2237 = vector.broadcast %gt3A_2236 : f32 to vector<16xf32>
    %gt3A_2238 = arith.cmpf ogt, %get3A_2163, %gt3A_2237 : vector<16xf32>
    %lt3A_2239 = arith.constant 2048 : i32
    %lt3A_2240 = vector.broadcast %lt3A_2239 : i32 to vector<16xi32>
    %lt3A_2241 = arith.cmpi slt, %convert_element_type3A_2235, %lt3A_2240 : vector<16xi32>
    %and3A_2242 = arith.andi %gt3A_2238, %lt3A_2241 : vector<16xi1>
    %add3A_2243 = arith.constant 2048 : i32
    %add3A_2244 = arith.addi %add3A_2243, %add3A : i32
    %broadcast_in_dim3A_2245 = vector.broadcast %add3A_2244 : i32 to vector<16xi32>
    %select_n3A_2246 = arith.select %and3A_2242, %convert_element_type3A_2235, %broadcast_in_dim3A_2245 : vector<16xi1>, vector<16xi32>
    %swap3A_2247 = arith.constant 3 : i32
    %swap3A_2248 = arith.index_cast %swap3A_2247 : i32 to index
    %swap3A_2249 = arith.constant 0 : index
    %swap3A_2250 = tpu.vector_load %arg9[%swap3A_2248, %swap3A_2249] {strides = array<i32>} : memref<5x128xi32, #tpu.memory_space<vmem>>, vector<16xi32>,
    tpu.vector_store %arg9[%swap3A_2248, %swap3A_2249], %select_n3A_2246 {strides = array<i32>} : memref<5x128xi32, #tpu.memory_space<vmem>>, vector<16xi32>,
    %add3A_2251 = arith.addf %add3A_2161, %gather3A_2230 : vector<16xf32>
    %get3A_2252 = arith.constant 400 : index
    %get3A_2253 = tpu.vector_load %arg7[%get3A_2252] {strides = array<i32>} : memref<640xf32, #tpu.memory_space<vmem>>, vector<16xf32>,
    %swap3A_2254 = arith.constant 0 : index
    %swap3A_2255 = tpu.vector_load %arg12[%swap3A_2254] {strides = array<i32>} : memref<16xf32, #tpu.memory_space<vmem>>, vector<16xf32>,
    tpu.vector_store %arg12[%swap3A_2254], %get3A_2253 {strides = array<i32>} : memref<16xf32, #tpu.memory_space<vmem>>, vector<16xf32>,
    %sub3A_2256 = arith.constant 1 : i32
    %sub3A_2257 = vector.broadcast %sub3A_2256 : i32 to vector<16xi32>
    %sub3A_2258 = arith.subi %iota3A, %sub3A_2257 : vector<16xi32>
    %max3A_2259 = arith.constant 0 : i32
    %max3A_2260 = vector.broadcast %max3A_2259 : i32 to vector<16xi32>
    %max3A_2261 = arith.maxsi %sub3A_2258, %max3A_2260 : vector<16xi32>
    %gather3A_2262 = tpu.vector_load_idx %arg12[%max3A_2261] : memref<16xf32, #tpu.memory_space<vmem>>[vector<16xi32>], vector<16xf32>,
    %ge3A_2263 = arith.constant 1 : i32
    %ge3A_2264 = vector.broadcast %ge3A_2263 : i32 to vector<16xi32>
    %ge3A_2265 = arith.cmpi sge, %iota3A, %ge3A_2264 : vector<16xi32>
    %jit3A_2266 = arith.constant 0.000000e+00 : f32
    %broadcast_in_dim3A_2267 = vector.broadcast %jit3A_2266 : f32 to vector<16xf32>
    %select_n3A_2268 = arith.select %ge3A_2265, %gather3A_2262, %broadcast_in_dim3A_2267 : vector<16xi1>, vector<16xf32>
    %add3A_2269 = arith.addf %get3A_2253, %select_n3A_2268 : vector<16xf32>
    %swap3A_2270 = arith.constant 0 : index
    %swap3A_2271 = tpu.vector_load %arg12[%swap3A_2270] {strides = array<i32>} : memref<16xf32, #tpu.memory_space<vmem>>, vector<16xf32>,
    tpu.vector_store %arg12[%swap3A_2270], %add3A_2269 {strides = array<i32>} : memref<16xf32, #tpu.memory_space<vmem>>, vector<16xf32>,
    %sub3A_2272 = arith.constant 2 : i32
    %sub3A_2273 = vector.broadcast %sub3A_2272 : i32 to vector<16xi32>
    %sub3A_2274 = arith.subi %iota3A, %sub3A_2273 : vector<16xi32>
    %max3A_2275 = arith.constant 0 : i32
    %max3A_2276 = vector.broadcast %max3A_2275 : i32 to vector<16xi32>
    %max3A_2277 = arith.maxsi %sub3A_2274, %max3A_2276 : vector<16xi32>
    %gather3A_2278 = tpu.vector_load_idx %arg12[%max3A_2277] : memref<16xf32, #tpu.memory_space<vmem>>[vector<16xi32>], vector<16xf32>,
    %ge3A_2279 = arith.constant 2 : i32
    %ge3A_2280 = vector.broadcast %ge3A_2279 : i32 to vector<16xi32>
    %ge3A_2281 = arith.cmpi sge, %iota3A, %ge3A_2280 : vector<16xi32>
    %jit3A_2282 = arith.constant 0.000000e+00 : f32
    %broadcast_in_dim3A_2283 = vector.broadcast %jit3A_2282 : f32 to vector<16xf32>
    %select_n3A_2284 = arith.select %ge3A_2281, %gather3A_2278, %broadcast_in_dim3A_2283 : vector<16xi1>, vector<16xf32>
    %add3A_2285 = arith.addf %add3A_2269, %select_n3A_2284 : vector<16xf32>
    %swap3A_2286 = arith.constant 0 : index
    %swap3A_2287 = tpu.vector_load %arg12[%swap3A_2286] {strides = array<i32>} : memref<16xf32, #tpu.memory_space<vmem>>, vector<16xf32>,
    tpu.vector_store %arg12[%swap3A_2286], %add3A_2285 {strides = array<i32>} : memref<16xf32, #tpu.memory_space<vmem>>, vector<16xf32>,
    %sub3A_2288 = arith.constant 4 : i32
    %sub3A_2289 = vector.broadcast %sub3A_2288 : i32 to vector<16xi32>
    %sub3A_2290 = arith.subi %iota3A, %sub3A_2289 : vector<16xi32>
    %max3A_2291 = arith.constant 0 : i32
    %max3A_2292 = vector.broadcast %max3A_2291 : i32 to vector<16xi32>
    %max3A_2293 = arith.maxsi %sub3A_2290, %max3A_2292 : vector<16xi32>
    %gather3A_2294 = tpu.vector_load_idx %arg12[%max3A_2293] : memref<16xf32, #tpu.memory_space<vmem>>[vector<16xi32>], vector<16xf32>,
    %ge3A_2295 = arith.constant 4 : i32
    %ge3A_2296 = vector.broadcast %ge3A_2295 : i32 to vector<16xi32>
    %ge3A_2297 = arith.cmpi sge, %iota3A, %ge3A_2296 : vector<16xi32>
    %jit3A_2298 = arith.constant 0.000000e+00 : f32
    %broadcast_in_dim3A_2299 = vector.broadcast %jit3A_2298 : f32 to vector<16xf32>
    %select_n3A_2300 = arith.select %ge3A_2297, %gather3A_2294, %broadcast_in_dim3A_2299 : vector<16xi1>, vector<16xf32>
    %add3A_2301 = arith.addf %add3A_2285, %select_n3A_2300 : vector<16xf32>
    %swap3A_2302 = arith.constant 0 : index
    %swap3A_2303 = tpu.vector_load %arg12[%swap3A_2302] {strides = array<i32>} : memref<16xf32, #tpu.memory_space<vmem>>, vector<16xf32>,
    tpu.vector_store %arg12[%swap3A_2302], %add3A_2301 {strides = array<i32>} : memref<16xf32, #tpu.memory_space<vmem>>, vector<16xf32>,
    %sub3A_2304 = arith.constant 8 : i32
    %sub3A_2305 = vector.broadcast %sub3A_2304 : i32 to vector<16xi32>
    %sub3A_2306 = arith.subi %iota3A, %sub3A_2305 : vector<16xi32>
    %max3A_2307 = arith.constant 0 : i32
    %max3A_2308 = vector.broadcast %max3A_2307 : i32 to vector<16xi32>
    %max3A_2309 = arith.maxsi %sub3A_2306, %max3A_2308 : vector<16xi32>
    %gather3A_2310 = tpu.vector_load_idx %arg12[%max3A_2309] : memref<16xf32, #tpu.memory_space<vmem>>[vector<16xi32>], vector<16xf32>,
    %ge3A_2311 = arith.constant 8 : i32
    %ge3A_2312 = vector.broadcast %ge3A_2311 : i32 to vector<16xi32>
    %ge3A_2313 = arith.cmpi sge, %iota3A, %ge3A_2312 : vector<16xi32>
    %jit3A_2314 = arith.constant 0.000000e+00 : f32
    %broadcast_in_dim3A_2315 = vector.broadcast %jit3A_2314 : f32 to vector<16xf32>
    %select_n3A_2316 = arith.select %ge3A_2313, %gather3A_2310, %broadcast_in_dim3A_2315 : vector<16xi1>, vector<16xf32>
    %add3A_2317 = arith.addf %add3A_2301, %select_n3A_2316 : vector<16xf32>
    %swap3A_2318 = arith.constant 0 : index
    %swap3A_2319 = tpu.vector_load %arg12[%swap3A_2318] {strides = array<i32>} : memref<16xf32, #tpu.memory_space<vmem>>, vector<16xf32>,
    tpu.vector_store %arg12[%swap3A_2318], %add3A_2317 {strides = array<i32>} : memref<16xf32, #tpu.memory_space<vmem>>, vector<16xf32>,
    %gather3A_2320 = tpu.vector_load_idx %arg12[%add3A_8] : memref<16xf32, #tpu.memory_space<vmem>>[vector<16xi32>], vector<16xf32>,
    %add3A_2321 = arith.addf %add3A_2251, %add3A_2317 : vector<16xf32>
    %sub3A_2322 = arith.constant 1.000000e+00 : f32
    %sub3A_2323 = vector.broadcast %sub3A_2322 : f32 to vector<16xf32>
    %sub3A_2324 = arith.subf %add3A_2321, %sub3A_2323 : vector<16xf32>
    %convert_element_type3A_2325 = arith.fptosi %sub3A_2324 : vector<16xf32> to vector<16xi32>
    %gt3A_2326 = arith.constant 0.000000e+00 : f32
    %gt3A_2327 = vector.broadcast %gt3A_2326 : f32 to vector<16xf32>
    %gt3A_2328 = arith.cmpf ogt, %get3A_2253, %gt3A_2327 : vector<16xf32>
    %lt3A_2329 = arith.constant 2048 : i32
    %lt3A_2330 = vector.broadcast %lt3A_2329 : i32 to vector<16xi32>
    %lt3A_2331 = arith.cmpi slt, %convert_element_type3A_2325, %lt3A_2330 : vector<16xi32>
    %and3A_2332 = arith.andi %gt3A_2328, %lt3A_2331 : vector<16xi1>
    %add3A_2333 = arith.constant 2048 : i32
    %add3A_2334 = arith.addi %add3A_2333, %add3A : i32
    %broadcast_in_dim3A_2335 = vector.broadcast %add3A_2334 : i32 to vector<16xi32>
    %select_n3A_2336 = arith.select %and3A_2332, %convert_element_type3A_2325, %broadcast_in_dim3A_2335 : vector<16xi1>, vector<16xi32>
    %swap3A_2337 = arith.constant 3 : i32
    %swap3A_2338 = arith.index_cast %swap3A_2337 : i32 to index
    %swap3A_2339 = arith.constant 16 : index
    %swap3A_2340 = tpu.vector_load %arg9[%swap3A_2338, %swap3A_2339] {strides = array<i32>} : memref<5x128xi32, #tpu.memory_space<vmem>>, vector<16xi32>,
    tpu.vector_store %arg9[%swap3A_2338, %swap3A_2339], %select_n3A_2336 {strides = array<i32>} : memref<5x128xi32, #tpu.memory_space<vmem>>, vector<16xi32>,
    %add3A_2341 = arith.addf %add3A_2251, %gather3A_2320 : vector<16xf32>
    %get3A_2342 = arith.constant 416 : index
    %get3A_2343 = tpu.vector_load %arg7[%get3A_2342] {strides = array<i32>} : memref<640xf32, #tpu.memory_space<vmem>>, vector<16xf32>,
    %swap3A_2344 = arith.constant 0 : index
    %swap3A_2345 = tpu.vector_load %arg12[%swap3A_2344] {strides = array<i32>} : memref<16xf32, #tpu.memory_space<vmem>>, vector<16xf32>,
    tpu.vector_store %arg12[%swap3A_2344], %get3A_2343 {strides = array<i32>} : memref<16xf32, #tpu.memory_space<vmem>>, vector<16xf32>,
    %sub3A_2346 = arith.constant 1 : i32
    %sub3A_2347 = vector.broadcast %sub3A_2346 : i32 to vector<16xi32>
    %sub3A_2348 = arith.subi %iota3A, %sub3A_2347 : vector<16xi32>
    %max3A_2349 = arith.constant 0 : i32
    %max3A_2350 = vector.broadcast %max3A_2349 : i32 to vector<16xi32>
    %max3A_2351 = arith.maxsi %sub3A_2348, %max3A_2350 : vector<16xi32>
    %gather3A_2352 = tpu.vector_load_idx %arg12[%max3A_2351] : memref<16xf32, #tpu.memory_space<vmem>>[vector<16xi32>], vector<16xf32>,
    %ge3A_2353 = arith.constant 1 : i32
    %ge3A_2354 = vector.broadcast %ge3A_2353 : i32 to vector<16xi32>
    %ge3A_2355 = arith.cmpi sge, %iota3A, %ge3A_2354 : vector<16xi32>
    %jit3A_2356 = arith.constant 0.000000e+00 : f32
    %broadcast_in_dim3A_2357 = vector.broadcast %jit3A_2356 : f32 to vector<16xf32>
    %select_n3A_2358 = arith.select %ge3A_2355, %gather3A_2352, %broadcast_in_dim3A_2357 : vector<16xi1>, vector<16xf32>
    %add3A_2359 = arith.addf %get3A_2343, %select_n3A_2358 : vector<16xf32>
    %swap3A_2360 = arith.constant 0 : index
    %swap3A_2361 = tpu.vector_load %arg12[%swap3A_2360] {strides = array<i32>} : memref<16xf32, #tpu.memory_space<vmem>>, vector<16xf32>,
    tpu.vector_store %arg12[%swap3A_2360], %add3A_2359 {strides = array<i32>} : memref<16xf32, #tpu.memory_space<vmem>>, vector<16xf32>,
    %sub3A_2362 = arith.constant 2 : i32
    %sub3A_2363 = vector.broadcast %sub3A_2362 : i32 to vector<16xi32>
    %sub3A_2364 = arith.subi %iota3A, %sub3A_2363 : vector<16xi32>
    %max3A_2365 = arith.constant 0 : i32
    %max3A_2366 = vector.broadcast %max3A_2365 : i32 to vector<16xi32>
    %max3A_2367 = arith.maxsi %sub3A_2364, %max3A_2366 : vector<16xi32>
    %gather3A_2368 = tpu.vector_load_idx %arg12[%max3A_2367] : memref<16xf32, #tpu.memory_space<vmem>>[vector<16xi32>], vector<16xf32>,
    %ge3A_2369 = arith.constant 2 : i32
    %ge3A_2370 = vector.broadcast %ge3A_2369 : i32 to vector<16xi32>
    %ge3A_2371 = arith.cmpi sge, %iota3A, %ge3A_2370 : vector<16xi32>
    %jit3A_2372 = arith.constant 0.000000e+00 : f32
    %broadcast_in_dim3A_2373 = vector.broadcast %jit3A_2372 : f32 to vector<16xf32>
    %select_n3A_2374 = arith.select %ge3A_2371, %gather3A_2368, %broadcast_in_dim3A_2373 : vector<16xi1>, vector<16xf32>
    %add3A_2375 = arith.addf %add3A_2359, %select_n3A_2374 : vector<16xf32>
    %swap3A_2376 = arith.constant 0 : index
    %swap3A_2377 = tpu.vector_load %arg12[%swap3A_2376] {strides = array<i32>} : memref<16xf32, #tpu.memory_space<vmem>>, vector<16xf32>,
    tpu.vector_store %arg12[%swap3A_2376], %add3A_2375 {strides = array<i32>} : memref<16xf32, #tpu.memory_space<vmem>>, vector<16xf32>,
    %sub3A_2378 = arith.constant 4 : i32
    %sub3A_2379 = vector.broadcast %sub3A_2378 : i32 to vector<16xi32>
    %sub3A_2380 = arith.subi %iota3A, %sub3A_2379 : vector<16xi32>
    %max3A_2381 = arith.constant 0 : i32
    %max3A_2382 = vector.broadcast %max3A_2381 : i32 to vector<16xi32>
    %max3A_2383 = arith.maxsi %sub3A_2380, %max3A_2382 : vector<16xi32>
    %gather3A_2384 = tpu.vector_load_idx %arg12[%max3A_2383] : memref<16xf32, #tpu.memory_space<vmem>>[vector<16xi32>], vector<16xf32>,
    %ge3A_2385 = arith.constant 4 : i32
    %ge3A_2386 = vector.broadcast %ge3A_2385 : i32 to vector<16xi32>
    %ge3A_2387 = arith.cmpi sge, %iota3A, %ge3A_2386 : vector<16xi32>
    %jit3A_2388 = arith.constant 0.000000e+00 : f32
    %broadcast_in_dim3A_2389 = vector.broadcast %jit3A_2388 : f32 to vector<16xf32>
    %select_n3A_2390 = arith.select %ge3A_2387, %gather3A_2384, %broadcast_in_dim3A_2389 : vector<16xi1>, vector<16xf32>
    %add3A_2391 = arith.addf %add3A_2375, %select_n3A_2390 : vector<16xf32>
    %swap3A_2392 = arith.constant 0 : index
    %swap3A_2393 = tpu.vector_load %arg12[%swap3A_2392] {strides = array<i32>} : memref<16xf32, #tpu.memory_space<vmem>>, vector<16xf32>,
    tpu.vector_store %arg12[%swap3A_2392], %add3A_2391 {strides = array<i32>} : memref<16xf32, #tpu.memory_space<vmem>>, vector<16xf32>,
    %sub3A_2394 = arith.constant 8 : i32
    %sub3A_2395 = vector.broadcast %sub3A_2394 : i32 to vector<16xi32>
    %sub3A_2396 = arith.subi %iota3A, %sub3A_2395 : vector<16xi32>
    %max3A_2397 = arith.constant 0 : i32
    %max3A_2398 = vector.broadcast %max3A_2397 : i32 to vector<16xi32>
    %max3A_2399 = arith.maxsi %sub3A_2396, %max3A_2398 : vector<16xi32>
    %gather3A_2400 = tpu.vector_load_idx %arg12[%max3A_2399] : memref<16xf32, #tpu.memory_space<vmem>>[vector<16xi32>], vector<16xf32>,
    %ge3A_2401 = arith.constant 8 : i32
    %ge3A_2402 = vector.broadcast %ge3A_2401 : i32 to vector<16xi32>
    %ge3A_2403 = arith.cmpi sge, %iota3A, %ge3A_2402 : vector<16xi32>
    %jit3A_2404 = arith.constant 0.000000e+00 : f32
    %broadcast_in_dim3A_2405 = vector.broadcast %jit3A_2404 : f32 to vector<16xf32>
    %select_n3A_2406 = arith.select %ge3A_2403, %gather3A_2400, %broadcast_in_dim3A_2405 : vector<16xi1>, vector<16xf32>
    %add3A_2407 = arith.addf %add3A_2391, %select_n3A_2406 : vector<16xf32>
    %swap3A_2408 = arith.constant 0 : index
    %swap3A_2409 = tpu.vector_load %arg12[%swap3A_2408] {strides = array<i32>} : memref<16xf32, #tpu.memory_space<vmem>>, vector<16xf32>,
    tpu.vector_store %arg12[%swap3A_2408], %add3A_2407 {strides = array<i32>} : memref<16xf32, #tpu.memory_space<vmem>>, vector<16xf32>,
    %gather3A_2410 = tpu.vector_load_idx %arg12[%add3A_8] : memref<16xf32, #tpu.memory_space<vmem>>[vector<16xi32>], vector<16xf32>,
    %add3A_2411 = arith.addf %add3A_2341, %add3A_2407 : vector<16xf32>
    %sub3A_2412 = arith.constant 1.000000e+00 : f32
    %sub3A_2413 = vector.broadcast %sub3A_2412 : f32 to vector<16xf32>
    %sub3A_2414 = arith.subf %add3A_2411, %sub3A_2413 : vector<16xf32>
    %convert_element_type3A_2415 = arith.fptosi %sub3A_2414 : vector<16xf32> to vector<16xi32>
    %gt3A_2416 = arith.constant 0.000000e+00 : f32
    %gt3A_2417 = vector.broadcast %gt3A_2416 : f32 to vector<16xf32>
    %gt3A_2418 = arith.cmpf ogt, %get3A_2343, %gt3A_2417 : vector<16xf32>
    %lt3A_2419 = arith.constant 2048 : i32
    %lt3A_2420 = vector.broadcast %lt3A_2419 : i32 to vector<16xi32>
    %lt3A_2421 = arith.cmpi slt, %convert_element_type3A_2415, %lt3A_2420 : vector<16xi32>
    %and3A_2422 = arith.andi %gt3A_2418, %lt3A_2421 : vector<16xi1>
    %add3A_2423 = arith.constant 2048 : i32
    %add3A_2424 = arith.addi %add3A_2423, %add3A : i32
    %broadcast_in_dim3A_2425 = vector.broadcast %add3A_2424 : i32 to vector<16xi32>
    %select_n3A_2426 = arith.select %and3A_2422, %convert_element_type3A_2415, %broadcast_in_dim3A_2425 : vector<16xi1>, vector<16xi32>
    %swap3A_2427 = arith.constant 3 : i32
    %swap3A_2428 = arith.index_cast %swap3A_2427 : i32 to index
    %swap3A_2429 = arith.constant 32 : index
    %swap3A_2430 = tpu.vector_load %arg9[%swap3A_2428, %swap3A_2429] {strides = array<i32>} : memref<5x128xi32, #tpu.memory_space<vmem>>, vector<16xi32>,
    tpu.vector_store %arg9[%swap3A_2428, %swap3A_2429], %select_n3A_2426 {strides = array<i32>} : memref<5x128xi32, #tpu.memory_space<vmem>>, vector<16xi32>,
    %add3A_2431 = arith.addf %add3A_2341, %gather3A_2410 : vector<16xf32>
    %get3A_2432 = arith.constant 432 : index
    %get3A_2433 = tpu.vector_load %arg7[%get3A_2432] {strides = array<i32>} : memref<640xf32, #tpu.memory_space<vmem>>, vector<16xf32>,
    %swap3A_2434 = arith.constant 0 : index
    %swap3A_2435 = tpu.vector_load %arg12[%swap3A_2434] {strides = array<i32>} : memref<16xf32, #tpu.memory_space<vmem>>, vector<16xf32>,
    tpu.vector_store %arg12[%swap3A_2434], %get3A_2433 {strides = array<i32>} : memref<16xf32, #tpu.memory_space<vmem>>, vector<16xf32>,
    %sub3A_2436 = arith.constant 1 : i32
    %sub3A_2437 = vector.broadcast %sub3A_2436 : i32 to vector<16xi32>
    %sub3A_2438 = arith.subi %iota3A, %sub3A_2437 : vector<16xi32>
    %max3A_2439 = arith.constant 0 : i32
    %max3A_2440 = vector.broadcast %max3A_2439 : i32 to vector<16xi32>
    %max3A_2441 = arith.maxsi %sub3A_2438, %max3A_2440 : vector<16xi32>
    %gather3A_2442 = tpu.vector_load_idx %arg12[%max3A_2441] : memref<16xf32, #tpu.memory_space<vmem>>[vector<16xi32>], vector<16xf32>,
    %ge3A_2443 = arith.constant 1 : i32
    %ge3A_2444 = vector.broadcast %ge3A_2443 : i32 to vector<16xi32>
    %ge3A_2445 = arith.cmpi sge, %iota3A, %ge3A_2444 : vector<16xi32>
    %jit3A_2446 = arith.constant 0.000000e+00 : f32
    %broadcast_in_dim3A_2447 = vector.broadcast %jit3A_2446 : f32 to vector<16xf32>
    %select_n3A_2448 = arith.select %ge3A_2445, %gather3A_2442, %broadcast_in_dim3A_2447 : vector<16xi1>, vector<16xf32>
    %add3A_2449 = arith.addf %get3A_2433, %select_n3A_2448 : vector<16xf32>
    %swap3A_2450 = arith.constant 0 : index
    %swap3A_2451 = tpu.vector_load %arg12[%swap3A_2450] {strides = array<i32>} : memref<16xf32, #tpu.memory_space<vmem>>, vector<16xf32>,
    tpu.vector_store %arg12[%swap3A_2450], %add3A_2449 {strides = array<i32>} : memref<16xf32, #tpu.memory_space<vmem>>, vector<16xf32>,
    %sub3A_2452 = arith.constant 2 : i32
    %sub3A_2453 = vector.broadcast %sub3A_2452 : i32 to vector<16xi32>
    %sub3A_2454 = arith.subi %iota3A, %sub3A_2453 : vector<16xi32>
    %max3A_2455 = arith.constant 0 : i32
    %max3A_2456 = vector.broadcast %max3A_2455 : i32 to vector<16xi32>
    %max3A_2457 = arith.maxsi %sub3A_2454, %max3A_2456 : vector<16xi32>
    %gather3A_2458 = tpu.vector_load_idx %arg12[%max3A_2457] : memref<16xf32, #tpu.memory_space<vmem>>[vector<16xi32>], vector<16xf32>,
    %ge3A_2459 = arith.constant 2 : i32
    %ge3A_2460 = vector.broadcast %ge3A_2459 : i32 to vector<16xi32>
    %ge3A_2461 = arith.cmpi sge, %iota3A, %ge3A_2460 : vector<16xi32>
    %jit3A_2462 = arith.constant 0.000000e+00 : f32
    %broadcast_in_dim3A_2463 = vector.broadcast %jit3A_2462 : f32 to vector<16xf32>
    %select_n3A_2464 = arith.select %ge3A_2461, %gather3A_2458, %broadcast_in_dim3A_2463 : vector<16xi1>, vector<16xf32>
    %add3A_2465 = arith.addf %add3A_2449, %select_n3A_2464 : vector<16xf32>
    %swap3A_2466 = arith.constant 0 : index
    %swap3A_2467 = tpu.vector_load %arg12[%swap3A_2466] {strides = array<i32>} : memref<16xf32, #tpu.memory_space<vmem>>, vector<16xf32>,
    tpu.vector_store %arg12[%swap3A_2466], %add3A_2465 {strides = array<i32>} : memref<16xf32, #tpu.memory_space<vmem>>, vector<16xf32>,
    %sub3A_2468 = arith.constant 4 : i32
    %sub3A_2469 = vector.broadcast %sub3A_2468 : i32 to vector<16xi32>
    %sub3A_2470 = arith.subi %iota3A, %sub3A_2469 : vector<16xi32>
    %max3A_2471 = arith.constant 0 : i32
    %max3A_2472 = vector.broadcast %max3A_2471 : i32 to vector<16xi32>
    %max3A_2473 = arith.maxsi %sub3A_2470, %max3A_2472 : vector<16xi32>
    %gather3A_2474 = tpu.vector_load_idx %arg12[%max3A_2473] : memref<16xf32, #tpu.memory_space<vmem>>[vector<16xi32>], vector<16xf32>,
    %ge3A_2475 = arith.constant 4 : i32
    %ge3A_2476 = vector.broadcast %ge3A_2475 : i32 to vector<16xi32>
    %ge3A_2477 = arith.cmpi sge, %iota3A, %ge3A_2476 : vector<16xi32>
    %jit3A_2478 = arith.constant 0.000000e+00 : f32
    %broadcast_in_dim3A_2479 = vector.broadcast %jit3A_2478 : f32 to vector<16xf32>
    %select_n3A_2480 = arith.select %ge3A_2477, %gather3A_2474, %broadcast_in_dim3A_2479 : vector<16xi1>, vector<16xf32>
    %add3A_2481 = arith.addf %add3A_2465, %select_n3A_2480 : vector<16xf32>
    %swap3A_2482 = arith.constant 0 : index
    %swap3A_2483 = tpu.vector_load %arg12[%swap3A_2482] {strides = array<i32>} : memref<16xf32, #tpu.memory_space<vmem>>, vector<16xf32>,
    tpu.vector_store %arg12[%swap3A_2482], %add3A_2481 {strides = array<i32>} : memref<16xf32, #tpu.memory_space<vmem>>, vector<16xf32>,
    %sub3A_2484 = arith.constant 8 : i32
    %sub3A_2485 = vector.broadcast %sub3A_2484 : i32 to vector<16xi32>
    %sub3A_2486 = arith.subi %iota3A, %sub3A_2485 : vector<16xi32>
    %max3A_2487 = arith.constant 0 : i32
    %max3A_2488 = vector.broadcast %max3A_2487 : i32 to vector<16xi32>
    %max3A_2489 = arith.maxsi %sub3A_2486, %max3A_2488 : vector<16xi32>
    %gather3A_2490 = tpu.vector_load_idx %arg12[%max3A_2489] : memref<16xf32, #tpu.memory_space<vmem>>[vector<16xi32>], vector<16xf32>,
    %ge3A_2491 = arith.constant 8 : i32
    %ge3A_2492 = vector.broadcast %ge3A_2491 : i32 to vector<16xi32>
    %ge3A_2493 = arith.cmpi sge, %iota3A, %ge3A_2492 : vector<16xi32>
    %jit3A_2494 = arith.constant 0.000000e+00 : f32
    %broadcast_in_dim3A_2495 = vector.broadcast %jit3A_2494 : f32 to vector<16xf32>
    %select_n3A_2496 = arith.select %ge3A_2493, %gather3A_2490, %broadcast_in_dim3A_2495 : vector<16xi1>, vector<16xf32>
    %add3A_2497 = arith.addf %add3A_2481, %select_n3A_2496 : vector<16xf32>
    %swap3A_2498 = arith.constant 0 : index
    %swap3A_2499 = tpu.vector_load %arg12[%swap3A_2498] {strides = array<i32>} : memref<16xf32, #tpu.memory_space<vmem>>, vector<16xf32>,
    tpu.vector_store %arg12[%swap3A_2498], %add3A_2497 {strides = array<i32>} : memref<16xf32, #tpu.memory_space<vmem>>, vector<16xf32>,
    %gather3A_2500 = tpu.vector_load_idx %arg12[%add3A_8] : memref<16xf32, #tpu.memory_space<vmem>>[vector<16xi32>], vector<16xf32>,
    %add3A_2501 = arith.addf %add3A_2431, %add3A_2497 : vector<16xf32>
    %sub3A_2502 = arith.constant 1.000000e+00 : f32
    %sub3A_2503 = vector.broadcast %sub3A_2502 : f32 to vector<16xf32>
    %sub3A_2504 = arith.subf %add3A_2501, %sub3A_2503 : vector<16xf32>
    %convert_element_type3A_2505 = arith.fptosi %sub3A_2504 : vector<16xf32> to vector<16xi32>
    %gt3A_2506 = arith.constant 0.000000e+00 : f32
    %gt3A_2507 = vector.broadcast %gt3A_2506 : f32 to vector<16xf32>
    %gt3A_2508 = arith.cmpf ogt, %get3A_2433, %gt3A_2507 : vector<16xf32>
    %lt3A_2509 = arith.constant 2048 : i32
    %lt3A_2510 = vector.broadcast %lt3A_2509 : i32 to vector<16xi32>
    %lt3A_2511 = arith.cmpi slt, %convert_element_type3A_2505, %lt3A_2510 : vector<16xi32>
    %and3A_2512 = arith.andi %gt3A_2508, %lt3A_2511 : vector<16xi1>
    %add3A_2513 = arith.constant 2048 : i32
    %add3A_2514 = arith.addi %add3A_2513, %add3A : i32
    %broadcast_in_dim3A_2515 = vector.broadcast %add3A_2514 : i32 to vector<16xi32>
    %select_n3A_2516 = arith.select %and3A_2512, %convert_element_type3A_2505, %broadcast_in_dim3A_2515 : vector<16xi1>, vector<16xi32>
    %swap3A_2517 = arith.constant 3 : i32
    %swap3A_2518 = arith.index_cast %swap3A_2517 : i32 to index
    %swap3A_2519 = arith.constant 48 : index
    %swap3A_2520 = tpu.vector_load %arg9[%swap3A_2518, %swap3A_2519] {strides = array<i32>} : memref<5x128xi32, #tpu.memory_space<vmem>>, vector<16xi32>,
    tpu.vector_store %arg9[%swap3A_2518, %swap3A_2519], %select_n3A_2516 {strides = array<i32>} : memref<5x128xi32, #tpu.memory_space<vmem>>, vector<16xi32>,
    %add3A_2521 = arith.addf %add3A_2431, %gather3A_2500 : vector<16xf32>
    %get3A_2522 = arith.constant 448 : index
    %get3A_2523 = tpu.vector_load %arg7[%get3A_2522] {strides = array<i32>} : memref<640xf32, #tpu.memory_space<vmem>>, vector<16xf32>,
    %swap3A_2524 = arith.constant 0 : index
    %swap3A_2525 = tpu.vector_load %arg12[%swap3A_2524] {strides = array<i32>} : memref<16xf32, #tpu.memory_space<vmem>>, vector<16xf32>,
    tpu.vector_store %arg12[%swap3A_2524], %get3A_2523 {strides = array<i32>} : memref<16xf32, #tpu.memory_space<vmem>>, vector<16xf32>,
    %sub3A_2526 = arith.constant 1 : i32
    %sub3A_2527 = vector.broadcast %sub3A_2526 : i32 to vector<16xi32>
    %sub3A_2528 = arith.subi %iota3A, %sub3A_2527 : vector<16xi32>
    %max3A_2529 = arith.constant 0 : i32
    %max3A_2530 = vector.broadcast %max3A_2529 : i32 to vector<16xi32>
    %max3A_2531 = arith.maxsi %sub3A_2528, %max3A_2530 : vector<16xi32>
    %gather3A_2532 = tpu.vector_load_idx %arg12[%max3A_2531] : memref<16xf32, #tpu.memory_space<vmem>>[vector<16xi32>], vector<16xf32>,
    %ge3A_2533 = arith.constant 1 : i32
    %ge3A_2534 = vector.broadcast %ge3A_2533 : i32 to vector<16xi32>
    %ge3A_2535 = arith.cmpi sge, %iota3A, %ge3A_2534 : vector<16xi32>
    %jit3A_2536 = arith.constant 0.000000e+00 : f32
    %broadcast_in_dim3A_2537 = vector.broadcast %jit3A_2536 : f32 to vector<16xf32>
    %select_n3A_2538 = arith.select %ge3A_2535, %gather3A_2532, %broadcast_in_dim3A_2537 : vector<16xi1>, vector<16xf32>
    %add3A_2539 = arith.addf %get3A_2523, %select_n3A_2538 : vector<16xf32>
    %swap3A_2540 = arith.constant 0 : index
    %swap3A_2541 = tpu.vector_load %arg12[%swap3A_2540] {strides = array<i32>} : memref<16xf32, #tpu.memory_space<vmem>>, vector<16xf32>,
    tpu.vector_store %arg12[%swap3A_2540], %add3A_2539 {strides = array<i32>} : memref<16xf32, #tpu.memory_space<vmem>>, vector<16xf32>,
    %sub3A_2542 = arith.constant 2 : i32
    %sub3A_2543 = vector.broadcast %sub3A_2542 : i32 to vector<16xi32>
    %sub3A_2544 = arith.subi %iota3A, %sub3A_2543 : vector<16xi32>
    %max3A_2545 = arith.constant 0 : i32
    %max3A_2546 = vector.broadcast %max3A_2545 : i32 to vector<16xi32>
    %max3A_2547 = arith.maxsi %sub3A_2544, %max3A_2546 : vector<16xi32>
    %gather3A_2548 = tpu.vector_load_idx %arg12[%max3A_2547] : memref<16xf32, #tpu.memory_space<vmem>>[vector<16xi32>], vector<16xf32>,
    %ge3A_2549 = arith.constant 2 : i32
    %ge3A_2550 = vector.broadcast %ge3A_2549 : i32 to vector<16xi32>
    %ge3A_2551 = arith.cmpi sge, %iota3A, %ge3A_2550 : vector<16xi32>
    %jit3A_2552 = arith.constant 0.000000e+00 : f32
    %broadcast_in_dim3A_2553 = vector.broadcast %jit3A_2552 : f32 to vector<16xf32>
    %select_n3A_2554 = arith.select %ge3A_2551, %gather3A_2548, %broadcast_in_dim3A_2553 : vector<16xi1>, vector<16xf32>
    %add3A_2555 = arith.addf %add3A_2539, %select_n3A_2554 : vector<16xf32>
    %swap3A_2556 = arith.constant 0 : index
    %swap3A_2557 = tpu.vector_load %arg12[%swap3A_2556] {strides = array<i32>} : memref<16xf32, #tpu.memory_space<vmem>>, vector<16xf32>,
    tpu.vector_store %arg12[%swap3A_2556], %add3A_2555 {strides = array<i32>} : memref<16xf32, #tpu.memory_space<vmem>>, vector<16xf32>,
    %sub3A_2558 = arith.constant 4 : i32
    %sub3A_2559 = vector.broadcast %sub3A_2558 : i32 to vector<16xi32>
    %sub3A_2560 = arith.subi %iota3A, %sub3A_2559 : vector<16xi32>
    %max3A_2561 = arith.constant 0 : i32
    %max3A_2562 = vector.broadcast %max3A_2561 : i32 to vector<16xi32>
    %max3A_2563 = arith.maxsi %sub3A_2560, %max3A_2562 : vector<16xi32>
    %gather3A_2564 = tpu.vector_load_idx %arg12[%max3A_2563] : memref<16xf32, #tpu.memory_space<vmem>>[vector<16xi32>], vector<16xf32>,
    %ge3A_2565 = arith.constant 4 : i32
    %ge3A_2566 = vector.broadcast %ge3A_2565 : i32 to vector<16xi32>
    %ge3A_2567 = arith.cmpi sge, %iota3A, %ge3A_2566 : vector<16xi32>
    %jit3A_2568 = arith.constant 0.000000e+00 : f32
    %broadcast_in_dim3A_2569 = vector.broadcast %jit3A_2568 : f32 to vector<16xf32>
    %select_n3A_2570 = arith.select %ge3A_2567, %gather3A_2564, %broadcast_in_dim3A_2569 : vector<16xi1>, vector<16xf32>
    %add3A_2571 = arith.addf %add3A_2555, %select_n3A_2570 : vector<16xf32>
    %swap3A_2572 = arith.constant 0 : index
    %swap3A_2573 = tpu.vector_load %arg12[%swap3A_2572] {strides = array<i32>} : memref<16xf32, #tpu.memory_space<vmem>>, vector<16xf32>,
    tpu.vector_store %arg12[%swap3A_2572], %add3A_2571 {strides = array<i32>} : memref<16xf32, #tpu.memory_space<vmem>>, vector<16xf32>,
    %sub3A_2574 = arith.constant 8 : i32
    %sub3A_2575 = vector.broadcast %sub3A_2574 : i32 to vector<16xi32>
    %sub3A_2576 = arith.subi %iota3A, %sub3A_2575 : vector<16xi32>
    %max3A_2577 = arith.constant 0 : i32
    %max3A_2578 = vector.broadcast %max3A_2577 : i32 to vector<16xi32>
    %max3A_2579 = arith.maxsi %sub3A_2576, %max3A_2578 : vector<16xi32>
    %gather3A_2580 = tpu.vector_load_idx %arg12[%max3A_2579] : memref<16xf32, #tpu.memory_space<vmem>>[vector<16xi32>], vector<16xf32>,
    %ge3A_2581 = arith.constant 8 : i32
    %ge3A_2582 = vector.broadcast %ge3A_2581 : i32 to vector<16xi32>
    %ge3A_2583 = arith.cmpi sge, %iota3A, %ge3A_2582 : vector<16xi32>
    %jit3A_2584 = arith.constant 0.000000e+00 : f32
    %broadcast_in_dim3A_2585 = vector.broadcast %jit3A_2584 : f32 to vector<16xf32>
    %select_n3A_2586 = arith.select %ge3A_2583, %gather3A_2580, %broadcast_in_dim3A_2585 : vector<16xi1>, vector<16xf32>
    %add3A_2587 = arith.addf %add3A_2571, %select_n3A_2586 : vector<16xf32>
    %swap3A_2588 = arith.constant 0 : index
    %swap3A_2589 = tpu.vector_load %arg12[%swap3A_2588] {strides = array<i32>} : memref<16xf32, #tpu.memory_space<vmem>>, vector<16xf32>,
    tpu.vector_store %arg12[%swap3A_2588], %add3A_2587 {strides = array<i32>} : memref<16xf32, #tpu.memory_space<vmem>>, vector<16xf32>,
    %gather3A_2590 = tpu.vector_load_idx %arg12[%add3A_8] : memref<16xf32, #tpu.memory_space<vmem>>[vector<16xi32>], vector<16xf32>,
    %add3A_2591 = arith.addf %add3A_2521, %add3A_2587 : vector<16xf32>
    %sub3A_2592 = arith.constant 1.000000e+00 : f32
    %sub3A_2593 = vector.broadcast %sub3A_2592 : f32 to vector<16xf32>
    %sub3A_2594 = arith.subf %add3A_2591, %sub3A_2593 : vector<16xf32>
    %convert_element_type3A_2595 = arith.fptosi %sub3A_2594 : vector<16xf32> to vector<16xi32>
    %gt3A_2596 = arith.constant 0.000000e+00 : f32
    %gt3A_2597 = vector.broadcast %gt3A_2596 : f32 to vector<16xf32>
    %gt3A_2598 = arith.cmpf ogt, %get3A_2523, %gt3A_2597 : vector<16xf32>
    %lt3A_2599 = arith.constant 2048 : i32
    %lt3A_2600 = vector.broadcast %lt3A_2599 : i32 to vector<16xi32>
    %lt3A_2601 = arith.cmpi slt, %convert_element_type3A_2595, %lt3A_2600 : vector<16xi32>
    %and3A_2602 = arith.andi %gt3A_2598, %lt3A_2601 : vector<16xi1>
    %add3A_2603 = arith.constant 2048 : i32
    %add3A_2604 = arith.addi %add3A_2603, %add3A : i32
    %broadcast_in_dim3A_2605 = vector.broadcast %add3A_2604 : i32 to vector<16xi32>
    %select_n3A_2606 = arith.select %and3A_2602, %convert_element_type3A_2595, %broadcast_in_dim3A_2605 : vector<16xi1>, vector<16xi32>
    %swap3A_2607 = arith.constant 3 : i32
    %swap3A_2608 = arith.index_cast %swap3A_2607 : i32 to index
    %swap3A_2609 = arith.constant 64 : index
    %swap3A_2610 = tpu.vector_load %arg9[%swap3A_2608, %swap3A_2609] {strides = array<i32>} : memref<5x128xi32, #tpu.memory_space<vmem>>, vector<16xi32>,
    tpu.vector_store %arg9[%swap3A_2608, %swap3A_2609], %select_n3A_2606 {strides = array<i32>} : memref<5x128xi32, #tpu.memory_space<vmem>>, vector<16xi32>,
    %add3A_2611 = arith.addf %add3A_2521, %gather3A_2590 : vector<16xf32>
    %get3A_2612 = arith.constant 464 : index
    %get3A_2613 = tpu.vector_load %arg7[%get3A_2612] {strides = array<i32>} : memref<640xf32, #tpu.memory_space<vmem>>, vector<16xf32>,
    %swap3A_2614 = arith.constant 0 : index
    %swap3A_2615 = tpu.vector_load %arg12[%swap3A_2614] {strides = array<i32>} : memref<16xf32, #tpu.memory_space<vmem>>, vector<16xf32>,
    tpu.vector_store %arg12[%swap3A_2614], %get3A_2613 {strides = array<i32>} : memref<16xf32, #tpu.memory_space<vmem>>, vector<16xf32>,
    %sub3A_2616 = arith.constant 1 : i32
    %sub3A_2617 = vector.broadcast %sub3A_2616 : i32 to vector<16xi32>
    %sub3A_2618 = arith.subi %iota3A, %sub3A_2617 : vector<16xi32>
    %max3A_2619 = arith.constant 0 : i32
    %max3A_2620 = vector.broadcast %max3A_2619 : i32 to vector<16xi32>
    %max3A_2621 = arith.maxsi %sub3A_2618, %max3A_2620 : vector<16xi32>
    %gather3A_2622 = tpu.vector_load_idx %arg12[%max3A_2621] : memref<16xf32, #tpu.memory_space<vmem>>[vector<16xi32>], vector<16xf32>,
    %ge3A_2623 = arith.constant 1 : i32
    %ge3A_2624 = vector.broadcast %ge3A_2623 : i32 to vector<16xi32>
    %ge3A_2625 = arith.cmpi sge, %iota3A, %ge3A_2624 : vector<16xi32>
    %jit3A_2626 = arith.constant 0.000000e+00 : f32
    %broadcast_in_dim3A_2627 = vector.broadcast %jit3A_2626 : f32 to vector<16xf32>
    %select_n3A_2628 = arith.select %ge3A_2625, %gather3A_2622, %broadcast_in_dim3A_2627 : vector<16xi1>, vector<16xf32>
    %add3A_2629 = arith.addf %get3A_2613, %select_n3A_2628 : vector<16xf32>
    %swap3A_2630 = arith.constant 0 : index
    %swap3A_2631 = tpu.vector_load %arg12[%swap3A_2630] {strides = array<i32>} : memref<16xf32, #tpu.memory_space<vmem>>, vector<16xf32>,
    tpu.vector_store %arg12[%swap3A_2630], %add3A_2629 {strides = array<i32>} : memref<16xf32, #tpu.memory_space<vmem>>, vector<16xf32>,
    %sub3A_2632 = arith.constant 2 : i32
    %sub3A_2633 = vector.broadcast %sub3A_2632 : i32 to vector<16xi32>
    %sub3A_2634 = arith.subi %iota3A, %sub3A_2633 : vector<16xi32>
    %max3A_2635 = arith.constant 0 : i32
    %max3A_2636 = vector.broadcast %max3A_2635 : i32 to vector<16xi32>
    %max3A_2637 = arith.maxsi %sub3A_2634, %max3A_2636 : vector<16xi32>
    %gather3A_2638 = tpu.vector_load_idx %arg12[%max3A_2637] : memref<16xf32, #tpu.memory_space<vmem>>[vector<16xi32>], vector<16xf32>,
    %ge3A_2639 = arith.constant 2 : i32
    %ge3A_2640 = vector.broadcast %ge3A_2639 : i32 to vector<16xi32>
    %ge3A_2641 = arith.cmpi sge, %iota3A, %ge3A_2640 : vector<16xi32>
    %jit3A_2642 = arith.constant 0.000000e+00 : f32
    %broadcast_in_dim3A_2643 = vector.broadcast %jit3A_2642 : f32 to vector<16xf32>
    %select_n3A_2644 = arith.select %ge3A_2641, %gather3A_2638, %broadcast_in_dim3A_2643 : vector<16xi1>, vector<16xf32>
    %add3A_2645 = arith.addf %add3A_2629, %select_n3A_2644 : vector<16xf32>
    %swap3A_2646 = arith.constant 0 : index
    %swap3A_2647 = tpu.vector_load %arg12[%swap3A_2646] {strides = array<i32>} : memref<16xf32, #tpu.memory_space<vmem>>, vector<16xf32>,
    tpu.vector_store %arg12[%swap3A_2646], %add3A_2645 {strides = array<i32>} : memref<16xf32, #tpu.memory_space<vmem>>, vector<16xf32>,
    %sub3A_2648 = arith.constant 4 : i32
    %sub3A_2649 = vector.broadcast %sub3A_2648 : i32 to vector<16xi32>
    %sub3A_2650 = arith.subi %iota3A, %sub3A_2649 : vector<16xi32>
    %max3A_2651 = arith.constant 0 : i32
    %max3A_2652 = vector.broadcast %max3A_2651 : i32 to vector<16xi32>
    %max3A_2653 = arith.maxsi %sub3A_2650, %max3A_2652 : vector<16xi32>
    %gather3A_2654 = tpu.vector_load_idx %arg12[%max3A_2653] : memref<16xf32, #tpu.memory_space<vmem>>[vector<16xi32>], vector<16xf32>,
    %ge3A_2655 = arith.constant 4 : i32
    %ge3A_2656 = vector.broadcast %ge3A_2655 : i32 to vector<16xi32>
    %ge3A_2657 = arith.cmpi sge, %iota3A, %ge3A_2656 : vector<16xi32>
    %jit3A_2658 = arith.constant 0.000000e+00 : f32
    %broadcast_in_dim3A_2659 = vector.broadcast %jit3A_2658 : f32 to vector<16xf32>
    %select_n3A_2660 = arith.select %ge3A_2657, %gather3A_2654, %broadcast_in_dim3A_2659 : vector<16xi1>, vector<16xf32>
    %add3A_2661 = arith.addf %add3A_2645, %select_n3A_2660 : vector<16xf32>
    %swap3A_2662 = arith.constant 0 : index
    %swap3A_2663 = tpu.vector_load %arg12[%swap3A_2662] {strides = array<i32>} : memref<16xf32, #tpu.memory_space<vmem>>, vector<16xf32>,
    tpu.vector_store %arg12[%swap3A_2662], %add3A_2661 {strides = array<i32>} : memref<16xf32, #tpu.memory_space<vmem>>, vector<16xf32>,
    %sub3A_2664 = arith.constant 8 : i32
    %sub3A_2665 = vector.broadcast %sub3A_2664 : i32 to vector<16xi32>
    %sub3A_2666 = arith.subi %iota3A, %sub3A_2665 : vector<16xi32>
    %max3A_2667 = arith.constant 0 : i32
    %max3A_2668 = vector.broadcast %max3A_2667 : i32 to vector<16xi32>
    %max3A_2669 = arith.maxsi %sub3A_2666, %max3A_2668 : vector<16xi32>
    %gather3A_2670 = tpu.vector_load_idx %arg12[%max3A_2669] : memref<16xf32, #tpu.memory_space<vmem>>[vector<16xi32>], vector<16xf32>,
    %ge3A_2671 = arith.constant 8 : i32
    %ge3A_2672 = vector.broadcast %ge3A_2671 : i32 to vector<16xi32>
    %ge3A_2673 = arith.cmpi sge, %iota3A, %ge3A_2672 : vector<16xi32>
    %jit3A_2674 = arith.constant 0.000000e+00 : f32
    %broadcast_in_dim3A_2675 = vector.broadcast %jit3A_2674 : f32 to vector<16xf32>
    %select_n3A_2676 = arith.select %ge3A_2673, %gather3A_2670, %broadcast_in_dim3A_2675 : vector<16xi1>, vector<16xf32>
    %add3A_2677 = arith.addf %add3A_2661, %select_n3A_2676 : vector<16xf32>
    %swap3A_2678 = arith.constant 0 : index
    %swap3A_2679 = tpu.vector_load %arg12[%swap3A_2678] {strides = array<i32>} : memref<16xf32, #tpu.memory_space<vmem>>, vector<16xf32>,
    tpu.vector_store %arg12[%swap3A_2678], %add3A_2677 {strides = array<i32>} : memref<16xf32, #tpu.memory_space<vmem>>, vector<16xf32>,
    %gather3A_2680 = tpu.vector_load_idx %arg12[%add3A_8] : memref<16xf32, #tpu.memory_space<vmem>>[vector<16xi32>], vector<16xf32>,
    %add3A_2681 = arith.addf %add3A_2611, %add3A_2677 : vector<16xf32>
    %sub3A_2682 = arith.constant 1.000000e+00 : f32
    %sub3A_2683 = vector.broadcast %sub3A_2682 : f32 to vector<16xf32>
    %sub3A_2684 = arith.subf %add3A_2681, %sub3A_2683 : vector<16xf32>
    %convert_element_type3A_2685 = arith.fptosi %sub3A_2684 : vector<16xf32> to vector<16xi32>
    %gt3A_2686 = arith.constant 0.000000e+00 : f32
    %gt3A_2687 = vector.broadcast %gt3A_2686 : f32 to vector<16xf32>
    %gt3A_2688 = arith.cmpf ogt, %get3A_2613, %gt3A_2687 : vector<16xf32>
    %lt3A_2689 = arith.constant 2048 : i32
    %lt3A_2690 = vector.broadcast %lt3A_2689 : i32 to vector<16xi32>
    %lt3A_2691 = arith.cmpi slt, %convert_element_type3A_2685, %lt3A_2690 : vector<16xi32>
    %and3A_2692 = arith.andi %gt3A_2688, %lt3A_2691 : vector<16xi1>
    %add3A_2693 = arith.constant 2048 : i32
    %add3A_2694 = arith.addi %add3A_2693, %add3A : i32
    %broadcast_in_dim3A_2695 = vector.broadcast %add3A_2694 : i32 to vector<16xi32>
    %select_n3A_2696 = arith.select %and3A_2692, %convert_element_type3A_2685, %broadcast_in_dim3A_2695 : vector<16xi1>, vector<16xi32>
    %swap3A_2697 = arith.constant 3 : i32
    %swap3A_2698 = arith.index_cast %swap3A_2697 : i32 to index
    %swap3A_2699 = arith.constant 80 : index
    %swap3A_2700 = tpu.vector_load %arg9[%swap3A_2698, %swap3A_2699] {strides = array<i32>} : memref<5x128xi32, #tpu.memory_space<vmem>>, vector<16xi32>,
    tpu.vector_store %arg9[%swap3A_2698, %swap3A_2699], %select_n3A_2696 {strides = array<i32>} : memref<5x128xi32, #tpu.memory_space<vmem>>, vector<16xi32>,
    %add3A_2701 = arith.addf %add3A_2611, %gather3A_2680 : vector<16xf32>
    %get3A_2702 = arith.constant 480 : index
    %get3A_2703 = tpu.vector_load %arg7[%get3A_2702] {strides = array<i32>} : memref<640xf32, #tpu.memory_space<vmem>>, vector<16xf32>,
    %swap3A_2704 = arith.constant 0 : index
    %swap3A_2705 = tpu.vector_load %arg12[%swap3A_2704] {strides = array<i32>} : memref<16xf32, #tpu.memory_space<vmem>>, vector<16xf32>,
    tpu.vector_store %arg12[%swap3A_2704], %get3A_2703 {strides = array<i32>} : memref<16xf32, #tpu.memory_space<vmem>>, vector<16xf32>,
    %sub3A_2706 = arith.constant 1 : i32
    %sub3A_2707 = vector.broadcast %sub3A_2706 : i32 to vector<16xi32>
    %sub3A_2708 = arith.subi %iota3A, %sub3A_2707 : vector<16xi32>
    %max3A_2709 = arith.constant 0 : i32
    %max3A_2710 = vector.broadcast %max3A_2709 : i32 to vector<16xi32>
    %max3A_2711 = arith.maxsi %sub3A_2708, %max3A_2710 : vector<16xi32>
    %gather3A_2712 = tpu.vector_load_idx %arg12[%max3A_2711] : memref<16xf32, #tpu.memory_space<vmem>>[vector<16xi32>], vector<16xf32>,
    %ge3A_2713 = arith.constant 1 : i32
    %ge3A_2714 = vector.broadcast %ge3A_2713 : i32 to vector<16xi32>
    %ge3A_2715 = arith.cmpi sge, %iota3A, %ge3A_2714 : vector<16xi32>
    %jit3A_2716 = arith.constant 0.000000e+00 : f32
    %broadcast_in_dim3A_2717 = vector.broadcast %jit3A_2716 : f32 to vector<16xf32>
    %select_n3A_2718 = arith.select %ge3A_2715, %gather3A_2712, %broadcast_in_dim3A_2717 : vector<16xi1>, vector<16xf32>
    %add3A_2719 = arith.addf %get3A_2703, %select_n3A_2718 : vector<16xf32>
    %swap3A_2720 = arith.constant 0 : index
    %swap3A_2721 = tpu.vector_load %arg12[%swap3A_2720] {strides = array<i32>} : memref<16xf32, #tpu.memory_space<vmem>>, vector<16xf32>,
    tpu.vector_store %arg12[%swap3A_2720], %add3A_2719 {strides = array<i32>} : memref<16xf32, #tpu.memory_space<vmem>>, vector<16xf32>,
    %sub3A_2722 = arith.constant 2 : i32
    %sub3A_2723 = vector.broadcast %sub3A_2722 : i32 to vector<16xi32>
    %sub3A_2724 = arith.subi %iota3A, %sub3A_2723 : vector<16xi32>
    %max3A_2725 = arith.constant 0 : i32
    %max3A_2726 = vector.broadcast %max3A_2725 : i32 to vector<16xi32>
    %max3A_2727 = arith.maxsi %sub3A_2724, %max3A_2726 : vector<16xi32>
    %gather3A_2728 = tpu.vector_load_idx %arg12[%max3A_2727] : memref<16xf32, #tpu.memory_space<vmem>>[vector<16xi32>], vector<16xf32>,
    %ge3A_2729 = arith.constant 2 : i32
    %ge3A_2730 = vector.broadcast %ge3A_2729 : i32 to vector<16xi32>
    %ge3A_2731 = arith.cmpi sge, %iota3A, %ge3A_2730 : vector<16xi32>
    %jit3A_2732 = arith.constant 0.000000e+00 : f32
    %broadcast_in_dim3A_2733 = vector.broadcast %jit3A_2732 : f32 to vector<16xf32>
    %select_n3A_2734 = arith.select %ge3A_2731, %gather3A_2728, %broadcast_in_dim3A_2733 : vector<16xi1>, vector<16xf32>
    %add3A_2735 = arith.addf %add3A_2719, %select_n3A_2734 : vector<16xf32>
    %swap3A_2736 = arith.constant 0 : index
    %swap3A_2737 = tpu.vector_load %arg12[%swap3A_2736] {strides = array<i32>} : memref<16xf32, #tpu.memory_space<vmem>>, vector<16xf32>,
    tpu.vector_store %arg12[%swap3A_2736], %add3A_2735 {strides = array<i32>} : memref<16xf32, #tpu.memory_space<vmem>>, vector<16xf32>,
    %sub3A_2738 = arith.constant 4 : i32
    %sub3A_2739 = vector.broadcast %sub3A_2738 : i32 to vector<16xi32>
    %sub3A_2740 = arith.subi %iota3A, %sub3A_2739 : vector<16xi32>
    %max3A_2741 = arith.constant 0 : i32
    %max3A_2742 = vector.broadcast %max3A_2741 : i32 to vector<16xi32>
    %max3A_2743 = arith.maxsi %sub3A_2740, %max3A_2742 : vector<16xi32>
    %gather3A_2744 = tpu.vector_load_idx %arg12[%max3A_2743] : memref<16xf32, #tpu.memory_space<vmem>>[vector<16xi32>], vector<16xf32>,
    %ge3A_2745 = arith.constant 4 : i32
    %ge3A_2746 = vector.broadcast %ge3A_2745 : i32 to vector<16xi32>
    %ge3A_2747 = arith.cmpi sge, %iota3A, %ge3A_2746 : vector<16xi32>
    %jit3A_2748 = arith.constant 0.000000e+00 : f32
    %broadcast_in_dim3A_2749 = vector.broadcast %jit3A_2748 : f32 to vector<16xf32>
    %select_n3A_2750 = arith.select %ge3A_2747, %gather3A_2744, %broadcast_in_dim3A_2749 : vector<16xi1>, vector<16xf32>
    %add3A_2751 = arith.addf %add3A_2735, %select_n3A_2750 : vector<16xf32>
    %swap3A_2752 = arith.constant 0 : index
    %swap3A_2753 = tpu.vector_load %arg12[%swap3A_2752] {strides = array<i32>} : memref<16xf32, #tpu.memory_space<vmem>>, vector<16xf32>,
    tpu.vector_store %arg12[%swap3A_2752], %add3A_2751 {strides = array<i32>} : memref<16xf32, #tpu.memory_space<vmem>>, vector<16xf32>,
    %sub3A_2754 = arith.constant 8 : i32
    %sub3A_2755 = vector.broadcast %sub3A_2754 : i32 to vector<16xi32>
    %sub3A_2756 = arith.subi %iota3A, %sub3A_2755 : vector<16xi32>
    %max3A_2757 = arith.constant 0 : i32
    %max3A_2758 = vector.broadcast %max3A_2757 : i32 to vector<16xi32>
    %max3A_2759 = arith.maxsi %sub3A_2756, %max3A_2758 : vector<16xi32>
    %gather3A_2760 = tpu.vector_load_idx %arg12[%max3A_2759] : memref<16xf32, #tpu.memory_space<vmem>>[vector<16xi32>], vector<16xf32>,
    %ge3A_2761 = arith.constant 8 : i32
    %ge3A_2762 = vector.broadcast %ge3A_2761 : i32 to vector<16xi32>
    %ge3A_2763 = arith.cmpi sge, %iota3A, %ge3A_2762 : vector<16xi32>
    %jit3A_2764 = arith.constant 0.000000e+00 : f32
    %broadcast_in_dim3A_2765 = vector.broadcast %jit3A_2764 : f32 to vector<16xf32>
    %select_n3A_2766 = arith.select %ge3A_2763, %gather3A_2760, %broadcast_in_dim3A_2765 : vector<16xi1>, vector<16xf32>
    %add3A_2767 = arith.addf %add3A_2751, %select_n3A_2766 : vector<16xf32>
    %swap3A_2768 = arith.constant 0 : index
    %swap3A_2769 = tpu.vector_load %arg12[%swap3A_2768] {strides = array<i32>} : memref<16xf32, #tpu.memory_space<vmem>>, vector<16xf32>,
    tpu.vector_store %arg12[%swap3A_2768], %add3A_2767 {strides = array<i32>} : memref<16xf32, #tpu.memory_space<vmem>>, vector<16xf32>,
    %gather3A_2770 = tpu.vector_load_idx %arg12[%add3A_8] : memref<16xf32, #tpu.memory_space<vmem>>[vector<16xi32>], vector<16xf32>,
    %add3A_2771 = arith.addf %add3A_2701, %add3A_2767 : vector<16xf32>
    %sub3A_2772 = arith.constant 1.000000e+00 : f32
    %sub3A_2773 = vector.broadcast %sub3A_2772 : f32 to vector<16xf32>
    %sub3A_2774 = arith.subf %add3A_2771, %sub3A_2773 : vector<16xf32>
    %convert_element_type3A_2775 = arith.fptosi %sub3A_2774 : vector<16xf32> to vector<16xi32>
    %gt3A_2776 = arith.constant 0.000000e+00 : f32
    %gt3A_2777 = vector.broadcast %gt3A_2776 : f32 to vector<16xf32>
    %gt3A_2778 = arith.cmpf ogt, %get3A_2703, %gt3A_2777 : vector<16xf32>
    %lt3A_2779 = arith.constant 2048 : i32
    %lt3A_2780 = vector.broadcast %lt3A_2779 : i32 to vector<16xi32>
    %lt3A_2781 = arith.cmpi slt, %convert_element_type3A_2775, %lt3A_2780 : vector<16xi32>
    %and3A_2782 = arith.andi %gt3A_2778, %lt3A_2781 : vector<16xi1>
    %add3A_2783 = arith.constant 2048 : i32
    %add3A_2784 = arith.addi %add3A_2783, %add3A : i32
    %broadcast_in_dim3A_2785 = vector.broadcast %add3A_2784 : i32 to vector<16xi32>
    %select_n3A_2786 = arith.select %and3A_2782, %convert_element_type3A_2775, %broadcast_in_dim3A_2785 : vector<16xi1>, vector<16xi32>
    %swap3A_2787 = arith.constant 3 : i32
    %swap3A_2788 = arith.index_cast %swap3A_2787 : i32 to index
    %swap3A_2789 = arith.constant 96 : index
    %swap3A_2790 = tpu.vector_load %arg9[%swap3A_2788, %swap3A_2789] {strides = array<i32>} : memref<5x128xi32, #tpu.memory_space<vmem>>, vector<16xi32>,
    tpu.vector_store %arg9[%swap3A_2788, %swap3A_2789], %select_n3A_2786 {strides = array<i32>} : memref<5x128xi32, #tpu.memory_space<vmem>>, vector<16xi32>,
    %add3A_2791 = arith.addf %add3A_2701, %gather3A_2770 : vector<16xf32>
    %get3A_2792 = arith.constant 496 : index
    %get3A_2793 = tpu.vector_load %arg7[%get3A_2792] {strides = array<i32>} : memref<640xf32, #tpu.memory_space<vmem>>, vector<16xf32>,
    %swap3A_2794 = arith.constant 0 : index
    %swap3A_2795 = tpu.vector_load %arg12[%swap3A_2794] {strides = array<i32>} : memref<16xf32, #tpu.memory_space<vmem>>, vector<16xf32>,
    tpu.vector_store %arg12[%swap3A_2794], %get3A_2793 {strides = array<i32>} : memref<16xf32, #tpu.memory_space<vmem>>, vector<16xf32>,
    %sub3A_2796 = arith.constant 1 : i32
    %sub3A_2797 = vector.broadcast %sub3A_2796 : i32 to vector<16xi32>
    %sub3A_2798 = arith.subi %iota3A, %sub3A_2797 : vector<16xi32>
    %max3A_2799 = arith.constant 0 : i32
    %max3A_2800 = vector.broadcast %max3A_2799 : i32 to vector<16xi32>
    %max3A_2801 = arith.maxsi %sub3A_2798, %max3A_2800 : vector<16xi32>
    %gather3A_2802 = tpu.vector_load_idx %arg12[%max3A_2801] : memref<16xf32, #tpu.memory_space<vmem>>[vector<16xi32>], vector<16xf32>,
    %ge3A_2803 = arith.constant 1 : i32
    %ge3A_2804 = vector.broadcast %ge3A_2803 : i32 to vector<16xi32>
    %ge3A_2805 = arith.cmpi sge, %iota3A, %ge3A_2804 : vector<16xi32>
    %jit3A_2806 = arith.constant 0.000000e+00 : f32
    %broadcast_in_dim3A_2807 = vector.broadcast %jit3A_2806 : f32 to vector<16xf32>
    %select_n3A_2808 = arith.select %ge3A_2805, %gather3A_2802, %broadcast_in_dim3A_2807 : vector<16xi1>, vector<16xf32>
    %add3A_2809 = arith.addf %get3A_2793, %select_n3A_2808 : vector<16xf32>
    %swap3A_2810 = arith.constant 0 : index
    %swap3A_2811 = tpu.vector_load %arg12[%swap3A_2810] {strides = array<i32>} : memref<16xf32, #tpu.memory_space<vmem>>, vector<16xf32>,
    tpu.vector_store %arg12[%swap3A_2810], %add3A_2809 {strides = array<i32>} : memref<16xf32, #tpu.memory_space<vmem>>, vector<16xf32>,
    %sub3A_2812 = arith.constant 2 : i32
    %sub3A_2813 = vector.broadcast %sub3A_2812 : i32 to vector<16xi32>
    %sub3A_2814 = arith.subi %iota3A, %sub3A_2813 : vector<16xi32>
    %max3A_2815 = arith.constant 0 : i32
    %max3A_2816 = vector.broadcast %max3A_2815 : i32 to vector<16xi32>
    %max3A_2817 = arith.maxsi %sub3A_2814, %max3A_2816 : vector<16xi32>
    %gather3A_2818 = tpu.vector_load_idx %arg12[%max3A_2817] : memref<16xf32, #tpu.memory_space<vmem>>[vector<16xi32>], vector<16xf32>,
    %ge3A_2819 = arith.constant 2 : i32
    %ge3A_2820 = vector.broadcast %ge3A_2819 : i32 to vector<16xi32>
    %ge3A_2821 = arith.cmpi sge, %iota3A, %ge3A_2820 : vector<16xi32>
    %jit3A_2822 = arith.constant 0.000000e+00 : f32
    %broadcast_in_dim3A_2823 = vector.broadcast %jit3A_2822 : f32 to vector<16xf32>
    %select_n3A_2824 = arith.select %ge3A_2821, %gather3A_2818, %broadcast_in_dim3A_2823 : vector<16xi1>, vector<16xf32>
    %add3A_2825 = arith.addf %add3A_2809, %select_n3A_2824 : vector<16xf32>
    %swap3A_2826 = arith.constant 0 : index
    %swap3A_2827 = tpu.vector_load %arg12[%swap3A_2826] {strides = array<i32>} : memref<16xf32, #tpu.memory_space<vmem>>, vector<16xf32>,
    tpu.vector_store %arg12[%swap3A_2826], %add3A_2825 {strides = array<i32>} : memref<16xf32, #tpu.memory_space<vmem>>, vector<16xf32>,
    %sub3A_2828 = arith.constant 4 : i32
    %sub3A_2829 = vector.broadcast %sub3A_2828 : i32 to vector<16xi32>
    %sub3A_2830 = arith.subi %iota3A, %sub3A_2829 : vector<16xi32>
    %max3A_2831 = arith.constant 0 : i32
    %max3A_2832 = vector.broadcast %max3A_2831 : i32 to vector<16xi32>
    %max3A_2833 = arith.maxsi %sub3A_2830, %max3A_2832 : vector<16xi32>
    %gather3A_2834 = tpu.vector_load_idx %arg12[%max3A_2833] : memref<16xf32, #tpu.memory_space<vmem>>[vector<16xi32>], vector<16xf32>,
    %ge3A_2835 = arith.constant 4 : i32
    %ge3A_2836 = vector.broadcast %ge3A_2835 : i32 to vector<16xi32>
    %ge3A_2837 = arith.cmpi sge, %iota3A, %ge3A_2836 : vector<16xi32>
    %jit3A_2838 = arith.constant 0.000000e+00 : f32
    %broadcast_in_dim3A_2839 = vector.broadcast %jit3A_2838 : f32 to vector<16xf32>
    %select_n3A_2840 = arith.select %ge3A_2837, %gather3A_2834, %broadcast_in_dim3A_2839 : vector<16xi1>, vector<16xf32>
    %add3A_2841 = arith.addf %add3A_2825, %select_n3A_2840 : vector<16xf32>
    %swap3A_2842 = arith.constant 0 : index
    %swap3A_2843 = tpu.vector_load %arg12[%swap3A_2842] {strides = array<i32>} : memref<16xf32, #tpu.memory_space<vmem>>, vector<16xf32>,
    tpu.vector_store %arg12[%swap3A_2842], %add3A_2841 {strides = array<i32>} : memref<16xf32, #tpu.memory_space<vmem>>, vector<16xf32>,
    %sub3A_2844 = arith.constant 8 : i32
    %sub3A_2845 = vector.broadcast %sub3A_2844 : i32 to vector<16xi32>
    %sub3A_2846 = arith.subi %iota3A, %sub3A_2845 : vector<16xi32>
    %max3A_2847 = arith.constant 0 : i32
    %max3A_2848 = vector.broadcast %max3A_2847 : i32 to vector<16xi32>
    %max3A_2849 = arith.maxsi %sub3A_2846, %max3A_2848 : vector<16xi32>
    %gather3A_2850 = tpu.vector_load_idx %arg12[%max3A_2849] : memref<16xf32, #tpu.memory_space<vmem>>[vector<16xi32>], vector<16xf32>,
    %ge3A_2851 = arith.constant 8 : i32
    %ge3A_2852 = vector.broadcast %ge3A_2851 : i32 to vector<16xi32>
    %ge3A_2853 = arith.cmpi sge, %iota3A, %ge3A_2852 : vector<16xi32>
    %jit3A_2854 = arith.constant 0.000000e+00 : f32
    %broadcast_in_dim3A_2855 = vector.broadcast %jit3A_2854 : f32 to vector<16xf32>
    %select_n3A_2856 = arith.select %ge3A_2853, %gather3A_2850, %broadcast_in_dim3A_2855 : vector<16xi1>, vector<16xf32>
    %add3A_2857 = arith.addf %add3A_2841, %select_n3A_2856 : vector<16xf32>
    %swap3A_2858 = arith.constant 0 : index
    %swap3A_2859 = tpu.vector_load %arg12[%swap3A_2858] {strides = array<i32>} : memref<16xf32, #tpu.memory_space<vmem>>, vector<16xf32>,
    tpu.vector_store %arg12[%swap3A_2858], %add3A_2857 {strides = array<i32>} : memref<16xf32, #tpu.memory_space<vmem>>, vector<16xf32>,
    %gather3A_2860 = tpu.vector_load_idx %arg12[%add3A_8] : memref<16xf32, #tpu.memory_space<vmem>>[vector<16xi32>], vector<16xf32>,
    %add3A_2861 = arith.addf %add3A_2791, %add3A_2857 : vector<16xf32>
    %sub3A_2862 = arith.constant 1.000000e+00 : f32
    %sub3A_2863 = vector.broadcast %sub3A_2862 : f32 to vector<16xf32>
    %sub3A_2864 = arith.subf %add3A_2861, %sub3A_2863 : vector<16xf32>
    %convert_element_type3A_2865 = arith.fptosi %sub3A_2864 : vector<16xf32> to vector<16xi32>
    %gt3A_2866 = arith.constant 0.000000e+00 : f32
    %gt3A_2867 = vector.broadcast %gt3A_2866 : f32 to vector<16xf32>
    %gt3A_2868 = arith.cmpf ogt, %get3A_2793, %gt3A_2867 : vector<16xf32>
    %lt3A_2869 = arith.constant 2048 : i32
    %lt3A_2870 = vector.broadcast %lt3A_2869 : i32 to vector<16xi32>
    %lt3A_2871 = arith.cmpi slt, %convert_element_type3A_2865, %lt3A_2870 : vector<16xi32>
    %and3A_2872 = arith.andi %gt3A_2868, %lt3A_2871 : vector<16xi1>
    %add3A_2873 = arith.constant 2048 : i32
    %add3A_2874 = arith.addi %add3A_2873, %add3A : i32
    %broadcast_in_dim3A_2875 = vector.broadcast %add3A_2874 : i32 to vector<16xi32>
    %select_n3A_2876 = arith.select %and3A_2872, %convert_element_type3A_2865, %broadcast_in_dim3A_2875 : vector<16xi1>, vector<16xi32>
    %swap3A_2877 = arith.constant 3 : i32
    %swap3A_2878 = arith.index_cast %swap3A_2877 : i32 to index
    %swap3A_2879 = arith.constant 112 : index
    %swap3A_2880 = tpu.vector_load %arg9[%swap3A_2878, %swap3A_2879] {strides = array<i32>} : memref<5x128xi32, #tpu.memory_space<vmem>>, vector<16xi32>,
    tpu.vector_store %arg9[%swap3A_2878, %swap3A_2879], %select_n3A_2876 {strides = array<i32>} : memref<5x128xi32, #tpu.memory_space<vmem>>, vector<16xi32>,
    %add3A_2881 = arith.addf %add3A_2791, %gather3A_2860 : vector<16xf32>
    %get3A_2882 = arith.constant 512 : index
    %get3A_2883 = tpu.vector_load %arg7[%get3A_2882] {strides = array<i32>} : memref<640xf32, #tpu.memory_space<vmem>>, vector<16xf32>,
    %swap3A_2884 = arith.constant 0 : index
    %swap3A_2885 = tpu.vector_load %arg12[%swap3A_2884] {strides = array<i32>} : memref<16xf32, #tpu.memory_space<vmem>>, vector<16xf32>,
    tpu.vector_store %arg12[%swap3A_2884], %get3A_2883 {strides = array<i32>} : memref<16xf32, #tpu.memory_space<vmem>>, vector<16xf32>,
    %sub3A_2886 = arith.constant 1 : i32
    %sub3A_2887 = vector.broadcast %sub3A_2886 : i32 to vector<16xi32>
    %sub3A_2888 = arith.subi %iota3A, %sub3A_2887 : vector<16xi32>
    %max3A_2889 = arith.constant 0 : i32
    %max3A_2890 = vector.broadcast %max3A_2889 : i32 to vector<16xi32>
    %max3A_2891 = arith.maxsi %sub3A_2888, %max3A_2890 : vector<16xi32>
    %gather3A_2892 = tpu.vector_load_idx %arg12[%max3A_2891] : memref<16xf32, #tpu.memory_space<vmem>>[vector<16xi32>], vector<16xf32>,
    %ge3A_2893 = arith.constant 1 : i32
    %ge3A_2894 = vector.broadcast %ge3A_2893 : i32 to vector<16xi32>
    %ge3A_2895 = arith.cmpi sge, %iota3A, %ge3A_2894 : vector<16xi32>
    %jit3A_2896 = arith.constant 0.000000e+00 : f32
    %broadcast_in_dim3A_2897 = vector.broadcast %jit3A_2896 : f32 to vector<16xf32>
    %select_n3A_2898 = arith.select %ge3A_2895, %gather3A_2892, %broadcast_in_dim3A_2897 : vector<16xi1>, vector<16xf32>
    %add3A_2899 = arith.addf %get3A_2883, %select_n3A_2898 : vector<16xf32>
    %swap3A_2900 = arith.constant 0 : index
    %swap3A_2901 = tpu.vector_load %arg12[%swap3A_2900] {strides = array<i32>} : memref<16xf32, #tpu.memory_space<vmem>>, vector<16xf32>,
    tpu.vector_store %arg12[%swap3A_2900], %add3A_2899 {strides = array<i32>} : memref<16xf32, #tpu.memory_space<vmem>>, vector<16xf32>,
    %sub3A_2902 = arith.constant 2 : i32
    %sub3A_2903 = vector.broadcast %sub3A_2902 : i32 to vector<16xi32>
    %sub3A_2904 = arith.subi %iota3A, %sub3A_2903 : vector<16xi32>
    %max3A_2905 = arith.constant 0 : i32
    %max3A_2906 = vector.broadcast %max3A_2905 : i32 to vector<16xi32>
    %max3A_2907 = arith.maxsi %sub3A_2904, %max3A_2906 : vector<16xi32>
    %gather3A_2908 = tpu.vector_load_idx %arg12[%max3A_2907] : memref<16xf32, #tpu.memory_space<vmem>>[vector<16xi32>], vector<16xf32>,
    %ge3A_2909 = arith.constant 2 : i32
    %ge3A_2910 = vector.broadcast %ge3A_2909 : i32 to vector<16xi32>
    %ge3A_2911 = arith.cmpi sge, %iota3A, %ge3A_2910 : vector<16xi32>
    %jit3A_2912 = arith.constant 0.000000e+00 : f32
    %broadcast_in_dim3A_2913 = vector.broadcast %jit3A_2912 : f32 to vector<16xf32>
    %select_n3A_2914 = arith.select %ge3A_2911, %gather3A_2908, %broadcast_in_dim3A_2913 : vector<16xi1>, vector<16xf32>
    %add3A_2915 = arith.addf %add3A_2899, %select_n3A_2914 : vector<16xf32>
    %swap3A_2916 = arith.constant 0 : index
    %swap3A_2917 = tpu.vector_load %arg12[%swap3A_2916] {strides = array<i32>} : memref<16xf32, #tpu.memory_space<vmem>>, vector<16xf32>,
    tpu.vector_store %arg12[%swap3A_2916], %add3A_2915 {strides = array<i32>} : memref<16xf32, #tpu.memory_space<vmem>>, vector<16xf32>,
    %sub3A_2918 = arith.constant 4 : i32
    %sub3A_2919 = vector.broadcast %sub3A_2918 : i32 to vector<16xi32>
    %sub3A_2920 = arith.subi %iota3A, %sub3A_2919 : vector<16xi32>
    %max3A_2921 = arith.constant 0 : i32
    %max3A_2922 = vector.broadcast %max3A_2921 : i32 to vector<16xi32>
    %max3A_2923 = arith.maxsi %sub3A_2920, %max3A_2922 : vector<16xi32>
    %gather3A_2924 = tpu.vector_load_idx %arg12[%max3A_2923] : memref<16xf32, #tpu.memory_space<vmem>>[vector<16xi32>], vector<16xf32>,
    %ge3A_2925 = arith.constant 4 : i32
    %ge3A_2926 = vector.broadcast %ge3A_2925 : i32 to vector<16xi32>
    %ge3A_2927 = arith.cmpi sge, %iota3A, %ge3A_2926 : vector<16xi32>
    %jit3A_2928 = arith.constant 0.000000e+00 : f32
    %broadcast_in_dim3A_2929 = vector.broadcast %jit3A_2928 : f32 to vector<16xf32>
    %select_n3A_2930 = arith.select %ge3A_2927, %gather3A_2924, %broadcast_in_dim3A_2929 : vector<16xi1>, vector<16xf32>
    %add3A_2931 = arith.addf %add3A_2915, %select_n3A_2930 : vector<16xf32>
    %swap3A_2932 = arith.constant 0 : index
    %swap3A_2933 = tpu.vector_load %arg12[%swap3A_2932] {strides = array<i32>} : memref<16xf32, #tpu.memory_space<vmem>>, vector<16xf32>,
    tpu.vector_store %arg12[%swap3A_2932], %add3A_2931 {strides = array<i32>} : memref<16xf32, #tpu.memory_space<vmem>>, vector<16xf32>,
    %sub3A_2934 = arith.constant 8 : i32
    %sub3A_2935 = vector.broadcast %sub3A_2934 : i32 to vector<16xi32>
    %sub3A_2936 = arith.subi %iota3A, %sub3A_2935 : vector<16xi32>
    %max3A_2937 = arith.constant 0 : i32
    %max3A_2938 = vector.broadcast %max3A_2937 : i32 to vector<16xi32>
    %max3A_2939 = arith.maxsi %sub3A_2936, %max3A_2938 : vector<16xi32>
    %gather3A_2940 = tpu.vector_load_idx %arg12[%max3A_2939] : memref<16xf32, #tpu.memory_space<vmem>>[vector<16xi32>], vector<16xf32>,
    %ge3A_2941 = arith.constant 8 : i32
    %ge3A_2942 = vector.broadcast %ge3A_2941 : i32 to vector<16xi32>
    %ge3A_2943 = arith.cmpi sge, %iota3A, %ge3A_2942 : vector<16xi32>
    %jit3A_2944 = arith.constant 0.000000e+00 : f32
    %broadcast_in_dim3A_2945 = vector.broadcast %jit3A_2944 : f32 to vector<16xf32>
    %select_n3A_2946 = arith.select %ge3A_2943, %gather3A_2940, %broadcast_in_dim3A_2945 : vector<16xi1>, vector<16xf32>
    %add3A_2947 = arith.addf %add3A_2931, %select_n3A_2946 : vector<16xf32>
    %swap3A_2948 = arith.constant 0 : index
    %swap3A_2949 = tpu.vector_load %arg12[%swap3A_2948] {strides = array<i32>} : memref<16xf32, #tpu.memory_space<vmem>>, vector<16xf32>,
    tpu.vector_store %arg12[%swap3A_2948], %add3A_2947 {strides = array<i32>} : memref<16xf32, #tpu.memory_space<vmem>>, vector<16xf32>,
    %gather3A_2950 = tpu.vector_load_idx %arg12[%add3A_8] : memref<16xf32, #tpu.memory_space<vmem>>[vector<16xi32>], vector<16xf32>,
    %add3A_2951 = arith.addf %add3A_2881, %add3A_2947 : vector<16xf32>
    %sub3A_2952 = arith.constant 1.000000e+00 : f32
    %sub3A_2953 = vector.broadcast %sub3A_2952 : f32 to vector<16xf32>
    %sub3A_2954 = arith.subf %add3A_2951, %sub3A_2953 : vector<16xf32>
    %convert_element_type3A_2955 = arith.fptosi %sub3A_2954 : vector<16xf32> to vector<16xi32>
    %gt3A_2956 = arith.constant 0.000000e+00 : f32
    %gt3A_2957 = vector.broadcast %gt3A_2956 : f32 to vector<16xf32>
    %gt3A_2958 = arith.cmpf ogt, %get3A_2883, %gt3A_2957 : vector<16xf32>
    %lt3A_2959 = arith.constant 2048 : i32
    %lt3A_2960 = vector.broadcast %lt3A_2959 : i32 to vector<16xi32>
    %lt3A_2961 = arith.cmpi slt, %convert_element_type3A_2955, %lt3A_2960 : vector<16xi32>
    %and3A_2962 = arith.andi %gt3A_2958, %lt3A_2961 : vector<16xi1>
    %add3A_2963 = arith.constant 2048 : i32
    %add3A_2964 = arith.addi %add3A_2963, %add3A : i32
    %broadcast_in_dim3A_2965 = vector.broadcast %add3A_2964 : i32 to vector<16xi32>
    %select_n3A_2966 = arith.select %and3A_2962, %convert_element_type3A_2955, %broadcast_in_dim3A_2965 : vector<16xi1>, vector<16xi32>
    %swap3A_2967 = arith.constant 4 : i32
    %swap3A_2968 = arith.index_cast %swap3A_2967 : i32 to index
    %swap3A_2969 = arith.constant 0 : index
    %swap3A_2970 = tpu.vector_load %arg9[%swap3A_2968, %swap3A_2969] {strides = array<i32>} : memref<5x128xi32, #tpu.memory_space<vmem>>, vector<16xi32>,
    tpu.vector_store %arg9[%swap3A_2968, %swap3A_2969], %select_n3A_2966 {strides = array<i32>} : memref<5x128xi32, #tpu.memory_space<vmem>>, vector<16xi32>,
    %add3A_2971 = arith.addf %add3A_2881, %gather3A_2950 : vector<16xf32>
    %get3A_2972 = arith.constant 528 : index
    %get3A_2973 = tpu.vector_load %arg7[%get3A_2972] {strides = array<i32>} : memref<640xf32, #tpu.memory_space<vmem>>, vector<16xf32>,
    %swap3A_2974 = arith.constant 0 : index
    %swap3A_2975 = tpu.vector_load %arg12[%swap3A_2974] {strides = array<i32>} : memref<16xf32, #tpu.memory_space<vmem>>, vector<16xf32>,
    tpu.vector_store %arg12[%swap3A_2974], %get3A_2973 {strides = array<i32>} : memref<16xf32, #tpu.memory_space<vmem>>, vector<16xf32>,
    %sub3A_2976 = arith.constant 1 : i32
    %sub3A_2977 = vector.broadcast %sub3A_2976 : i32 to vector<16xi32>
    %sub3A_2978 = arith.subi %iota3A, %sub3A_2977 : vector<16xi32>
    %max3A_2979 = arith.constant 0 : i32
    %max3A_2980 = vector.broadcast %max3A_2979 : i32 to vector<16xi32>
    %max3A_2981 = arith.maxsi %sub3A_2978, %max3A_2980 : vector<16xi32>
    %gather3A_2982 = tpu.vector_load_idx %arg12[%max3A_2981] : memref<16xf32, #tpu.memory_space<vmem>>[vector<16xi32>], vector<16xf32>,
    %ge3A_2983 = arith.constant 1 : i32
    %ge3A_2984 = vector.broadcast %ge3A_2983 : i32 to vector<16xi32>
    %ge3A_2985 = arith.cmpi sge, %iota3A, %ge3A_2984 : vector<16xi32>
    %jit3A_2986 = arith.constant 0.000000e+00 : f32
    %broadcast_in_dim3A_2987 = vector.broadcast %jit3A_2986 : f32 to vector<16xf32>
    %select_n3A_2988 = arith.select %ge3A_2985, %gather3A_2982, %broadcast_in_dim3A_2987 : vector<16xi1>, vector<16xf32>
    %add3A_2989 = arith.addf %get3A_2973, %select_n3A_2988 : vector<16xf32>
    %swap3A_2990 = arith.constant 0 : index
    %swap3A_2991 = tpu.vector_load %arg12[%swap3A_2990] {strides = array<i32>} : memref<16xf32, #tpu.memory_space<vmem>>, vector<16xf32>,
    tpu.vector_store %arg12[%swap3A_2990], %add3A_2989 {strides = array<i32>} : memref<16xf32, #tpu.memory_space<vmem>>, vector<16xf32>,
    %sub3A_2992 = arith.constant 2 : i32
    %sub3A_2993 = vector.broadcast %sub3A_2992 : i32 to vector<16xi32>
    %sub3A_2994 = arith.subi %iota3A, %sub3A_2993 : vector<16xi32>
    %max3A_2995 = arith.constant 0 : i32
    %max3A_2996 = vector.broadcast %max3A_2995 : i32 to vector<16xi32>
    %max3A_2997 = arith.maxsi %sub3A_2994, %max3A_2996 : vector<16xi32>
    %gather3A_2998 = tpu.vector_load_idx %arg12[%max3A_2997] : memref<16xf32, #tpu.memory_space<vmem>>[vector<16xi32>], vector<16xf32>,
    %ge3A_2999 = arith.constant 2 : i32
    %ge3A_3000 = vector.broadcast %ge3A_2999 : i32 to vector<16xi32>
    %ge3A_3001 = arith.cmpi sge, %iota3A, %ge3A_3000 : vector<16xi32>
    %jit3A_3002 = arith.constant 0.000000e+00 : f32
    %broadcast_in_dim3A_3003 = vector.broadcast %jit3A_3002 : f32 to vector<16xf32>
    %select_n3A_3004 = arith.select %ge3A_3001, %gather3A_2998, %broadcast_in_dim3A_3003 : vector<16xi1>, vector<16xf32>
    %add3A_3005 = arith.addf %add3A_2989, %select_n3A_3004 : vector<16xf32>
    %swap3A_3006 = arith.constant 0 : index
    %swap3A_3007 = tpu.vector_load %arg12[%swap3A_3006] {strides = array<i32>} : memref<16xf32, #tpu.memory_space<vmem>>, vector<16xf32>,
    tpu.vector_store %arg12[%swap3A_3006], %add3A_3005 {strides = array<i32>} : memref<16xf32, #tpu.memory_space<vmem>>, vector<16xf32>,
    %sub3A_3008 = arith.constant 4 : i32
    %sub3A_3009 = vector.broadcast %sub3A_3008 : i32 to vector<16xi32>
    %sub3A_3010 = arith.subi %iota3A, %sub3A_3009 : vector<16xi32>
    %max3A_3011 = arith.constant 0 : i32
    %max3A_3012 = vector.broadcast %max3A_3011 : i32 to vector<16xi32>
    %max3A_3013 = arith.maxsi %sub3A_3010, %max3A_3012 : vector<16xi32>
    %gather3A_3014 = tpu.vector_load_idx %arg12[%max3A_3013] : memref<16xf32, #tpu.memory_space<vmem>>[vector<16xi32>], vector<16xf32>,
    %ge3A_3015 = arith.constant 4 : i32
    %ge3A_3016 = vector.broadcast %ge3A_3015 : i32 to vector<16xi32>
    %ge3A_3017 = arith.cmpi sge, %iota3A, %ge3A_3016 : vector<16xi32>
    %jit3A_3018 = arith.constant 0.000000e+00 : f32
    %broadcast_in_dim3A_3019 = vector.broadcast %jit3A_3018 : f32 to vector<16xf32>
    %select_n3A_3020 = arith.select %ge3A_3017, %gather3A_3014, %broadcast_in_dim3A_3019 : vector<16xi1>, vector<16xf32>
    %add3A_3021 = arith.addf %add3A_3005, %select_n3A_3020 : vector<16xf32>
    %swap3A_3022 = arith.constant 0 : index
    %swap3A_3023 = tpu.vector_load %arg12[%swap3A_3022] {strides = array<i32>} : memref<16xf32, #tpu.memory_space<vmem>>, vector<16xf32>,
    tpu.vector_store %arg12[%swap3A_3022], %add3A_3021 {strides = array<i32>} : memref<16xf32, #tpu.memory_space<vmem>>, vector<16xf32>,
    %sub3A_3024 = arith.constant 8 : i32
    %sub3A_3025 = vector.broadcast %sub3A_3024 : i32 to vector<16xi32>
    %sub3A_3026 = arith.subi %iota3A, %sub3A_3025 : vector<16xi32>
    %max3A_3027 = arith.constant 0 : i32
    %max3A_3028 = vector.broadcast %max3A_3027 : i32 to vector<16xi32>
    %max3A_3029 = arith.maxsi %sub3A_3026, %max3A_3028 : vector<16xi32>
    %gather3A_3030 = tpu.vector_load_idx %arg12[%max3A_3029] : memref<16xf32, #tpu.memory_space<vmem>>[vector<16xi32>], vector<16xf32>,
    %ge3A_3031 = arith.constant 8 : i32
    %ge3A_3032 = vector.broadcast %ge3A_3031 : i32 to vector<16xi32>
    %ge3A_3033 = arith.cmpi sge, %iota3A, %ge3A_3032 : vector<16xi32>
    %jit3A_3034 = arith.constant 0.000000e+00 : f32
    %broadcast_in_dim3A_3035 = vector.broadcast %jit3A_3034 : f32 to vector<16xf32>
    %select_n3A_3036 = arith.select %ge3A_3033, %gather3A_3030, %broadcast_in_dim3A_3035 : vector<16xi1>, vector<16xf32>
    %add3A_3037 = arith.addf %add3A_3021, %select_n3A_3036 : vector<16xf32>
    %swap3A_3038 = arith.constant 0 : index
    %swap3A_3039 = tpu.vector_load %arg12[%swap3A_3038] {strides = array<i32>} : memref<16xf32, #tpu.memory_space<vmem>>, vector<16xf32>,
    tpu.vector_store %arg12[%swap3A_3038], %add3A_3037 {strides = array<i32>} : memref<16xf32, #tpu.memory_space<vmem>>, vector<16xf32>,
    %gather3A_3040 = tpu.vector_load_idx %arg12[%add3A_8] : memref<16xf32, #tpu.memory_space<vmem>>[vector<16xi32>], vector<16xf32>,
    %add3A_3041 = arith.addf %add3A_2971, %add3A_3037 : vector<16xf32>
    %sub3A_3042 = arith.constant 1.000000e+00 : f32
    %sub3A_3043 = vector.broadcast %sub3A_3042 : f32 to vector<16xf32>
    %sub3A_3044 = arith.subf %add3A_3041, %sub3A_3043 : vector<16xf32>
    %convert_element_type3A_3045 = arith.fptosi %sub3A_3044 : vector<16xf32> to vector<16xi32>
    %gt3A_3046 = arith.constant 0.000000e+00 : f32
    %gt3A_3047 = vector.broadcast %gt3A_3046 : f32 to vector<16xf32>
    %gt3A_3048 = arith.cmpf ogt, %get3A_2973, %gt3A_3047 : vector<16xf32>
    %lt3A_3049 = arith.constant 2048 : i32
    %lt3A_3050 = vector.broadcast %lt3A_3049 : i32 to vector<16xi32>
    %lt3A_3051 = arith.cmpi slt, %convert_element_type3A_3045, %lt3A_3050 : vector<16xi32>
    %and3A_3052 = arith.andi %gt3A_3048, %lt3A_3051 : vector<16xi1>
    %add3A_3053 = arith.constant 2048 : i32
    %add3A_3054 = arith.addi %add3A_3053, %add3A : i32
    %broadcast_in_dim3A_3055 = vector.broadcast %add3A_3054 : i32 to vector<16xi32>
    %select_n3A_3056 = arith.select %and3A_3052, %convert_element_type3A_3045, %broadcast_in_dim3A_3055 : vector<16xi1>, vector<16xi32>
    %swap3A_3057 = arith.constant 4 : i32
    %swap3A_3058 = arith.index_cast %swap3A_3057 : i32 to index
    %swap3A_3059 = arith.constant 16 : index
    %swap3A_3060 = tpu.vector_load %arg9[%swap3A_3058, %swap3A_3059] {strides = array<i32>} : memref<5x128xi32, #tpu.memory_space<vmem>>, vector<16xi32>,
    tpu.vector_store %arg9[%swap3A_3058, %swap3A_3059], %select_n3A_3056 {strides = array<i32>} : memref<5x128xi32, #tpu.memory_space<vmem>>, vector<16xi32>,
    %add3A_3061 = arith.addf %add3A_2971, %gather3A_3040 : vector<16xf32>
    %get3A_3062 = arith.constant 544 : index
    %get3A_3063 = tpu.vector_load %arg7[%get3A_3062] {strides = array<i32>} : memref<640xf32, #tpu.memory_space<vmem>>, vector<16xf32>,
    %swap3A_3064 = arith.constant 0 : index
    %swap3A_3065 = tpu.vector_load %arg12[%swap3A_3064] {strides = array<i32>} : memref<16xf32, #tpu.memory_space<vmem>>, vector<16xf32>,
    tpu.vector_store %arg12[%swap3A_3064], %get3A_3063 {strides = array<i32>} : memref<16xf32, #tpu.memory_space<vmem>>, vector<16xf32>,
    %sub3A_3066 = arith.constant 1 : i32
    %sub3A_3067 = vector.broadcast %sub3A_3066 : i32 to vector<16xi32>
    %sub3A_3068 = arith.subi %iota3A, %sub3A_3067 : vector<16xi32>
    %max3A_3069 = arith.constant 0 : i32
    %max3A_3070 = vector.broadcast %max3A_3069 : i32 to vector<16xi32>
    %max3A_3071 = arith.maxsi %sub3A_3068, %max3A_3070 : vector<16xi32>
    %gather3A_3072 = tpu.vector_load_idx %arg12[%max3A_3071] : memref<16xf32, #tpu.memory_space<vmem>>[vector<16xi32>], vector<16xf32>,
    %ge3A_3073 = arith.constant 1 : i32
    %ge3A_3074 = vector.broadcast %ge3A_3073 : i32 to vector<16xi32>
    %ge3A_3075 = arith.cmpi sge, %iota3A, %ge3A_3074 : vector<16xi32>
    %jit3A_3076 = arith.constant 0.000000e+00 : f32
    %broadcast_in_dim3A_3077 = vector.broadcast %jit3A_3076 : f32 to vector<16xf32>
    %select_n3A_3078 = arith.select %ge3A_3075, %gather3A_3072, %broadcast_in_dim3A_3077 : vector<16xi1>, vector<16xf32>
    %add3A_3079 = arith.addf %get3A_3063, %select_n3A_3078 : vector<16xf32>
    %swap3A_3080 = arith.constant 0 : index
    %swap3A_3081 = tpu.vector_load %arg12[%swap3A_3080] {strides = array<i32>} : memref<16xf32, #tpu.memory_space<vmem>>, vector<16xf32>,
    tpu.vector_store %arg12[%swap3A_3080], %add3A_3079 {strides = array<i32>} : memref<16xf32, #tpu.memory_space<vmem>>, vector<16xf32>,
    %sub3A_3082 = arith.constant 2 : i32
    %sub3A_3083 = vector.broadcast %sub3A_3082 : i32 to vector<16xi32>
    %sub3A_3084 = arith.subi %iota3A, %sub3A_3083 : vector<16xi32>
    %max3A_3085 = arith.constant 0 : i32
    %max3A_3086 = vector.broadcast %max3A_3085 : i32 to vector<16xi32>
    %max3A_3087 = arith.maxsi %sub3A_3084, %max3A_3086 : vector<16xi32>
    %gather3A_3088 = tpu.vector_load_idx %arg12[%max3A_3087] : memref<16xf32, #tpu.memory_space<vmem>>[vector<16xi32>], vector<16xf32>,
    %ge3A_3089 = arith.constant 2 : i32
    %ge3A_3090 = vector.broadcast %ge3A_3089 : i32 to vector<16xi32>
    %ge3A_3091 = arith.cmpi sge, %iota3A, %ge3A_3090 : vector<16xi32>
    %jit3A_3092 = arith.constant 0.000000e+00 : f32
    %broadcast_in_dim3A_3093 = vector.broadcast %jit3A_3092 : f32 to vector<16xf32>
    %select_n3A_3094 = arith.select %ge3A_3091, %gather3A_3088, %broadcast_in_dim3A_3093 : vector<16xi1>, vector<16xf32>
    %add3A_3095 = arith.addf %add3A_3079, %select_n3A_3094 : vector<16xf32>
    %swap3A_3096 = arith.constant 0 : index
    %swap3A_3097 = tpu.vector_load %arg12[%swap3A_3096] {strides = array<i32>} : memref<16xf32, #tpu.memory_space<vmem>>, vector<16xf32>,
    tpu.vector_store %arg12[%swap3A_3096], %add3A_3095 {strides = array<i32>} : memref<16xf32, #tpu.memory_space<vmem>>, vector<16xf32>,
    %sub3A_3098 = arith.constant 4 : i32
    %sub3A_3099 = vector.broadcast %sub3A_3098 : i32 to vector<16xi32>
    %sub3A_3100 = arith.subi %iota3A, %sub3A_3099 : vector<16xi32>
    %max3A_3101 = arith.constant 0 : i32
    %max3A_3102 = vector.broadcast %max3A_3101 : i32 to vector<16xi32>
    %max3A_3103 = arith.maxsi %sub3A_3100, %max3A_3102 : vector<16xi32>
    %gather3A_3104 = tpu.vector_load_idx %arg12[%max3A_3103] : memref<16xf32, #tpu.memory_space<vmem>>[vector<16xi32>], vector<16xf32>,
    %ge3A_3105 = arith.constant 4 : i32
    %ge3A_3106 = vector.broadcast %ge3A_3105 : i32 to vector<16xi32>
    %ge3A_3107 = arith.cmpi sge, %iota3A, %ge3A_3106 : vector<16xi32>
    %jit3A_3108 = arith.constant 0.000000e+00 : f32
    %broadcast_in_dim3A_3109 = vector.broadcast %jit3A_3108 : f32 to vector<16xf32>
    %select_n3A_3110 = arith.select %ge3A_3107, %gather3A_3104, %broadcast_in_dim3A_3109 : vector<16xi1>, vector<16xf32>
    %add3A_3111 = arith.addf %add3A_3095, %select_n3A_3110 : vector<16xf32>
    %swap3A_3112 = arith.constant 0 : index
    %swap3A_3113 = tpu.vector_load %arg12[%swap3A_3112] {strides = array<i32>} : memref<16xf32, #tpu.memory_space<vmem>>, vector<16xf32>,
    tpu.vector_store %arg12[%swap3A_3112], %add3A_3111 {strides = array<i32>} : memref<16xf32, #tpu.memory_space<vmem>>, vector<16xf32>,
    %sub3A_3114 = arith.constant 8 : i32
    %sub3A_3115 = vector.broadcast %sub3A_3114 : i32 to vector<16xi32>
    %sub3A_3116 = arith.subi %iota3A, %sub3A_3115 : vector<16xi32>
    %max3A_3117 = arith.constant 0 : i32
    %max3A_3118 = vector.broadcast %max3A_3117 : i32 to vector<16xi32>
    %max3A_3119 = arith.maxsi %sub3A_3116, %max3A_3118 : vector<16xi32>
    %gather3A_3120 = tpu.vector_load_idx %arg12[%max3A_3119] : memref<16xf32, #tpu.memory_space<vmem>>[vector<16xi32>], vector<16xf32>,
    %ge3A_3121 = arith.constant 8 : i32
    %ge3A_3122 = vector.broadcast %ge3A_3121 : i32 to vector<16xi32>
    %ge3A_3123 = arith.cmpi sge, %iota3A, %ge3A_3122 : vector<16xi32>
    %jit3A_3124 = arith.constant 0.000000e+00 : f32
    %broadcast_in_dim3A_3125 = vector.broadcast %jit3A_3124 : f32 to vector<16xf32>
    %select_n3A_3126 = arith.select %ge3A_3123, %gather3A_3120, %broadcast_in_dim3A_3125 : vector<16xi1>, vector<16xf32>
    %add3A_3127 = arith.addf %add3A_3111, %select_n3A_3126 : vector<16xf32>
    %swap3A_3128 = arith.constant 0 : index
    %swap3A_3129 = tpu.vector_load %arg12[%swap3A_3128] {strides = array<i32>} : memref<16xf32, #tpu.memory_space<vmem>>, vector<16xf32>,
    tpu.vector_store %arg12[%swap3A_3128], %add3A_3127 {strides = array<i32>} : memref<16xf32, #tpu.memory_space<vmem>>, vector<16xf32>,
    %gather3A_3130 = tpu.vector_load_idx %arg12[%add3A_8] : memref<16xf32, #tpu.memory_space<vmem>>[vector<16xi32>], vector<16xf32>,
    %add3A_3131 = arith.addf %add3A_3061, %add3A_3127 : vector<16xf32>
    %sub3A_3132 = arith.constant 1.000000e+00 : f32
    %sub3A_3133 = vector.broadcast %sub3A_3132 : f32 to vector<16xf32>
    %sub3A_3134 = arith.subf %add3A_3131, %sub3A_3133 : vector<16xf32>
    %convert_element_type3A_3135 = arith.fptosi %sub3A_3134 : vector<16xf32> to vector<16xi32>
    %gt3A_3136 = arith.constant 0.000000e+00 : f32
    %gt3A_3137 = vector.broadcast %gt3A_3136 : f32 to vector<16xf32>
    %gt3A_3138 = arith.cmpf ogt, %get3A_3063, %gt3A_3137 : vector<16xf32>
    %lt3A_3139 = arith.constant 2048 : i32
    %lt3A_3140 = vector.broadcast %lt3A_3139 : i32 to vector<16xi32>
    %lt3A_3141 = arith.cmpi slt, %convert_element_type3A_3135, %lt3A_3140 : vector<16xi32>
    %and3A_3142 = arith.andi %gt3A_3138, %lt3A_3141 : vector<16xi1>
    %add3A_3143 = arith.constant 2048 : i32
    %add3A_3144 = arith.addi %add3A_3143, %add3A : i32
    %broadcast_in_dim3A_3145 = vector.broadcast %add3A_3144 : i32 to vector<16xi32>
    %select_n3A_3146 = arith.select %and3A_3142, %convert_element_type3A_3135, %broadcast_in_dim3A_3145 : vector<16xi1>, vector<16xi32>
    %swap3A_3147 = arith.constant 4 : i32
    %swap3A_3148 = arith.index_cast %swap3A_3147 : i32 to index
    %swap3A_3149 = arith.constant 32 : index
    %swap3A_3150 = tpu.vector_load %arg9[%swap3A_3148, %swap3A_3149] {strides = array<i32>} : memref<5x128xi32, #tpu.memory_space<vmem>>, vector<16xi32>,
    tpu.vector_store %arg9[%swap3A_3148, %swap3A_3149], %select_n3A_3146 {strides = array<i32>} : memref<5x128xi32, #tpu.memory_space<vmem>>, vector<16xi32>,
    %add3A_3151 = arith.addf %add3A_3061, %gather3A_3130 : vector<16xf32>
    %get3A_3152 = arith.constant 560 : index
    %get3A_3153 = tpu.vector_load %arg7[%get3A_3152] {strides = array<i32>} : memref<640xf32, #tpu.memory_space<vmem>>, vector<16xf32>,
    %swap3A_3154 = arith.constant 0 : index
    %swap3A_3155 = tpu.vector_load %arg12[%swap3A_3154] {strides = array<i32>} : memref<16xf32, #tpu.memory_space<vmem>>, vector<16xf32>,
    tpu.vector_store %arg12[%swap3A_3154], %get3A_3153 {strides = array<i32>} : memref<16xf32, #tpu.memory_space<vmem>>, vector<16xf32>,
    %sub3A_3156 = arith.constant 1 : i32
    %sub3A_3157 = vector.broadcast %sub3A_3156 : i32 to vector<16xi32>
    %sub3A_3158 = arith.subi %iota3A, %sub3A_3157 : vector<16xi32>
    %max3A_3159 = arith.constant 0 : i32
    %max3A_3160 = vector.broadcast %max3A_3159 : i32 to vector<16xi32>
    %max3A_3161 = arith.maxsi %sub3A_3158, %max3A_3160 : vector<16xi32>
    %gather3A_3162 = tpu.vector_load_idx %arg12[%max3A_3161] : memref<16xf32, #tpu.memory_space<vmem>>[vector<16xi32>], vector<16xf32>,
    %ge3A_3163 = arith.constant 1 : i32
    %ge3A_3164 = vector.broadcast %ge3A_3163 : i32 to vector<16xi32>
    %ge3A_3165 = arith.cmpi sge, %iota3A, %ge3A_3164 : vector<16xi32>
    %jit3A_3166 = arith.constant 0.000000e+00 : f32
    %broadcast_in_dim3A_3167 = vector.broadcast %jit3A_3166 : f32 to vector<16xf32>
    %select_n3A_3168 = arith.select %ge3A_3165, %gather3A_3162, %broadcast_in_dim3A_3167 : vector<16xi1>, vector<16xf32>
    %add3A_3169 = arith.addf %get3A_3153, %select_n3A_3168 : vector<16xf32>
    %swap3A_3170 = arith.constant 0 : index
    %swap3A_3171 = tpu.vector_load %arg12[%swap3A_3170] {strides = array<i32>} : memref<16xf32, #tpu.memory_space<vmem>>, vector<16xf32>,
    tpu.vector_store %arg12[%swap3A_3170], %add3A_3169 {strides = array<i32>} : memref<16xf32, #tpu.memory_space<vmem>>, vector<16xf32>,
    %sub3A_3172 = arith.constant 2 : i32
    %sub3A_3173 = vector.broadcast %sub3A_3172 : i32 to vector<16xi32>
    %sub3A_3174 = arith.subi %iota3A, %sub3A_3173 : vector<16xi32>
    %max3A_3175 = arith.constant 0 : i32
    %max3A_3176 = vector.broadcast %max3A_3175 : i32 to vector<16xi32>
    %max3A_3177 = arith.maxsi %sub3A_3174, %max3A_3176 : vector<16xi32>
    %gather3A_3178 = tpu.vector_load_idx %arg12[%max3A_3177] : memref<16xf32, #tpu.memory_space<vmem>>[vector<16xi32>], vector<16xf32>,
    %ge3A_3179 = arith.constant 2 : i32
    %ge3A_3180 = vector.broadcast %ge3A_3179 : i32 to vector<16xi32>
    %ge3A_3181 = arith.cmpi sge, %iota3A, %ge3A_3180 : vector<16xi32>
    %jit3A_3182 = arith.constant 0.000000e+00 : f32
    %broadcast_in_dim3A_3183 = vector.broadcast %jit3A_3182 : f32 to vector<16xf32>
    %select_n3A_3184 = arith.select %ge3A_3181, %gather3A_3178, %broadcast_in_dim3A_3183 : vector<16xi1>, vector<16xf32>
    %add3A_3185 = arith.addf %add3A_3169, %select_n3A_3184 : vector<16xf32>
    %swap3A_3186 = arith.constant 0 : index
    %swap3A_3187 = tpu.vector_load %arg12[%swap3A_3186] {strides = array<i32>} : memref<16xf32, #tpu.memory_space<vmem>>, vector<16xf32>,
    tpu.vector_store %arg12[%swap3A_3186], %add3A_3185 {strides = array<i32>} : memref<16xf32, #tpu.memory_space<vmem>>, vector<16xf32>,
    %sub3A_3188 = arith.constant 4 : i32
    %sub3A_3189 = vector.broadcast %sub3A_3188 : i32 to vector<16xi32>
    %sub3A_3190 = arith.subi %iota3A, %sub3A_3189 : vector<16xi32>
    %max3A_3191 = arith.constant 0 : i32
    %max3A_3192 = vector.broadcast %max3A_3191 : i32 to vector<16xi32>
    %max3A_3193 = arith.maxsi %sub3A_3190, %max3A_3192 : vector<16xi32>
    %gather3A_3194 = tpu.vector_load_idx %arg12[%max3A_3193] : memref<16xf32, #tpu.memory_space<vmem>>[vector<16xi32>], vector<16xf32>,
    %ge3A_3195 = arith.constant 4 : i32
    %ge3A_3196 = vector.broadcast %ge3A_3195 : i32 to vector<16xi32>
    %ge3A_3197 = arith.cmpi sge, %iota3A, %ge3A_3196 : vector<16xi32>
    %jit3A_3198 = arith.constant 0.000000e+00 : f32
    %broadcast_in_dim3A_3199 = vector.broadcast %jit3A_3198 : f32 to vector<16xf32>
    %select_n3A_3200 = arith.select %ge3A_3197, %gather3A_3194, %broadcast_in_dim3A_3199 : vector<16xi1>, vector<16xf32>
    %add3A_3201 = arith.addf %add3A_3185, %select_n3A_3200 : vector<16xf32>
    %swap3A_3202 = arith.constant 0 : index
    %swap3A_3203 = tpu.vector_load %arg12[%swap3A_3202] {strides = array<i32>} : memref<16xf32, #tpu.memory_space<vmem>>, vector<16xf32>,
    tpu.vector_store %arg12[%swap3A_3202], %add3A_3201 {strides = array<i32>} : memref<16xf32, #tpu.memory_space<vmem>>, vector<16xf32>,
    %sub3A_3204 = arith.constant 8 : i32
    %sub3A_3205 = vector.broadcast %sub3A_3204 : i32 to vector<16xi32>
    %sub3A_3206 = arith.subi %iota3A, %sub3A_3205 : vector<16xi32>
    %max3A_3207 = arith.constant 0 : i32
    %max3A_3208 = vector.broadcast %max3A_3207 : i32 to vector<16xi32>
    %max3A_3209 = arith.maxsi %sub3A_3206, %max3A_3208 : vector<16xi32>
    %gather3A_3210 = tpu.vector_load_idx %arg12[%max3A_3209] : memref<16xf32, #tpu.memory_space<vmem>>[vector<16xi32>], vector<16xf32>,
    %ge3A_3211 = arith.constant 8 : i32
    %ge3A_3212 = vector.broadcast %ge3A_3211 : i32 to vector<16xi32>
    %ge3A_3213 = arith.cmpi sge, %iota3A, %ge3A_3212 : vector<16xi32>
    %jit3A_3214 = arith.constant 0.000000e+00 : f32
    %broadcast_in_dim3A_3215 = vector.broadcast %jit3A_3214 : f32 to vector<16xf32>
    %select_n3A_3216 = arith.select %ge3A_3213, %gather3A_3210, %broadcast_in_dim3A_3215 : vector<16xi1>, vector<16xf32>
    %add3A_3217 = arith.addf %add3A_3201, %select_n3A_3216 : vector<16xf32>
    %swap3A_3218 = arith.constant 0 : index
    %swap3A_3219 = tpu.vector_load %arg12[%swap3A_3218] {strides = array<i32>} : memref<16xf32, #tpu.memory_space<vmem>>, vector<16xf32>,
    tpu.vector_store %arg12[%swap3A_3218], %add3A_3217 {strides = array<i32>} : memref<16xf32, #tpu.memory_space<vmem>>, vector<16xf32>,
    %gather3A_3220 = tpu.vector_load_idx %arg12[%add3A_8] : memref<16xf32, #tpu.memory_space<vmem>>[vector<16xi32>], vector<16xf32>,
    %add3A_3221 = arith.addf %add3A_3151, %add3A_3217 : vector<16xf32>
    %sub3A_3222 = arith.constant 1.000000e+00 : f32
    %sub3A_3223 = vector.broadcast %sub3A_3222 : f32 to vector<16xf32>
    %sub3A_3224 = arith.subf %add3A_3221, %sub3A_3223 : vector<16xf32>
    %convert_element_type3A_3225 = arith.fptosi %sub3A_3224 : vector<16xf32> to vector<16xi32>
    %gt3A_3226 = arith.constant 0.000000e+00 : f32
    %gt3A_3227 = vector.broadcast %gt3A_3226 : f32 to vector<16xf32>
    %gt3A_3228 = arith.cmpf ogt, %get3A_3153, %gt3A_3227 : vector<16xf32>
    %lt3A_3229 = arith.constant 2048 : i32
    %lt3A_3230 = vector.broadcast %lt3A_3229 : i32 to vector<16xi32>
    %lt3A_3231 = arith.cmpi slt, %convert_element_type3A_3225, %lt3A_3230 : vector<16xi32>
    %and3A_3232 = arith.andi %gt3A_3228, %lt3A_3231 : vector<16xi1>
    %add3A_3233 = arith.constant 2048 : i32
    %add3A_3234 = arith.addi %add3A_3233, %add3A : i32
    %broadcast_in_dim3A_3235 = vector.broadcast %add3A_3234 : i32 to vector<16xi32>
    %select_n3A_3236 = arith.select %and3A_3232, %convert_element_type3A_3225, %broadcast_in_dim3A_3235 : vector<16xi1>, vector<16xi32>
    %swap3A_3237 = arith.constant 4 : i32
    %swap3A_3238 = arith.index_cast %swap3A_3237 : i32 to index
    %swap3A_3239 = arith.constant 48 : index
    %swap3A_3240 = tpu.vector_load %arg9[%swap3A_3238, %swap3A_3239] {strides = array<i32>} : memref<5x128xi32, #tpu.memory_space<vmem>>, vector<16xi32>,
    tpu.vector_store %arg9[%swap3A_3238, %swap3A_3239], %select_n3A_3236 {strides = array<i32>} : memref<5x128xi32, #tpu.memory_space<vmem>>, vector<16xi32>,
    %add3A_3241 = arith.addf %add3A_3151, %gather3A_3220 : vector<16xf32>
    %get3A_3242 = arith.constant 576 : index
    %get3A_3243 = tpu.vector_load %arg7[%get3A_3242] {strides = array<i32>} : memref<640xf32, #tpu.memory_space<vmem>>, vector<16xf32>,
    %swap3A_3244 = arith.constant 0 : index
    %swap3A_3245 = tpu.vector_load %arg12[%swap3A_3244] {strides = array<i32>} : memref<16xf32, #tpu.memory_space<vmem>>, vector<16xf32>,
    tpu.vector_store %arg12[%swap3A_3244], %get3A_3243 {strides = array<i32>} : memref<16xf32, #tpu.memory_space<vmem>>, vector<16xf32>,
    %sub3A_3246 = arith.constant 1 : i32
    %sub3A_3247 = vector.broadcast %sub3A_3246 : i32 to vector<16xi32>
    %sub3A_3248 = arith.subi %iota3A, %sub3A_3247 : vector<16xi32>
    %max3A_3249 = arith.constant 0 : i32
    %max3A_3250 = vector.broadcast %max3A_3249 : i32 to vector<16xi32>
    %max3A_3251 = arith.maxsi %sub3A_3248, %max3A_3250 : vector<16xi32>
    %gather3A_3252 = tpu.vector_load_idx %arg12[%max3A_3251] : memref<16xf32, #tpu.memory_space<vmem>>[vector<16xi32>], vector<16xf32>,
    %ge3A_3253 = arith.constant 1 : i32
    %ge3A_3254 = vector.broadcast %ge3A_3253 : i32 to vector<16xi32>
    %ge3A_3255 = arith.cmpi sge, %iota3A, %ge3A_3254 : vector<16xi32>
    %jit3A_3256 = arith.constant 0.000000e+00 : f32
    %broadcast_in_dim3A_3257 = vector.broadcast %jit3A_3256 : f32 to vector<16xf32>
    %select_n3A_3258 = arith.select %ge3A_3255, %gather3A_3252, %broadcast_in_dim3A_3257 : vector<16xi1>, vector<16xf32>
    %add3A_3259 = arith.addf %get3A_3243, %select_n3A_3258 : vector<16xf32>
    %swap3A_3260 = arith.constant 0 : index
    %swap3A_3261 = tpu.vector_load %arg12[%swap3A_3260] {strides = array<i32>} : memref<16xf32, #tpu.memory_space<vmem>>, vector<16xf32>,
    tpu.vector_store %arg12[%swap3A_3260], %add3A_3259 {strides = array<i32>} : memref<16xf32, #tpu.memory_space<vmem>>, vector<16xf32>,
    %sub3A_3262 = arith.constant 2 : i32
    %sub3A_3263 = vector.broadcast %sub3A_3262 : i32 to vector<16xi32>
    %sub3A_3264 = arith.subi %iota3A, %sub3A_3263 : vector<16xi32>
    %max3A_3265 = arith.constant 0 : i32
    %max3A_3266 = vector.broadcast %max3A_3265 : i32 to vector<16xi32>
    %max3A_3267 = arith.maxsi %sub3A_3264, %max3A_3266 : vector<16xi32>
    %gather3A_3268 = tpu.vector_load_idx %arg12[%max3A_3267] : memref<16xf32, #tpu.memory_space<vmem>>[vector<16xi32>], vector<16xf32>,
    %ge3A_3269 = arith.constant 2 : i32
    %ge3A_3270 = vector.broadcast %ge3A_3269 : i32 to vector<16xi32>
    %ge3A_3271 = arith.cmpi sge, %iota3A, %ge3A_3270 : vector<16xi32>
    %jit3A_3272 = arith.constant 0.000000e+00 : f32
    %broadcast_in_dim3A_3273 = vector.broadcast %jit3A_3272 : f32 to vector<16xf32>
    %select_n3A_3274 = arith.select %ge3A_3271, %gather3A_3268, %broadcast_in_dim3A_3273 : vector<16xi1>, vector<16xf32>
    %add3A_3275 = arith.addf %add3A_3259, %select_n3A_3274 : vector<16xf32>
    %swap3A_3276 = arith.constant 0 : index
    %swap3A_3277 = tpu.vector_load %arg12[%swap3A_3276] {strides = array<i32>} : memref<16xf32, #tpu.memory_space<vmem>>, vector<16xf32>,
    tpu.vector_store %arg12[%swap3A_3276], %add3A_3275 {strides = array<i32>} : memref<16xf32, #tpu.memory_space<vmem>>, vector<16xf32>,
    %sub3A_3278 = arith.constant 4 : i32
    %sub3A_3279 = vector.broadcast %sub3A_3278 : i32 to vector<16xi32>
    %sub3A_3280 = arith.subi %iota3A, %sub3A_3279 : vector<16xi32>
    %max3A_3281 = arith.constant 0 : i32
    %max3A_3282 = vector.broadcast %max3A_3281 : i32 to vector<16xi32>
    %max3A_3283 = arith.maxsi %sub3A_3280, %max3A_3282 : vector<16xi32>
    %gather3A_3284 = tpu.vector_load_idx %arg12[%max3A_3283] : memref<16xf32, #tpu.memory_space<vmem>>[vector<16xi32>], vector<16xf32>,
    %ge3A_3285 = arith.constant 4 : i32
    %ge3A_3286 = vector.broadcast %ge3A_3285 : i32 to vector<16xi32>
    %ge3A_3287 = arith.cmpi sge, %iota3A, %ge3A_3286 : vector<16xi32>
    %jit3A_3288 = arith.constant 0.000000e+00 : f32
    %broadcast_in_dim3A_3289 = vector.broadcast %jit3A_3288 : f32 to vector<16xf32>
    %select_n3A_3290 = arith.select %ge3A_3287, %gather3A_3284, %broadcast_in_dim3A_3289 : vector<16xi1>, vector<16xf32>
    %add3A_3291 = arith.addf %add3A_3275, %select_n3A_3290 : vector<16xf32>
    %swap3A_3292 = arith.constant 0 : index
    %swap3A_3293 = tpu.vector_load %arg12[%swap3A_3292] {strides = array<i32>} : memref<16xf32, #tpu.memory_space<vmem>>, vector<16xf32>,
    tpu.vector_store %arg12[%swap3A_3292], %add3A_3291 {strides = array<i32>} : memref<16xf32, #tpu.memory_space<vmem>>, vector<16xf32>,
    %sub3A_3294 = arith.constant 8 : i32
    %sub3A_3295 = vector.broadcast %sub3A_3294 : i32 to vector<16xi32>
    %sub3A_3296 = arith.subi %iota3A, %sub3A_3295 : vector<16xi32>
    %max3A_3297 = arith.constant 0 : i32
    %max3A_3298 = vector.broadcast %max3A_3297 : i32 to vector<16xi32>
    %max3A_3299 = arith.maxsi %sub3A_3296, %max3A_3298 : vector<16xi32>
    %gather3A_3300 = tpu.vector_load_idx %arg12[%max3A_3299] : memref<16xf32, #tpu.memory_space<vmem>>[vector<16xi32>], vector<16xf32>,
    %ge3A_3301 = arith.constant 8 : i32
    %ge3A_3302 = vector.broadcast %ge3A_3301 : i32 to vector<16xi32>
    %ge3A_3303 = arith.cmpi sge, %iota3A, %ge3A_3302 : vector<16xi32>
    %jit3A_3304 = arith.constant 0.000000e+00 : f32
    %broadcast_in_dim3A_3305 = vector.broadcast %jit3A_3304 : f32 to vector<16xf32>
    %select_n3A_3306 = arith.select %ge3A_3303, %gather3A_3300, %broadcast_in_dim3A_3305 : vector<16xi1>, vector<16xf32>
    %add3A_3307 = arith.addf %add3A_3291, %select_n3A_3306 : vector<16xf32>
    %swap3A_3308 = arith.constant 0 : index
    %swap3A_3309 = tpu.vector_load %arg12[%swap3A_3308] {strides = array<i32>} : memref<16xf32, #tpu.memory_space<vmem>>, vector<16xf32>,
    tpu.vector_store %arg12[%swap3A_3308], %add3A_3307 {strides = array<i32>} : memref<16xf32, #tpu.memory_space<vmem>>, vector<16xf32>,
    %gather3A_3310 = tpu.vector_load_idx %arg12[%add3A_8] : memref<16xf32, #tpu.memory_space<vmem>>[vector<16xi32>], vector<16xf32>,
    %add3A_3311 = arith.addf %add3A_3241, %add3A_3307 : vector<16xf32>
    %sub3A_3312 = arith.constant 1.000000e+00 : f32
    %sub3A_3313 = vector.broadcast %sub3A_3312 : f32 to vector<16xf32>
    %sub3A_3314 = arith.subf %add3A_3311, %sub3A_3313 : vector<16xf32>
    %convert_element_type3A_3315 = arith.fptosi %sub3A_3314 : vector<16xf32> to vector<16xi32>
    %gt3A_3316 = arith.constant 0.000000e+00 : f32
    %gt3A_3317 = vector.broadcast %gt3A_3316 : f32 to vector<16xf32>
    %gt3A_3318 = arith.cmpf ogt, %get3A_3243, %gt3A_3317 : vector<16xf32>
    %lt3A_3319 = arith.constant 2048 : i32
    %lt3A_3320 = vector.broadcast %lt3A_3319 : i32 to vector<16xi32>
    %lt3A_3321 = arith.cmpi slt, %convert_element_type3A_3315, %lt3A_3320 : vector<16xi32>
    %and3A_3322 = arith.andi %gt3A_3318, %lt3A_3321 : vector<16xi1>
    %add3A_3323 = arith.constant 2048 : i32
    %add3A_3324 = arith.addi %add3A_3323, %add3A : i32
    %broadcast_in_dim3A_3325 = vector.broadcast %add3A_3324 : i32 to vector<16xi32>
    %select_n3A_3326 = arith.select %and3A_3322, %convert_element_type3A_3315, %broadcast_in_dim3A_3325 : vector<16xi1>, vector<16xi32>
    %swap3A_3327 = arith.constant 4 : i32
    %swap3A_3328 = arith.index_cast %swap3A_3327 : i32 to index
    %swap3A_3329 = arith.constant 64 : index
    %swap3A_3330 = tpu.vector_load %arg9[%swap3A_3328, %swap3A_3329] {strides = array<i32>} : memref<5x128xi32, #tpu.memory_space<vmem>>, vector<16xi32>,
    tpu.vector_store %arg9[%swap3A_3328, %swap3A_3329], %select_n3A_3326 {strides = array<i32>} : memref<5x128xi32, #tpu.memory_space<vmem>>, vector<16xi32>,
    %add3A_3331 = arith.addf %add3A_3241, %gather3A_3310 : vector<16xf32>
    %get3A_3332 = arith.constant 592 : index
    %get3A_3333 = tpu.vector_load %arg7[%get3A_3332] {strides = array<i32>} : memref<640xf32, #tpu.memory_space<vmem>>, vector<16xf32>,
    %swap3A_3334 = arith.constant 0 : index
    %swap3A_3335 = tpu.vector_load %arg12[%swap3A_3334] {strides = array<i32>} : memref<16xf32, #tpu.memory_space<vmem>>, vector<16xf32>,
    tpu.vector_store %arg12[%swap3A_3334], %get3A_3333 {strides = array<i32>} : memref<16xf32, #tpu.memory_space<vmem>>, vector<16xf32>,
    %sub3A_3336 = arith.constant 1 : i32
    %sub3A_3337 = vector.broadcast %sub3A_3336 : i32 to vector<16xi32>
    %sub3A_3338 = arith.subi %iota3A, %sub3A_3337 : vector<16xi32>
    %max3A_3339 = arith.constant 0 : i32
    %max3A_3340 = vector.broadcast %max3A_3339 : i32 to vector<16xi32>
    %max3A_3341 = arith.maxsi %sub3A_3338, %max3A_3340 : vector<16xi32>
    %gather3A_3342 = tpu.vector_load_idx %arg12[%max3A_3341] : memref<16xf32, #tpu.memory_space<vmem>>[vector<16xi32>], vector<16xf32>,
    %ge3A_3343 = arith.constant 1 : i32
    %ge3A_3344 = vector.broadcast %ge3A_3343 : i32 to vector<16xi32>
    %ge3A_3345 = arith.cmpi sge, %iota3A, %ge3A_3344 : vector<16xi32>
    %jit3A_3346 = arith.constant 0.000000e+00 : f32
    %broadcast_in_dim3A_3347 = vector.broadcast %jit3A_3346 : f32 to vector<16xf32>
    %select_n3A_3348 = arith.select %ge3A_3345, %gather3A_3342, %broadcast_in_dim3A_3347 : vector<16xi1>, vector<16xf32>
    %add3A_3349 = arith.addf %get3A_3333, %select_n3A_3348 : vector<16xf32>
    %swap3A_3350 = arith.constant 0 : index
    %swap3A_3351 = tpu.vector_load %arg12[%swap3A_3350] {strides = array<i32>} : memref<16xf32, #tpu.memory_space<vmem>>, vector<16xf32>,
    tpu.vector_store %arg12[%swap3A_3350], %add3A_3349 {strides = array<i32>} : memref<16xf32, #tpu.memory_space<vmem>>, vector<16xf32>,
    %sub3A_3352 = arith.constant 2 : i32
    %sub3A_3353 = vector.broadcast %sub3A_3352 : i32 to vector<16xi32>
    %sub3A_3354 = arith.subi %iota3A, %sub3A_3353 : vector<16xi32>
    %max3A_3355 = arith.constant 0 : i32
    %max3A_3356 = vector.broadcast %max3A_3355 : i32 to vector<16xi32>
    %max3A_3357 = arith.maxsi %sub3A_3354, %max3A_3356 : vector<16xi32>
    %gather3A_3358 = tpu.vector_load_idx %arg12[%max3A_3357] : memref<16xf32, #tpu.memory_space<vmem>>[vector<16xi32>], vector<16xf32>,
    %ge3A_3359 = arith.constant 2 : i32
    %ge3A_3360 = vector.broadcast %ge3A_3359 : i32 to vector<16xi32>
    %ge3A_3361 = arith.cmpi sge, %iota3A, %ge3A_3360 : vector<16xi32>
    %jit3A_3362 = arith.constant 0.000000e+00 : f32
    %broadcast_in_dim3A_3363 = vector.broadcast %jit3A_3362 : f32 to vector<16xf32>
    %select_n3A_3364 = arith.select %ge3A_3361, %gather3A_3358, %broadcast_in_dim3A_3363 : vector<16xi1>, vector<16xf32>
    %add3A_3365 = arith.addf %add3A_3349, %select_n3A_3364 : vector<16xf32>
    %swap3A_3366 = arith.constant 0 : index
    %swap3A_3367 = tpu.vector_load %arg12[%swap3A_3366] {strides = array<i32>} : memref<16xf32, #tpu.memory_space<vmem>>, vector<16xf32>,
    tpu.vector_store %arg12[%swap3A_3366], %add3A_3365 {strides = array<i32>} : memref<16xf32, #tpu.memory_space<vmem>>, vector<16xf32>,
    %sub3A_3368 = arith.constant 4 : i32
    %sub3A_3369 = vector.broadcast %sub3A_3368 : i32 to vector<16xi32>
    %sub3A_3370 = arith.subi %iota3A, %sub3A_3369 : vector<16xi32>
    %max3A_3371 = arith.constant 0 : i32
    %max3A_3372 = vector.broadcast %max3A_3371 : i32 to vector<16xi32>
    %max3A_3373 = arith.maxsi %sub3A_3370, %max3A_3372 : vector<16xi32>
    %gather3A_3374 = tpu.vector_load_idx %arg12[%max3A_3373] : memref<16xf32, #tpu.memory_space<vmem>>[vector<16xi32>], vector<16xf32>,
    %ge3A_3375 = arith.constant 4 : i32
    %ge3A_3376 = vector.broadcast %ge3A_3375 : i32 to vector<16xi32>
    %ge3A_3377 = arith.cmpi sge, %iota3A, %ge3A_3376 : vector<16xi32>
    %jit3A_3378 = arith.constant 0.000000e+00 : f32
    %broadcast_in_dim3A_3379 = vector.broadcast %jit3A_3378 : f32 to vector<16xf32>
    %select_n3A_3380 = arith.select %ge3A_3377, %gather3A_3374, %broadcast_in_dim3A_3379 : vector<16xi1>, vector<16xf32>
    %add3A_3381 = arith.addf %add3A_3365, %select_n3A_3380 : vector<16xf32>
    %swap3A_3382 = arith.constant 0 : index
    %swap3A_3383 = tpu.vector_load %arg12[%swap3A_3382] {strides = array<i32>} : memref<16xf32, #tpu.memory_space<vmem>>, vector<16xf32>,
    tpu.vector_store %arg12[%swap3A_3382], %add3A_3381 {strides = array<i32>} : memref<16xf32, #tpu.memory_space<vmem>>, vector<16xf32>,
    %sub3A_3384 = arith.constant 8 : i32
    %sub3A_3385 = vector.broadcast %sub3A_3384 : i32 to vector<16xi32>
    %sub3A_3386 = arith.subi %iota3A, %sub3A_3385 : vector<16xi32>
    %max3A_3387 = arith.constant 0 : i32
    %max3A_3388 = vector.broadcast %max3A_3387 : i32 to vector<16xi32>
    %max3A_3389 = arith.maxsi %sub3A_3386, %max3A_3388 : vector<16xi32>
    %gather3A_3390 = tpu.vector_load_idx %arg12[%max3A_3389] : memref<16xf32, #tpu.memory_space<vmem>>[vector<16xi32>], vector<16xf32>,
    %ge3A_3391 = arith.constant 8 : i32
    %ge3A_3392 = vector.broadcast %ge3A_3391 : i32 to vector<16xi32>
    %ge3A_3393 = arith.cmpi sge, %iota3A, %ge3A_3392 : vector<16xi32>
    %jit3A_3394 = arith.constant 0.000000e+00 : f32
    %broadcast_in_dim3A_3395 = vector.broadcast %jit3A_3394 : f32 to vector<16xf32>
    %select_n3A_3396 = arith.select %ge3A_3393, %gather3A_3390, %broadcast_in_dim3A_3395 : vector<16xi1>, vector<16xf32>
    %add3A_3397 = arith.addf %add3A_3381, %select_n3A_3396 : vector<16xf32>
    %swap3A_3398 = arith.constant 0 : index
    %swap3A_3399 = tpu.vector_load %arg12[%swap3A_3398] {strides = array<i32>} : memref<16xf32, #tpu.memory_space<vmem>>, vector<16xf32>,
    tpu.vector_store %arg12[%swap3A_3398], %add3A_3397 {strides = array<i32>} : memref<16xf32, #tpu.memory_space<vmem>>, vector<16xf32>,
    %gather3A_3400 = tpu.vector_load_idx %arg12[%add3A_8] : memref<16xf32, #tpu.memory_space<vmem>>[vector<16xi32>], vector<16xf32>,
    %add3A_3401 = arith.addf %add3A_3331, %add3A_3397 : vector<16xf32>
    %sub3A_3402 = arith.constant 1.000000e+00 : f32
    %sub3A_3403 = vector.broadcast %sub3A_3402 : f32 to vector<16xf32>
    %sub3A_3404 = arith.subf %add3A_3401, %sub3A_3403 : vector<16xf32>
    %convert_element_type3A_3405 = arith.fptosi %sub3A_3404 : vector<16xf32> to vector<16xi32>
    %gt3A_3406 = arith.constant 0.000000e+00 : f32
    %gt3A_3407 = vector.broadcast %gt3A_3406 : f32 to vector<16xf32>
    %gt3A_3408 = arith.cmpf ogt, %get3A_3333, %gt3A_3407 : vector<16xf32>
    %lt3A_3409 = arith.constant 2048 : i32
    %lt3A_3410 = vector.broadcast %lt3A_3409 : i32 to vector<16xi32>
    %lt3A_3411 = arith.cmpi slt, %convert_element_type3A_3405, %lt3A_3410 : vector<16xi32>
    %and3A_3412 = arith.andi %gt3A_3408, %lt3A_3411 : vector<16xi1>
    %add3A_3413 = arith.constant 2048 : i32
    %add3A_3414 = arith.addi %add3A_3413, %add3A : i32
    %broadcast_in_dim3A_3415 = vector.broadcast %add3A_3414 : i32 to vector<16xi32>
    %select_n3A_3416 = arith.select %and3A_3412, %convert_element_type3A_3405, %broadcast_in_dim3A_3415 : vector<16xi1>, vector<16xi32>
    %swap3A_3417 = arith.constant 4 : i32
    %swap3A_3418 = arith.index_cast %swap3A_3417 : i32 to index
    %swap3A_3419 = arith.constant 80 : index
    %swap3A_3420 = tpu.vector_load %arg9[%swap3A_3418, %swap3A_3419] {strides = array<i32>} : memref<5x128xi32, #tpu.memory_space<vmem>>, vector<16xi32>,
    tpu.vector_store %arg9[%swap3A_3418, %swap3A_3419], %select_n3A_3416 {strides = array<i32>} : memref<5x128xi32, #tpu.memory_space<vmem>>, vector<16xi32>,
    %add3A_3421 = arith.addf %add3A_3331, %gather3A_3400 : vector<16xf32>
    %get3A_3422 = arith.constant 608 : index
    %get3A_3423 = tpu.vector_load %arg7[%get3A_3422] {strides = array<i32>} : memref<640xf32, #tpu.memory_space<vmem>>, vector<16xf32>,
    %swap3A_3424 = arith.constant 0 : index
    %swap3A_3425 = tpu.vector_load %arg12[%swap3A_3424] {strides = array<i32>} : memref<16xf32, #tpu.memory_space<vmem>>, vector<16xf32>,
    tpu.vector_store %arg12[%swap3A_3424], %get3A_3423 {strides = array<i32>} : memref<16xf32, #tpu.memory_space<vmem>>, vector<16xf32>,
    %sub3A_3426 = arith.constant 1 : i32
    %sub3A_3427 = vector.broadcast %sub3A_3426 : i32 to vector<16xi32>
    %sub3A_3428 = arith.subi %iota3A, %sub3A_3427 : vector<16xi32>
    %max3A_3429 = arith.constant 0 : i32
    %max3A_3430 = vector.broadcast %max3A_3429 : i32 to vector<16xi32>
    %max3A_3431 = arith.maxsi %sub3A_3428, %max3A_3430 : vector<16xi32>
    %gather3A_3432 = tpu.vector_load_idx %arg12[%max3A_3431] : memref<16xf32, #tpu.memory_space<vmem>>[vector<16xi32>], vector<16xf32>,
    %ge3A_3433 = arith.constant 1 : i32
    %ge3A_3434 = vector.broadcast %ge3A_3433 : i32 to vector<16xi32>
    %ge3A_3435 = arith.cmpi sge, %iota3A, %ge3A_3434 : vector<16xi32>
    %jit3A_3436 = arith.constant 0.000000e+00 : f32
    %broadcast_in_dim3A_3437 = vector.broadcast %jit3A_3436 : f32 to vector<16xf32>
    %select_n3A_3438 = arith.select %ge3A_3435, %gather3A_3432, %broadcast_in_dim3A_3437 : vector<16xi1>, vector<16xf32>
    %add3A_3439 = arith.addf %get3A_3423, %select_n3A_3438 : vector<16xf32>
    %swap3A_3440 = arith.constant 0 : index
    %swap3A_3441 = tpu.vector_load %arg12[%swap3A_3440] {strides = array<i32>} : memref<16xf32, #tpu.memory_space<vmem>>, vector<16xf32>,
    tpu.vector_store %arg12[%swap3A_3440], %add3A_3439 {strides = array<i32>} : memref<16xf32, #tpu.memory_space<vmem>>, vector<16xf32>,
    %sub3A_3442 = arith.constant 2 : i32
    %sub3A_3443 = vector.broadcast %sub3A_3442 : i32 to vector<16xi32>
    %sub3A_3444 = arith.subi %iota3A, %sub3A_3443 : vector<16xi32>
    %max3A_3445 = arith.constant 0 : i32
    %max3A_3446 = vector.broadcast %max3A_3445 : i32 to vector<16xi32>
    %max3A_3447 = arith.maxsi %sub3A_3444, %max3A_3446 : vector<16xi32>
    %gather3A_3448 = tpu.vector_load_idx %arg12[%max3A_3447] : memref<16xf32, #tpu.memory_space<vmem>>[vector<16xi32>], vector<16xf32>,
    %ge3A_3449 = arith.constant 2 : i32
    %ge3A_3450 = vector.broadcast %ge3A_3449 : i32 to vector<16xi32>
    %ge3A_3451 = arith.cmpi sge, %iota3A, %ge3A_3450 : vector<16xi32>
    %jit3A_3452 = arith.constant 0.000000e+00 : f32
    %broadcast_in_dim3A_3453 = vector.broadcast %jit3A_3452 : f32 to vector<16xf32>
    %select_n3A_3454 = arith.select %ge3A_3451, %gather3A_3448, %broadcast_in_dim3A_3453 : vector<16xi1>, vector<16xf32>
    %add3A_3455 = arith.addf %add3A_3439, %select_n3A_3454 : vector<16xf32>
    %swap3A_3456 = arith.constant 0 : index
    %swap3A_3457 = tpu.vector_load %arg12[%swap3A_3456] {strides = array<i32>} : memref<16xf32, #tpu.memory_space<vmem>>, vector<16xf32>,
    tpu.vector_store %arg12[%swap3A_3456], %add3A_3455 {strides = array<i32>} : memref<16xf32, #tpu.memory_space<vmem>>, vector<16xf32>,
    %sub3A_3458 = arith.constant 4 : i32
    %sub3A_3459 = vector.broadcast %sub3A_3458 : i32 to vector<16xi32>
    %sub3A_3460 = arith.subi %iota3A, %sub3A_3459 : vector<16xi32>
    %max3A_3461 = arith.constant 0 : i32
    %max3A_3462 = vector.broadcast %max3A_3461 : i32 to vector<16xi32>
    %max3A_3463 = arith.maxsi %sub3A_3460, %max3A_3462 : vector<16xi32>
    %gather3A_3464 = tpu.vector_load_idx %arg12[%max3A_3463] : memref<16xf32, #tpu.memory_space<vmem>>[vector<16xi32>], vector<16xf32>,
    %ge3A_3465 = arith.constant 4 : i32
    %ge3A_3466 = vector.broadcast %ge3A_3465 : i32 to vector<16xi32>
    %ge3A_3467 = arith.cmpi sge, %iota3A, %ge3A_3466 : vector<16xi32>
    %jit3A_3468 = arith.constant 0.000000e+00 : f32
    %broadcast_in_dim3A_3469 = vector.broadcast %jit3A_3468 : f32 to vector<16xf32>
    %select_n3A_3470 = arith.select %ge3A_3467, %gather3A_3464, %broadcast_in_dim3A_3469 : vector<16xi1>, vector<16xf32>
    %add3A_3471 = arith.addf %add3A_3455, %select_n3A_3470 : vector<16xf32>
    %swap3A_3472 = arith.constant 0 : index
    %swap3A_3473 = tpu.vector_load %arg12[%swap3A_3472] {strides = array<i32>} : memref<16xf32, #tpu.memory_space<vmem>>, vector<16xf32>,
    tpu.vector_store %arg12[%swap3A_3472], %add3A_3471 {strides = array<i32>} : memref<16xf32, #tpu.memory_space<vmem>>, vector<16xf32>,
    %sub3A_3474 = arith.constant 8 : i32
    %sub3A_3475 = vector.broadcast %sub3A_3474 : i32 to vector<16xi32>
    %sub3A_3476 = arith.subi %iota3A, %sub3A_3475 : vector<16xi32>
    %max3A_3477 = arith.constant 0 : i32
    %max3A_3478 = vector.broadcast %max3A_3477 : i32 to vector<16xi32>
    %max3A_3479 = arith.maxsi %sub3A_3476, %max3A_3478 : vector<16xi32>
    %gather3A_3480 = tpu.vector_load_idx %arg12[%max3A_3479] : memref<16xf32, #tpu.memory_space<vmem>>[vector<16xi32>], vector<16xf32>,
    %ge3A_3481 = arith.constant 8 : i32
    %ge3A_3482 = vector.broadcast %ge3A_3481 : i32 to vector<16xi32>
    %ge3A_3483 = arith.cmpi sge, %iota3A, %ge3A_3482 : vector<16xi32>
    %jit3A_3484 = arith.constant 0.000000e+00 : f32
    %broadcast_in_dim3A_3485 = vector.broadcast %jit3A_3484 : f32 to vector<16xf32>
    %select_n3A_3486 = arith.select %ge3A_3483, %gather3A_3480, %broadcast_in_dim3A_3485 : vector<16xi1>, vector<16xf32>
    %add3A_3487 = arith.addf %add3A_3471, %select_n3A_3486 : vector<16xf32>
    %swap3A_3488 = arith.constant 0 : index
    %swap3A_3489 = tpu.vector_load %arg12[%swap3A_3488] {strides = array<i32>} : memref<16xf32, #tpu.memory_space<vmem>>, vector<16xf32>,
    tpu.vector_store %arg12[%swap3A_3488], %add3A_3487 {strides = array<i32>} : memref<16xf32, #tpu.memory_space<vmem>>, vector<16xf32>,
    %gather3A_3490 = tpu.vector_load_idx %arg12[%add3A_8] : memref<16xf32, #tpu.memory_space<vmem>>[vector<16xi32>], vector<16xf32>,
    %add3A_3491 = arith.addf %add3A_3421, %add3A_3487 : vector<16xf32>
    %sub3A_3492 = arith.constant 1.000000e+00 : f32
    %sub3A_3493 = vector.broadcast %sub3A_3492 : f32 to vector<16xf32>
    %sub3A_3494 = arith.subf %add3A_3491, %sub3A_3493 : vector<16xf32>
    %convert_element_type3A_3495 = arith.fptosi %sub3A_3494 : vector<16xf32> to vector<16xi32>
    %gt3A_3496 = arith.constant 0.000000e+00 : f32
    %gt3A_3497 = vector.broadcast %gt3A_3496 : f32 to vector<16xf32>
    %gt3A_3498 = arith.cmpf ogt, %get3A_3423, %gt3A_3497 : vector<16xf32>
    %lt3A_3499 = arith.constant 2048 : i32
    %lt3A_3500 = vector.broadcast %lt3A_3499 : i32 to vector<16xi32>
    %lt3A_3501 = arith.cmpi slt, %convert_element_type3A_3495, %lt3A_3500 : vector<16xi32>
    %and3A_3502 = arith.andi %gt3A_3498, %lt3A_3501 : vector<16xi1>
    %add3A_3503 = arith.constant 2048 : i32
    %add3A_3504 = arith.addi %add3A_3503, %add3A : i32
    %broadcast_in_dim3A_3505 = vector.broadcast %add3A_3504 : i32 to vector<16xi32>
    %select_n3A_3506 = arith.select %and3A_3502, %convert_element_type3A_3495, %broadcast_in_dim3A_3505 : vector<16xi1>, vector<16xi32>
    %swap3A_3507 = arith.constant 4 : i32
    %swap3A_3508 = arith.index_cast %swap3A_3507 : i32 to index
    %swap3A_3509 = arith.constant 96 : index
    %swap3A_3510 = tpu.vector_load %arg9[%swap3A_3508, %swap3A_3509] {strides = array<i32>} : memref<5x128xi32, #tpu.memory_space<vmem>>, vector<16xi32>,
    tpu.vector_store %arg9[%swap3A_3508, %swap3A_3509], %select_n3A_3506 {strides = array<i32>} : memref<5x128xi32, #tpu.memory_space<vmem>>, vector<16xi32>,
    %add3A_3511 = arith.addf %add3A_3421, %gather3A_3490 : vector<16xf32>
    %get3A_3512 = arith.constant 624 : index
    %get3A_3513 = tpu.vector_load %arg7[%get3A_3512] {strides = array<i32>} : memref<640xf32, #tpu.memory_space<vmem>>, vector<16xf32>,
    %swap3A_3514 = arith.constant 0 : index
    %swap3A_3515 = tpu.vector_load %arg12[%swap3A_3514] {strides = array<i32>} : memref<16xf32, #tpu.memory_space<vmem>>, vector<16xf32>,
    tpu.vector_store %arg12[%swap3A_3514], %get3A_3513 {strides = array<i32>} : memref<16xf32, #tpu.memory_space<vmem>>, vector<16xf32>,
    %sub3A_3516 = arith.constant 1 : i32
    %sub3A_3517 = vector.broadcast %sub3A_3516 : i32 to vector<16xi32>
    %sub3A_3518 = arith.subi %iota3A, %sub3A_3517 : vector<16xi32>
    %max3A_3519 = arith.constant 0 : i32
    %max3A_3520 = vector.broadcast %max3A_3519 : i32 to vector<16xi32>
    %max3A_3521 = arith.maxsi %sub3A_3518, %max3A_3520 : vector<16xi32>
    %gather3A_3522 = tpu.vector_load_idx %arg12[%max3A_3521] : memref<16xf32, #tpu.memory_space<vmem>>[vector<16xi32>], vector<16xf32>,
    %ge3A_3523 = arith.constant 1 : i32
    %ge3A_3524 = vector.broadcast %ge3A_3523 : i32 to vector<16xi32>
    %ge3A_3525 = arith.cmpi sge, %iota3A, %ge3A_3524 : vector<16xi32>
    %jit3A_3526 = arith.constant 0.000000e+00 : f32
    %broadcast_in_dim3A_3527 = vector.broadcast %jit3A_3526 : f32 to vector<16xf32>
    %select_n3A_3528 = arith.select %ge3A_3525, %gather3A_3522, %broadcast_in_dim3A_3527 : vector<16xi1>, vector<16xf32>
    %add3A_3529 = arith.addf %get3A_3513, %select_n3A_3528 : vector<16xf32>
    %swap3A_3530 = arith.constant 0 : index
    %swap3A_3531 = tpu.vector_load %arg12[%swap3A_3530] {strides = array<i32>} : memref<16xf32, #tpu.memory_space<vmem>>, vector<16xf32>,
    tpu.vector_store %arg12[%swap3A_3530], %add3A_3529 {strides = array<i32>} : memref<16xf32, #tpu.memory_space<vmem>>, vector<16xf32>,
    %sub3A_3532 = arith.constant 2 : i32
    %sub3A_3533 = vector.broadcast %sub3A_3532 : i32 to vector<16xi32>
    %sub3A_3534 = arith.subi %iota3A, %sub3A_3533 : vector<16xi32>
    %max3A_3535 = arith.constant 0 : i32
    %max3A_3536 = vector.broadcast %max3A_3535 : i32 to vector<16xi32>
    %max3A_3537 = arith.maxsi %sub3A_3534, %max3A_3536 : vector<16xi32>
    %gather3A_3538 = tpu.vector_load_idx %arg12[%max3A_3537] : memref<16xf32, #tpu.memory_space<vmem>>[vector<16xi32>], vector<16xf32>,
    %ge3A_3539 = arith.constant 2 : i32
    %ge3A_3540 = vector.broadcast %ge3A_3539 : i32 to vector<16xi32>
    %ge3A_3541 = arith.cmpi sge, %iota3A, %ge3A_3540 : vector<16xi32>
    %jit3A_3542 = arith.constant 0.000000e+00 : f32
    %broadcast_in_dim3A_3543 = vector.broadcast %jit3A_3542 : f32 to vector<16xf32>
    %select_n3A_3544 = arith.select %ge3A_3541, %gather3A_3538, %broadcast_in_dim3A_3543 : vector<16xi1>, vector<16xf32>
    %add3A_3545 = arith.addf %add3A_3529, %select_n3A_3544 : vector<16xf32>
    %swap3A_3546 = arith.constant 0 : index
    %swap3A_3547 = tpu.vector_load %arg12[%swap3A_3546] {strides = array<i32>} : memref<16xf32, #tpu.memory_space<vmem>>, vector<16xf32>,
    tpu.vector_store %arg12[%swap3A_3546], %add3A_3545 {strides = array<i32>} : memref<16xf32, #tpu.memory_space<vmem>>, vector<16xf32>,
    %sub3A_3548 = arith.constant 4 : i32
    %sub3A_3549 = vector.broadcast %sub3A_3548 : i32 to vector<16xi32>
    %sub3A_3550 = arith.subi %iota3A, %sub3A_3549 : vector<16xi32>
    %max3A_3551 = arith.constant 0 : i32
    %max3A_3552 = vector.broadcast %max3A_3551 : i32 to vector<16xi32>
    %max3A_3553 = arith.maxsi %sub3A_3550, %max3A_3552 : vector<16xi32>
    %gather3A_3554 = tpu.vector_load_idx %arg12[%max3A_3553] : memref<16xf32, #tpu.memory_space<vmem>>[vector<16xi32>], vector<16xf32>,
    %ge3A_3555 = arith.constant 4 : i32
    %ge3A_3556 = vector.broadcast %ge3A_3555 : i32 to vector<16xi32>
    %ge3A_3557 = arith.cmpi sge, %iota3A, %ge3A_3556 : vector<16xi32>
    %jit3A_3558 = arith.constant 0.000000e+00 : f32
    %broadcast_in_dim3A_3559 = vector.broadcast %jit3A_3558 : f32 to vector<16xf32>
    %select_n3A_3560 = arith.select %ge3A_3557, %gather3A_3554, %broadcast_in_dim3A_3559 : vector<16xi1>, vector<16xf32>
    %add3A_3561 = arith.addf %add3A_3545, %select_n3A_3560 : vector<16xf32>
    %swap3A_3562 = arith.constant 0 : index
    %swap3A_3563 = tpu.vector_load %arg12[%swap3A_3562] {strides = array<i32>} : memref<16xf32, #tpu.memory_space<vmem>>, vector<16xf32>,
    tpu.vector_store %arg12[%swap3A_3562], %add3A_3561 {strides = array<i32>} : memref<16xf32, #tpu.memory_space<vmem>>, vector<16xf32>,
    %sub3A_3564 = arith.constant 8 : i32
    %sub3A_3565 = vector.broadcast %sub3A_3564 : i32 to vector<16xi32>
    %sub3A_3566 = arith.subi %iota3A, %sub3A_3565 : vector<16xi32>
    %max3A_3567 = arith.constant 0 : i32
    %max3A_3568 = vector.broadcast %max3A_3567 : i32 to vector<16xi32>
    %max3A_3569 = arith.maxsi %sub3A_3566, %max3A_3568 : vector<16xi32>
    %gather3A_3570 = tpu.vector_load_idx %arg12[%max3A_3569] : memref<16xf32, #tpu.memory_space<vmem>>[vector<16xi32>], vector<16xf32>,
    %ge3A_3571 = arith.constant 8 : i32
    %ge3A_3572 = vector.broadcast %ge3A_3571 : i32 to vector<16xi32>
    %ge3A_3573 = arith.cmpi sge, %iota3A, %ge3A_3572 : vector<16xi32>
    %jit3A_3574 = arith.constant 0.000000e+00 : f32
    %broadcast_in_dim3A_3575 = vector.broadcast %jit3A_3574 : f32 to vector<16xf32>
    %select_n3A_3576 = arith.select %ge3A_3573, %gather3A_3570, %broadcast_in_dim3A_3575 : vector<16xi1>, vector<16xf32>
    %add3A_3577 = arith.addf %add3A_3561, %select_n3A_3576 : vector<16xf32>
    %swap3A_3578 = arith.constant 0 : index
    %swap3A_3579 = tpu.vector_load %arg12[%swap3A_3578] {strides = array<i32>} : memref<16xf32, #tpu.memory_space<vmem>>, vector<16xf32>,
    tpu.vector_store %arg12[%swap3A_3578], %add3A_3577 {strides = array<i32>} : memref<16xf32, #tpu.memory_space<vmem>>, vector<16xf32>,
    %gather3A_3580 = tpu.vector_load_idx %arg12[%add3A_8] : memref<16xf32, #tpu.memory_space<vmem>>[vector<16xi32>], vector<16xf32>,
    %add3A_3581 = arith.addf %add3A_3511, %add3A_3577 : vector<16xf32>
    %sub3A_3582 = arith.constant 1.000000e+00 : f32
    %sub3A_3583 = vector.broadcast %sub3A_3582 : f32 to vector<16xf32>
    %sub3A_3584 = arith.subf %add3A_3581, %sub3A_3583 : vector<16xf32>
    %convert_element_type3A_3585 = arith.fptosi %sub3A_3584 : vector<16xf32> to vector<16xi32>
    %gt3A_3586 = arith.constant 0.000000e+00 : f32
    %gt3A_3587 = vector.broadcast %gt3A_3586 : f32 to vector<16xf32>
    %gt3A_3588 = arith.cmpf ogt, %get3A_3513, %gt3A_3587 : vector<16xf32>
    %lt3A_3589 = arith.constant 2048 : i32
    %lt3A_3590 = vector.broadcast %lt3A_3589 : i32 to vector<16xi32>
    %lt3A_3591 = arith.cmpi slt, %convert_element_type3A_3585, %lt3A_3590 : vector<16xi32>
    %and3A_3592 = arith.andi %gt3A_3588, %lt3A_3591 : vector<16xi1>
    %add3A_3593 = arith.constant 2048 : i32
    %add3A_3594 = arith.addi %add3A_3593, %add3A : i32
    %broadcast_in_dim3A_3595 = vector.broadcast %add3A_3594 : i32 to vector<16xi32>
    %select_n3A_3596 = arith.select %and3A_3592, %convert_element_type3A_3585, %broadcast_in_dim3A_3595 : vector<16xi1>, vector<16xi32>
    %swap3A_3597 = arith.constant 4 : i32
    %swap3A_3598 = arith.index_cast %swap3A_3597 : i32 to index
    %swap3A_3599 = arith.constant 112 : index
    %swap3A_3600 = tpu.vector_load %arg9[%swap3A_3598, %swap3A_3599] {strides = array<i32>} : memref<5x128xi32, #tpu.memory_space<vmem>>, vector<16xi32>,
    tpu.vector_store %arg9[%swap3A_3598, %swap3A_3599], %select_n3A_3596 {strides = array<i32>} : memref<5x128xi32, #tpu.memory_space<vmem>>, vector<16xi32>,
    %add3A_3601 = arith.addf %add3A_3511, %gather3A_3580 : vector<16xf32>
    %dma_start3A = arith.constant 0 : i32
    %dma_start3A_3602 = arith.constant 0 : i32
    %dma_start3A_3603 = tpu.memref_slice %arg10[%dma_start3A, %dma_start3A_3602] : memref<640x16xf32, #tpu.memory_space<vmem>> -> memref<128x16xf32, #tpu.memory_space<vmem>>
    %dma_start3A_3604 = arith.constant 0 : i32
    %dma_start3A_3605 = tpu.memref_slice %arg8[%dma_start3A_3604] : memref<640xi32, #tpu.memory_space<vmem>> -> memref<128xi32, #tpu.memory_space<vmem>>
    %dma_start3A_3606 = arith.constant 0 : i32
    %dma_start3A_3607 = arith.constant 0 : i32
    %dma_start3A_3608 = tpu.memref_slice %arg4[%dma_start3A_3606, %dma_start3A_3607] : memref<20000x16xf32, #tpu.memory_space<hbm>> -> memref<20000x16xf32, #tpu.memory_space<hbm>>
    tpu.enqueue_indirect_dma source(%dma_start3A_3608 : memref<20000x16xf32, #tpu.memory_space<hbm>>) target(%dma_start3A_3603 : memref<128x16xf32, #tpu.memory_space<vmem>>) offsets(%dma_start3A_3605 : memref<128xi32, #tpu.memory_space<vmem>>) semaphore(%arg13 : memref<!tpu.dma_semaphore, #tpu.memory_space<semaphore_mem>>)
    %dma_wait3A = arith.constant 0 : i32
    %dma_wait3A_3609 = arith.constant 0 : i32
    %dma_wait3A_3610 = tpu.memref_slice %arg10[%dma_wait3A, %dma_wait3A_3609] : memref<640x16xf32, #tpu.memory_space<vmem>> -> memref<128x16xf32, #tpu.memory_space<vmem>>
    %dma_wait3A_3611 = arith.constant 0 : i32
    %dma_wait3A_3612 = tpu.memref_slice %arg8[%dma_wait3A_3611] : memref<640xi32, #tpu.memory_space<vmem>> -> memref<128xi32, #tpu.memory_space<vmem>>
    %dma_wait3A_3613 = arith.constant 0 : i32
    %dma_wait3A_3614 = arith.constant 0 : i32
    %dma_wait3A_3615 = tpu.memref_slice %arg4[%dma_wait3A_3613, %dma_wait3A_3614] : memref<20000x16xf32, #tpu.memory_space<hbm>> -> memref<20000x16xf32, #tpu.memory_space<hbm>>
    tpu.wait_indirect_dma semaphore(%arg13 : memref<!tpu.dma_semaphore, #tpu.memory_space<semaphore_mem>>) src(%dma_wait3A_3615 : memref<20000x16xf32, #tpu.memory_space<hbm>>) dst(%dma_wait3A_3610 : memref<128x16xf32, #tpu.memory_space<vmem>>)
    %dma_start3A_3616 = arith.constant 128 : i32
    %dma_start3A_3617 = arith.constant 0 : i32
    %dma_start3A_3618 = tpu.memref_slice %arg10[%dma_start3A_3616, %dma_start3A_3617] : memref<640x16xf32, #tpu.memory_space<vmem>> -> memref<128x16xf32, #tpu.memory_space<vmem>>
    %dma_start3A_3619 = arith.constant 128 : i32
    %dma_start3A_3620 = tpu.memref_slice %arg8[%dma_start3A_3619] : memref<640xi32, #tpu.memory_space<vmem>> -> memref<128xi32, #tpu.memory_space<vmem>>
    %dma_start3A_3621 = arith.constant 0 : i32
    %dma_start3A_3622 = arith.constant 0 : i32
    %dma_start3A_3623 = tpu.memref_slice %arg4[%dma_start3A_3621, %dma_start3A_3622] : memref<20000x16xf32, #tpu.memory_space<hbm>> -> memref<20000x16xf32, #tpu.memory_space<hbm>>
    tpu.enqueue_indirect_dma source(%dma_start3A_3623 : memref<20000x16xf32, #tpu.memory_space<hbm>>) target(%dma_start3A_3618 : memref<128x16xf32, #tpu.memory_space<vmem>>) offsets(%dma_start3A_3620 : memref<128xi32, #tpu.memory_space<vmem>>) semaphore(%arg13 : memref<!tpu.dma_semaphore, #tpu.memory_space<semaphore_mem>>)
    %dma_wait3A_3624 = arith.constant 128 : i32
    %dma_wait3A_3625 = arith.constant 0 : i32
    %dma_wait3A_3626 = tpu.memref_slice %arg10[%dma_wait3A_3624, %dma_wait3A_3625] : memref<640x16xf32, #tpu.memory_space<vmem>> -> memref<128x16xf32, #tpu.memory_space<vmem>>
    %dma_wait3A_3627 = arith.constant 128 : i32
    %dma_wait3A_3628 = tpu.memref_slice %arg8[%dma_wait3A_3627] : memref<640xi32, #tpu.memory_space<vmem>> -> memref<128xi32, #tpu.memory_space<vmem>>
    %dma_wait3A_3629 = arith.constant 0 : i32
    %dma_wait3A_3630 = arith.constant 0 : i32
    %dma_wait3A_3631 = tpu.memref_slice %arg4[%dma_wait3A_3629, %dma_wait3A_3630] : memref<20000x16xf32, #tpu.memory_space<hbm>> -> memref<20000x16xf32, #tpu.memory_space<hbm>>
    tpu.wait_indirect_dma semaphore(%arg13 : memref<!tpu.dma_semaphore, #tpu.memory_space<semaphore_mem>>) src(%dma_wait3A_3631 : memref<20000x16xf32, #tpu.memory_space<hbm>>) dst(%dma_wait3A_3626 : memref<128x16xf32, #tpu.memory_space<vmem>>)
    %dma_start3A_3632 = arith.constant 256 : i32
    %dma_start3A_3633 = arith.constant 0 : i32
    %dma_start3A_3634 = tpu.memref_slice %arg10[%dma_start3A_3632, %dma_start3A_3633] : memref<640x16xf32, #tpu.memory_space<vmem>> -> memref<128x16xf32, #tpu.memory_space<vmem>>
    %dma_start3A_3635 = arith.constant 256 : i32
    %dma_start3A_3636 = tpu.memref_slice %arg8[%dma_start3A_3635] : memref<640xi32, #tpu.memory_space<vmem>> -> memref<128xi32, #tpu.memory_space<vmem>>
    %dma_start3A_3637 = arith.constant 0 : i32
    %dma_start3A_3638 = arith.constant 0 : i32
    %dma_start3A_3639 = tpu.memref_slice %arg4[%dma_start3A_3637, %dma_start3A_3638] : memref<20000x16xf32, #tpu.memory_space<hbm>> -> memref<20000x16xf32, #tpu.memory_space<hbm>>
    tpu.enqueue_indirect_dma source(%dma_start3A_3639 : memref<20000x16xf32, #tpu.memory_space<hbm>>) target(%dma_start3A_3634 : memref<128x16xf32, #tpu.memory_space<vmem>>) offsets(%dma_start3A_3636 : memref<128xi32, #tpu.memory_space<vmem>>) semaphore(%arg13 : memref<!tpu.dma_semaphore, #tpu.memory_space<semaphore_mem>>)
    %dma_wait3A_3640 = arith.constant 256 : i32
    %dma_wait3A_3641 = arith.constant 0 : i32
    %dma_wait3A_3642 = tpu.memref_slice %arg10[%dma_wait3A_3640, %dma_wait3A_3641] : memref<640x16xf32, #tpu.memory_space<vmem>> -> memref<128x16xf32, #tpu.memory_space<vmem>>
    %dma_wait3A_3643 = arith.constant 256 : i32
    %dma_wait3A_3644 = tpu.memref_slice %arg8[%dma_wait3A_3643] : memref<640xi32, #tpu.memory_space<vmem>> -> memref<128xi32, #tpu.memory_space<vmem>>
    %dma_wait3A_3645 = arith.constant 0 : i32
    %dma_wait3A_3646 = arith.constant 0 : i32
    %dma_wait3A_3647 = tpu.memref_slice %arg4[%dma_wait3A_3645, %dma_wait3A_3646] : memref<20000x16xf32, #tpu.memory_space<hbm>> -> memref<20000x16xf32, #tpu.memory_space<hbm>>
    tpu.wait_indirect_dma semaphore(%arg13 : memref<!tpu.dma_semaphore, #tpu.memory_space<semaphore_mem>>) src(%dma_wait3A_3647 : memref<20000x16xf32, #tpu.memory_space<hbm>>) dst(%dma_wait3A_3642 : memref<128x16xf32, #tpu.memory_space<vmem>>)
    %dma_start3A_3648 = arith.constant 384 : i32
    %dma_start3A_3649 = arith.constant 0 : i32
    %dma_start3A_3650 = tpu.memref_slice %arg10[%dma_start3A_3648, %dma_start3A_3649] : memref<640x16xf32, #tpu.memory_space<vmem>> -> memref<128x16xf32, #tpu.memory_space<vmem>>
    %dma_start3A_3651 = arith.constant 384 : i32
    %dma_start3A_3652 = tpu.memref_slice %arg8[%dma_start3A_3651] : memref<640xi32, #tpu.memory_space<vmem>> -> memref<128xi32, #tpu.memory_space<vmem>>
    %dma_start3A_3653 = arith.constant 0 : i32
    %dma_start3A_3654 = arith.constant 0 : i32
    %dma_start3A_3655 = tpu.memref_slice %arg4[%dma_start3A_3653, %dma_start3A_3654] : memref<20000x16xf32, #tpu.memory_space<hbm>> -> memref<20000x16xf32, #tpu.memory_space<hbm>>
    tpu.enqueue_indirect_dma source(%dma_start3A_3655 : memref<20000x16xf32, #tpu.memory_space<hbm>>) target(%dma_start3A_3650 : memref<128x16xf32, #tpu.memory_space<vmem>>) offsets(%dma_start3A_3652 : memref<128xi32, #tpu.memory_space<vmem>>) semaphore(%arg13 : memref<!tpu.dma_semaphore, #tpu.memory_space<semaphore_mem>>)
    %dma_wait3A_3656 = arith.constant 384 : i32
    %dma_wait3A_3657 = arith.constant 0 : i32
    %dma_wait3A_3658 = tpu.memref_slice %arg10[%dma_wait3A_3656, %dma_wait3A_3657] : memref<640x16xf32, #tpu.memory_space<vmem>> -> memref<128x16xf32, #tpu.memory_space<vmem>>
    %dma_wait3A_3659 = arith.constant 384 : i32
    %dma_wait3A_3660 = tpu.memref_slice %arg8[%dma_wait3A_3659] : memref<640xi32, #tpu.memory_space<vmem>> -> memref<128xi32, #tpu.memory_space<vmem>>
    %dma_wait3A_3661 = arith.constant 0 : i32
    %dma_wait3A_3662 = arith.constant 0 : i32
    %dma_wait3A_3663 = tpu.memref_slice %arg4[%dma_wait3A_3661, %dma_wait3A_3662] : memref<20000x16xf32, #tpu.memory_space<hbm>> -> memref<20000x16xf32, #tpu.memory_space<hbm>>
    tpu.wait_indirect_dma semaphore(%arg13 : memref<!tpu.dma_semaphore, #tpu.memory_space<semaphore_mem>>) src(%dma_wait3A_3663 : memref<20000x16xf32, #tpu.memory_space<hbm>>) dst(%dma_wait3A_3658 : memref<128x16xf32, #tpu.memory_space<vmem>>)
    %dma_start3A_3664 = arith.constant 512 : i32
    %dma_start3A_3665 = arith.constant 0 : i32
    %dma_start3A_3666 = tpu.memref_slice %arg10[%dma_start3A_3664, %dma_start3A_3665] : memref<640x16xf32, #tpu.memory_space<vmem>> -> memref<128x16xf32, #tpu.memory_space<vmem>>
    %dma_start3A_3667 = arith.constant 512 : i32
    %dma_start3A_3668 = tpu.memref_slice %arg8[%dma_start3A_3667] : memref<640xi32, #tpu.memory_space<vmem>> -> memref<128xi32, #tpu.memory_space<vmem>>
    %dma_start3A_3669 = arith.constant 0 : i32
    %dma_start3A_3670 = arith.constant 0 : i32
    %dma_start3A_3671 = tpu.memref_slice %arg4[%dma_start3A_3669, %dma_start3A_3670] : memref<20000x16xf32, #tpu.memory_space<hbm>> -> memref<20000x16xf32, #tpu.memory_space<hbm>>
    tpu.enqueue_indirect_dma source(%dma_start3A_3671 : memref<20000x16xf32, #tpu.memory_space<hbm>>) target(%dma_start3A_3666 : memref<128x16xf32, #tpu.memory_space<vmem>>) offsets(%dma_start3A_3668 : memref<128xi32, #tpu.memory_space<vmem>>) semaphore(%arg13 : memref<!tpu.dma_semaphore, #tpu.memory_space<semaphore_mem>>)
    %dma_wait3A_3672 = arith.constant 512 : i32
    %dma_wait3A_3673 = arith.constant 0 : i32
    %dma_wait3A_3674 = tpu.memref_slice %arg10[%dma_wait3A_3672, %dma_wait3A_3673] : memref<640x16xf32, #tpu.memory_space<vmem>> -> memref<128x16xf32, #tpu.memory_space<vmem>>
    %dma_wait3A_3675 = arith.constant 512 : i32
    %dma_wait3A_3676 = tpu.memref_slice %arg8[%dma_wait3A_3675] : memref<640xi32, #tpu.memory_space<vmem>> -> memref<128xi32, #tpu.memory_space<vmem>>
    %dma_wait3A_3677 = arith.constant 0 : i32
    %dma_wait3A_3678 = arith.constant 0 : i32
    %dma_wait3A_3679 = tpu.memref_slice %arg4[%dma_wait3A_3677, %dma_wait3A_3678] : memref<20000x16xf32, #tpu.memory_space<hbm>> -> memref<20000x16xf32, #tpu.memory_space<hbm>>
    tpu.wait_indirect_dma semaphore(%arg13 : memref<!tpu.dma_semaphore, #tpu.memory_space<semaphore_mem>>) src(%dma_wait3A_3679 : memref<20000x16xf32, #tpu.memory_space<hbm>>) dst(%dma_wait3A_3674 : memref<128x16xf32, #tpu.memory_space<vmem>>)
    %broadcast_in_dim3A_3680 = arith.constant 0 : i32
    %broadcast_in_dim3A_3681 = vector.broadcast %broadcast_in_dim3A_3680 : i32 to vector<16xi32>
    %scan3A = arith.constant 0 : i32
    %scan3A_3682 = arith.constant 0 : i32
    %scan3A_3683 = arith.constant 40 : i32
    %scan3A_3684 = arith.addi %scan3A_3682, %scan3A_3683 : i32
    %scan3A_3685 = arith.constant 1 : i32
    %scan3A_3686 = scf.for %scan3A_3788 = %scan3A_3682 to %scan3A_3684 step %scan3A_3685 iter_args(%scan3A_3789 = %scan3A) -> (i32)  : i32 {
      %mul3A_3790 = arith.constant 16 : i32
      %mul3A_3791 = arith.muli %scan3A_3788, %mul3A_3790 : i32
      %add3A_3792 = vector.broadcast %mul3A_3791 : i32 to vector<16xi32>
      %add3A_3793 = arith.addi %iota3A, %add3A_3792 : vector<16xi32>
      %mul3A_3794 = arith.constant 16 : i32
      %mul3A_3795 = arith.muli %scan3A_3788, %mul3A_3794 : i32
      %get3A_3796 = arith.index_cast %mul3A_3795 : i32 to index
      %get3A_3797 = tpu.vector_load %arg8[%get3A_3796] {strides = array<i32>} : memref<640xi32, #tpu.memory_space<vmem>>, vector<16xi32>,
      %convert_element_type3A_3798 = arith.sitofp %get3A_3797 : vector<16xi32> to vector<16xf32>
      tpu.vector_store_idx %arg10[%add3A_3793, %broadcast_in_dim3A_3681], %convert_element_type3A_3798 : memref<640x16xf32, #tpu.memory_space<vmem>>[vector<16xi32>, vector<16xi32>], vector<16xf32>,
      %scan3A_3799 = arith.constant 0 : i32
      scf.yield %scan3A_3799 : i32
    }
    %scan3A_3687 = arith.constant 40 : i32
    %dma_start3A_3688 = arith.constant 0 : i32
    %dma_start3A_3689 = arith.constant 0 : i32
    %dma_start3A_3690 = arith.constant 0 : i32
    %dma_start3A_3691 = tpu.memref_slice %arg10[%dma_start3A_3689, %dma_start3A_3690] : memref<640x16xf32, #tpu.memory_space<vmem>> -> memref<128x16xf32, #tpu.memory_space<vmem>>
    %dma_start3A_3692 = arith.constant 0 : i32
    %dma_start3A_3693 = tpu.memref_slice %arg9[%dma_start3A_3688, %dma_start3A_3692] : memref<5x128xi32, #tpu.memory_space<vmem>> -> memref<1x128xi32, #tpu.memory_space<vmem>>
    %dma_start3A_3694 = tpu.memref_squeeze %dma_start3A_3693 : memref<1x128xi32, #tpu.memory_space<vmem>> -> memref<128xi32, #tpu.memory_space<vmem>>
    %dma_start3A_3695 = arith.constant 0 : i32
    %dma_start3A_3696 = arith.constant 0 : i32
    %dma_start3A_3697 = tpu.memref_slice %arg6[%dma_start3A_3695, %dma_start3A_3696] : memref<2080x16xf32, #tpu.memory_space<hbm>> -> memref<2080x16xf32, #tpu.memory_space<hbm>>
    tpu.enqueue_indirect_dma source(%dma_start3A_3691 : memref<128x16xf32, #tpu.memory_space<vmem>>) target(%dma_start3A_3697 : memref<2080x16xf32, #tpu.memory_space<hbm>>) offsets(%dma_start3A_3694 : memref<128xi32, #tpu.memory_space<vmem>>) semaphore(%arg13 : memref<!tpu.dma_semaphore, #tpu.memory_space<semaphore_mem>>)
    %dma_wait3A_3698 = arith.constant 0 : i32
    %dma_wait3A_3699 = arith.constant 0 : i32
    %dma_wait3A_3700 = arith.constant 0 : i32
    %dma_wait3A_3701 = tpu.memref_slice %arg10[%dma_wait3A_3699, %dma_wait3A_3700] : memref<640x16xf32, #tpu.memory_space<vmem>> -> memref<128x16xf32, #tpu.memory_space<vmem>>
    %dma_wait3A_3702 = arith.constant 0 : i32
    %dma_wait3A_3703 = tpu.memref_slice %arg9[%dma_wait3A_3698, %dma_wait3A_3702] : memref<5x128xi32, #tpu.memory_space<vmem>> -> memref<1x128xi32, #tpu.memory_space<vmem>>
    %dma_wait3A_3704 = tpu.memref_squeeze %dma_wait3A_3703 : memref<1x128xi32, #tpu.memory_space<vmem>> -> memref<128xi32, #tpu.memory_space<vmem>>
    %dma_wait3A_3705 = arith.constant 0 : i32
    %dma_wait3A_3706 = arith.constant 0 : i32
    %dma_wait3A_3707 = tpu.memref_slice %arg6[%dma_wait3A_3705, %dma_wait3A_3706] : memref<2080x16xf32, #tpu.memory_space<hbm>> -> memref<2080x16xf32, #tpu.memory_space<hbm>>
    tpu.wait_indirect_dma semaphore(%arg13 : memref<!tpu.dma_semaphore, #tpu.memory_space<semaphore_mem>>) src(%dma_wait3A_3701 : memref<128x16xf32, #tpu.memory_space<vmem>>) dst(%dma_wait3A_3707 : memref<2080x16xf32, #tpu.memory_space<hbm>>)
    %dma_start3A_3708 = arith.constant 1 : i32
    %dma_start3A_3709 = arith.constant 128 : i32
    %dma_start3A_3710 = arith.constant 0 : i32
    %dma_start3A_3711 = tpu.memref_slice %arg10[%dma_start3A_3709, %dma_start3A_3710] : memref<640x16xf32, #tpu.memory_space<vmem>> -> memref<128x16xf32, #tpu.memory_space<vmem>>
    %dma_start3A_3712 = arith.constant 0 : i32
    %dma_start3A_3713 = tpu.memref_slice %arg9[%dma_start3A_3708, %dma_start3A_3712] : memref<5x128xi32, #tpu.memory_space<vmem>> -> memref<1x128xi32, #tpu.memory_space<vmem>>
    %dma_start3A_3714 = tpu.memref_squeeze %dma_start3A_3713 : memref<1x128xi32, #tpu.memory_space<vmem>> -> memref<128xi32, #tpu.memory_space<vmem>>
    %dma_start3A_3715 = arith.constant 0 : i32
    %dma_start3A_3716 = arith.constant 0 : i32
    %dma_start3A_3717 = tpu.memref_slice %arg6[%dma_start3A_3715, %dma_start3A_3716] : memref<2080x16xf32, #tpu.memory_space<hbm>> -> memref<2080x16xf32, #tpu.memory_space<hbm>>
    tpu.enqueue_indirect_dma source(%dma_start3A_3711 : memref<128x16xf32, #tpu.memory_space<vmem>>) target(%dma_start3A_3717 : memref<2080x16xf32, #tpu.memory_space<hbm>>) offsets(%dma_start3A_3714 : memref<128xi32, #tpu.memory_space<vmem>>) semaphore(%arg13 : memref<!tpu.dma_semaphore, #tpu.memory_space<semaphore_mem>>)
    %dma_wait3A_3718 = arith.constant 1 : i32
    %dma_wait3A_3719 = arith.constant 128 : i32
    %dma_wait3A_3720 = arith.constant 0 : i32
    %dma_wait3A_3721 = tpu.memref_slice %arg10[%dma_wait3A_3719, %dma_wait3A_3720] : memref<640x16xf32, #tpu.memory_space<vmem>> -> memref<128x16xf32, #tpu.memory_space<vmem>>
    %dma_wait3A_3722 = arith.constant 0 : i32
    %dma_wait3A_3723 = tpu.memref_slice %arg9[%dma_wait3A_3718, %dma_wait3A_3722] : memref<5x128xi32, #tpu.memory_space<vmem>> -> memref<1x128xi32, #tpu.memory_space<vmem>>
    %dma_wait3A_3724 = tpu.memref_squeeze %dma_wait3A_3723 : memref<1x128xi32, #tpu.memory_space<vmem>> -> memref<128xi32, #tpu.memory_space<vmem>>
    %dma_wait3A_3725 = arith.constant 0 : i32
    %dma_wait3A_3726 = arith.constant 0 : i32
    %dma_wait3A_3727 = tpu.memref_slice %arg6[%dma_wait3A_3725, %dma_wait3A_3726] : memref<2080x16xf32, #tpu.memory_space<hbm>> -> memref<2080x16xf32, #tpu.memory_space<hbm>>
    tpu.wait_indirect_dma semaphore(%arg13 : memref<!tpu.dma_semaphore, #tpu.memory_space<semaphore_mem>>) src(%dma_wait3A_3721 : memref<128x16xf32, #tpu.memory_space<vmem>>) dst(%dma_wait3A_3727 : memref<2080x16xf32, #tpu.memory_space<hbm>>)
    %dma_start3A_3728 = arith.constant 2 : i32
    %dma_start3A_3729 = arith.constant 256 : i32
    %dma_start3A_3730 = arith.constant 0 : i32
    %dma_start3A_3731 = tpu.memref_slice %arg10[%dma_start3A_3729, %dma_start3A_3730] : memref<640x16xf32, #tpu.memory_space<vmem>> -> memref<128x16xf32, #tpu.memory_space<vmem>>
    %dma_start3A_3732 = arith.constant 0 : i32
    %dma_start3A_3733 = tpu.memref_slice %arg9[%dma_start3A_3728, %dma_start3A_3732] : memref<5x128xi32, #tpu.memory_space<vmem>> -> memref<1x128xi32, #tpu.memory_space<vmem>>
    %dma_start3A_3734 = tpu.memref_squeeze %dma_start3A_3733 : memref<1x128xi32, #tpu.memory_space<vmem>> -> memref<128xi32, #tpu.memory_space<vmem>>
    %dma_start3A_3735 = arith.constant 0 : i32
    %dma_start3A_3736 = arith.constant 0 : i32
    %dma_start3A_3737 = tpu.memref_slice %arg6[%dma_start3A_3735, %dma_start3A_3736] : memref<2080x16xf32, #tpu.memory_space<hbm>> -> memref<2080x16xf32, #tpu.memory_space<hbm>>
    tpu.enqueue_indirect_dma source(%dma_start3A_3731 : memref<128x16xf32, #tpu.memory_space<vmem>>) target(%dma_start3A_3737 : memref<2080x16xf32, #tpu.memory_space<hbm>>) offsets(%dma_start3A_3734 : memref<128xi32, #tpu.memory_space<vmem>>) semaphore(%arg13 : memref<!tpu.dma_semaphore, #tpu.memory_space<semaphore_mem>>)
    %dma_wait3A_3738 = arith.constant 2 : i32
    %dma_wait3A_3739 = arith.constant 256 : i32
    %dma_wait3A_3740 = arith.constant 0 : i32
    %dma_wait3A_3741 = tpu.memref_slice %arg10[%dma_wait3A_3739, %dma_wait3A_3740] : memref<640x16xf32, #tpu.memory_space<vmem>> -> memref<128x16xf32, #tpu.memory_space<vmem>>
    %dma_wait3A_3742 = arith.constant 0 : i32
    %dma_wait3A_3743 = tpu.memref_slice %arg9[%dma_wait3A_3738, %dma_wait3A_3742] : memref<5x128xi32, #tpu.memory_space<vmem>> -> memref<1x128xi32, #tpu.memory_space<vmem>>
    %dma_wait3A_3744 = tpu.memref_squeeze %dma_wait3A_3743 : memref<1x128xi32, #tpu.memory_space<vmem>> -> memref<128xi32, #tpu.memory_space<vmem>>
    %dma_wait3A_3745 = arith.constant 0 : i32
    %dma_wait3A_3746 = arith.constant 0 : i32
    %dma_wait3A_3747 = tpu.memref_slice %arg6[%dma_wait3A_3745, %dma_wait3A_3746] : memref<2080x16xf32, #tpu.memory_space<hbm>> -> memref<2080x16xf32, #tpu.memory_space<hbm>>
    tpu.wait_indirect_dma semaphore(%arg13 : memref<!tpu.dma_semaphore, #tpu.memory_space<semaphore_mem>>) src(%dma_wait3A_3741 : memref<128x16xf32, #tpu.memory_space<vmem>>) dst(%dma_wait3A_3747 : memref<2080x16xf32, #tpu.memory_space<hbm>>)
    %dma_start3A_3748 = arith.constant 3 : i32
    %dma_start3A_3749 = arith.constant 384 : i32
    %dma_start3A_3750 = arith.constant 0 : i32
    %dma_start3A_3751 = tpu.memref_slice %arg10[%dma_start3A_3749, %dma_start3A_3750] : memref<640x16xf32, #tpu.memory_space<vmem>> -> memref<128x16xf32, #tpu.memory_space<vmem>>
    %dma_start3A_3752 = arith.constant 0 : i32
    %dma_start3A_3753 = tpu.memref_slice %arg9[%dma_start3A_3748, %dma_start3A_3752] : memref<5x128xi32, #tpu.memory_space<vmem>> -> memref<1x128xi32, #tpu.memory_space<vmem>>
    %dma_start3A_3754 = tpu.memref_squeeze %dma_start3A_3753 : memref<1x128xi32, #tpu.memory_space<vmem>> -> memref<128xi32, #tpu.memory_space<vmem>>
    %dma_start3A_3755 = arith.constant 0 : i32
    %dma_start3A_3756 = arith.constant 0 : i32
    %dma_start3A_3757 = tpu.memref_slice %arg6[%dma_start3A_3755, %dma_start3A_3756] : memref<2080x16xf32, #tpu.memory_space<hbm>> -> memref<2080x16xf32, #tpu.memory_space<hbm>>
    tpu.enqueue_indirect_dma source(%dma_start3A_3751 : memref<128x16xf32, #tpu.memory_space<vmem>>) target(%dma_start3A_3757 : memref<2080x16xf32, #tpu.memory_space<hbm>>) offsets(%dma_start3A_3754 : memref<128xi32, #tpu.memory_space<vmem>>) semaphore(%arg13 : memref<!tpu.dma_semaphore, #tpu.memory_space<semaphore_mem>>)
    %dma_wait3A_3758 = arith.constant 3 : i32
    %dma_wait3A_3759 = arith.constant 384 : i32
    %dma_wait3A_3760 = arith.constant 0 : i32
    %dma_wait3A_3761 = tpu.memref_slice %arg10[%dma_wait3A_3759, %dma_wait3A_3760] : memref<640x16xf32, #tpu.memory_space<vmem>> -> memref<128x16xf32, #tpu.memory_space<vmem>>
    %dma_wait3A_3762 = arith.constant 0 : i32
    %dma_wait3A_3763 = tpu.memref_slice %arg9[%dma_wait3A_3758, %dma_wait3A_3762] : memref<5x128xi32, #tpu.memory_space<vmem>> -> memref<1x128xi32, #tpu.memory_space<vmem>>
    %dma_wait3A_3764 = tpu.memref_squeeze %dma_wait3A_3763 : memref<1x128xi32, #tpu.memory_space<vmem>> -> memref<128xi32, #tpu.memory_space<vmem>>
    %dma_wait3A_3765 = arith.constant 0 : i32
    %dma_wait3A_3766 = arith.constant 0 : i32
    %dma_wait3A_3767 = tpu.memref_slice %arg6[%dma_wait3A_3765, %dma_wait3A_3766] : memref<2080x16xf32, #tpu.memory_space<hbm>> -> memref<2080x16xf32, #tpu.memory_space<hbm>>
    tpu.wait_indirect_dma semaphore(%arg13 : memref<!tpu.dma_semaphore, #tpu.memory_space<semaphore_mem>>) src(%dma_wait3A_3761 : memref<128x16xf32, #tpu.memory_space<vmem>>) dst(%dma_wait3A_3767 : memref<2080x16xf32, #tpu.memory_space<hbm>>)
    %dma_start3A_3768 = arith.constant 4 : i32
    %dma_start3A_3769 = arith.constant 512 : i32
    %dma_start3A_3770 = arith.constant 0 : i32
    %dma_start3A_3771 = tpu.memref_slice %arg10[%dma_start3A_3769, %dma_start3A_3770] : memref<640x16xf32, #tpu.memory_space<vmem>> -> memref<128x16xf32, #tpu.memory_space<vmem>>
    %dma_start3A_3772 = arith.constant 0 : i32
    %dma_start3A_3773 = tpu.memref_slice %arg9[%dma_start3A_3768, %dma_start3A_3772] : memref<5x128xi32, #tpu.memory_space<vmem>> -> memref<1x128xi32, #tpu.memory_space<vmem>>
    %dma_start3A_3774 = tpu.memref_squeeze %dma_start3A_3773 : memref<1x128xi32, #tpu.memory_space<vmem>> -> memref<128xi32, #tpu.memory_space<vmem>>
    %dma_start3A_3775 = arith.constant 0 : i32
    %dma_start3A_3776 = arith.constant 0 : i32
    %dma_start3A_3777 = tpu.memref_slice %arg6[%dma_start3A_3775, %dma_start3A_3776] : memref<2080x16xf32, #tpu.memory_space<hbm>> -> memref<2080x16xf32, #tpu.memory_space<hbm>>
    tpu.enqueue_indirect_dma source(%dma_start3A_3771 : memref<128x16xf32, #tpu.memory_space<vmem>>) target(%dma_start3A_3777 : memref<2080x16xf32, #tpu.memory_space<hbm>>) offsets(%dma_start3A_3774 : memref<128xi32, #tpu.memory_space<vmem>>) semaphore(%arg13 : memref<!tpu.dma_semaphore, #tpu.memory_space<semaphore_mem>>)
    %dma_wait3A_3778 = arith.constant 4 : i32
    %dma_wait3A_3779 = arith.constant 512 : i32
    %dma_wait3A_3780 = arith.constant 0 : i32
    %dma_wait3A_3781 = tpu.memref_slice %arg10[%dma_wait3A_3779, %dma_wait3A_3780] : memref<640x16xf32, #tpu.memory_space<vmem>> -> memref<128x16xf32, #tpu.memory_space<vmem>>
    %dma_wait3A_3782 = arith.constant 0 : i32
    %dma_wait3A_3783 = tpu.memref_slice %arg9[%dma_wait3A_3778, %dma_wait3A_3782] : memref<5x128xi32, #tpu.memory_space<vmem>> -> memref<1x128xi32, #tpu.memory_space<vmem>>
    %dma_wait3A_3784 = tpu.memref_squeeze %dma_wait3A_3783 : memref<1x128xi32, #tpu.memory_space<vmem>> -> memref<128xi32, #tpu.memory_space<vmem>>
    %dma_wait3A_3785 = arith.constant 0 : i32
    %dma_wait3A_3786 = arith.constant 0 : i32
    %dma_wait3A_3787 = tpu.memref_slice %arg6[%dma_wait3A_3785, %dma_wait3A_3786] : memref<2080x16xf32, #tpu.memory_space<hbm>> -> memref<2080x16xf32, #tpu.memory_space<hbm>>
    tpu.wait_indirect_dma semaphore(%arg13 : memref<!tpu.dma_semaphore, #tpu.memory_space<semaphore_mem>>) src(%dma_wait3A_3781 : memref<128x16xf32, #tpu.memory_space<vmem>>) dst(%dma_wait3A_3787 : memref<2080x16xf32, #tpu.memory_space<hbm>>)
    return
  }
}

module attributes {stable_mosaic.version = 14 : i64} {
  func.func @_nms_block_kernel(%arg0: i32, %arg1: memref<160x128xf32, #tpu.memory_space<vmem>>, %arg2: memref<160x128xf32, #tpu.memory_space<vmem>>, %arg3: memref<160x128xf32, #tpu.memory_space<vmem>>, %arg4: memref<160x128xf32, #tpu.memory_space<vmem>>, %arg5: memref<160x128xf32, #tpu.memory_space<vmem>>, %arg6: memref<160x128xf32, #tpu.memory_space<vmem>>, %arg7: memref<160x128xf32, #tpu.memory_space<vmem>>, %arg8: memref<128x128xf32, #tpu.memory_space<vmem>>, %arg9: memref<160xf32, #tpu.memory_space<smem>>) attributes {dimension_semantics = [#tpu.dimension_semantics<arbitrary>], iteration_bounds = array<i64: 160>, scalar_prefetch = 0 : i64, scratch_operands = 3 : i64, tpu.core_type = #tpu.core_type<tc>, window_params = [{pipeline_mode = #tpu.pipeline_mode<synchronous>, transform_indices = @transform_0, window_bounds = array<i64: 160, 128>}, {pipeline_mode = #tpu.pipeline_mode<synchronous>, transform_indices = @transform_1, window_bounds = array<i64: 160, 128>}, {pipeline_mode = #tpu.pipeline_mode<synchronous>, transform_indices = @transform_2, window_bounds = array<i64: 160, 128>}, {pipeline_mode = #tpu.pipeline_mode<synchronous>, transform_indices = @transform_3, window_bounds = array<i64: 160, 128>}, {pipeline_mode = #tpu.pipeline_mode<synchronous>, transform_indices = @transform_4, window_bounds = array<i64: 160, 128>}, {pipeline_mode = #tpu.pipeline_mode<synchronous>, transform_indices = @transform_5, window_bounds = array<i64: 160, 128>}]} {
    %eq3A = arith.constant 0 : i32
    %eq3A_0 = arith.cmpi eq, %arg0, %eq3A : i32
    %convert_element_type3A = arith.extui %eq3A_0 : i1 to i32
    %cond3A = arith.constant 0 : i32
    %cond3A_1 = arith.cmpi ne, %convert_element_type3A, %cond3A : i32
    scf.if %cond3A_1 {
      %broadcast_in_dim3A_109 = arith.constant 0.000000e+00 : f32
      %broadcast_in_dim3A_110 = vector.broadcast %broadcast_in_dim3A_109 : f32 to vector<160x128xf32>
      %swap3A_111 = arith.constant 0 : index
      %swap3A_112 = arith.constant 0 : index
      %swap3A_113 = vector.load %arg7[%swap3A_111, %swap3A_112] : memref<160x128xf32, #tpu.memory_space<vmem>>, vector<160x128xf32>
      tpu.vector_store %arg7[%swap3A_111, %swap3A_112], %broadcast_in_dim3A_110 {strides = array<i32>} : memref<160x128xf32, #tpu.memory_space<vmem>>, vector<160x128xf32>,
      %scan3A_114 = arith.constant -3.000000e+38 : f32
      %scan3A_115 = arith.constant 0 : i32
      %scan3A_116 = arith.constant 160 : i32
      %scan3A_117 = arith.addi %scan3A_115, %scan3A_116 : i32
      %scan3A_118 = arith.constant 1 : i32
      %scan3A_119 = scf.for %scan3A_121 = %scan3A_115 to %scan3A_117 step %scan3A_118 iter_args(%scan3A_122 = %scan3A_114) -> (f32)  : i32 {
        %sub3A_123 = arith.constant 159 : i32
        %sub3A_124 = arith.subi %sub3A_123, %scan3A_121 : i32
        %get3A_125 = arith.index_cast %sub3A_124 : i32 to index
        %get3A_126 = arith.constant 0 : index
        %get3A_127 = vector.load %arg4[%get3A_125, %get3A_126] : memref<160x128xf32, #tpu.memory_space<vmem>>, vector<1x128xf32>
        %reduce_max3A = vector.shape_cast %get3A_127 : vector<1x128xf32> to vector<1x1x128xf32>
        %reduce_max3A_128 = arith.constant dense<0xFF800000> : vector<1xf32>
        %reduce_max3A_129 = vector.multi_reduction <maximumf>, %reduce_max3A, %reduce_max3A_128 [1, 2] : vector<1x1x128xf32> to vector<1xf32>
        %reduce_max3A_130 = vector.shape_cast %reduce_max3A_129 : vector<1xf32> to vector<1x1x1xf32>
        %reduce_max3A_131 = vector.extract %reduce_max3A_130[0, 0, 0] : f32 from vector<1x1x1xf32>
        %max3A_132 = arith.maximumf %reduce_max3A_131, %scan3A_122 : f32
        %swap3A_133 = arith.index_cast %sub3A_124 : i32 to index
        %swap3A_134 = memref.load %arg9[%swap3A_133] : memref<160xf32, #tpu.memory_space<smem>>
        memref.store %max3A_132, %arg9[%swap3A_133] : memref<160xf32, #tpu.memory_space<smem>>
        scf.yield %max3A_132 : f32
      }
      %scan3A_120 = arith.constant 160 : i32
    } else {
    }
    %get3A = arith.index_cast %arg0 : i32 to index
    %get3A_2 = arith.constant 0 : index
    %get3A_3 = vector.load %arg1[%get3A, %get3A_2] : memref<160x128xf32, #tpu.memory_space<vmem>>, vector<1x128xf32>
    %get3A_4 = arith.index_cast %arg0 : i32 to index
    %get3A_5 = arith.constant 0 : index
    %get3A_6 = vector.load %arg2[%get3A_4, %get3A_5] : memref<160x128xf32, #tpu.memory_space<vmem>>, vector<1x128xf32>
    %get3A_7 = arith.index_cast %arg0 : i32 to index
    %get3A_8 = arith.constant 0 : index
    %get3A_9 = vector.load %arg3[%get3A_7, %get3A_8] : memref<160x128xf32, #tpu.memory_space<vmem>>, vector<1x128xf32>
    %get3A_10 = arith.index_cast %arg0 : i32 to index
    %get3A_11 = arith.constant 0 : index
    %get3A_12 = vector.load %arg4[%get3A_10, %get3A_11] : memref<160x128xf32, #tpu.memory_space<vmem>>, vector<1x128xf32>
    %broadcast_in_dim3A = vector.shape_cast %get3A_3 : vector<1x128xf32> to vector<1x128xf32>
    %broadcast_in_dim3A_13 = vector.broadcast %broadcast_in_dim3A : vector<1x128xf32> to vector<128x128xf32>
    %transpose3A = tpu.transpose %broadcast_in_dim3A_13, [1, 0] : vector<128x128xf32> -> vector<128x128xf32>
    %broadcast_in_dim3A_14 = vector.shape_cast %get3A_6 : vector<1x128xf32> to vector<1x128xf32>
    %broadcast_in_dim3A_15 = vector.broadcast %broadcast_in_dim3A_14 : vector<1x128xf32> to vector<128x128xf32>
    %transpose3A_16 = tpu.transpose %broadcast_in_dim3A_15, [1, 0] : vector<128x128xf32> -> vector<128x128xf32>
    %broadcast_in_dim3A_17 = vector.shape_cast %get3A_9 : vector<1x128xf32> to vector<1x128xf32>
    %broadcast_in_dim3A_18 = vector.broadcast %broadcast_in_dim3A_17 : vector<1x128xf32> to vector<128x128xf32>
    %transpose3A_19 = tpu.transpose %broadcast_in_dim3A_18, [1, 0] : vector<128x128xf32> -> vector<128x128xf32>
    %broadcast_in_dim3A_20 = vector.shape_cast %get3A_12 : vector<1x128xf32> to vector<1x128xf32>
    %broadcast_in_dim3A_21 = vector.broadcast %broadcast_in_dim3A_20 : vector<1x128xf32> to vector<128x128xf32>
    %transpose3A_22 = tpu.transpose %broadcast_in_dim3A_21, [1, 0] : vector<128x128xf32> -> vector<128x128xf32>
    %sub3A = arith.subf %transpose3A_19, %transpose3A : vector<128x128xf32>
    %sub3A_23 = arith.subf %transpose3A_22, %transpose3A_16 : vector<128x128xf32>
    %mul3A = arith.mulf %sub3A, %sub3A_23 : vector<128x128xf32>
    %max3A = vector.broadcast %get3A_3 : vector<1x128xf32> to vector<128x128xf32>
    %max3A_24 = arith.maximumf %transpose3A, %max3A : vector<128x128xf32>
    %max3A_25 = vector.broadcast %get3A_6 : vector<1x128xf32> to vector<128x128xf32>
    %max3A_26 = arith.maximumf %transpose3A_16, %max3A_25 : vector<128x128xf32>
    %min3A = vector.broadcast %get3A_9 : vector<1x128xf32> to vector<128x128xf32>
    %min3A_27 = arith.minimumf %transpose3A_19, %min3A : vector<128x128xf32>
    %min3A_28 = vector.broadcast %get3A_12 : vector<1x128xf32> to vector<128x128xf32>
    %min3A_29 = arith.minimumf %transpose3A_22, %min3A_28 : vector<128x128xf32>
    %sub3A_30 = arith.subf %min3A_27, %max3A_24 : vector<128x128xf32>
    %max3A_31 = arith.constant 0.000000e+00 : f32
    %max3A_32 = vector.broadcast %max3A_31 : f32 to vector<128x128xf32>
    %max3A_33 = arith.maximumf %sub3A_30, %max3A_32 : vector<128x128xf32>
    %sub3A_34 = arith.subf %min3A_29, %max3A_26 : vector<128x128xf32>
    %max3A_35 = arith.constant 0.000000e+00 : f32
    %max3A_36 = vector.broadcast %max3A_35 : f32 to vector<128x128xf32>
    %max3A_37 = arith.maximumf %sub3A_34, %max3A_36 : vector<128x128xf32>
    %mul3A_38 = arith.mulf %max3A_33, %max3A_37 : vector<128x128xf32>
    %sub3A_39 = arith.subf %get3A_9, %get3A_3 : vector<1x128xf32>
    %sub3A_40 = arith.subf %get3A_12, %get3A_6 : vector<1x128xf32>
    %mul3A_41 = arith.mulf %sub3A_39, %sub3A_40 : vector<1x128xf32>
    %add3A = vector.broadcast %mul3A_41 : vector<1x128xf32> to vector<128x128xf32>
    %add3A_42 = arith.addf %mul3A, %add3A : vector<128x128xf32>
    %sub3A_43 = arith.subf %add3A_42, %mul3A_38 : vector<128x128xf32>
    %add3A_44 = arith.constant 9.99999971E-10 : f32
    %add3A_45 = vector.broadcast %add3A_44 : f32 to vector<128x128xf32>
    %add3A_46 = arith.addf %sub3A_43, %add3A_45 : vector<128x128xf32>
    %div3A = arith.divf %mul3A_38, %add3A_46 : vector<128x128xf32>
    %gt3A = arith.constant 6.000000e-01 : f32
    %gt3A_47 = vector.broadcast %gt3A : f32 to vector<128x128xf32>
    %gt3A_48 = arith.cmpf ogt, %div3A, %gt3A_47 : vector<128x128xf32>
    %convert_element_type3A_49 = arith.extui %gt3A_48 : vector<128x128xi1> to vector<128x128xi32>
    %convert_element_type3A_50 = arith.sitofp %convert_element_type3A_49 : vector<128x128xi32> to vector<128x128xf32>
    %iota3A = tpu.iota {dimensions = array<i32: 1>} : vector<128x128xi32>
    %iota3A_51 = tpu.iota {dimensions = array<i32: 0>} : vector<128x128xi32>
    %gt3A_52 = arith.cmpi sgt, %iota3A, %iota3A_51 : vector<128x128xi32>
    %convert_element_type3A_53 = arith.extui %gt3A_52 : vector<128x128xi1> to vector<128x128xi32>
    %convert_element_type3A_54 = arith.sitofp %convert_element_type3A_53 : vector<128x128xi32> to vector<128x128xf32>
    %mul3A_55 = arith.mulf %convert_element_type3A_50, %convert_element_type3A_54 : vector<128x128xf32>
    %swap3A = arith.constant 0 : index
    %swap3A_56 = arith.constant 0 : index
    %swap3A_57 = vector.load %arg8[%swap3A, %swap3A_56] : memref<128x128xf32, #tpu.memory_space<vmem>>, vector<128x128xf32>
    tpu.vector_store %arg8[%swap3A, %swap3A_56], %mul3A_55 {strides = array<i32>} : memref<128x128xf32, #tpu.memory_space<vmem>>, vector<128x128xf32>,
    %iota3A_58 = tpu.iota {dimensions = array<i32: 1>} : vector<1x128xi32>
    %get3A_59 = arith.index_cast %arg0 : i32 to index
    %get3A_60 = arith.constant 0 : index
    %get3A_61 = vector.load %arg7[%get3A_59, %get3A_60] : memref<160x128xf32, #tpu.memory_space<vmem>>, vector<1x128xf32>
    %sub3A_62 = arith.constant 1.000000e+00 : f32
    %sub3A_63 = vector.broadcast %sub3A_62 : f32 to vector<1x128xf32>
    %sub3A_64 = arith.subf %sub3A_63, %get3A_61 : vector<1x128xf32>
    %scan3A = arith.constant 0 : i32
    %scan3A_65 = arith.constant 64 : i32
    %scan3A_66 = arith.addi %scan3A, %scan3A_65 : i32
    %scan3A_67 = arith.constant 1 : i32
    %scan3A_68 = scf.for %scan3A_109 = %scan3A to %scan3A_66 step %scan3A_67 iter_args(%scan3A_110 = %sub3A_64) -> (vector<1x128xf32>)  : i32 {
      %mul3A_111 = arith.constant 2 : i32
      %mul3A_112 = arith.muli %scan3A_109, %mul3A_111 : i32
      %multiple_of3A = tpu.assume_multiple %mul3A_112, 2 : i32
      %get3A_113 = arith.index_cast %multiple_of3A : i32 to index
      %get3A_114 = arith.constant 0 : index
      %get3A_115 = vector.load %arg8[%get3A_113, %get3A_114] : memref<128x128xf32, #tpu.memory_space<vmem>>, vector<2x128xf32>
      %reduce_max3A = vector.shape_cast %get3A_115 : vector<2x128xf32> to vector<1x2x128xf32>
      %reduce_max3A_116 = arith.constant dense<0xFF800000> : vector<1xf32>
      %reduce_max3A_117 = vector.multi_reduction <maximumf>, %reduce_max3A, %reduce_max3A_116 [1, 2] : vector<1x2x128xf32> to vector<1xf32>
      %reduce_max3A_118 = vector.shape_cast %reduce_max3A_117 : vector<1xf32> to vector<1x1x1xf32>
      %reduce_max3A_119 = vector.extract %reduce_max3A_118[0, 0, 0] : f32 from vector<1x1x1xf32>
      %gt3A_120 = arith.constant 0.000000e+00 : f32
      %gt3A_121 = arith.cmpf ogt, %reduce_max3A_119, %gt3A_120 : f32
      %convert_element_type3A_122 = arith.extui %gt3A_121 : i1 to i32
      %cond3A_123 = arith.constant 0 : i32
      %cond3A_124 = arith.cmpi ne, %convert_element_type3A_122, %cond3A_123 : i32
      %cond3A_125 = scf.if %cond3A_124 -> (vector<1x128xf32>) {
        %add3A_126 = arith.constant 2 : i32
        %add3A_127 = arith.addi %multiple_of3A, %add3A_126 : i32
        %while3A_128 = arith.subi %add3A_127, %multiple_of3A : i32
        %while3A_129 = arith.addi %multiple_of3A, %while3A_128 : i32
        %while3A_130 = arith.constant 1 : i32
        %while3A_131 = arith.divsi %while3A_128, %while3A_130 : i32
        %while3A_132 = arith.muli %while3A_131, %while3A_130 : i32
        %while3A_133 = arith.addi %multiple_of3A, %while3A_132 : i32
        %while3A_134 = arith.constant 1 : i32
        %while3A_135 = scf.for %while3A_138 = %multiple_of3A to %while3A_133 step %while3A_134 iter_args(%while3A_139 = %scan3A_110) -> (vector<1x128xf32>)  : i32 {
          %get3A_140 = arith.index_cast %while3A_138 : i32 to index
          %get3A_141 = arith.constant 0 : index
          %get3A_142 = vector.load %arg8[%get3A_140, %get3A_141] : memref<128x128xf32, #tpu.memory_space<vmem>>, vector<1x128xf32>
          %eq3A_143 = vector.broadcast %while3A_138 : i32 to vector<1x128xi32>
          %eq3A_144 = arith.cmpi eq, %iota3A_58, %eq3A_143 : vector<1x128xi32>
          %jit3A = arith.constant 0.000000e+00 : f32
          %broadcast_in_dim3A_145 = vector.broadcast %jit3A : f32 to vector<1x128xf32>
          %select_n3A = arith.select %eq3A_144, %while3A_139, %broadcast_in_dim3A_145 : vector<1x128xi1>, vector<1x128xf32>
          %reduce_sum3A_146 = vector.shape_cast %select_n3A : vector<1x128xf32> to vector<1x1x128xf32>
          %reduce_sum3A_147 = arith.constant dense<0.000000e+00> : vector<1xf32>
          %reduce_sum3A_148 = vector.multi_reduction <add>, %reduce_sum3A_146, %reduce_sum3A_147 [1, 2] : vector<1x1x128xf32> to vector<1xf32>
          %reduce_sum3A_149 = vector.shape_cast %reduce_sum3A_148 : vector<1xf32> to vector<1x1x1xf32>
          %reduce_sum3A_150 = vector.extract %reduce_sum3A_149[0, 0, 0] : f32 from vector<1x1x1xf32>
          %mul3A_151 = vector.broadcast %reduce_sum3A_150 : f32 to vector<1x128xf32>
          %mul3A_152 = arith.mulf %get3A_142, %mul3A_151 : vector<1x128xf32>
          %sub3A_153 = arith.constant 1.000000e+00 : f32
          %sub3A_154 = vector.broadcast %sub3A_153 : f32 to vector<1x128xf32>
          %sub3A_155 = arith.subf %sub3A_154, %mul3A_152 : vector<1x128xf32>
          %mul3A_156 = arith.mulf %while3A_139, %sub3A_155 : vector<1x128xf32>
          scf.yield %mul3A_156 : vector<1x128xf32>
        }
        %while3A_136 = arith.constant 1 : i32
        %while3A_137 = scf.for %while3A_138 = %while3A_133 to %while3A_129 step %while3A_136 iter_args(%while3A_139 = %while3A_135) -> (vector<1x128xf32>)  : i32 {
          %get3A_140 = arith.index_cast %while3A_138 : i32 to index
          %get3A_141 = arith.constant 0 : index
          %get3A_142 = vector.load %arg8[%get3A_140, %get3A_141] : memref<128x128xf32, #tpu.memory_space<vmem>>, vector<1x128xf32>
          %eq3A_143 = vector.broadcast %while3A_138 : i32 to vector<1x128xi32>
          %eq3A_144 = arith.cmpi eq, %iota3A_58, %eq3A_143 : vector<1x128xi32>
          %jit3A = arith.constant 0.000000e+00 : f32
          %broadcast_in_dim3A_145 = vector.broadcast %jit3A : f32 to vector<1x128xf32>
          %select_n3A = arith.select %eq3A_144, %while3A_139, %broadcast_in_dim3A_145 : vector<1x128xi1>, vector<1x128xf32>
          %reduce_sum3A_146 = vector.shape_cast %select_n3A : vector<1x128xf32> to vector<1x1x128xf32>
          %reduce_sum3A_147 = arith.constant dense<0.000000e+00> : vector<1xf32>
          %reduce_sum3A_148 = vector.multi_reduction <add>, %reduce_sum3A_146, %reduce_sum3A_147 [1, 2] : vector<1x1x128xf32> to vector<1xf32>
          %reduce_sum3A_149 = vector.shape_cast %reduce_sum3A_148 : vector<1xf32> to vector<1x1x1xf32>
          %reduce_sum3A_150 = vector.extract %reduce_sum3A_149[0, 0, 0] : f32 from vector<1x1x1xf32>
          %mul3A_151 = vector.broadcast %reduce_sum3A_150 : f32 to vector<1x128xf32>
          %mul3A_152 = arith.mulf %get3A_142, %mul3A_151 : vector<1x128xf32>
          %sub3A_153 = arith.constant 1.000000e+00 : f32
          %sub3A_154 = vector.broadcast %sub3A_153 : f32 to vector<1x128xf32>
          %sub3A_155 = arith.subf %sub3A_154, %mul3A_152 : vector<1x128xf32>
          %mul3A_156 = arith.mulf %while3A_139, %sub3A_155 : vector<1x128xf32>
          scf.yield %mul3A_156 : vector<1x128xf32>
        }
        scf.yield %while3A_137 : vector<1x128xf32>
      } else {
        scf.yield %scan3A_110 : vector<1x128xf32>
      }
      scf.yield %cond3A_125 : vector<1x128xf32>
    }
    %scan3A_69 = arith.constant 64 : i32
    %gt3A_70 = arith.constant -1.000000e+05 : f32
    %gt3A_71 = vector.broadcast %gt3A_70 : f32 to vector<1x128xf32>
    %gt3A_72 = arith.cmpf ogt, %get3A_6, %gt3A_71 : vector<1x128xf32>
    %convert_element_type3A_73 = arith.extui %gt3A_72 : vector<1x128xi1> to vector<1x128xi32>
    %convert_element_type3A_74 = arith.sitofp %convert_element_type3A_73 : vector<1x128xi32> to vector<1x128xf32>
    %mul3A_75 = arith.mulf %scan3A_68, %convert_element_type3A_74 : vector<1x128xf32>
    %swap3A_76 = arith.index_cast %arg0 : i32 to index
    %swap3A_77 = arith.constant 0 : index
    %swap3A_78 = vector.load %arg5[%swap3A_76, %swap3A_77] : memref<160x128xf32, #tpu.memory_space<vmem>>, vector<1x128xf32>
    tpu.vector_store %arg5[%swap3A_76, %swap3A_77], %mul3A_75 {strides = array<i32>} : memref<160x128xf32, #tpu.memory_space<vmem>>, vector<1x128xf32>,
    %reduce_sum3A = vector.shape_cast %mul3A_75 : vector<1x128xf32> to vector<1x1x128xf32>
    %reduce_sum3A_79 = arith.constant dense<0.000000e+00> : vector<1xf32>
    %reduce_sum3A_80 = vector.multi_reduction <add>, %reduce_sum3A, %reduce_sum3A_79 [1, 2] : vector<1x1x128xf32> to vector<1xf32>
    %reduce_sum3A_81 = vector.shape_cast %reduce_sum3A_80 : vector<1xf32> to vector<1x1x1xf32>
    %reduce_sum3A_82 = vector.extract %reduce_sum3A_81[0, 0, 0] : f32 from vector<1x1x1xf32>
    %broadcast_in_dim3A_83 = vector.broadcast %reduce_sum3A_82 : f32 to vector<1x128xf32>
    %swap3A_84 = arith.index_cast %arg0 : i32 to index
    %swap3A_85 = arith.constant 0 : index
    %swap3A_86 = vector.load %arg6[%swap3A_84, %swap3A_85] : memref<160x128xf32, #tpu.memory_space<vmem>>, vector<1x128xf32>
    tpu.vector_store %arg6[%swap3A_84, %swap3A_85], %broadcast_in_dim3A_83 {strides = array<i32>} : memref<160x128xf32, #tpu.memory_space<vmem>>, vector<1x128xf32>,
    %broadcast_in_dim3A_87 = vector.shape_cast %scan3A_68 : vector<1x128xf32> to vector<1x128xf32>
    %broadcast_in_dim3A_88 = vector.broadcast %broadcast_in_dim3A_87 : vector<1x128xf32> to vector<128x128xf32>
    %transpose3A_89 = tpu.transpose %broadcast_in_dim3A_88, [1, 0] : vector<128x128xf32> -> vector<128x128xf32>
    %reduce_min3A = vector.shape_cast %get3A_6 : vector<1x128xf32> to vector<1x1x128xf32>
    %reduce_min3A_90 = arith.constant dense<0x7F800000> : vector<1xf32>
    %reduce_min3A_91 = vector.multi_reduction <minimumf>, %reduce_min3A, %reduce_min3A_90 [1, 2] : vector<1x1x128xf32> to vector<1xf32>
    %reduce_min3A_92 = vector.shape_cast %reduce_min3A_91 : vector<1xf32> to vector<1x1x1xf32>
    %reduce_min3A_93 = vector.extract %reduce_min3A_92[0, 0, 0] : f32 from vector<1x1x1xf32>
    %add3A_94 = arith.constant 1 : i32
    %add3A_95 = arith.addi %arg0, %add3A_94 : i32
    %while3A = scf.while (%while3A_109 = %add3A_95) : (i32) -> i32 {
      %lt3A = arith.constant 160 : i32
      %lt3A_110 = arith.cmpi slt, %while3A_109, %lt3A : i32
      %get3A_111 = arith.index_cast %while3A_109 : i32 to index
      %get3A_112 = memref.load %arg9[%get3A_111] : memref<160xf32, #tpu.memory_space<smem>>
      %gt3A_113 = arith.cmpf ogt, %get3A_112, %reduce_min3A_93 : f32
      %and3A = arith.andi %lt3A_110, %gt3A_113 : i1
      scf.condition(%and3A) %while3A_109 : i32
    } do {
    ^bb0(%while3A_109: i32):
      %add3A_110 = arith.constant 1 : i32
      %add3A_111 = arith.addi %while3A_109, %add3A_110 : i32
      scf.yield %add3A_111 : i32
    }
    %add3A_96 = arith.constant 1 : i32
    %add3A_97 = arith.addi %arg0, %add3A_96 : i32
    %while3A_98 = arith.constant 0 : i32
    %while3A_99 = arith.subi %while3A, %add3A_97 : i32
    %while3A_100 = arith.addi %add3A_97, %while3A_99 : i32
    %while3A_101 = arith.constant 1 : i32
    %while3A_102 = arith.divsi %while3A_99, %while3A_101 : i32
    %while3A_103 = arith.muli %while3A_102, %while3A_101 : i32
    %while3A_104 = arith.addi %add3A_97, %while3A_103 : i32
    %while3A_105 = arith.constant 1 : i32
    %while3A_106 = scf.for %while3A_109 = %add3A_97 to %while3A_104 step %while3A_105 iter_args(%while3A_110 = %while3A_98) -> (i32)  : i32 {
      %get3A_111 = arith.index_cast %while3A_109 : i32 to index
      %get3A_112 = arith.constant 0 : index
      %get3A_113 = vector.load %arg1[%get3A_111, %get3A_112] : memref<160x128xf32, #tpu.memory_space<vmem>>, vector<1x128xf32>
      %get3A_114 = arith.index_cast %while3A_109 : i32 to index
      %get3A_115 = arith.constant 0 : index
      %get3A_116 = vector.load %arg2[%get3A_114, %get3A_115] : memref<160x128xf32, #tpu.memory_space<vmem>>, vector<1x128xf32>
      %get3A_117 = arith.index_cast %while3A_109 : i32 to index
      %get3A_118 = arith.constant 0 : index
      %get3A_119 = vector.load %arg3[%get3A_117, %get3A_118] : memref<160x128xf32, #tpu.memory_space<vmem>>, vector<1x128xf32>
      %get3A_120 = arith.index_cast %while3A_109 : i32 to index
      %get3A_121 = arith.constant 0 : index
      %get3A_122 = vector.load %arg4[%get3A_120, %get3A_121] : memref<160x128xf32, #tpu.memory_space<vmem>>, vector<1x128xf32>
      %max3A_123 = vector.broadcast %get3A_113 : vector<1x128xf32> to vector<128x128xf32>
      %max3A_124 = arith.maximumf %transpose3A, %max3A_123 : vector<128x128xf32>
      %max3A_125 = vector.broadcast %get3A_116 : vector<1x128xf32> to vector<128x128xf32>
      %max3A_126 = arith.maximumf %transpose3A_16, %max3A_125 : vector<128x128xf32>
      %min3A_127 = vector.broadcast %get3A_119 : vector<1x128xf32> to vector<128x128xf32>
      %min3A_128 = arith.minimumf %transpose3A_19, %min3A_127 : vector<128x128xf32>
      %min3A_129 = vector.broadcast %get3A_122 : vector<1x128xf32> to vector<128x128xf32>
      %min3A_130 = arith.minimumf %transpose3A_22, %min3A_129 : vector<128x128xf32>
      %sub3A_131 = arith.subf %min3A_128, %max3A_124 : vector<128x128xf32>
      %max3A_132 = arith.constant 0.000000e+00 : f32
      %max3A_133 = vector.broadcast %max3A_132 : f32 to vector<128x128xf32>
      %max3A_134 = arith.maximumf %sub3A_131, %max3A_133 : vector<128x128xf32>
      %sub3A_135 = arith.subf %min3A_130, %max3A_126 : vector<128x128xf32>
      %max3A_136 = arith.constant 0.000000e+00 : f32
      %max3A_137 = vector.broadcast %max3A_136 : f32 to vector<128x128xf32>
      %max3A_138 = arith.maximumf %sub3A_135, %max3A_137 : vector<128x128xf32>
      %mul3A_139 = arith.mulf %max3A_134, %max3A_138 : vector<128x128xf32>
      %sub3A_140 = arith.subf %get3A_119, %get3A_113 : vector<1x128xf32>
      %sub3A_141 = arith.subf %get3A_122, %get3A_116 : vector<1x128xf32>
      %mul3A_142 = arith.mulf %sub3A_140, %sub3A_141 : vector<1x128xf32>
      %add3A_143 = vector.broadcast %mul3A_142 : vector<1x128xf32> to vector<128x128xf32>
      %add3A_144 = arith.addf %mul3A, %add3A_143 : vector<128x128xf32>
      %sub3A_145 = arith.subf %add3A_144, %mul3A_139 : vector<128x128xf32>
      %add3A_146 = arith.constant 9.99999971E-10 : f32
      %add3A_147 = vector.broadcast %add3A_146 : f32 to vector<128x128xf32>
      %add3A_148 = arith.addf %sub3A_145, %add3A_147 : vector<128x128xf32>
      %div3A_149 = arith.divf %mul3A_139, %add3A_148 : vector<128x128xf32>
      %gt3A_150 = arith.constant 6.000000e-01 : f32
      %gt3A_151 = vector.broadcast %gt3A_150 : f32 to vector<128x128xf32>
      %gt3A_152 = arith.cmpf ogt, %div3A_149, %gt3A_151 : vector<128x128xf32>
      %convert_element_type3A_153 = arith.extui %gt3A_152 : vector<128x128xi1> to vector<128x128xi32>
      %convert_element_type3A_154 = arith.sitofp %convert_element_type3A_153 : vector<128x128xi32> to vector<128x128xf32>
      %mul3A_155 = arith.mulf %convert_element_type3A_154, %transpose3A_89 : vector<128x128xf32>
      %reduce_max3A = arith.constant dense<0xFF800000> : vector<128xf32>
      %reduce_max3A_156 = vector.multi_reduction <maximumf>, %mul3A_155, %reduce_max3A [0] : vector<128x128xf32> to vector<128xf32>
      %broadcast_in_dim3A_157 = vector.shape_cast %reduce_max3A_156 : vector<128xf32> to vector<1x128xf32>
      %get3A_158 = arith.index_cast %while3A_109 : i32 to index
      %get3A_159 = arith.constant 0 : index
      %get3A_160 = vector.load %arg7[%get3A_158, %get3A_159] : memref<160x128xf32, #tpu.memory_space<vmem>>, vector<1x128xf32>
      %max3A_161 = arith.maximumf %get3A_160, %broadcast_in_dim3A_157 : vector<1x128xf32>
      %swap3A_162 = arith.index_cast %while3A_109 : i32 to index
      %swap3A_163 = arith.constant 0 : index
      %swap3A_164 = vector.load %arg7[%swap3A_162, %swap3A_163] : memref<160x128xf32, #tpu.memory_space<vmem>>, vector<1x128xf32>
      tpu.vector_store %arg7[%swap3A_162, %swap3A_163], %max3A_161 {strides = array<i32>} : memref<160x128xf32, #tpu.memory_space<vmem>>, vector<1x128xf32>,
      %while3A_165 = arith.constant 0 : i32
      scf.yield %while3A_165 : i32
    }
    %while3A_107 = arith.constant 1 : i32
    %while3A_108 = scf.for %while3A_109 = %while3A_104 to %while3A_100 step %while3A_107 iter_args(%while3A_110 = %while3A_106) -> (i32)  : i32 {
      %get3A_111 = arith.index_cast %while3A_109 : i32 to index
      %get3A_112 = arith.constant 0 : index
      %get3A_113 = vector.load %arg1[%get3A_111, %get3A_112] : memref<160x128xf32, #tpu.memory_space<vmem>>, vector<1x128xf32>
      %get3A_114 = arith.index_cast %while3A_109 : i32 to index
      %get3A_115 = arith.constant 0 : index
      %get3A_116 = vector.load %arg2[%get3A_114, %get3A_115] : memref<160x128xf32, #tpu.memory_space<vmem>>, vector<1x128xf32>
      %get3A_117 = arith.index_cast %while3A_109 : i32 to index
      %get3A_118 = arith.constant 0 : index
      %get3A_119 = vector.load %arg3[%get3A_117, %get3A_118] : memref<160x128xf32, #tpu.memory_space<vmem>>, vector<1x128xf32>
      %get3A_120 = arith.index_cast %while3A_109 : i32 to index
      %get3A_121 = arith.constant 0 : index
      %get3A_122 = vector.load %arg4[%get3A_120, %get3A_121] : memref<160x128xf32, #tpu.memory_space<vmem>>, vector<1x128xf32>
      %max3A_123 = vector.broadcast %get3A_113 : vector<1x128xf32> to vector<128x128xf32>
      %max3A_124 = arith.maximumf %transpose3A, %max3A_123 : vector<128x128xf32>
      %max3A_125 = vector.broadcast %get3A_116 : vector<1x128xf32> to vector<128x128xf32>
      %max3A_126 = arith.maximumf %transpose3A_16, %max3A_125 : vector<128x128xf32>
      %min3A_127 = vector.broadcast %get3A_119 : vector<1x128xf32> to vector<128x128xf32>
      %min3A_128 = arith.minimumf %transpose3A_19, %min3A_127 : vector<128x128xf32>
      %min3A_129 = vector.broadcast %get3A_122 : vector<1x128xf32> to vector<128x128xf32>
      %min3A_130 = arith.minimumf %transpose3A_22, %min3A_129 : vector<128x128xf32>
      %sub3A_131 = arith.subf %min3A_128, %max3A_124 : vector<128x128xf32>
      %max3A_132 = arith.constant 0.000000e+00 : f32
      %max3A_133 = vector.broadcast %max3A_132 : f32 to vector<128x128xf32>
      %max3A_134 = arith.maximumf %sub3A_131, %max3A_133 : vector<128x128xf32>
      %sub3A_135 = arith.subf %min3A_130, %max3A_126 : vector<128x128xf32>
      %max3A_136 = arith.constant 0.000000e+00 : f32
      %max3A_137 = vector.broadcast %max3A_136 : f32 to vector<128x128xf32>
      %max3A_138 = arith.maximumf %sub3A_135, %max3A_137 : vector<128x128xf32>
      %mul3A_139 = arith.mulf %max3A_134, %max3A_138 : vector<128x128xf32>
      %sub3A_140 = arith.subf %get3A_119, %get3A_113 : vector<1x128xf32>
      %sub3A_141 = arith.subf %get3A_122, %get3A_116 : vector<1x128xf32>
      %mul3A_142 = arith.mulf %sub3A_140, %sub3A_141 : vector<1x128xf32>
      %add3A_143 = vector.broadcast %mul3A_142 : vector<1x128xf32> to vector<128x128xf32>
      %add3A_144 = arith.addf %mul3A, %add3A_143 : vector<128x128xf32>
      %sub3A_145 = arith.subf %add3A_144, %mul3A_139 : vector<128x128xf32>
      %add3A_146 = arith.constant 9.99999971E-10 : f32
      %add3A_147 = vector.broadcast %add3A_146 : f32 to vector<128x128xf32>
      %add3A_148 = arith.addf %sub3A_145, %add3A_147 : vector<128x128xf32>
      %div3A_149 = arith.divf %mul3A_139, %add3A_148 : vector<128x128xf32>
      %gt3A_150 = arith.constant 6.000000e-01 : f32
      %gt3A_151 = vector.broadcast %gt3A_150 : f32 to vector<128x128xf32>
      %gt3A_152 = arith.cmpf ogt, %div3A_149, %gt3A_151 : vector<128x128xf32>
      %convert_element_type3A_153 = arith.extui %gt3A_152 : vector<128x128xi1> to vector<128x128xi32>
      %convert_element_type3A_154 = arith.sitofp %convert_element_type3A_153 : vector<128x128xi32> to vector<128x128xf32>
      %mul3A_155 = arith.mulf %convert_element_type3A_154, %transpose3A_89 : vector<128x128xf32>
      %reduce_max3A = arith.constant dense<0xFF800000> : vector<128xf32>
      %reduce_max3A_156 = vector.multi_reduction <maximumf>, %mul3A_155, %reduce_max3A [0] : vector<128x128xf32> to vector<128xf32>
      %broadcast_in_dim3A_157 = vector.shape_cast %reduce_max3A_156 : vector<128xf32> to vector<1x128xf32>
      %get3A_158 = arith.index_cast %while3A_109 : i32 to index
      %get3A_159 = arith.constant 0 : index
      %get3A_160 = vector.load %arg7[%get3A_158, %get3A_159] : memref<160x128xf32, #tpu.memory_space<vmem>>, vector<1x128xf32>
      %max3A_161 = arith.maximumf %get3A_160, %broadcast_in_dim3A_157 : vector<1x128xf32>
      %swap3A_162 = arith.index_cast %while3A_109 : i32 to index
      %swap3A_163 = arith.constant 0 : index
      %swap3A_164 = vector.load %arg7[%swap3A_162, %swap3A_163] : memref<160x128xf32, #tpu.memory_space<vmem>>, vector<1x128xf32>
      tpu.vector_store %arg7[%swap3A_162, %swap3A_163], %max3A_161 {strides = array<i32>} : memref<160x128xf32, #tpu.memory_space<vmem>>, vector<1x128xf32>,
      %while3A_165 = arith.constant 0 : i32
      scf.yield %while3A_165 : i32
    }
    return
  }
  func.func @transform_0(%arg0: i32) -> (i32, i32) {
    %c0_i32 = arith.constant 0 : i32
    %c0_i32_0 = arith.constant 0 : i32
    %c0_i32_1 = arith.constant 0 : i32
    return %c0_i32, %c0_i32_0 : i32, i32
  }
  func.func @transform_1(%arg0: i32) -> (i32, i32) {
    %c0_i32 = arith.constant 0 : i32
    %c0_i32_0 = arith.constant 0 : i32
    %c0_i32_1 = arith.constant 0 : i32
    return %c0_i32, %c0_i32_0 : i32, i32
  }
  func.func @transform_2(%arg0: i32) -> (i32, i32) {
    %c0_i32 = arith.constant 0 : i32
    %c0_i32_0 = arith.constant 0 : i32
    %c0_i32_1 = arith.constant 0 : i32
    return %c0_i32, %c0_i32_0 : i32, i32
  }
  func.func @transform_3(%arg0: i32) -> (i32, i32) {
    %c0_i32 = arith.constant 0 : i32
    %c0_i32_0 = arith.constant 0 : i32
    %c0_i32_1 = arith.constant 0 : i32
    return %c0_i32, %c0_i32_0 : i32, i32
  }
  func.func @transform_4(%arg0: i32) -> (i32, i32) {
    %c0_i32 = arith.constant 0 : i32
    %c0_i32_0 = arith.constant 0 : i32
    %c0_i32_1 = arith.constant 0 : i32
    return %c0_i32, %c0_i32_0 : i32, i32
  }
  func.func @transform_5(%arg0: i32) -> (i32, i32) {
    %c0_i32 = arith.constant 0 : i32
    %c0_i32_0 = arith.constant 0 : i32
    %c0_i32_1 = arith.constant 0 : i32
    return %c0_i32, %c0_i32_0 : i32, i32
  }
}

</mosaic_0001>

<sc_bundles>
// kernel: gather_offload_async_start.1
scs
__scs_entry_jumppad:
0x0: {  	(pc) =	sbr.rel $0x88, $3  }
0x1: {  	(tag) =	ssettag $0x0;
	lr =	simm.s32 $0x1  }
0x2: {  	[smem:$0x3F9F] =	sst lr;
	_ =	strace $0xD0000000  }
0x3: {  	_ = 	snop  }
0x4: {  	_ = 	snop  }
0x5: {  	_ = 	snop  }
0x6: {  	_ = 	snop  }
0x7: {  	_ = 	snop  }
__scs_overlays_trampoline_lowered:
0x8: {  	[smem:$0x3FAE] =	sst s0  }
0x9: {  	[smem:$0x3FAF] =	sst s1  }
0xa: {  	[smem:$0x3FB0] =	sst s2  }
0xb: {  	[smem:$0x3FB1] =	sst s3  }
0xc: {  	[smem:$0x3FB2] =	sst s4  }
0xd: {  	[smem:$0x3FB3] =	sst s5  }
0xe: {  	[smem:$0x3FB4] =	sst s6  }
0xf: {  	[smem:$0x3FB5] =	sst s7  }
0x10: {  	[smem:$0x3FB6] =	sst s8  }
0x11: {  	[smem:$0x3FB7] =	sst s9;
	s0 =	simm.s32 @!p0 $0x0  }
0x12: {  	s1 =	sld [smem:$0x3F9D];
	s0 =	simm.s32 @p0 $0x1  }
0x13: {  	[smem:$0x3FB8] =	sst s0;
	s0 =	simm.s32 @!p1 $0x0  }
0x14: {  	s2 =	sld [smem:$0x3F9C];
	s0 =	simm.s32 @p1 $0x1  }
0x15: {  	[smem:$0x3FB9] =	sst s0;
	s0 =	simm.s32 @!p2 $0x0  }
0x16: {  	s3 =	sld [smem:$0x3FDB];
	s0 =	simm.s32 @p2 $0x1  }
0x17: {  	s4 =	simm.s32 $0x1BF5;
	[smem:$0x3FBB] =	sst s0  }
0x18: {  	s0 =	sld [smem:$0x3F9E];
	_ =	swait.ge [sflag:s4], $0x0  }
0x19: {  	s7 =	sld [smem:$0x3F9F]  }
0x1a: {  	s8 =	sadd.s32 $0xFFFFE003, lr  }
0x1b: {  	s9 =	sadd.s32 $0xFFFFFEF7, lr;
	s5 =	simm.s32 $0xFFFFFFFF;
	p2 =	slt.u32 s8, $0xFFFFF086  }
0x1c: {  	p1 =	slt.u32 s9, $0xF7A;
	s5 =	simm.s32 @!p2 $0x0  }
0x1d: {  	s5 =	simm.s32 @p1 $0x1;
	p0 =	seq.s32 s7, s2  }
0x1e: {  	s7 =	smul.u32 @!p0 $0xF7A, s2;
	p2 =	seq.s32 @!p0 s5, $0x0  }
0x1f: {  	s9 =	smul.u32 $0xF7A, s1;
	s8 =	simm.s32 @!p0 $0x1BF5;
	p2 =	por !p2, p0  }
0x20: {  	[sflag:s8] =	ssyncset.s32 @!p0 $0xFFFFF086;
	s6 =	sadd.s32 @!p0 s3, s7;
	s7 =	simm.s32 @!p0 $0x108  }
0x21: {  	s3 =	sadd.s32 s3, s9;
	s6 =	sadd.s32 @!p0 $0x88, s6;
	s7 =	simm.s32 @p2 $0x1082  }
0x22: {  	[simem:s7], [sflag:s8] =	dma.local @!p0 [hbm:s6], $0xF7A  }
0x23: {  	s9 =	sor.u32 $0xD0000000, s2;
	s6 =	simm.s32 $0x108;
	_ =	swait.ge @!p0 [sflag:s8], $0x0  }
0x24: {  	s3 =	sadd.s32 $0x88, s3;
	s6 =	simm.s32 @!p1 $0x1082;
	[sflag:s4] =	ssyncset.s32 $0xFFFFF086  }
0x25: {  	[simem:s6], [sflag:s4] =	dma.local [hbm:s3], $0xF7A  }
0x26: {  	[smem:$0x3F9F] =	sst s1;
	(tag) =	ssettag s2;
	_ =	strace s9  }
0x27: {  	s1 =	sld [smem:$0x3FAF]  }
0x28: {  	s2 =	sld [smem:$0x3FB0]  }
0x29: {  	s4 =	sld [smem:$0x3FB2]  }
0x2a: {  	p0 =	seq.s32 s5, $0x0;
	s5 =	sld [smem:$0x3FB3]  }
0x2b: {  	s6 =	sld [smem:$0x3FB4]  }
0x2c: {  	s7 =	sld [smem:$0x3FB5]  }
0x2d: {  	s3 =	simm.s32 $0x108;
	s8 =	sld [smem:$0x3FB6]  }
0x2e: {  	s3 =	simm.s32 @!p0 $0x1082;
	s9 =	sld [smem:$0x3FB7]  }
0x2f: {  	lr =	sadd.s32 s0, s3;
	s0 =	sld [smem:$0x3FAE]  }
0x30: {  	s3 =	sld [smem:$0x3FB1]  }
0x31: {  	[smem:$0x3FBA] =	sst s10  }
0x32: {  	s10 =	sld [smem:$0x3FB8];
	_ =	sdelay $0x3  }
0x33: {  	p0 =	seq.s32 s10, $0x1;
	s10 =	sld [smem:$0x3FBA];
	_ =	sdelay $0x3  }
0x34: {  	[smem:$0x3FBA] =	sst s10  }
0x35: {  	s10 =	sld [smem:$0x3FB9];
	_ =	sdelay $0x3  }
0x36: {  	p1 =	seq.s32 s10, $0x1;
	s10 =	sld [smem:$0x3FBA];
	_ =	sdelay $0x3  }
0x37: {  	[smem:$0x3FBA] =	sst s10  }
0x38: {  	s10 =	sld [smem:$0x3FBB]  }
0x39: {  	_ = 	snop;
	(pc) =	sbr.ind lr, $3  }
0x3a: {  	_ = 	snop  }
0x3b: {  	_ = 	snop  }
0x3c: {  	p2 =	seq.s32 s10, $0x1;
	s10 =	sld [smem:$0x3FBA]  }
0x3d: {  	_ =	shalt  }
0x3e: {  	_ =	shalt  }
0x3f: {  	_ =	shalt  }
0x40: {  	_ =	shalt  }
0x41: {  	_ =	shalt  }
0x42: {  	_ =	shalt  }
0x43: {  	_ =	shalt  }
0x44: {  	_ =	shalt  }
0x45: {  	_ =	shalt  }
0x46: {  	_ =	shalt  }
0x47: {  	_ =	shalt  }
0x48: {  	_ =	shalt  }
0x49: {  	_ =	shalt  }
0x4a: {  	_ =	shalt  }
0x4b: {  	_ =	shalt  }
0x4c: {  	_ =	shalt  }
0x4d: {  	_ =	shalt  }
0x4e: {  	_ =	shalt  }
0x4f: {  	_ =	shalt  }
0x50: {  	_ =	shalt  }
0x51: {  	_ =	shalt  }
0x52: {  	_ =	shalt  }
0x53: {  	_ =	shalt  }
0x54: {  	_ =	shalt  }
0x55: {  	_ =	shalt  }
0x56: {  	_ =	shalt  }
0x57: {  	_ =	shalt  }
0x58: {  	_ =	shalt  }
0x59: {  	_ =	shalt  }
0x5a: {  	_ =	shalt  }
0x5b: {  	_ =	shalt  }
0x5c: {  	_ =	shalt  }
0x5d: {  	_ =	shalt  }
0x5e: {  	_ =	shalt  }
0x5f: {  	_ =	shalt  }
0x60: {  	_ =	shalt  }
0x61: {  	_ =	shalt  }
0x62: {  	_ =	shalt  }
0x63: {  	_ =	shalt  }
0x64: {  	_ =	shalt  }
0x65: {  	_ =	shalt  }
0x66: {  	_ =	shalt  }
0x67: {  	_ =	shalt  }
0x68: {  	_ =	shalt  }
0x69: {  	_ =	shalt  }
0x6a: {  	_ =	shalt  }
0x6b: {  	_ =	shalt  }
0x6c: {  	_ =	shalt  }
0x6d: {  	_ =	shalt  }
0x6e: {  	_ =	shalt  }
0x6f: {  	_ =	shalt  }
0x70: {  	_ =	shalt  }
0x71: {  	_ =	shalt  }
0x72: {  	_ =	shalt  }
0x73: {  	_ =	shalt  }
0x74: {  	_ =	shalt  }
0x75: {  	_ =	shalt  }
0x76: {  	_ =	shalt  }
0x77: {  	_ =	shalt  }
0x78: {  	_ =	shalt  }
0x79: {  	_ =	shalt  }
0x7a: {  	_ =	shalt  }
0x7b: {  	_ =	shalt  }
0x7c: {  	_ =	shalt  }
0x7d: {  	_ =	shalt  }
0x7e: {  	_ =	shalt  }
0x7f: {  	_ =	shalt  }
0x80: {  	_ =	shalt  }
0x81: {  	_ =	shalt  }
0x82: {  	_ =	shalt  }
0x83: {  	_ =	shalt  }
0x84: {  	_ =	shalt  }
0x85: {  	_ =	shalt  }
0x86: {  	_ =	shalt  }
0x87: {  	_ =	shalt  }
.Lfunc_end0:
.L_simem_size_0:
called_computation.1_lowered:
.L_overlay_start_0:
0x88: {  	s2 =	sld [smem:$0x3FD9]  }
0x89: {  	s3 =	sld [smem:$0x3FFE];
	_ =	sdelay $0x1  }
0x8a: {  	s1 =	srdreg.scid  }
0x8b: {  	s0 =	sand.u32 $0x1, s1  }
0x8c: {  	s16 =	sshll.u32 s0, $0xA;
	s2 =	sadd.s32 s3, s2  }
0x8d: {  	s2 =	sadd.s32 s2, s16  }
0x8e: {  	[smem:$0x3FC6] =	sst s2  }
0x8f: {  	_ = 	snop  }
0x90: {  	(tm) =	ssettm $0x1  }
0x91: {  	s17 =	sld [smem:$0x3FFB];
	_ =	sdelay $0x3  }
0x92: {  	_ =	strace s17  }
0x93: {  	s2 =	sld [smem:$0x3FFC];
	_ =	sdelay $0x3  }
0x94: {  	_ =	strace s2  }
0x95: {  	s2 =	sld [smem:$0x3FFD];
	_ =	sdelay $0x3  }
0x96: {  	_ =	strace s2  }
0x97: {  	_ =	strace $0x8FFFFFFF  }
0x98: {  	s18 =	sld [smem:$0x3FDB];
	_ =	sdelay $0x1  }
0x99: {  	s19 =	simm.s32 $_scs_section_size  }
0x9a: {  	s4 =	simm.s32 $_size__tile_overlayer_lowered;
	s5 =	simm.s32 $_tile_overlayer_lowered  }
0x9b: {  	s22 =	simm.s32 $0x1BFF;
	s21 =	sshll.u32 s5, $0x1;
	s2 =	sadd.s32 s19, s18  }
0x9c: {  	s6 =	simm.s32 $0x0;
	s20 =	sshll.u32 s4, $0x1;
	s4 =	sadd.s32 s21, s2  }
0x9d: {  	[timem:s6], [sflag:s22] =	dma.local [hbm:s4], s20  }
0x9e: {  	_ =	swait.ge [sflag:s22], s20  }
0x9f: {  	s3 =	ssub.s32 $0x0, s20;
	[sflag:s22] =	ssyncset.done $0x0  }
0xa0: {  	[sflag:s22] =	ssyncadd.s32 s3;
	_ =	sdelay $0x1  }
0xa1: {  	s23 =	simm.s32 $0x1B8B  }
0xa2: {  	_ =	swait.ge [sflag:s23], $0x1  }
0xa3: {  	[sflag:s23] =	ssyncset.done $0x0  }
0xa4: {  	s25 =	simm.s32 $0x1B8E;
	s24 =	sld [smem:$0x3FFE];
	[sflag:s23] =	ssyncadd.s32 $0xFFFFFFFF  }
0xa5: {  	s26 =	simm.s32 $execute0_lowered;
	[smem:$0x3FD2] =	sst s25  }
0xa6: {  	s4 =	sshll.u32 s26, $0x1;
	_ =	strace $0x80000049;
	[dreg:$0x1] =	wrdreg $0xFFFFFFFF  }
0xa7: {  	s28 =	simm.s32 $_size_execute0_lowered;
	s2 =	sadd.s32 s2, s4;
	[dreg:$0x0] =	wrdreg $0x0  }
0xa8: {  	s4 =	sshll.u32 s28, $0x1;
	[dreg:$0x2] =	wrdreg s2  }
0xa9: {  	[dreg:$0x3] =	wrdreg s4  }
0xaa: {  	[dreg:$0x4] =	wrdreg $0xC0  }
0xab: {  	_ =	task [dreg:s6], $0x5FFFF  }
0xac: {  	[dreg:$0x1] =	wrdreg $0xFFFFFFFF  }
0xad: {  	[dreg:$0x0] =	wrdreg $0x60  }
0xae: {  	[dreg:$0x2] =	wrdreg s24  }
0xaf: {  	[dreg:$0x3] =	wrdreg $0x9  }
0xb0: {  	_ =	task.clear_ibuf [dreg:s6], $0x4FFFF;
	_ =	strace $0x90000049  }
0xb1: {  	s29 =	simm.s32 $0x9;
	_ =	strace $0x8000004B  }
0xb2: {  	_ =	swait.ge [sflag:s29], $0x1  }
0xb3: {  	[sflag:s29] =	ssyncadd.s32 $0xFFFFFFFF  }
0xb4: {  	_ =	strace $0x9000004B  }
0xb5: {  	_ =	sfence  }
0xb6: {  	s30 =	sld [smem:$0x0];
	_ =	sdelay $0x2  }
0xb7: {  	s31 =	sshll.u32 s1, $0xD;
	s1 =	sshrl.u32 s1, $0x2  }
0xb8: {  	s3 =	sand.u32 $0x4000, s31;
	s1 =	sadd.s32 s1, s30  }
0xb9: {  	s0 =	sor.u32 s3, s0;
	s1 =	sshll.u32 s1, $0x11  }
0xba: {  	s0 =	sor.u32 s1, s0  }
0xbb: {  	s0 =	sadd.s32 $0x8F2B, s0  }
0xbc: {  	[sflag:s0] =	ssyncadd.remote.s32 $0x1  }
0xbd: {  	_ =	sfence.sel $0xFFFF  }
0xbe: {  	[dreg:$0x0] =	wrdreg $0xFFFFFFFF;
	(pc) =	sbr.abs _section_cstart, $3  }
0xbf: {  	[dreg:$0x1] =	wrdreg $0xFFFFFFFF  }
0xc0: {  	_ =	task.clear_ibuf [dreg:s6], $0x2FFFF;
	_ =	strace $0x9FFFFFFF  }
0xc1: {  	(tm) =	ssettm $0x7FFFFFFF  }
tec
execute0_lowered:
.L_overlay_start_1:
0x0: {  	(tag) =	ssettag $0x1  }
0x1: {  	s2 =	rddreg [dreg:$0x0]  }
0x2: {  	s0 =	rddreg [dreg:$0x1];
	s1 =	stileid.u32  }
0x3: {  	s3 =	srdreg.scid;
	_ =	strace $0x8000004A;
	s4 =	simm.s32 $0x1  }
0x4: {  	s7 =	simm.s32 $0x1;
	s8 =	simm.s32 $0x1;
	s9 =	simm.s32 $0x3  }
0x5: {  	s10 =	simm.s32 $0x0;
	s5 =	sand.u32 $0x1, s3;
	s6 =	sshll.u32 s1, $0x1  }
0x6: {  	s13 =	simm.s32 $0x0;
	s12 =	simm.s32 $0x0;
	s5 =	sor.u32 s6, s5  }
.Ltmp0:
0x7: {  	[sflag:s4] =	ssyncpa.u1 $0x0;
	p0 =	slt.u32 s5, $0x13;
	(pc) =	sbr.rel .LBB2_1-.Ltmp0, $4  }
0x8: {  	s6 =	simm.s32 $0x2;
	s7 =	simm.s32 @!p0 $0x0;
	p0 =	sne.s32 s5, $0x12  }
0x9: {  	[sflag:s6] =	ssyncpa.u1 $0x0;
	s5 =	smul.u32 $0x190, s5;
	s8 =	simm.s32 @!p0 $0x0  }
0xa: {  	s3 =	sadd.s32 $0x1400, s2;
	[sflag:s9] =	ssyncpa.u1 $0x0;
	s7 =	sadd.s32 s8, s7  }
0xb: {  	vm0 =	vmmov $0xffff;
	s8 =	sadd.s32 $0x50000, s2;
	s11 =	smov.u32 s5;
	s9 =	sadd.s32 $0x1, s7  }
.LBB2_4:
0xc: {  	v2 =	vnsel vm1, $0x0, v2  }
0xd: {  	vm1 =	vgt.s32 v0, $0x0;
	v2 =	vmin.u32 v2, $0x4E1F  }
0xe: {  	v0 =	vnsel vm1, $0x0, v0  }
0xf: {  	v0 =	vmin.u32 v0, $0x4E1F  }
0x10: {  	[tilespmem:s18], [sflag:$0x1] =	stream.indirect_vreg.gather [hbm4b:s2+s10], $0x1, v1, vm0, $0x4038;
	[tilespmem:$0x640] =	vst v63  }
0x11: {  	(ifvalue) =	ssetifvalue $0x7FFFFFFF  }
0x12: {  	[tilespmem:s15], [sflag:$0x1] =	stream.indirect_vreg.gather [hbm4b:s2+s10], $0x1, v2, vm0, $0x4038;
	[tilespmem:$0x640] =	vst v63  }
0x13: {  	s29 =	sadd.s32 $0x10, s15;
	(ifvalue) =	ssetifvalue $0x7FFFFFFF  }
0x14: {  	[tilespmem:s29], [sflag:$0x1] =	stream.indirect_vreg.gather [hbm4b:s2+s10], $0x1, v0, vm0, $0x4038;
	[tilespmem:$0x640] =	vst v63  }
0x15: {  	_ =	swait.ge [sflag:s4], $0x190  }
0x16: {  	s30 =	sshrl.u32 s13, $0x3;
	[sflag:s4] =	ssyncset.done $0x0  }
0x17: {  	s31 =	sand.u32 $0x7, s13;
	s15 =	sadd.s32 s8, s30;
	[sflag:s4] =	ssyncadd.s32 $0xFFFFFE70  }
0x18: {  	[hbm4b:s15+s31] =	stream.linear.scatter [tilespmem:s14], [sflag:$0x3], $0x190, $0x38;
	[tilespmem:$0x640] =	vst v63  }
.LBB2_5:
0x19: {  	s15 =	sadd.s32 $0x3200, s11  }
0x1a: {  	p1 =	sgt.s32 s15, $0x4E1F  }
0x1b: {  	s15 =	smov.u32 @p1 s5;
	p1 =	sne.s32 s12, s9  }
.Ltmp1:
0x1c: {  	p0 =	slt.u32 s12, $0x2;
	(pc) =	sbr.rel @!p1 .LBB2_6-.Ltmp1, $4  }
0x1d: {  	s14 =	simm.s32 @!p0 $0x3  }
0x1e: {  	_ =	swait.ge @!p0 [sflag:s14], $0x190  }
0x1f: {  	s16 =	sadd.s32 $0x1, s12;
	s13 =	smov.u32 s11;
	[sflag:s14] =	ssyncset.done @!p0 $0x0  }
0x20: {  	s12 =	smov.u32 s16;
	s11 =	smov.u32 s15;
	[sflag:s14] =	ssyncadd.s32 @!p0 $0xFFFFFE70  }
.LBB2_1:
0x21: {  	p0 =	sge.u32 s12, s7  }
0x22: {  	s14 =	sxor.u32 @!p0 $0x1, s12  }
0x23: {  	s14 =	smul.u32 @!p0 $0x640, s14  }
0x24: {  	s31 =	sadd.s32 $0xFFFFFFFF, s12;
	s15 =	sshrl.u32 @!p0 s11, $0x3  }
0x25: {  	s16 =	sand.u32 @!p0 $0x7, s11;
	s15 =	sadd.s32 @!p0 s3, s15;
	s14 =	sshra.s32 @!p0 s14, $0x2  }
0x26: {  	[tilespmem:s14], [sflag:$0x2] =	stream.linear.gather @!p0 [hbm4b:s15+s16], $0x190, $0x38;
	[tilespmem:$0x640] =	vst v63  }
0x27: {  	p0 =	sge.u32 s31, s7  }
.Ltmp2:
0x28: {  	_ = 	snop;
	(pc) =	sbr.rel @p0 .LBB2_5-.Ltmp2, $1  }
0x29: {  	_ =	sdelay $0x3  }
0x2a: {  	s14 =	sand.u32 $0x1, s12  }
0x2b: {  	_ =	swait.ge [sflag:s6], $0x190;
	p0 =	seq.s32 s14, $0x1;
	s14 =	simm.s32 $0x190  }
0x2c: {  	[sflag:s6] =	ssyncset.done $0x0;
	s14 =	simm.s32 @!p0 $0x0  }
0x2d: {  	[sflag:s6] =	ssyncadd.s32 $0xFFFFFE70;
	(ifvalue) =	ssetifvalue $0x7FFFFFFF;
	v0 =	vld.msk [tilespmem:s14+$0x0 ss:$0x1], $0xffff;
	_ =	sdelay $0x4  }
0x2e: {  	s15 =	sadd.s32 $0x10, s14;
	vm1 =	vgt.s32 v0, $0x0  }
0x2f: {  	v2 =	vld.msk [tilespmem:s15+$0x0 ss:$0x1], $0xffff;
	v1 =	vnsel vm1, $0x0, v0  }
0x30: {  	v1 =	vmin.u32 v1, $0x4E1F;
	_ =	sdelay $0x2  }
0x31: {  	s17 =	simm.s32 $0x20;
	s14 =	sadd.s32 $0x320, s14;
	s16 =	sadd.s32 $0x10, s15  }
0x32: {  	s15 =	sadd.s32 $0x10, s14;
	s18 =	smov.u32 s14;
	v0 =	vld.msk [tilespmem:s16+$0x0 ss:$0x1], $0xffff;
	vm1 =	vgt.s32 v2, $0x0;
	(ifvalue) =	ssetifvalue $0x7FFFFFFF  }
.LBB2_3:
0x33: {  	[tilespmem:s18], [sflag:$0x1] =	stream.indirect_vreg.gather [hbm4b:s2+s10], $0x1, v1, vm0, $0x4038;
	[tilespmem:$0x640] =	vst v63  }
0x34: {  	s17 =	sadd.s32 $0x10, s17  }
0x35: {  	v2 =	vnsel vm1, $0x0, v2;
	p0 =	slt.u32 s17, $0x180  }
.Ltmp3:
0x36: {  	s18 =	smov.u32 s15;
	v1 =	vmin.u32 v2, $0x4E1F;
	(pc) =	sbr.rel @p0 .LBB2_3-.Ltmp3, $3  }
0x37: {  	_ =	sdelay $0x1  }
0x38: {  	s16 =	sadd.s32 $0x10, s16  }
0x39: {  	vm1 =	vgt.s32 v0, $0x0;
	s15 =	sadd.s32 $0x10, s15;
	v2 =	vmov v0;
	(ifvalue) =	ssetifvalue $0x7FFFFFFF;
	v0 =	vld.msk [tilespmem:s16+$0x0 ss:$0x1], $0xffff  }
.Ltmp4:
0x3a: {  	_ = 	snop;
	(pc) =	sbr.rel .LBB2_4-.Ltmp4, $1  }
0x3b: {  	_ =	sdelay $0x3  }
.LBB2_6:
0x3c: {  	_ =	sfence.sel $0x180000  }
0x3d: {  	s2 =	simm.s32 $0x2;
	[bflag:$0x0] =	sbarrier.arrive $0xFFFF  }
0x3e: {  	s30 =	simm.s32 $0x3;
	[sflag:s2] =	ssyncpa.u1 $0x1  }
0x3f: {  	s31 =	simm.s32 $0x1;
	[sflag:s30] =	ssyncpa.u1 $0x1  }
0x40: {  	[sflag:s31] =	ssyncpa.u1 $0x1  }
0x41: {  	p0 =	sne.s32 s1, $0x0;
	_ =	strace $0x9000004A  }
0x42: {  	s0 =	sadd.s32 @!p0 $0x100000, s0;
	[bflag:$0x2] =	sbarrier.arrive $0xFFFF  }
0x43: {  	[sflag:s0] =	ssyncadd.tile.s32 @!p0 $0x1;
	_ =	shalt  }
.Lfunc_end2:
_tile_overlayer_lowered:
.L_overlay_start_2:
0x44: {  	(tag) =	ssettag $0x2  }
0x45: {  	s0 =	rddreg [dreg:$0x0];
	s2 =	stileid.u32  }
0x46: {  	s1 =	rddreg [dreg:$0x1];
	p0 =	sne.s32 s2, $0x0  }
0x47: {  	s3 =	rddreg [dreg:$0x2];
	[bflag:$0x3] =	sbarrier.arrive $0xFFFF;
	s2 =	simm.s32 @!p0 $0x1C01  }
0x48: {  	[timem:s3], [sflag:s2] =	dma.local @!p0 [hbm:s0], s1  }
0x49: {  	s0 =	simm.s32 @!p0 $0x1  }
0x4a: {  	_ =	swait.ge @!p0 [sflag:s0], s1  }
0x4b: {  	s1 =	ssub.s32 @!p0 $0x0, s1;
	[sflag:s0] =	ssyncset.done @!p0 $0x0  }
0x4c: {  	[sflag:s0] =	ssyncadd.s32 @!p0 s1  }
0x4d: {  	[bflag:$0x3] =	sbarrier.arrive $0xFFFF  }
0x4e: {  	_ =	shalt  }

// kernel: gather_offload_async_start.2
scs
__scs_entry_jumppad:
0x0: {  	(pc) =	sbr.rel $0x88, $3  }
0x1: {  	(tag) =	ssettag $0x0;
	lr =	simm.s32 $0x1  }
0x2: {  	[smem:$0x3F9F] =	sst lr;
	_ =	strace $0xD0000000  }
0x3: {  	_ = 	snop  }
0x4: {  	_ = 	snop  }
0x5: {  	_ = 	snop  }
0x6: {  	_ = 	snop  }
0x7: {  	_ = 	snop  }
__scs_overlays_trampoline_lowered:
0x8: {  	[smem:$0x3FAE] =	sst s0  }
0x9: {  	[smem:$0x3FAF] =	sst s1  }
0xa: {  	[smem:$0x3FB0] =	sst s2  }
0xb: {  	[smem:$0x3FB1] =	sst s3  }
0xc: {  	[smem:$0x3FB2] =	sst s4  }
0xd: {  	[smem:$0x3FB3] =	sst s5  }
0xe: {  	[smem:$0x3FB4] =	sst s6  }
0xf: {  	[smem:$0x3FB5] =	sst s7  }
0x10: {  	[smem:$0x3FB6] =	sst s8  }
0x11: {  	[smem:$0x3FB7] =	sst s9;
	s0 =	simm.s32 @!p0 $0x0  }
0x12: {  	s1 =	sld [smem:$0x3F9D];
	s0 =	simm.s32 @p0 $0x1  }
0x13: {  	[smem:$0x3FB8] =	sst s0;
	s0 =	simm.s32 @!p1 $0x0  }
0x14: {  	s2 =	sld [smem:$0x3F9C];
	s0 =	simm.s32 @p1 $0x1  }
0x15: {  	[smem:$0x3FB9] =	sst s0;
	s0 =	simm.s32 @!p2 $0x0  }
0x16: {  	s3 =	sld [smem:$0x3FDB];
	s0 =	simm.s32 @p2 $0x1  }
0x17: {  	s4 =	simm.s32 $0x1BF5;
	[smem:$0x3FBB] =	sst s0  }
0x18: {  	s0 =	sld [smem:$0x3F9E];
	_ =	swait.ge [sflag:s4], $0x0  }
0x19: {  	s7 =	sld [smem:$0x3F9F]  }
0x1a: {  	s8 =	sadd.s32 $0xFFFFE003, lr  }
0x1b: {  	s9 =	sadd.s32 $0xFFFFFEF7, lr;
	s5 =	simm.s32 $0xFFFFFFFF;
	p2 =	slt.u32 s8, $0xFFFFF086  }
0x1c: {  	p1 =	slt.u32 s9, $0xF7A;
	s5 =	simm.s32 @!p2 $0x0  }
0x1d: {  	s5 =	simm.s32 @p1 $0x1;
	p0 =	seq.s32 s7, s2  }
0x1e: {  	s7 =	smul.u32 @!p0 $0xF7A, s2;
	p2 =	seq.s32 @!p0 s5, $0x0  }
0x1f: {  	s9 =	smul.u32 $0xF7A, s1;
	s8 =	simm.s32 @!p0 $0x1BF5;
	p2 =	por !p2, p0  }
0x20: {  	[sflag:s8] =	ssyncset.s32 @!p0 $0xFFFFF086;
	s6 =	sadd.s32 @!p0 s3, s7;
	s7 =	simm.s32 @!p0 $0x108  }
0x21: {  	s3 =	sadd.s32 s3, s9;
	s6 =	sadd.s32 @!p0 $0x88, s6;
	s7 =	simm.s32 @p2 $0x1082  }
0x22: {  	[simem:s7], [sflag:s8] =	dma.local @!p0 [hbm:s6], $0xF7A  }
0x23: {  	s9 =	sor.u32 $0xD0000000, s2;
	s6 =	simm.s32 $0x108;
	_ =	swait.ge @!p0 [sflag:s8], $0x0  }
0x24: {  	s3 =	sadd.s32 $0x88, s3;
	s6 =	simm.s32 @!p1 $0x1082;
	[sflag:s4] =	ssyncset.s32 $0xFFFFF086  }
0x25: {  	[simem:s6], [sflag:s4] =	dma.local [hbm:s3], $0xF7A  }
0x26: {  	[smem:$0x3F9F] =	sst s1;
	(tag) =	ssettag s2;
	_ =	strace s9  }
0x27: {  	s1 =	sld [smem:$0x3FAF]  }
0x28: {  	s2 =	sld [smem:$0x3FB0]  }
0x29: {  	s4 =	sld [smem:$0x3FB2]  }
0x2a: {  	p0 =	seq.s32 s5, $0x0;
	s5 =	sld [smem:$0x3FB3]  }
0x2b: {  	s6 =	sld [smem:$0x3FB4]  }
0x2c: {  	s7 =	sld [smem:$0x3FB5]  }
0x2d: {  	s3 =	simm.s32 $0x108;
	s8 =	sld [smem:$0x3FB6]  }
0x2e: {  	s3 =	simm.s32 @!p0 $0x1082;
	s9 =	sld [smem:$0x3FB7]  }
0x2f: {  	lr =	sadd.s32 s0, s3;
	s0 =	sld [smem:$0x3FAE]  }
0x30: {  	s3 =	sld [smem:$0x3FB1]  }
0x31: {  	[smem:$0x3FBA] =	sst s10  }
0x32: {  	s10 =	sld [smem:$0x3FB8];
	_ =	sdelay $0x3  }
0x33: {  	p0 =	seq.s32 s10, $0x1;
	s10 =	sld [smem:$0x3FBA];
	_ =	sdelay $0x3  }
0x34: {  	[smem:$0x3FBA] =	sst s10  }
0x35: {  	s10 =	sld [smem:$0x3FB9];
	_ =	sdelay $0x3  }
0x36: {  	p1 =	seq.s32 s10, $0x1;
	s10 =	sld [smem:$0x3FBA];
	_ =	sdelay $0x3  }
0x37: {  	[smem:$0x3FBA] =	sst s10  }
0x38: {  	s10 =	sld [smem:$0x3FBB]  }
0x39: {  	_ = 	snop;
	(pc) =	sbr.ind lr, $3  }
0x3a: {  	_ = 	snop  }
0x3b: {  	_ = 	snop  }
0x3c: {  	p2 =	seq.s32 s10, $0x1;
	s10 =	sld [smem:$0x3FBA]  }
0x3d: {  	_ =	shalt  }
0x3e: {  	_ =	shalt  }
0x3f: {  	_ =	shalt  }
0x40: {  	_ =	shalt  }
0x41: {  	_ =	shalt  }
0x42: {  	_ =	shalt  }
0x43: {  	_ =	shalt  }
0x44: {  	_ =	shalt  }
0x45: {  	_ =	shalt  }
0x46: {  	_ =	shalt  }
0x47: {  	_ =	shalt  }
0x48: {  	_ =	shalt  }
0x49: {  	_ =	shalt  }
0x4a: {  	_ =	shalt  }
0x4b: {  	_ =	shalt  }
0x4c: {  	_ =	shalt  }
0x4d: {  	_ =	shalt  }
0x4e: {  	_ =	shalt  }
0x4f: {  	_ =	shalt  }
0x50: {  	_ =	shalt  }
0x51: {  	_ =	shalt  }
0x52: {  	_ =	shalt  }
0x53: {  	_ =	shalt  }
0x54: {  	_ =	shalt  }
0x55: {  	_ =	shalt  }
0x56: {  	_ =	shalt  }
0x57: {  	_ =	shalt  }
0x58: {  	_ =	shalt  }
0x59: {  	_ =	shalt  }
0x5a: {  	_ =	shalt  }
0x5b: {  	_ =	shalt  }
0x5c: {  	_ =	shalt  }
0x5d: {  	_ =	shalt  }
0x5e: {  	_ =	shalt  }
0x5f: {  	_ =	shalt  }
0x60: {  	_ =	shalt  }
0x61: {  	_ =	shalt  }
0x62: {  	_ =	shalt  }
0x63: {  	_ =	shalt  }
0x64: {  	_ =	shalt  }
0x65: {  	_ =	shalt  }
0x66: {  	_ =	shalt  }
0x67: {  	_ =	shalt  }
0x68: {  	_ =	shalt  }
0x69: {  	_ =	shalt  }
0x6a: {  	_ =	shalt  }
0x6b: {  	_ =	shalt  }
0x6c: {  	_ =	shalt  }
0x6d: {  	_ =	shalt  }
0x6e: {  	_ =	shalt  }
0x6f: {  	_ =	shalt  }
0x70: {  	_ =	shalt  }
0x71: {  	_ =	shalt  }
0x72: {  	_ =	shalt  }
0x73: {  	_ =	shalt  }
0x74: {  	_ =	shalt  }
0x75: {  	_ =	shalt  }
0x76: {  	_ =	shalt  }
0x77: {  	_ =	shalt  }
0x78: {  	_ =	shalt  }
0x79: {  	_ =	shalt  }
0x7a: {  	_ =	shalt  }
0x7b: {  	_ =	shalt  }
0x7c: {  	_ =	shalt  }
0x7d: {  	_ =	shalt  }
0x7e: {  	_ =	shalt  }
0x7f: {  	_ =	shalt  }
0x80: {  	_ =	shalt  }
0x81: {  	_ =	shalt  }
0x82: {  	_ =	shalt  }
0x83: {  	_ =	shalt  }
0x84: {  	_ =	shalt  }
0x85: {  	_ =	shalt  }
0x86: {  	_ =	shalt  }
0x87: {  	_ =	shalt  }
.Lfunc_end0:
.L_simem_size_0:
called_computation.2_lowered:
.L_overlay_start_0:
0x88: {  	s2 =	sld [smem:$0x3FD9]  }
0x89: {  	s3 =	sld [smem:$0x3FFE];
	_ =	sdelay $0x1  }
0x8a: {  	s1 =	srdreg.scid  }
0x8b: {  	s0 =	sand.u32 $0x1, s1  }
0x8c: {  	s16 =	sshll.u32 s0, $0xA;
	s2 =	sadd.s32 s3, s2  }
0x8d: {  	s2 =	sadd.s32 s2, s16  }
0x8e: {  	[smem:$0x3FC6] =	sst s2  }
0x8f: {  	_ = 	snop  }
0x90: {  	(tm) =	ssettm $0x1  }
0x91: {  	s17 =	sld [smem:$0x3FFB];
	_ =	sdelay $0x3  }
0x92: {  	_ =	strace s17  }
0x93: {  	s2 =	sld [smem:$0x3FFC];
	_ =	sdelay $0x3  }
0x94: {  	_ =	strace s2  }
0x95: {  	s2 =	sld [smem:$0x3FFD];
	_ =	sdelay $0x3  }
0x96: {  	_ =	strace s2  }
0x97: {  	_ =	strace $0x8FFFFFFF  }
0x98: {  	s18 =	sld [smem:$0x3FDB];
	_ =	sdelay $0x1  }
0x99: {  	s19 =	simm.s32 $_scs_section_size  }
0x9a: {  	s4 =	simm.s32 $_size__tile_overlayer_lowered;
	s5 =	simm.s32 $_tile_overlayer_lowered  }
0x9b: {  	s22 =	simm.s32 $0x1BFF;
	s21 =	sshll.u32 s5, $0x1;
	s2 =	sadd.s32 s19, s18  }
0x9c: {  	s6 =	simm.s32 $0x0;
	s20 =	sshll.u32 s4, $0x1;
	s4 =	sadd.s32 s21, s2  }
0x9d: {  	[timem:s6], [sflag:s22] =	dma.local [hbm:s4], s20  }
0x9e: {  	_ =	swait.ge [sflag:s22], s20  }
0x9f: {  	s3 =	ssub.s32 $0x0, s20;
	[sflag:s22] =	ssyncset.done $0x0  }
0xa0: {  	[sflag:s22] =	ssyncadd.s32 s3;
	_ =	sdelay $0x1  }
0xa1: {  	s23 =	simm.s32 $0x1B8B  }
0xa2: {  	_ =	swait.ge [sflag:s23], $0x1  }
0xa3: {  	[sflag:s23] =	ssyncset.done $0x0  }
0xa4: {  	s25 =	simm.s32 $0x1B8E;
	s24 =	sld [smem:$0x3FFE];
	[sflag:s23] =	ssyncadd.s32 $0xFFFFFFFF  }
0xa5: {  	s26 =	simm.s32 $execute0_lowered;
	[smem:$0x3FD2] =	sst s25  }
0xa6: {  	s4 =	sshll.u32 s26, $0x1;
	_ =	strace $0x8000004C;
	[dreg:$0x1] =	wrdreg $0xFFFFFFFF  }
0xa7: {  	s28 =	simm.s32 $_size_execute0_lowered;
	s2 =	sadd.s32 s2, s4;
	[dreg:$0x0] =	wrdreg $0x0  }
0xa8: {  	s4 =	sshll.u32 s28, $0x1;
	[dreg:$0x2] =	wrdreg s2  }
0xa9: {  	[dreg:$0x3] =	wrdreg s4  }
0xaa: {  	[dreg:$0x4] =	wrdreg $0xC0  }
0xab: {  	_ =	task [dreg:s6], $0x5FFFF  }
0xac: {  	[dreg:$0x1] =	wrdreg $0xFFFFFFFF  }
0xad: {  	[dreg:$0x0] =	wrdreg $0x60  }
0xae: {  	[dreg:$0x2] =	wrdreg s24  }
0xaf: {  	[dreg:$0x3] =	wrdreg $0x9  }
0xb0: {  	_ =	task.clear_ibuf [dreg:s6], $0x4FFFF;
	_ =	strace $0x9000004C  }
0xb1: {  	s29 =	simm.s32 $0x9;
	_ =	strace $0x8000004E  }
0xb2: {  	_ =	swait.ge [sflag:s29], $0x1  }
0xb3: {  	[sflag:s29] =	ssyncadd.s32 $0xFFFFFFFF  }
0xb4: {  	_ =	strace $0x9000004E  }
0xb5: {  	_ =	sfence  }
0xb6: {  	s30 =	sld [smem:$0x0];
	_ =	sdelay $0x2  }
0xb7: {  	s31 =	sshll.u32 s1, $0xD;
	s1 =	sshrl.u32 s1, $0x2  }
0xb8: {  	s3 =	sand.u32 $0x4000, s31;
	s1 =	sadd.s32 s1, s30  }
0xb9: {  	s0 =	sor.u32 s3, s0;
	s1 =	sshll.u32 s1, $0x11  }
0xba: {  	s0 =	sor.u32 s1, s0  }
0xbb: {  	s0 =	sadd.s32 $0x8F2B, s0  }
0xbc: {  	[sflag:s0] =	ssyncadd.remote.s32 $0x1  }
0xbd: {  	_ =	sfence.sel $0xFFFF  }
0xbe: {  	[dreg:$0x0] =	wrdreg $0xFFFFFFFF;
	(pc) =	sbr.abs _section_cstart, $3  }
0xbf: {  	[dreg:$0x1] =	wrdreg $0xFFFFFFFF  }
0xc0: {  	_ =	task.clear_ibuf [dreg:s6], $0x2FFFF;
	_ =	strace $0x9FFFFFFF  }
0xc1: {  	(tm) =	ssettm $0x7FFFFFFF  }
tec
execute0_lowered:
.L_overlay_start_1:
0x0: {  	(tag) =	ssettag $0x1  }
0x1: {  	s0 =	srdreg.scid  }
0x2: {  	s1 =	sshll.u32 s0, $0x4  }
0x3: {  	s0 =	stileid.u32;
	s1 =	sand.u32 $0x10, s1  }
0x4: {  	s2 =	sor.u32 s0, s1  }
0x5: {  	s1 =	smin.u32 s2, $0x12  }
0x6: {  	s1 =	sadd.s32 s2, s1  }
0x7: {  	p0 =	slt.u32 s2, $0x12;
	s2 =	simm.s32 $0x320;
	s1 =	smul.u32 $0x190, s1  }
0x8: {  	s2 =	simm.s32 @!p0 $0x190  }
0x9: {  	s2 =	sadd.s32 s2, s1  }
0xa: {  	s3 =	smin.u32 s2, $0x4E20  }
0xb: {  	s7 =	ssub.s32 s3, s1  }
0xc: {  	p0 =	sgt.s32 s7, $0x0  }
0xd: {  	s7 =	simm.s32 @!p0 $0x0  }
0xe: {  	s31 =	sand.u32 $0xFFF0, s7  }
0xf: {  	s2 =	sshrl.u32 s31, $0x4  }
0x10: {  	s2 =	smul.u32 $0xA3E, s2  }
0x11: {  	s4 =	rddreg [dreg:$0x0];
	s6 =	simm.s32 $0x1  }
0x12: {  	s10 =	simm.s32 $0x3;
	s13 =	simm.s32 $0x0;
	s8 =	sshrl.u32 s2, $0x10  }
0x13: {  	s12 =	simm.s32 $0x0;
	s5 =	sadd.s32 $0x1E00, s4;
	s9 =	smul.u32 $0x190, s8  }
.Ltmp0:
0x14: {  	s11 =	smov.u32 s1;
	s2 =	rddreg [dreg:$0x1];
	(pc) =	sbr.rel .LBB2_1-.Ltmp0, $4  }
0x15: {  	_ =	strace $0x8000004D;
	p0 =	sne.s32 s7, s9;
	s9 =	simm.s32 $0x1  }
0x16: {  	[sflag:s6] =	ssyncpa.u1 $0x0;
	s7 =	simm.s32 $0x2;
	s9 =	simm.s32 @!p0 $0x0  }
0x17: {  	[sflag:s7] =	ssyncpa.u1 $0x0;
	p0 =	por $0x0, $0x0;
	s8 =	sadd.s32 s8, s9  }
0x18: {  	vm0 =	vmmov $0xff;
	vm1 =	vcmask $0x3F20;
	s9 =	sadd.s32 $0x50000, s4;
	[sflag:s10] =	ssyncpa.u1 $0x0;
	s10 =	sadd.s32 $0x1, s8  }
.LBB2_6:
0x19: {  	[hbm:s17] =	stream.linear.scatter [tilespmem:s14], [sflag:$0x3], $0x400, $0x38;
	[tilespmem:$0x19320] =	vst v63  }
.LBB2_7:
0x1a: {  	s13 =	sadd.s32 $0x190, s11  }
0x1b: {  	s15 =	smov.u32 s1;
	p2 =	slt.s32 s13, s3  }
0x1c: {  	s15 =	smov.u32 @p2 s13;
	p2 =	sne.s32 s12, s10  }
.Ltmp1:
0x1d: {  	p1 =	slt.u32 s12, $0x2;
	(pc) =	sbr.rel @!p2 .LBB2_8-.Ltmp1, $4  }
0x1e: {  	s14 =	simm.s32 @!p1 $0x3  }
0x1f: {  	s16 =	sadd.s32 $0x1, s12;
	_ =	swait.ge @!p1 [sflag:s14], $0xC800  }
0x20: {  	p0 =	por !p0, !p0;
	s13 =	smov.u32 s11;
	[sflag:s14] =	ssyncset.done @!p1 $0x0  }
0x21: {  	s12 =	smov.u32 s16;
	s11 =	smov.u32 s15;
	[sflag:s14] =	ssyncadd.s32 @!p1 $0xFFFF3800  }
.LBB2_1:
0x22: {  	p1 =	sge.u32 s12, s8  }
0x23: {  	s14 =	sxor.u32 @!p1 $0xFFFFFFFF, s12  }
0x24: {  	s14 =	sand.u32 @!p1 $0x1, s14  }
0x25: {  	s14 =	smul.u32 @!p1 $0x640, s14  }
0x26: {  	s31 =	sadd.s32 $0xFFFFFFFF, s12;
	s15 =	sshrl.u32 @!p1 s11, $0x3  }
0x27: {  	s16 =	sand.u32 @!p1 $0x7, s11;
	s15 =	sadd.s32 @!p1 s4, s15;
	s14 =	sshrl.u32 @!p1 s14, $0x2  }
0x28: {  	[tilespmem:s14], [sflag:$0x2] =	stream.linear.gather @!p1 [hbm4b:s15+s16], $0x190, $0x38;
	[tilespmem:$0x19320] =	vst v63  }
0x29: {  	p1 =	sge.u32 s31, s8  }
.Ltmp2:
0x2a: {  	_ = 	snop;
	(pc) =	sbr.rel @p1 .LBB2_7-.Ltmp2, $1  }
0x2b: {  	_ =	sdelay $0x3  }
0x2c: {  	s14 =	simm.s32 $0x1  }
0x2d: {  	s14 =	simm.s32 @!p0 $0x0  }
0x2e: {  	s15 =	smul.u32 $0x640, s14  }
0x2f: {  	_ =	swait.ge [sflag:s7], $0x190  }
0x30: {  	[sflag:s7] =	ssyncset.done $0x0;
	s16 =	sshrl.u32 s15, $0x2  }
0x31: {  	[sflag:s7] =	ssyncadd.s32 $0xFFFFFE70;
	s15 =	sadd.s32 $0x0, s16  }
0x32: {  	v0 =	vld.msk [tilespmem:s15+$0x0 ss:$0x1], $0xffff;
	_ =	sdelay $0x4  }
0x33: {  	vm2 =	vgt.s32 v0, $0x0  }
0x34: {  	v0 =	vnsel vm2, $0x0, v0  }
0x35: {  	v0 =	vmin.u32 v0, $0x4E1F  }
0x36: {  	v0 =	vshll.u32 v0, $0x4  }
0x37: {  	s14 =	smul.u32 $0x32000, s14;
	_ =	sdelay $0x1  }
0x38: {  	s14 =	sshrl.u32 s14, $0x2  }
0x39: {  	s14 =	sor.u32 $0x320, s14  }
0x3a: {  	[tilespmem:s14], [sflag:$0x1] =	stream.indirect_vreg.gather [hbm:s5], $0x80, v0, vm0, $0x38;
	[tilespmem:$0x19320] =	vst v63  }
0x3b: {  	s17 =	sadd.s32 $0x10, s16;
	s15 =	sadd.s32 $0x400, s14  }
0x3c: {  	[tilespmem:s15], [sflag:$0x1] =	stream.indirect_vreg.gather [hbm:s5], $0x80, v0, vm1, $0x38;
	[tilespmem:$0x19320] =	vst v63  }
0x3d: {  	s18 =	simm.s32 $0x80;
	v0 =	vld.msk [tilespmem:s17+$0x0 ss:$0x1], $0xffff;
	s17 =	smov.u32 s14  }
.LBB2_3:
0x3e: {  	p1 =	sne.s32 s18, $0x600;
	_ =	sdelay $0x4  }
0x3f: {  	vm2 =	vgt.s32 v0, $0x0  }
0x40: {  	v0 =	vnsel vm2, $0x0, v0  }
0x41: {  	v0 =	vmin.u32 v0, $0x4E1F  }
0x42: {  	v0 =	vshll.u32 v0, $0x4;
	_ =	sdelay $0x3  }
.Ltmp3:
0x43: {  	s19 =	sshra.s32 s18, $0x2;
	s17 =	sadd.s32 $0x800, s17;
	(pc) =	sbr.rel @p1 .LBB2_3-.Ltmp3, $4  }
0x44: {  	[tilespmem:s17], [sflag:$0x1] =	stream.indirect_vreg.gather [hbm:s5], $0x80, v0, vm0, $0x38;
	[tilespmem:$0x19320] =	vst v63  }
0x45: {  	s19 =	sadd.s32 s19, s16;
	s20 =	sadd.s32 $0x400, s17  }
0x46: {  	[tilespmem:s20], [sflag:$0x1] =	stream.indirect_vreg.gather [hbm:s5], $0x80, v0, vm1, $0x38;
	[tilespmem:$0x19320] =	vst v63  }
0x47: {  	s18 =	sadd.s32 $0x40, s18;
	v0 =	vld.msk [tilespmem:s19+$0x0 ss:$0x1], $0xffff  }
0x48: {  	_ =	sdelay $0x3  }
0x49: {  	vm2 =	vgt.s32 v0, $0x0  }
0x4a: {  	v0 =	vnsel vm2, $0x0, v0  }
0x4b: {  	v0 =	vmin.u32 v0, $0x4E1F  }
0x4c: {  	v0 =	vshll.u32 v0, $0x4;
	_ =	sdelay $0x3  }
0x4d: {  	s16 =	sadd.s32 $0x800, s17  }
0x4e: {  	[tilespmem:s16], [sflag:$0x1] =	stream.indirect_vreg.gather [hbm:s5], $0x80, v0, vm0, $0x38;
	[tilespmem:$0x19320] =	vst v63  }
0x4f: {  	s16 =	sadd.s32 $0x400, s16  }
0x50: {  	[tilespmem:s16], [sflag:$0x1] =	stream.indirect_vreg.gather [hbm:s5], $0x80, v0, vm1, $0x38;
	[tilespmem:$0x19320] =	vst v63  }
0x51: {  	s13 =	sshll.u32 s13, $0x4;
	_ =	swait.ge [sflag:s6], $0xC800  }
0x52: {  	s13 =	sadd.s32 s13, s9;
	[sflag:s6] =	ssyncset.done $0x0  }
0x53: {  	s17 =	sadd.s32 $0x0, s13;
	s16 =	simm.s32 $0x80;
	[sflag:s6] =	ssyncadd.s32 $0xFFFF3800  }
.LBB2_5:
0x54: {  	[hbm:s17] =	stream.linear.scatter [tilespmem:s14], [sflag:$0x3], $0x400, $0x38;
	[tilespmem:$0x19320] =	vst v63  }
0x55: {  	s17 =	smov.u32 s16;
	s14 =	smov.u32 s15;
	p1 =	sne.s32 s16, $0x1880  }
.Ltmp4:
0x56: {  	s16 =	sadd.s32 $0x80, s16;
	(pc) =	sbr.rel @p1 .LBB2_5-.Ltmp4, $2  }
0x57: {  	_ =	sdelay $0x2  }
0x58: {  	s15 =	sadd.s32 $0x400, s15;
	s17 =	sadd.s32 s17, s13  }
.Ltmp5:
0x59: {  	_ = 	snop;
	(pc) =	sbr.rel .LBB2_6-.Ltmp5, $1  }
0x5a: {  	_ =	sdelay $0x3  }
.LBB2_8:
0x5b: {  	_ =	sfence.sel $0x180000  }
0x5c: {  	s1 =	simm.s32 $0x2;
	[bflag:$0x0] =	sbarrier.arrive $0xFFFF  }
0x5d: {  	s30 =	simm.s32 $0x3;
	[sflag:s1] =	ssyncpa.u1 $0x1  }
0x5e: {  	s31 =	simm.s32 $0x1;
	[sflag:s30] =	ssyncpa.u1 $0x1  }
0x5f: {  	[sflag:s31] =	ssyncpa.u1 $0x1  }
0x60: {  	p0 =	sne.s32 s0, $0x0;
	_ =	strace $0x9000004D  }
0x61: {  	s0 =	sadd.s32 @!p0 $0x100000, s2;
	[bflag:$0x2] =	sbarrier.arrive $0xFFFF  }
0x62: {  	[sflag:s0] =	ssyncadd.tile.s32 @!p0 $0x1;
	_ =	shalt  }
.Lfunc_end2:
_tile_overlayer_lowered:
.L_overlay_start_2:
0x63: {  	(tag) =	ssettag $0x2  }
0x64: {  	s0 =	rddreg [dreg:$0x0];
	s2 =	stileid.u32  }
0x65: {  	s1 =	rddreg [dreg:$0x1];
	p0 =	sne.s32 s2, $0x0  }
0x66: {  	s3 =	rddreg [dreg:$0x2];
	[bflag:$0x3] =	sbarrier.arrive $0xFFFF;
	s2 =	simm.s32 @!p0 $0x1C01  }
0x67: {  	[timem:s3], [sflag:s2] =	dma.local @!p0 [hbm:s0], s1  }
0x68: {  	s0 =	simm.s32 @!p0 $0x1  }
0x69: {  	_ =	swait.ge @!p0 [sflag:s0], s1  }
0x6a: {  	s1 =	ssub.s32 @!p0 $0x0, s1;
	[sflag:s0] =	ssyncset.done @!p0 $0x0  }
0x6b: {  	[sflag:s0] =	ssyncadd.s32 @!p0 s1  }
0x6c: {  	[bflag:$0x3] =	sbarrier.arrive $0xFFFF  }
0x6d: {  	_ =	shalt  }

// kernel: gather_offload_async_start
scs
__scs_entry_jumppad:
0x0: {  	(pc) =	sbr.rel $0x88, $3  }
0x1: {  	(tag) =	ssettag $0x0;
	lr =	simm.s32 $0x1  }
0x2: {  	[smem:$0x3F9F] =	sst lr;
	_ =	strace $0xD0000000  }
0x3: {  	_ = 	snop  }
0x4: {  	_ = 	snop  }
0x5: {  	_ = 	snop  }
0x6: {  	_ = 	snop  }
0x7: {  	_ = 	snop  }
__scs_overlays_trampoline_lowered:
0x8: {  	[smem:$0x3FAE] =	sst s0  }
0x9: {  	[smem:$0x3FAF] =	sst s1  }
0xa: {  	[smem:$0x3FB0] =	sst s2  }
0xb: {  	[smem:$0x3FB1] =	sst s3  }
0xc: {  	[smem:$0x3FB2] =	sst s4  }
0xd: {  	[smem:$0x3FB3] =	sst s5  }
0xe: {  	[smem:$0x3FB4] =	sst s6  }
0xf: {  	[smem:$0x3FB5] =	sst s7  }
0x10: {  	[smem:$0x3FB6] =	sst s8  }
0x11: {  	[smem:$0x3FB7] =	sst s9;
	s0 =	simm.s32 @!p0 $0x0  }
0x12: {  	s1 =	sld [smem:$0x3F9D];
	s0 =	simm.s32 @p0 $0x1  }
0x13: {  	[smem:$0x3FB8] =	sst s0;
	s0 =	simm.s32 @!p1 $0x0  }
0x14: {  	s2 =	sld [smem:$0x3F9C];
	s0 =	simm.s32 @p1 $0x1  }
0x15: {  	[smem:$0x3FB9] =	sst s0;
	s0 =	simm.s32 @!p2 $0x0  }
0x16: {  	s3 =	sld [smem:$0x3FDB];
	s0 =	simm.s32 @p2 $0x1  }
0x17: {  	s4 =	simm.s32 $0x1BF5;
	[smem:$0x3FBB] =	sst s0  }
0x18: {  	s0 =	sld [smem:$0x3F9E];
	_ =	swait.ge [sflag:s4], $0x0  }
0x19: {  	s7 =	sld [smem:$0x3F9F]  }
0x1a: {  	s8 =	sadd.s32 $0xFFFFE003, lr  }
0x1b: {  	s9 =	sadd.s32 $0xFFFFFEF7, lr;
	s5 =	simm.s32 $0xFFFFFFFF;
	p2 =	slt.u32 s8, $0xFFFFF086  }
0x1c: {  	p1 =	slt.u32 s9, $0xF7A;
	s5 =	simm.s32 @!p2 $0x0  }
0x1d: {  	s5 =	simm.s32 @p1 $0x1;
	p0 =	seq.s32 s7, s2  }
0x1e: {  	s7 =	smul.u32 @!p0 $0xF7A, s2;
	p2 =	seq.s32 @!p0 s5, $0x0  }
0x1f: {  	s9 =	smul.u32 $0xF7A, s1;
	s8 =	simm.s32 @!p0 $0x1BF5;
	p2 =	por !p2, p0  }
0x20: {  	[sflag:s8] =	ssyncset.s32 @!p0 $0xFFFFF086;
	s6 =	sadd.s32 @!p0 s3, s7;
	s7 =	simm.s32 @!p0 $0x108  }
0x21: {  	s3 =	sadd.s32 s3, s9;
	s6 =	sadd.s32 @!p0 $0x88, s6;
	s7 =	simm.s32 @p2 $0x1082  }
0x22: {  	[simem:s7], [sflag:s8] =	dma.local @!p0 [hbm:s6], $0xF7A  }
0x23: {  	s9 =	sor.u32 $0xD0000000, s2;
	s6 =	simm.s32 $0x108;
	_ =	swait.ge @!p0 [sflag:s8], $0x0  }
0x24: {  	s3 =	sadd.s32 $0x88, s3;
	s6 =	simm.s32 @!p1 $0x1082;
	[sflag:s4] =	ssyncset.s32 $0xFFFFF086  }
0x25: {  	[simem:s6], [sflag:s4] =	dma.local [hbm:s3], $0xF7A  }
0x26: {  	[smem:$0x3F9F] =	sst s1;
	(tag) =	ssettag s2;
	_ =	strace s9  }
0x27: {  	s1 =	sld [smem:$0x3FAF]  }
0x28: {  	s2 =	sld [smem:$0x3FB0]  }
0x29: {  	s4 =	sld [smem:$0x3FB2]  }
0x2a: {  	p0 =	seq.s32 s5, $0x0;
	s5 =	sld [smem:$0x3FB3]  }
0x2b: {  	s6 =	sld [smem:$0x3FB4]  }
0x2c: {  	s7 =	sld [smem:$0x3FB5]  }
0x2d: {  	s3 =	simm.s32 $0x108;
	s8 =	sld [smem:$0x3FB6]  }
0x2e: {  	s3 =	simm.s32 @!p0 $0x1082;
	s9 =	sld [smem:$0x3FB7]  }
0x2f: {  	lr =	sadd.s32 s0, s3;
	s0 =	sld [smem:$0x3FAE]  }
0x30: {  	s3 =	sld [smem:$0x3FB1]  }
0x31: {  	[smem:$0x3FBA] =	sst s10  }
0x32: {  	s10 =	sld [smem:$0x3FB8];
	_ =	sdelay $0x3  }
0x33: {  	p0 =	seq.s32 s10, $0x1;
	s10 =	sld [smem:$0x3FBA];
	_ =	sdelay $0x3  }
0x34: {  	[smem:$0x3FBA] =	sst s10  }
0x35: {  	s10 =	sld [smem:$0x3FB9];
	_ =	sdelay $0x3  }
0x36: {  	p1 =	seq.s32 s10, $0x1;
	s10 =	sld [smem:$0x3FBA];
	_ =	sdelay $0x3  }
0x37: {  	[smem:$0x3FBA] =	sst s10  }
0x38: {  	s10 =	sld [smem:$0x3FBB]  }
0x39: {  	_ = 	snop;
	(pc) =	sbr.ind lr, $3  }
0x3a: {  	_ = 	snop  }
0x3b: {  	_ = 	snop  }
0x3c: {  	p2 =	seq.s32 s10, $0x1;
	s10 =	sld [smem:$0x3FBA]  }
0x3d: {  	_ =	shalt  }
0x3e: {  	_ =	shalt  }
0x3f: {  	_ =	shalt  }
0x40: {  	_ =	shalt  }
0x41: {  	_ =	shalt  }
0x42: {  	_ =	shalt  }
0x43: {  	_ =	shalt  }
0x44: {  	_ =	shalt  }
0x45: {  	_ =	shalt  }
0x46: {  	_ =	shalt  }
0x47: {  	_ =	shalt  }
0x48: {  	_ =	shalt  }
0x49: {  	_ =	shalt  }
0x4a: {  	_ =	shalt  }
0x4b: {  	_ =	shalt  }
0x4c: {  	_ =	shalt  }
0x4d: {  	_ =	shalt  }
0x4e: {  	_ =	shalt  }
0x4f: {  	_ =	shalt  }
0x50: {  	_ =	shalt  }
0x51: {  	_ =	shalt  }
0x52: {  	_ =	shalt  }
0x53: {  	_ =	shalt  }
0x54: {  	_ =	shalt  }
0x55: {  	_ =	shalt  }
0x56: {  	_ =	shalt  }
0x57: {  	_ =	shalt  }
0x58: {  	_ =	shalt  }
0x59: {  	_ =	shalt  }
0x5a: {  	_ =	shalt  }
0x5b: {  	_ =	shalt  }
0x5c: {  	_ =	shalt  }
0x5d: {  	_ =	shalt  }
0x5e: {  	_ =	shalt  }
0x5f: {  	_ =	shalt  }
0x60: {  	_ =	shalt  }
0x61: {  	_ =	shalt  }
0x62: {  	_ =	shalt  }
0x63: {  	_ =	shalt  }
0x64: {  	_ =	shalt  }
0x65: {  	_ =	shalt  }
0x66: {  	_ =	shalt  }
0x67: {  	_ =	shalt  }
0x68: {  	_ =	shalt  }
0x69: {  	_ =	shalt  }
0x6a: {  	_ =	shalt  }
0x6b: {  	_ =	shalt  }
0x6c: {  	_ =	shalt  }
0x6d: {  	_ =	shalt  }
0x6e: {  	_ =	shalt  }
0x6f: {  	_ =	shalt  }
0x70: {  	_ =	shalt  }
0x71: {  	_ =	shalt  }
0x72: {  	_ =	shalt  }
0x73: {  	_ =	shalt  }
0x74: {  	_ =	shalt  }
0x75: {  	_ =	shalt  }
0x76: {  	_ =	shalt  }
0x77: {  	_ =	shalt  }
0x78: {  	_ =	shalt  }
0x79: {  	_ =	shalt  }
0x7a: {  	_ =	shalt  }
0x7b: {  	_ =	shalt  }
0x7c: {  	_ =	shalt  }
0x7d: {  	_ =	shalt  }
0x7e: {  	_ =	shalt  }
0x7f: {  	_ =	shalt  }
0x80: {  	_ =	shalt  }
0x81: {  	_ =	shalt  }
0x82: {  	_ =	shalt  }
0x83: {  	_ =	shalt  }
0x84: {  	_ =	shalt  }
0x85: {  	_ =	shalt  }
0x86: {  	_ =	shalt  }
0x87: {  	_ =	shalt  }
.Lfunc_end0:
.L_simem_size_0:
called_computation_lowered:
.L_overlay_start_0:
0x88: {  	s2 =	sld [smem:$0x3FD9]  }
0x89: {  	s3 =	sld [smem:$0x3FFE];
	_ =	sdelay $0x1  }
0x8a: {  	s1 =	srdreg.scid  }
0x8b: {  	s0 =	sand.u32 $0x1, s1  }
0x8c: {  	s17 =	sshll.u32 s0, $0xA;
	s2 =	sadd.s32 s3, s2  }
0x8d: {  	s2 =	sadd.s32 s2, s17  }
0x8e: {  	[smem:$0x3FC6] =	sst s2  }
0x8f: {  	_ = 	snop  }
0x90: {  	s2 =	sld [smem:$0x3FC9];
	(tm) =	ssettm $0x1  }
0x91: {  	s18 =	sld [smem:$0x3FFB];
	_ =	sdelay $0x3  }
0x92: {  	_ =	strace s18  }
0x93: {  	s3 =	sld [smem:$0x3FFC];
	_ =	sdelay $0x3  }
0x94: {  	_ =	strace s3  }
0x95: {  	s3 =	sld [smem:$0x3FFD];
	_ =	sdelay $0x3  }
0x96: {  	_ =	strace s3  }
0x97: {  	_ =	strace $0x8FFFFFFF  }
0x98: {  	s19 =	sld [smem:$0x3FDB];
	_ =	sdelay $0x1  }
0x99: {  	s4 =	simm.s32 $_scs_section_size  }
0x9a: {  	s5 =	simm.s32 $_size__tile_overlayer_lowered;
	s6 =	simm.s32 $_tile_overlayer_lowered  }
0x9b: {  	s22 =	simm.s32 $0x1BFF;
	s21 =	sshll.u32 s6, $0x1;
	s3 =	sadd.s32 s4, s19  }
0x9c: {  	s7 =	simm.s32 $0x0;
	s20 =	sshll.u32 s5, $0x1;
	s5 =	sadd.s32 s21, s3  }
0x9d: {  	[timem:s7], [sflag:s22] =	dma.local [hbm:s5], s20  }
0x9e: {  	_ =	swait.ge [sflag:s22], s20  }
0x9f: {  	s4 =	ssub.s32 $0x0, s20;
	[sflag:s22] =	ssyncset.done $0x0  }
0xa0: {  	[sflag:s22] =	ssyncadd.s32 s4;
	_ =	sdelay $0x1  }
0xa1: {  	s23 =	simm.s32 $0x1B8B  }
0xa2: {  	_ =	swait.ge [sflag:s23], $0x1  }
0xa3: {  	[sflag:s23] =	ssyncset.done $0x0  }
0xa4: {  	s25 =	simm.s32 $0x1B8E;
	s24 =	sld [smem:$0x3FFE];
	[sflag:s23] =	ssyncadd.s32 $0xFFFFFFFF  }
0xa5: {  	s26 =	simm.s32 $execute0_lowered;
	[smem:$0x3FD2] =	sst s25  }
0xa6: {  	s5 =	sshll.u32 s26, $0x1;
	_ =	strace $0x80000046;
	[dreg:$0x1] =	wrdreg $0xFFFFFFFF  }
0xa7: {  	s28 =	simm.s32 $_size_execute0_lowered;
	s3 =	sadd.s32 s3, s5;
	[dreg:$0x0] =	wrdreg $0x0  }
0xa8: {  	s5 =	sshll.u32 s28, $0x1;
	[dreg:$0x2] =	wrdreg s3  }
0xa9: {  	[dreg:$0x3] =	wrdreg s5  }
0xaa: {  	[dreg:$0x4] =	wrdreg $0xC0  }
0xab: {  	_ =	task [dreg:s7], $0x5FFFF  }
0xac: {  	[dreg:$0x1] =	wrdreg $0xFFFFFFFF  }
0xad: {  	[dreg:$0x0] =	wrdreg $0x60  }
0xae: {  	[dreg:$0x2] =	wrdreg s2  }
0xaf: {  	[dreg:$0x3] =	wrdreg s24  }
0xb0: {  	[dreg:$0x4] =	wrdreg $0x9  }
0xb1: {  	_ =	task.clear_ibuf [dreg:s7], $0x5FFFF;
	_ =	strace $0x90000046  }
0xb2: {  	s29 =	simm.s32 $0x9;
	_ =	strace $0x80000048  }
0xb3: {  	_ =	swait.ge [sflag:s29], $0x1  }
0xb4: {  	[sflag:s29] =	ssyncadd.s32 $0xFFFFFFFF  }
0xb5: {  	_ =	strace $0x90000048  }
0xb6: {  	_ =	sfence  }
0xb7: {  	s30 =	sld [smem:$0x0];
	_ =	sdelay $0x2  }
0xb8: {  	s31 =	sshll.u32 s1, $0xD;
	s1 =	sshrl.u32 s1, $0x2  }
0xb9: {  	s3 =	sand.u32 $0x4000, s31;
	s1 =	sadd.s32 s1, s30  }
0xba: {  	s0 =	sor.u32 s3, s0;
	s1 =	sshll.u32 s1, $0x11  }
0xbb: {  	s0 =	sor.u32 s1, s0  }
0xbc: {  	s0 =	sadd.s32 $0x8F2B, s0  }
0xbd: {  	[sflag:s0] =	ssyncadd.remote.s32 $0x1  }
0xbe: {  	_ =	sfence.sel $0xFFFF  }
0xbf: {  	[dreg:$0x0] =	wrdreg $0xFFFFFFFF;
	(pc) =	sbr.abs _section_cstart, $3  }
0xc0: {  	[dreg:$0x1] =	wrdreg $0xFFFFFFFF  }
0xc1: {  	_ =	task.clear_ibuf [dreg:s7], $0x2FFFF;
	_ =	strace $0x9FFFFFFF  }
0xc2: {  	(tm) =	ssettm $0x7FFFFFFF  }
0xc3: {  	_ =	shalt  }
tec
execute0_lowered:
.L_overlay_start_1:
0x0: {  	(tag) =	ssettag $0x1  }
0x1: {  	s2 =	rddreg [dreg:$0x0]  }
0x2: {  	s8 =	rddreg [dreg:$0x1]  }
0x3: {  	s0 =	rddreg [dreg:$0x2];
	s1 =	stileid.u32  }
0x4: {  	s3 =	srdreg.scid;
	_ =	strace $0x80000047;
	s4 =	simm.s32 $0x1  }
0x5: {  	s7 =	simm.s32 $0x1;
	s9 =	simm.s32 $0x1;
	s10 =	simm.s32 $0x3  }
0x6: {  	s13 =	simm.s32 $0x0;
	s5 =	sand.u32 $0x1, s3;
	s6 =	sshll.u32 s1, $0x1  }
0x7: {  	s12 =	simm.s32 $0x0;
	s3 =	sadd.s32 $0xA00, s8;
	s5 =	sor.u32 s6, s5  }
.Ltmp0:
0x8: {  	[sflag:s4] =	ssyncpa.u1 $0x0;
	p0 =	slt.u32 s5, $0x13;
	(pc) =	sbr.rel .LBB2_1-.Ltmp0, $4  }
0x9: {  	s6 =	simm.s32 $0x2;
	s7 =	simm.s32 @!p0 $0x0;
	p0 =	sne.s32 s5, $0x12  }
0xa: {  	[sflag:s6] =	ssyncpa.u1 $0x0;
	s5 =	smul.u32 $0x190, s5;
	s9 =	simm.s32 @!p0 $0x0  }
0xb: {  	s8 =	sadd.s32 $0x1400, s8;
	[sflag:s10] =	ssyncpa.u1 $0x0;
	s7 =	sadd.s32 s9, s7  }
0xc: {  	vm0 =	vmmov $0xffff;
	s10 =	simm.s32 $0x0;
	s11 =	smov.u32 s5;
	s9 =	sadd.s32 $0x1, s7  }
.LBB2_4:
0xd: {  	vm2 =	veq.s32 v2, $0x80000000;
	v4 =	vand.u32 $0x3, v4;
	v5 =	vor.u32 v6, v5  }
0xe: {  	v1 =	vand.u32 $0x7FFF, v1;
	v7 =	vshrl.u32 v2, $0xF;
	v56 =	vand.u32 $0x7FFF, v2  }
0xf: {  	v4 =	vsel vm1, $0xFFFFFFFF, v4;
	v3 =	vor.u32 v3, v5;
	v1 =	vsel vm1, $0xFFFFFFFF, v1  }
0x10: {  	vm1 =	vmmov vm2;
	v7 =	vand.u32 $0x3, v7;
	v54 =	vshrl.u32 v4, $0x2  }
0x11: {  	v4 =	vshll.u32 v4, $0x7;
	v55 =	vshll.u32 v1, $0x2;
	v57 =	vsel vm1, $0xFFFFFFFF, v7  }
0x12: {  	v2 =	vsel vm1, $0xFFFFFFFF, v56;
	v1 =	vand.u32 $0x7F, v1;
	v5 =	vmul.u32 $0x13A00, v54  }
0x13: {  	v6 =	vand.u32 $0xFFFFFE00, v55;
	v4 =	vand.u32 $0x180, v4;
	v7 =	vshrl.u32 v57, $0x2  }
0x14: {  	v59 =	vshll.u32 v2, $0x2;
	v58 =	vmul.u32 $0x13A00, v7;
	v5 =	vadd.s32 v6, v5  }
0x15: {  	v7 =	vand.u32 $0xFFFFFE00, v59;
	v6 =	vshll.u32 v57, $0x7;
	v4 =	vor.u32 v4, v5  }
0x16: {  	v60 =	vadd.s32 v7, v58;
	v61 =	vand.u32 $0x180, v6;
	v1 =	vor.u32 v1, v4  }
0x17: {  	[tilespmem:s16], [sflag:$0x1] =	stream.indirect_vreg.gather [hbm4b:s2+s10], $0x1, v0, vm0, $0x4038;
	v62 =	vand.u32 $0x7F, v2;
	v63 =	vor.u32 v61, v60;
	[tilespmem:$0x640] =	vst v63  }
0x18: {  	(ifvalue) =	ssetifvalue $0x7FFFFFFF;
	v0 =	vor.u32 v62, v63  }
0x19: {  	[tilespmem:s15], [sflag:$0x1] =	stream.indirect_vreg.gather [hbm4b:s2+s10], $0x1, v3, vm0, $0x4038;
	[tilespmem:$0x640] =	vst v63  }
0x1a: {  	s29 =	sadd.s32 $0x10, s15;
	(ifvalue) =	ssetifvalue $0x7FFFFFFF  }
0x1b: {  	[tilespmem:s29], [sflag:$0x1] =	stream.indirect_vreg.gather [hbm4b:s2+s10], $0x1, v1, vm0, $0x4038;
	[tilespmem:$0x640] =	vst v63  }
0x1c: {  	s15 =	sadd.s32 $0x10, s29;
	(ifvalue) =	ssetifvalue $0x7FFFFFFF  }
0x1d: {  	[tilespmem:s15], [sflag:$0x1] =	stream.indirect_vreg.gather [hbm4b:s2+s10], $0x1, v0, vm0, $0x4038;
	[tilespmem:$0x640] =	vst v63  }
0x1e: {  	_ =	swait.ge [sflag:s4], $0x190  }
0x1f: {  	s30 =	sshrl.u32 s13, $0x3;
	[sflag:s4] =	ssyncset.done $0x0  }
0x20: {  	s31 =	sand.u32 $0x7, s13;
	s15 =	sadd.s32 s8, s30;
	[sflag:s4] =	ssyncadd.s32 $0xFFFFFE70  }
0x21: {  	[hbm4b:s15+s31] =	stream.linear.scatter [tilespmem:s14], [sflag:$0x3], $0x190, $0x38;
	[tilespmem:$0x640] =	vst v63  }
.LBB2_5:
0x22: {  	s15 =	sadd.s32 $0x3200, s11  }
0x23: {  	p1 =	sgt.s32 s15, $0x4E1F  }
0x24: {  	s15 =	smov.u32 @p1 s5;
	p1 =	sne.s32 s12, s9  }
.Ltmp1:
0x25: {  	p0 =	slt.u32 s12, $0x2;
	(pc) =	sbr.rel @!p1 .LBB2_6-.Ltmp1, $4  }
0x26: {  	s14 =	simm.s32 @!p0 $0x3  }
0x27: {  	_ =	swait.ge @!p0 [sflag:s14], $0x190  }
0x28: {  	s16 =	sadd.s32 $0x1, s12;
	s13 =	smov.u32 s11;
	[sflag:s14] =	ssyncset.done @!p0 $0x0  }
0x29: {  	s12 =	smov.u32 s16;
	s11 =	smov.u32 s15;
	[sflag:s14] =	ssyncadd.s32 @!p0 $0xFFFFFE70  }
.LBB2_1:
0x2a: {  	p0 =	sge.u32 s12, s7  }
0x2b: {  	s14 =	sxor.u32 @!p0 $0x1, s12  }
0x2c: {  	s14 =	smul.u32 @!p0 $0x640, s14  }
0x2d: {  	s31 =	sadd.s32 $0xFFFFFFFF, s12;
	s15 =	sshrl.u32 @!p0 s11, $0x3  }
0x2e: {  	s16 =	sand.u32 @!p0 $0x7, s11;
	s15 =	sadd.s32 @!p0 s3, s15;
	s14 =	sshra.s32 @!p0 s14, $0x2  }
0x2f: {  	[tilespmem:s14], [sflag:$0x2] =	stream.linear.gather @!p0 [hbm4b:s15+s16], $0x190, $0x38;
	[tilespmem:$0x640] =	vst v63  }
0x30: {  	p0 =	sge.u32 s31, s7  }
.Ltmp2:
0x31: {  	_ = 	snop;
	(pc) =	sbr.rel @p0 .LBB2_5-.Ltmp2, $1  }
0x32: {  	_ =	sdelay $0x3  }
0x33: {  	s14 =	sand.u32 $0x1, s12  }
0x34: {  	_ =	swait.ge [sflag:s6], $0x190;
	p0 =	seq.s32 s14, $0x1;
	s14 =	simm.s32 $0x190  }
0x35: {  	[sflag:s6] =	ssyncset.done $0x0;
	s14 =	simm.s32 @!p0 $0x0  }
0x36: {  	[sflag:s6] =	ssyncadd.s32 $0xFFFFFE70;
	(ifvalue) =	ssetifvalue $0x7FFFFFFF;
	v0 =	vld.msk [tilespmem:s14+$0x0 ss:$0x1], $0xffff;
	_ =	sdelay $0x2  }
0x37: {  	s15 =	sadd.s32 $0x10, s14  }
0x38: {  	v2 =	vld.msk [tilespmem:s15+$0x0 ss:$0x1], $0xffff  }
0x39: {  	vm1 =	veq.s32 v0, $0x80000000;
	v1 =	vshrl.u32 v0, $0xF  }
0x3a: {  	vm1 =	vmmov vm1;
	v3 =	vand.u32 $0x3, v1  }
0x3b: {  	v0 =	vand.u32 $0x7FFF, v0;
	v3 =	vsel vm1, $0xFFFFFFFF, v3  }
0x3c: {  	s15 =	sadd.s32 $0x10, s15;
	v0 =	vsel vm1, $0xFFFFFFFF, v0;
	v4 =	vshrl.u32 v3, $0x2  }
0x3d: {  	v1 =	vld.msk [tilespmem:s15+$0x0 ss:$0x1], $0xffff;
	v6 =	vshrl.u32 v2, $0xF;
	v5 =	vshll.u32 v0, $0x2;
	v4 =	vmul.u32 $0x13A00, v4  }
0x3e: {  	vm1 =	veq.s32 v2, $0x80000000;
	v3 =	vshll.u32 v3, $0x7;
	v5 =	vand.u32 $0xFFFFFE00, v5  }
0x3f: {  	v0 =	vand.u32 $0x7F, v0;
	v3 =	vand.u32 $0x180, v3;
	v4 =	vadd.s32 v5, v4  }
0x40: {  	vm1 =	vmmov vm1;
	v5 =	vand.u32 $0x3, v6;
	v3 =	vor.u32 v3, v4  }
0x41: {  	v2 =	vand.u32 $0x7FFF, v2;
	v4 =	vsel vm1, $0xFFFFFFFF, v5;
	v0 =	vor.u32 v0, v3  }
0x42: {  	s15 =	sadd.s32 $0x10, s15;
	vm2 =	veq.s32 v1, $0x80000000;
	v3 =	vsel vm1, $0xFFFFFFFF, v2;
	v2 =	vshrl.u32 v4, $0x2  }
0x43: {  	s14 =	sadd.s32 $0x320, s14;
	v6 =	vshll.u32 v4, $0x7;
	v5 =	vmul.u32 $0x13A00, v2;
	v4 =	vshll.u32 v3, $0x2;
	v2 =	vld.msk [tilespmem:s15+$0x0 ss:$0x1], $0xffff  }
0x44: {  	s17 =	simm.s32 $0x30;
	s16 =	smov.u32 s14;
	vm1 =	vmmov vm2;
	v3 =	vand.u32 $0x7F, v3;
	v7 =	vand.u32 $0xFFFFFE00, v4  }
0x45: {  	s18 =	sadd.s32 $0x10, s15;
	v6 =	vand.u32 $0x180, v6;
	(ifvalue) =	ssetifvalue $0x7FFFFFFF;
	s15 =	sadd.s32 $0x10, s14;
	v4 =	vshrl.u32 v1, $0xF;
	v5 =	vadd.s32 v7, v5  }
.LBB2_3:
0x46: {  	[tilespmem:s16], [sflag:$0x1] =	stream.indirect_vreg.gather [hbm4b:s2+s10], $0x1, v0, vm0, $0x4038;
	[tilespmem:$0x640] =	vst v63  }
0x47: {  	s17 =	sadd.s32 $0x10, s17  }
0x48: {  	vm2 =	veq.s32 v2, $0x80000000;
	v4 =	vand.u32 $0x3, v4;
	v5 =	vor.u32 v6, v5;
	v6 =	vmovc v2;
	v2 =	vld.msk [tilespmem:s18+$0x0 ss:$0x1], $0xffff;
	p0 =	slt.u32 s17, $0x180  }
.Ltmp3:
0x49: {  	v7 =	vand.u32 $0x7FFF, v1;
	s16 =	smov.u32 s15;
	v4 =	vsel vm1, $0xFFFFFFFF, v4;
	v0 =	vor.u32 v3, v5;
	v1 =	vmovc v6;
	(pc) =	sbr.rel @p0 .LBB2_3-.Ltmp3, $4  }
0x4a: {  	v5 =	vsel vm1, $0xFFFFFFFF, v7;
	v6 =	vshrl.u32 v4, $0x2;
	v7 =	vshll.u32 v4, $0x7  }
0x4b: {  	v3 =	vand.u32 $0x7F, v5;
	v4 =	vshll.u32 v5, $0x2;
	v6 =	vmul.u32 $0x13A00, v6  }
0x4c: {  	vm1 =	vmmov vm2;
	v5 =	vand.u32 $0xFFFFFE00, v4  }
0x4d: {  	s18 =	sadd.s32 $0x10, s18;
	s15 =	sadd.s32 $0x10, s15;
	v4 =	vshrl.u32 v1, $0xF;
	v5 =	vadd.s32 v5, v6;
	v6 =	vand.u32 $0x180, v7;
	(ifvalue) =	ssetifvalue $0x7FFFFFFF  }
.Ltmp4:
0x4e: {  	_ = 	snop;
	(pc) =	sbr.rel .LBB2_4-.Ltmp4, $1  }
0x4f: {  	_ =	sdelay $0x3  }
.LBB2_6:
0x50: {  	_ =	sfence.sel $0x180000  }
0x51: {  	s2 =	simm.s32 $0x2;
	[bflag:$0x0] =	sbarrier.arrive $0xFFFF  }
0x52: {  	s30 =	simm.s32 $0x3;
	[sflag:s2] =	ssyncpa.u1 $0x1  }
0x53: {  	s31 =	simm.s32 $0x1;
	[sflag:s30] =	ssyncpa.u1 $0x1  }
0x54: {  	[sflag:s31] =	ssyncpa.u1 $0x1  }
0x55: {  	p0 =	sne.s32 s1, $0x0;
	_ =	strace $0x90000047  }
0x56: {  	s0 =	sadd.s32 @!p0 $0x100000, s0;
	[bflag:$0x2] =	sbarrier.arrive $0xFFFF  }
0x57: {  	[sflag:s0] =	ssyncadd.tile.s32 @!p0 $0x1;
	_ =	shalt  }
.Lfunc_end2:
_tile_overlayer_lowered:
.L_overlay_start_2:
0x58: {  	(tag) =	ssettag $0x2  }
0x59: {  	s0 =	rddreg [dreg:$0x0];
	s2 =	stileid.u32  }
0x5a: {  	s1 =	rddreg [dreg:$0x1];
	p0 =	sne.s32 s2, $0x0  }
0x5b: {  	s3 =	rddreg [dreg:$0x2];
	[bflag:$0x3] =	sbarrier.arrive $0xFFFF;
	s2 =	simm.s32 @!p0 $0x1C01  }
0x5c: {  	[timem:s3], [sflag:s2] =	dma.local @!p0 [hbm:s0], s1  }
0x5d: {  	s0 =	simm.s32 @!p0 $0x1  }
0x5e: {  	_ =	swait.ge @!p0 [sflag:s0], s1  }
0x5f: {  	s1 =	ssub.s32 @!p0 $0x0, s1;
	[sflag:s0] =	ssyncset.done @!p0 $0x0  }
0x60: {  	[sflag:s0] =	ssyncadd.s32 @!p0 s1  }
0x61: {  	[bflag:$0x3] =	sbarrier.arrive $0xFFFF  }
0x62: {  	_ =	shalt  }

// kernel: kernel.4.cloned.1.call-start
scs
__scs_entry_jumppad:
0x0: {  	(pc) =	sbr.rel $0x88, $3  }
0x1: {  	(tag) =	ssettag $0x0;
	lr =	simm.s32 $0x1  }
0x2: {  	[smem:$0x3F9F] =	sst lr;
	_ =	strace $0xD0000000  }
0x3: {  	_ = 	snop  }
0x4: {  	_ = 	snop  }
0x5: {  	_ = 	snop  }
0x6: {  	_ = 	snop  }
0x7: {  	_ = 	snop  }
__scs_overlays_trampoline_lowered:
0x8: {  	[smem:$0x3FAE] =	sst s0  }
0x9: {  	[smem:$0x3FAF] =	sst s1  }
0xa: {  	[smem:$0x3FB0] =	sst s2  }
0xb: {  	[smem:$0x3FB1] =	sst s3  }
0xc: {  	[smem:$0x3FB2] =	sst s4  }
0xd: {  	[smem:$0x3FB3] =	sst s5  }
0xe: {  	[smem:$0x3FB4] =	sst s6  }
0xf: {  	[smem:$0x3FB5] =	sst s7  }
0x10: {  	[smem:$0x3FB6] =	sst s8  }
0x11: {  	[smem:$0x3FB7] =	sst s9;
	s0 =	simm.s32 @!p0 $0x0  }
0x12: {  	s1 =	sld [smem:$0x3F9D];
	s0 =	simm.s32 @p0 $0x1  }
0x13: {  	[smem:$0x3FB8] =	sst s0;
	s0 =	simm.s32 @!p1 $0x0  }
0x14: {  	s2 =	sld [smem:$0x3F9C];
	s0 =	simm.s32 @p1 $0x1  }
0x15: {  	[smem:$0x3FB9] =	sst s0;
	s0 =	simm.s32 @!p2 $0x0  }
0x16: {  	s3 =	sld [smem:$0x3FDB];
	s0 =	simm.s32 @p2 $0x1  }
0x17: {  	s4 =	simm.s32 $0x1BF5;
	[smem:$0x3FBB] =	sst s0  }
0x18: {  	s0 =	sld [smem:$0x3F9E];
	_ =	swait.ge [sflag:s4], $0x0  }
0x19: {  	s7 =	sld [smem:$0x3F9F]  }
0x1a: {  	s8 =	sadd.s32 $0xFFFFE003, lr  }
0x1b: {  	s9 =	sadd.s32 $0xFFFFFEF7, lr;
	s5 =	simm.s32 $0xFFFFFFFF;
	p2 =	slt.u32 s8, $0xFFFFF086  }
0x1c: {  	p1 =	slt.u32 s9, $0xF7A;
	s5 =	simm.s32 @!p2 $0x0  }
0x1d: {  	s5 =	simm.s32 @p1 $0x1;
	p0 =	seq.s32 s7, s2  }
0x1e: {  	s7 =	smul.u32 @!p0 $0xF7A, s2;
	p2 =	seq.s32 @!p0 s5, $0x0  }
0x1f: {  	s9 =	smul.u32 $0xF7A, s1;
	s8 =	simm.s32 @!p0 $0x1BF5;
	p2 =	por !p2, p0  }
0x20: {  	[sflag:s8] =	ssyncset.s32 @!p0 $0xFFFFF086;
	s6 =	sadd.s32 @!p0 s3, s7;
	s7 =	simm.s32 @!p0 $0x108  }
0x21: {  	s3 =	sadd.s32 s3, s9;
	s6 =	sadd.s32 @!p0 $0x88, s6;
	s7 =	simm.s32 @p2 $0x1082  }
0x22: {  	[simem:s7], [sflag:s8] =	dma.local @!p0 [hbm:s6], $0xF7A  }
0x23: {  	s9 =	sor.u32 $0xD0000000, s2;
	s6 =	simm.s32 $0x108;
	_ =	swait.ge @!p0 [sflag:s8], $0x0  }
0x24: {  	s3 =	sadd.s32 $0x88, s3;
	s6 =	simm.s32 @!p1 $0x1082;
	[sflag:s4] =	ssyncset.s32 $0xFFFFF086  }
0x25: {  	[simem:s6], [sflag:s4] =	dma.local [hbm:s3], $0xF7A  }
0x26: {  	[smem:$0x3F9F] =	sst s1;
	(tag) =	ssettag s2;
	_ =	strace s9  }
0x27: {  	s1 =	sld [smem:$0x3FAF]  }
0x28: {  	s2 =	sld [smem:$0x3FB0]  }
0x29: {  	s4 =	sld [smem:$0x3FB2]  }
0x2a: {  	p0 =	seq.s32 s5, $0x0;
	s5 =	sld [smem:$0x3FB3]  }
0x2b: {  	s6 =	sld [smem:$0x3FB4]  }
0x2c: {  	s7 =	sld [smem:$0x3FB5]  }
0x2d: {  	s3 =	simm.s32 $0x108;
	s8 =	sld [smem:$0x3FB6]  }
0x2e: {  	s3 =	simm.s32 @!p0 $0x1082;
	s9 =	sld [smem:$0x3FB7]  }
0x2f: {  	lr =	sadd.s32 s0, s3;
	s0 =	sld [smem:$0x3FAE]  }
0x30: {  	s3 =	sld [smem:$0x3FB1]  }
0x31: {  	[smem:$0x3FBA] =	sst s10  }
0x32: {  	s10 =	sld [smem:$0x3FB8];
	_ =	sdelay $0x3  }
0x33: {  	p0 =	seq.s32 s10, $0x1;
	s10 =	sld [smem:$0x3FBA];
	_ =	sdelay $0x3  }
0x34: {  	[smem:$0x3FBA] =	sst s10  }
0x35: {  	s10 =	sld [smem:$0x3FB9];
	_ =	sdelay $0x3  }
0x36: {  	p1 =	seq.s32 s10, $0x1;
	s10 =	sld [smem:$0x3FBA];
	_ =	sdelay $0x3  }
0x37: {  	[smem:$0x3FBA] =	sst s10  }
0x38: {  	s10 =	sld [smem:$0x3FBB]  }
0x39: {  	_ = 	snop;
	(pc) =	sbr.ind lr, $3  }
0x3a: {  	_ = 	snop  }
0x3b: {  	_ = 	snop  }
0x3c: {  	p2 =	seq.s32 s10, $0x1;
	s10 =	sld [smem:$0x3FBA]  }
0x3d: {  	_ =	shalt  }
0x3e: {  	_ =	shalt  }
0x3f: {  	_ =	shalt  }
0x40: {  	_ =	shalt  }
0x41: {  	_ =	shalt  }
0x42: {  	_ =	shalt  }
0x43: {  	_ =	shalt  }
0x44: {  	_ =	shalt  }
0x45: {  	_ =	shalt  }
0x46: {  	_ =	shalt  }
0x47: {  	_ =	shalt  }
0x48: {  	_ =	shalt  }
0x49: {  	_ =	shalt  }
0x4a: {  	_ =	shalt  }
0x4b: {  	_ =	shalt  }
0x4c: {  	_ =	shalt  }
0x4d: {  	_ =	shalt  }
0x4e: {  	_ =	shalt  }
0x4f: {  	_ =	shalt  }
0x50: {  	_ =	shalt  }
0x51: {  	_ =	shalt  }
0x52: {  	_ =	shalt  }
0x53: {  	_ =	shalt  }
0x54: {  	_ =	shalt  }
0x55: {  	_ =	shalt  }
0x56: {  	_ =	shalt  }
0x57: {  	_ =	shalt  }
0x58: {  	_ =	shalt  }
0x59: {  	_ =	shalt  }
0x5a: {  	_ =	shalt  }
0x5b: {  	_ =	shalt  }
0x5c: {  	_ =	shalt  }
0x5d: {  	_ =	shalt  }
0x5e: {  	_ =	shalt  }
0x5f: {  	_ =	shalt  }
0x60: {  	_ =	shalt  }
0x61: {  	_ =	shalt  }
0x62: {  	_ =	shalt  }
0x63: {  	_ =	shalt  }
0x64: {  	_ =	shalt  }
0x65: {  	_ =	shalt  }
0x66: {  	_ =	shalt  }
0x67: {  	_ =	shalt  }
0x68: {  	_ =	shalt  }
0x69: {  	_ =	shalt  }
0x6a: {  	_ =	shalt  }
0x6b: {  	_ =	shalt  }
0x6c: {  	_ =	shalt  }
0x6d: {  	_ =	shalt  }
0x6e: {  	_ =	shalt  }
0x6f: {  	_ =	shalt  }
0x70: {  	_ =	shalt  }
0x71: {  	_ =	shalt  }
0x72: {  	_ =	shalt  }
0x73: {  	_ =	shalt  }
0x74: {  	_ =	shalt  }
0x75: {  	_ =	shalt  }
0x76: {  	_ =	shalt  }
0x77: {  	_ =	shalt  }
0x78: {  	_ =	shalt  }
0x79: {  	_ =	shalt  }
0x7a: {  	_ =	shalt  }
0x7b: {  	_ =	shalt  }
0x7c: {  	_ =	shalt  }
0x7d: {  	_ =	shalt  }
0x7e: {  	_ =	shalt  }
0x7f: {  	_ =	shalt  }
0x80: {  	_ =	shalt  }
0x81: {  	_ =	shalt  }
0x82: {  	_ =	shalt  }
0x83: {  	_ =	shalt  }
0x84: {  	_ =	shalt  }
0x85: {  	_ =	shalt  }
0x86: {  	_ =	shalt  }
0x87: {  	_ =	shalt  }
.Lfunc_end0:
.L_simem_size_0:
called_computation.3_lowered:
.L_overlay_start_0:
0x88: {  	s2 =	sld [smem:$0x3FD9]  }
0x89: {  	s3 =	sld [smem:$0x3FFE];
	_ =	sdelay $0x1  }
0x8a: {  	s1 =	srdreg.scid  }
0x8b: {  	s0 =	sand.u32 $0x1, s1  }
0x8c: {  	s14 =	sshll.u32 s0, $0xA;
	s2 =	sadd.s32 s3, s2  }
0x8d: {  	s2 =	sadd.s32 s2, s14  }
0x8e: {  	[smem:$0x3FC6] =	sst s2  }
0x8f: {  	_ = 	snop  }
0x90: {  	s2 =	sld [smem:$0x3FD0];
	_ =	sdelay $0x2  }
0x91: {  	s15 =	simm.s32 $0xA;
	s4 =	simm.s32 $0x10  }
0x92: {  	[smem:s4], [sflag:s15] =	dma.local [hbm:s2], $0x1  }
0x93: {  	_ =	swait.eq [sflag:s15], $0x1  }
0x94: {  	[sflag:s15] =	ssyncset.done $0x0  }
0x95: {  	[sflag:s15] =	ssyncadd.s32 $0xFFFFFFFF  }
0x96: {  	s16 =	sld [smem:$0x11];
	(tm) =	ssettm $0x1  }
0x97: {  	s17 =	sld [smem:$0x3FFB];
	_ =	sdelay $0x3  }
0x98: {  	_ =	strace s17  }
0x99: {  	s3 =	sld [smem:$0x3FFC];
	_ =	sdelay $0x3  }
0x9a: {  	_ =	strace s3  }
0x9b: {  	s3 =	sld [smem:$0x3FFD];
	_ =	sdelay $0x3  }
0x9c: {  	_ =	strace s3  }
0x9d: {  	_ =	strace $0x8FFFFFFF  }
0x9e: {  	s18 =	sld [smem:$0x3FDB];
	_ =	sdelay $0x1  }
0x9f: {  	s19 =	simm.s32 $_scs_section_size  }
0xa0: {  	s5 =	simm.s32 $_size__tile_overlayer_lowered;
	s6 =	simm.s32 $_tile_overlayer_lowered  }
0xa1: {  	s22 =	simm.s32 $0x1BFF;
	s21 =	sshll.u32 s6, $0x1;
	s3 =	sadd.s32 s19, s18  }
0xa2: {  	s7 =	simm.s32 $0x0;
	s20 =	sshll.u32 s5, $0x1;
	s5 =	sadd.s32 s21, s3  }
0xa3: {  	[timem:s7], [sflag:s22] =	dma.local [hbm:s5], s20  }
0xa4: {  	_ =	swait.ge [sflag:s22], s20  }
0xa5: {  	s4 =	ssub.s32 $0x0, s20;
	[sflag:s22] =	ssyncset.done $0x0  }
0xa6: {  	[sflag:s22] =	ssyncadd.s32 s4;
	_ =	sdelay $0x1  }
0xa7: {  	s23 =	simm.s32 $0x1B8B  }
0xa8: {  	_ =	swait.ge [sflag:s23], $0x1  }
0xa9: {  	[sflag:s23] =	ssyncset.done $0x0  }
0xaa: {  	s25 =	simm.s32 $0x1B8E;
	s24 =	sld [smem:$0x3FFE];
	[sflag:s23] =	ssyncadd.s32 $0xFFFFFFFF  }
0xab: {  	s26 =	simm.s32 $execute0_lowered;
	[smem:$0x3FD2] =	sst s25  }
0xac: {  	s5 =	sshll.u32 s26, $0x1;
	_ =	strace $0x8000004F;
	[dreg:$0x1] =	wrdreg $0xFFFFFFFF  }
0xad: {  	s28 =	simm.s32 $_size_execute0_lowered;
	s3 =	sadd.s32 s3, s5;
	[dreg:$0x0] =	wrdreg $0x0  }
0xae: {  	s5 =	sshll.u32 s28, $0x1;
	[dreg:$0x2] =	wrdreg s3  }
0xaf: {  	[dreg:$0x3] =	wrdreg s5  }
0xb0: {  	[dreg:$0x4] =	wrdreg $0xC0  }
0xb1: {  	_ =	task [dreg:s7], $0x5FFFF  }
0xb2: {  	[dreg:$0x1] =	wrdreg $0xFFFFFFFF  }
0xb3: {  	[dreg:$0x0] =	wrdreg $0x60  }
0xb4: {  	[dreg:$0x2] =	wrdreg s24  }
0xb5: {  	[dreg:$0x3] =	wrdreg s16  }
0xb6: {  	[dreg:$0x4] =	wrdreg $0x9  }
0xb7: {  	_ =	task.clear_ibuf [dreg:s7], $0x5FFFF;
	_ =	strace $0x9000004F  }
0xb8: {  	s29 =	simm.s32 $0x9;
	_ =	strace $0x80000051  }
0xb9: {  	_ =	swait.ge [sflag:s29], $0x1  }
0xba: {  	[sflag:s29] =	ssyncadd.s32 $0xFFFFFFFF  }
0xbb: {  	_ =	strace $0x90000051  }
0xbc: {  	_ =	sfence  }
0xbd: {  	s30 =	sld [smem:$0x0];
	_ =	sdelay $0x2  }
0xbe: {  	s31 =	sshll.u32 s1, $0xD;
	s1 =	sshrl.u32 s1, $0x2  }
0xbf: {  	s3 =	sand.u32 $0x4000, s31;
	s1 =	sadd.s32 s1, s30  }
0xc0: {  	s0 =	sor.u32 s3, s0;
	s1 =	sshll.u32 s1, $0x11  }
0xc1: {  	s0 =	sor.u32 s1, s0  }
0xc2: {  	s0 =	sadd.s32 $0x8F2B, s0  }
0xc3: {  	[sflag:s0] =	ssyncadd.remote.s32 $0x1  }
0xc4: {  	_ =	sfence.sel $0xFFFF  }
0xc5: {  	[dreg:$0x0] =	wrdreg $0xFFFFFFFF;
	(pc) =	sbr.abs _section_cstart, $3  }
0xc6: {  	[dreg:$0x1] =	wrdreg $0xFFFFFFFF  }
0xc7: {  	_ =	task.clear_ibuf [dreg:s7], $0x2FFFF;
	_ =	strace $0x9FFFFFFF  }
0xc8: {  	(tm) =	ssettm $0x7FFFFFFF  }
0xc9: {  	_ =	shalt  }
tec
execute0_lowered:
.L_overlay_start_1:
0x0: {  	(tag) =	ssettag $0x1  }
0x1: {  	v0 =	vimm.s32 $0xEDCBA987;
	s1 =	srdreg.scid;
	s6 =	rddreg [dreg:$0x0]  }
0x2: {  	s0 =	stileid.u32;
	v1 =	vimm.s32 $0x65432100;
	s2 =	rddreg [dreg:$0x1];
	s3 =	simm.s32 $0x0;
	v3 =	vimm.s32 $0x54321000;
	v4 =	vimm.s32 $0xDCBA9876  }
0x3: {  	v5 =	vimm.s32 $0xBA987654;
	v6 =	vimm.s32 $0x32100000;
	v7 =	vimm.s32 $0xE40000;
	s11 =	simm.s32 $0x2FA0;
	s12 =	simm.s32 $0x80;
	s13 =	simm.s32 $0x780  }
0x4: {  	s15 =	simm.s32 $0x300;
	s16 =	simm.s32 $0xF80;
	s17 =	simm.s32 $0x380;
	vm0 =	vmmov $0x3;
	vm1 =	vmmov $0xf;
	vm2 =	vcmask $0x3F30  }
0x5: {  	s18 =	simm.s32 $0x1780;
	s19 =	simm.s32 $0x400;
	s20 =	simm.s32 $0x1F80;
	v0 =	vunpack.c.l.s4.s8 v0;
	v1 =	vunpack.c.l.s4.s8 v1;
	v4 =	vunpack.c.l.s4.s8 v4  }
0x6: {  	s21 =	simm.s32 $0x480;
	s22 =	simm.s32 $0x2780;
	s23 =	simm.s32 $0x500;
	v3 =	vunpack.c.l.s4.s8 v3;
	v5 =	vunpack.c.l.s4.s8 v5;
	v6 =	vunpack.c.l.s4.s8 v6  }
0x7: {  	s24 =	simm.s32 $0x580;
	s25 =	simm.s32 $0x600;
	s26 =	simm.s32 $0x680;
	v7 =	vunpack.c.l.s2.s4 v7;
	v2 =	vunpack.c.0.s8.s32 v0;
	v4 =	vunpack.c.0.s8.s32 v4  }
0x8: {  	s28 =	simm.s32 $0x700;
	s5 =	sand.u32 $0x1, s1;
	s1 =	rddreg [dreg:$0x2];
	v1 =	vunpack.c.0.s8.s32 v1;
	v3 =	vunpack.c.0.s8.s32 v3;
	v5 =	vunpack.c.0.s8.s32 v5  }
0x9: {  	s29 =	simm.s32 $0x0;
	s31 =	sshll.u32 s0, $0x1;
	[smem:$0x7FF] =	sst s3;
	v6 =	vunpack.c.0.s8.s32 v6;
	v7 =	vunpack.c.l.s4.s8 v7;
	v4 =	vand.u32 $0xF, v4  }
0xa: {  	s4 =	sadd.s32 $0x9E200, s6;
	s8 =	sor.u32 s5, s31;
	s9 =	ssub.s32 $0x2, s5;
	v2 =	vand.u32 $0xF, v2;
	v3 =	vcombine.low v3, v4;
	v4 =	vand.u32 $0xF, v5  }
0xb: {  	_ =	strace $0x80000050;
	s7 =	smul.u32 $0x50, s8;
	s10 =	sshrl.u32 s9, $0x1;
	v7 =	vunpack.c.0.s8.s32 v7;
	v4 =	vcombine.low v6, v4;
	v6 =	vimm.s32 $0x7060504  }
0xc: {  	s5 =	sadd.s32 $0x1400, s6;
	v0 =	vmov s8;
	s14 =	sor.u32 $0x800, s8;
	s9 =	ssub.s32 s9, s10;
	v1 =	vcombine.low v1, v2;
	v6 =	vunpack.c.0.s8.s32 v6  }
0xd: {  	s10 =	simm.s32 $0x2F80;
	s6 =	sadd.s32 s6, s7;
	s8 =	smax.u32 s9, $0x1;
	v2 =	vmov s14;
	v5 =	vlaneseq.u32;
	v7 =	vand.u32 $0x3, v7  }
0xe: {  	s9 =	simm.s32 $0x2;
	s7 =	sadd.s32 $0xA00, s6;
	s14 =	simm.s32 $0x1;
	v6 =	vsel vm2, v6, v7;
	vm2 =	vmmov $0xff;
	v7 =	vimm.s32 $0xF  }
.LBB2_1:
0xf: {  	[tilespmem:s3], [sflag:$0x2] =	stream.linear.gather [hbm4b:s6+s3], $0x280, $0x38;
	[tilespmem:$0x2FB0] =	vst v63  }
0x10: {  	_ =	swait.ge [sflag:s9], $0x280  }
0x11: {  	[sflag:s9] =	ssyncset.done $0x0  }
0x12: {  	s30 =	simm.s32 $0x280;
	[sflag:s9] =	ssyncadd.s32 $0xFFFFFD80  }
0x13: {  	[tilespmem:s30], [sflag:$0x2] =	stream.linear.gather [hbm4b:s7+s3], $0x280, $0x38;
	[tilespmem:$0x2FB0] =	vst v63  }
0x14: {  	_ =	swait.ge [sflag:s9], $0x280  }
0x15: {  	[sflag:s9] =	ssyncset.done $0x0  }
0x16: {  	[sflag:s9] =	ssyncadd.s32 $0xFFFFFD80  }
0x17: {  	[tilespmem:s10], [sflag:$0x2] =	stream.linear.gather [hbm4b:s2+s3], $0x20, $0x38;
	[tilespmem:$0x2FB0] =	vst v63  }
0x18: {  	_ =	swait.ge [sflag:s9], $0x20  }
0x19: {  	[sflag:s9] =	ssyncset.done $0x0  }
0x1a: {  	[sflag:s9] =	ssyncadd.s32 $0xFFFFFFE0  }
0x1b: {  	v8 =	vld [tilespmem:$0x0];
	_ =	sdelay $0x4  }
0x1c: {  	v9 =	vld.idx.msk [tilespmem:v0+s10+$0x0], $0xffff;
	[tilespmem:$0x2FA0] =	vst v8  }
0x1d: {  	v10 =	vld.idx.msk [tilespmem:v1+s11+$0x0], $0xffff;
	_ =	sdelay $0x3  }
0x1e: {  	vm3 =	veq.s32 v5, $0x0  }
0x1f: {  	v10 =	vsel vm3, $0x0, v10  }
0x20: {  	v10 =	vadd.f32 v10, v8;
	_ =	sdelay $0x1  }
0x21: {  	[tilespmem:$0x2FA0] =	vst v10  }
0x22: {  	v11 =	vld.idx.msk [tilespmem:v3+s11+$0x0], $0xffff;
	_ =	sdelay $0x4  }
0x23: {  	v11 =	vsel vm0, $0x0, v11  }
0x24: {  	v10 =	vadd.f32 v11, v10;
	_ =	sdelay $0x1  }
0x25: {  	[tilespmem:$0x2FA0] =	vst v10  }
0x26: {  	v11 =	vld.idx.msk [tilespmem:v4+s11+$0x0], $0xffff;
	_ =	sdelay $0x4  }
0x27: {  	v11 =	vsel vm1, $0x0, v11  }
0x28: {  	v10 =	vadd.f32 v11, v10;
	_ =	sdelay $0x1  }
0x29: {  	[tilespmem:$0x2FA0] =	vst v10  }
0x2a: {  	v11 =	vld.idx.msk [tilespmem:v6+s11+$0x0], $0xffff;
	_ =	sdelay $0x4  }
0x2b: {  	v11 =	vsel vm2, $0x0, v11  }
0x2c: {  	v10 =	vadd.f32 v11, v10;
	_ =	sdelay $0x1  }
0x2d: {  	v11 =	vadd.f32 v10, v9;
	_ =	sdelay $0x1  }
0x2e: {  	v11 =	vadd.f32 $-1.000000000e+00, v11;
	_ =	sdelay $0x1  }
0x2f: {  	v12 =	vld [tilespmem:$0x10];
	v11 =	vtrunc.f32 v11  }
0x30: {  	v11 =	vcvt.f32.s32 v11;
	_ =	sdelay $0x1  }
0x31: {  	vm4 =	vgt.f32 v8, $0.0e+00;
	vm5 =	vlt.s32 v11, $0x800  }
0x32: {  	[tilespmem:$0x2FA0] =	vst v10;
	vm4 =	vmand vm4, vm5  }
0x33: {  	v8 =	vld.idx.msk [tilespmem:v7+s11+$0x0], $0xffff;
	[tilespmem:$0x2FA0] =	vst v12;
	v10 =	vsel vm4, v11, v2  }
0x34: {  	[tilespmem:$0x500] =	vst v10  }
0x35: {  	v10 =	vld.idx.msk [tilespmem:v1+s11+$0x0], $0xffff;
	_ =	sdelay $0x4  }
0x36: {  	v10 =	vsel vm3, $0x0, v10  }
0x37: {  	v10 =	vadd.f32 v10, v12;
	_ =	sdelay $0x1  }
0x38: {  	[tilespmem:$0x2FA0] =	vst v10  }
0x39: {  	v11 =	vld.idx.msk [tilespmem:v3+s11+$0x0], $0xffff;
	_ =	sdelay $0x4  }
0x3a: {  	v11 =	vsel vm0, $0x0, v11  }
0x3b: {  	v10 =	vadd.f32 v11, v10;
	_ =	sdelay $0x1  }
0x3c: {  	[tilespmem:$0x2FA0] =	vst v10  }
0x3d: {  	v11 =	vld.idx.msk [tilespmem:v4+s11+$0x0], $0xffff;
	_ =	sdelay $0x4  }
0x3e: {  	v11 =	vsel vm1, $0x0, v11  }
0x3f: {  	v10 =	vadd.f32 v11, v10;
	_ =	sdelay $0x1  }
0x40: {  	[tilespmem:$0x2FA0] =	vst v10  }
0x41: {  	v11 =	vld.idx.msk [tilespmem:v6+s11+$0x0], $0xffff;
	_ =	sdelay $0x4  }
0x42: {  	v11 =	vsel vm2, $0x0, v11  }
0x43: {  	v8 =	vadd.f32 v8, v9;
	v9 =	vadd.f32 v11, v10;
	_ =	sdelay $0x1  }
0x44: {  	v10 =	vadd.f32 v9, v8;
	_ =	sdelay $0x1  }
0x45: {  	v10 =	vadd.f32 $-1.000000000e+00, v10;
	_ =	sdelay $0x1  }
0x46: {  	v11 =	vld [tilespmem:$0x20];
	v10 =	vtrunc.f32 v10  }
0x47: {  	v10 =	vcvt.f32.s32 v10;
	_ =	sdelay $0x1  }
0x48: {  	vm11 =	vgt.f32 v12, $0.0e+00;
	vm12 =	vlt.s32 v10, $0x800  }
0x49: {  	[tilespmem:$0x2FA0] =	vst v9;
	vm4 =	vmand vm11, vm12  }
0x4a: {  	v9 =	vld.idx.msk [tilespmem:v7+s11+$0x0], $0xffff;
	[tilespmem:$0x2FA0] =	vst v11;
	v10 =	vsel vm4, v10, v2  }
0x4b: {  	[tilespmem:$0x510] =	vst v10  }
0x4c: {  	v10 =	vld.idx.msk [tilespmem:v1+s11+$0x0], $0xffff;
	_ =	sdelay $0x4  }
0x4d: {  	v10 =	vsel vm3, $0x0, v10  }
0x4e: {  	v10 =	vadd.f32 v10, v11;
	_ =	sdelay $0x1  }
0x4f: {  	[tilespmem:$0x2FA0] =	vst v10  }
0x50: {  	v36 =	vld.idx.msk [tilespmem:v3+s11+$0x0], $0xffff;
	_ =	sdelay $0x4  }
0x51: {  	v12 =	vsel vm0, $0x0, v36  }
0x52: {  	v10 =	vadd.f32 v12, v10;
	_ =	sdelay $0x1  }
0x53: {  	[tilespmem:$0x2FA0] =	vst v10  }
0x54: {  	v37 =	vld.idx.msk [tilespmem:v4+s11+$0x0], $0xffff;
	_ =	sdelay $0x4  }
0x55: {  	v12 =	vsel vm1, $0x0, v37  }
0x56: {  	v10 =	vadd.f32 v12, v10;
	_ =	sdelay $0x1  }
0x57: {  	[tilespmem:$0x2FA0] =	vst v10  }
0x58: {  	v38 =	vld.idx.msk [tilespmem:v6+s11+$0x0], $0xffff;
	_ =	sdelay $0x4  }
0x59: {  	v12 =	vsel vm2, $0x0, v38  }
0x5a: {  	v8 =	vadd.f32 v9, v8;
	v9 =	vadd.f32 v12, v10;
	_ =	sdelay $0x1  }
0x5b: {  	v10 =	vadd.f32 v9, v8;
	_ =	sdelay $0x1  }
0x5c: {  	v10 =	vadd.f32 $-1.000000000e+00, v10;
	_ =	sdelay $0x1  }
0x5d: {  	v39 =	vld [tilespmem:$0x30];
	v10 =	vtrunc.f32 v10  }
0x5e: {  	v10 =	vcvt.f32.s32 v10;
	_ =	sdelay $0x1  }
0x5f: {  	vm13 =	vgt.f32 v11, $0.0e+00;
	vm14 =	vlt.s32 v10, $0x800  }
0x60: {  	[tilespmem:$0x2FA0] =	vst v9;
	vm4 =	vmand vm13, vm14  }
0x61: {  	v9 =	vld.idx.msk [tilespmem:v7+s11+$0x0], $0xffff;
	[tilespmem:$0x2FA0] =	vst v39;
	v10 =	vsel vm4, v10, v2  }
0x62: {  	[tilespmem:$0x520] =	vst v10  }
0x63: {  	v10 =	vld.idx.msk [tilespmem:v1+s11+$0x0], $0xffff;
	_ =	sdelay $0x4  }
0x64: {  	v10 =	vsel vm3, $0x0, v10  }
0x65: {  	v10 =	vadd.f32 v10, v39;
	_ =	sdelay $0x1  }
0x66: {  	[tilespmem:$0x2FA0] =	vst v10  }
0x67: {  	v11 =	vld.idx.msk [tilespmem:v3+s11+$0x0], $0xffff;
	_ =	sdelay $0x4  }
0x68: {  	v11 =	vsel vm0, $0x0, v11  }
0x69: {  	v10 =	vadd.f32 v11, v10;
	_ =	sdelay $0x1  }
0x6a: {  	[tilespmem:$0x2FA0] =	vst v10  }
0x6b: {  	v11 =	vld.idx.msk [tilespmem:v4+s11+$0x0], $0xffff;
	_ =	sdelay $0x4  }
0x6c: {  	v11 =	vsel vm1, $0x0, v11  }
0x6d: {  	v10 =	vadd.f32 v11, v10;
	_ =	sdelay $0x1  }
0x6e: {  	[tilespmem:$0x2FA0] =	vst v10  }
0x6f: {  	v11 =	vld.idx.msk [tilespmem:v6+s11+$0x0], $0xffff;
	_ =	sdelay $0x4  }
0x70: {  	v11 =	vsel vm2, $0x0, v11  }
0x71: {  	v8 =	vadd.f32 v9, v8;
	v9 =	vadd.f32 v11, v10;
	_ =	sdelay $0x1  }
0x72: {  	v10 =	vadd.f32 v9, v8;
	_ =	sdelay $0x1  }
0x73: {  	v10 =	vadd.f32 $-1.000000000e+00, v10;
	_ =	sdelay $0x1  }
0x74: {  	v11 =	vld [tilespmem:$0x40];
	v10 =	vtrunc.f32 v10  }
0x75: {  	v10 =	vcvt.f32.s32 v10;
	_ =	sdelay $0x1  }
0x76: {  	vm15 =	vgt.f32 v39, $0.0e+00;
	vm8 =	vlt.s32 v10, $0x800  }
0x77: {  	[tilespmem:$0x2FA0] =	vst v9;
	vm4 =	vmand vm15, vm8  }
0x78: {  	v9 =	vld.idx.msk [tilespmem:v7+s11+$0x0], $0xffff;
	[tilespmem:$0x2FA0] =	vst v11;
	v10 =	vsel vm4, v10, v2  }
0x79: {  	[tilespmem:$0x530] =	vst v10  }
0x7a: {  	v10 =	vld.idx.msk [tilespmem:v1+s11+$0x0], $0xffff;
	_ =	sdelay $0x4  }
0x7b: {  	v10 =	vsel vm3, $0x0, v10  }
0x7c: {  	v10 =	vadd.f32 v10, v11;
	_ =	sdelay $0x1  }
0x7d: {  	[tilespmem:$0x2FA0] =	vst v10  }
0x7e: {  	v40 =	vld.idx.msk [tilespmem:v3+s11+$0x0], $0xffff;
	_ =	sdelay $0x4  }
0x7f: {  	v12 =	vsel vm0, $0x0, v40  }
0x80: {  	v10 =	vadd.f32 v12, v10;
	_ =	sdelay $0x1  }
0x81: {  	[tilespmem:$0x2FA0] =	vst v10  }
0x82: {  	v41 =	vld.idx.msk [tilespmem:v4+s11+$0x0], $0xffff;
	_ =	sdelay $0x4  }
0x83: {  	v12 =	vsel vm1, $0x0, v41  }
0x84: {  	v10 =	vadd.f32 v12, v10;
	_ =	sdelay $0x1  }
0x85: {  	[tilespmem:$0x2FA0] =	vst v10  }
0x86: {  	v42 =	vld.idx.msk [tilespmem:v6+s11+$0x0], $0xffff;
	_ =	sdelay $0x4  }
0x87: {  	v12 =	vsel vm2, $0x0, v42  }
0x88: {  	v8 =	vadd.f32 v9, v8;
	v9 =	vadd.f32 v12, v10;
	_ =	sdelay $0x1  }
0x89: {  	v10 =	vadd.f32 v9, v8;
	_ =	sdelay $0x1  }
0x8a: {  	v10 =	vadd.f32 $-1.000000000e+00, v10;
	_ =	sdelay $0x1  }
0x8b: {  	v43 =	vld [tilespmem:$0x50];
	v10 =	vtrunc.f32 v10  }
0x8c: {  	v10 =	vcvt.f32.s32 v10;
	_ =	sdelay $0x1  }
0x8d: {  	vm9 =	vgt.f32 v11, $0.0e+00;
	vm10 =	vlt.s32 v10, $0x800  }
0x8e: {  	[tilespmem:$0x2FA0] =	vst v9;
	vm4 =	vmand vm9, vm10  }
0x8f: {  	v9 =	vld.idx.msk [tilespmem:v7+s11+$0x0], $0xffff;
	[tilespmem:$0x2FA0] =	vst v43;
	v10 =	vsel vm4, v10, v2  }
0x90: {  	[tilespmem:$0x540] =	vst v10  }
0x91: {  	v10 =	vld.idx.msk [tilespmem:v1+s11+$0x0], $0xffff;
	_ =	sdelay $0x4  }
0x92: {  	v10 =	vsel vm3, $0x0, v10  }
0x93: {  	v10 =	vadd.f32 v10, v43;
	_ =	sdelay $0x1  }
0x94: {  	[tilespmem:$0x2FA0] =	vst v10  }
0x95: {  	v11 =	vld.idx.msk [tilespmem:v3+s11+$0x0], $0xffff;
	_ =	sdelay $0x4  }
0x96: {  	v11 =	vsel vm0, $0x0, v11  }
0x97: {  	v10 =	vadd.f32 v11, v10;
	_ =	sdelay $0x1  }
0x98: {  	[tilespmem:$0x2FA0] =	vst v10  }
0x99: {  	v11 =	vld.idx.msk [tilespmem:v4+s11+$0x0], $0xffff;
	_ =	sdelay $0x4  }
0x9a: {  	v11 =	vsel vm1, $0x0, v11  }
0x9b: {  	v10 =	vadd.f32 v11, v10;
	_ =	sdelay $0x1  }
0x9c: {  	[tilespmem:$0x2FA0] =	vst v10  }
0x9d: {  	v11 =	vld.idx.msk [tilespmem:v6+s11+$0x0], $0xffff;
	_ =	sdelay $0x4  }
0x9e: {  	v11 =	vsel vm2, $0x0, v11  }
0x9f: {  	v8 =	vadd.f32 v9, v8;
	v9 =	vadd.f32 v11, v10;
	_ =	sdelay $0x1  }
0xa0: {  	v10 =	vadd.f32 v9, v8;
	_ =	sdelay $0x1  }
0xa1: {  	v10 =	vadd.f32 $-1.000000000e+00, v10;
	_ =	sdelay $0x1  }
0xa2: {  	v11 =	vld [tilespmem:$0x60];
	v10 =	vtrunc.f32 v10  }
0xa3: {  	v10 =	vcvt.f32.s32 v10;
	_ =	sdelay $0x1  }
0xa4: {  	vm11 =	vgt.f32 v43, $0.0e+00;
	vm12 =	vlt.s32 v10, $0x800  }
0xa5: {  	[tilespmem:$0x2FA0] =	vst v9;
	vm4 =	vmand vm11, vm12  }
0xa6: {  	v9 =	vld.idx.msk [tilespmem:v7+s11+$0x0], $0xffff;
	[tilespmem:$0x2FA0] =	vst v11;
	v10 =	vsel vm4, v10, v2  }
0xa7: {  	[tilespmem:$0x550] =	vst v10  }
0xa8: {  	v10 =	vld.idx.msk [tilespmem:v1+s11+$0x0], $0xffff;
	_ =	sdelay $0x4  }
0xa9: {  	v10 =	vsel vm3, $0x0, v10  }
0xaa: {  	v10 =	vadd.f32 v10, v11;
	_ =	sdelay $0x1  }
0xab: {  	[tilespmem:$0x2FA0] =	vst v10  }
0xac: {  	v44 =	vld.idx.msk [tilespmem:v3+s11+$0x0], $0xffff;
	_ =	sdelay $0x4  }
0xad: {  	v12 =	vsel vm0, $0x0, v44  }
0xae: {  	v10 =	vadd.f32 v12, v10;
	_ =	sdelay $0x1  }
0xaf: {  	[tilespmem:$0x2FA0] =	vst v10  }
0xb0: {  	v45 =	vld.idx.msk [tilespmem:v4+s11+$0x0], $0xffff;
	_ =	sdelay $0x4  }
0xb1: {  	v12 =	vsel vm1, $0x0, v45  }
0xb2: {  	v10 =	vadd.f32 v12, v10;
	_ =	sdelay $0x1  }
0xb3: {  	[tilespmem:$0x2FA0] =	vst v10  }
0xb4: {  	v46 =	vld.idx.msk [tilespmem:v6+s11+$0x0], $0xffff;
	_ =	sdelay $0x4  }
0xb5: {  	v12 =	vsel vm2, $0x0, v46  }
0xb6: {  	v8 =	vadd.f32 v9, v8;
	v9 =	vadd.f32 v12, v10;
	_ =	sdelay $0x1  }
0xb7: {  	v10 =	vadd.f32 v9, v8;
	_ =	sdelay $0x1  }
0xb8: {  	v10 =	vadd.f32 $-1.000000000e+00, v10;
	_ =	sdelay $0x1  }
0xb9: {  	v47 =	vld [tilespmem:$0x70];
	v10 =	vtrunc.f32 v10  }
0xba: {  	v10 =	vcvt.f32.s32 v10;
	_ =	sdelay $0x1  }
0xbb: {  	vm13 =	vgt.f32 v11, $0.0e+00;
	vm14 =	vlt.s32 v10, $0x800  }
0xbc: {  	[tilespmem:$0x2FA0] =	vst v9;
	vm4 =	vmand vm13, vm14  }
0xbd: {  	v9 =	vld.idx.msk [tilespmem:v7+s11+$0x0], $0xffff;
	[tilespmem:$0x2FA0] =	vst v47;
	v10 =	vsel vm4, v10, v2  }
0xbe: {  	[tilespmem:$0x560] =	vst v10  }
0xbf: {  	v10 =	vld.idx.msk [tilespmem:v1+s11+$0x0], $0xffff;
	_ =	sdelay $0x4  }
0xc0: {  	v10 =	vsel vm3, $0x0, v10  }
0xc1: {  	v10 =	vadd.f32 v10, v47;
	_ =	sdelay $0x1  }
0xc2: {  	[tilespmem:$0x2FA0] =	vst v10  }
0xc3: {  	v11 =	vld.idx.msk [tilespmem:v3+s11+$0x0], $0xffff;
	_ =	sdelay $0x4  }
0xc4: {  	v11 =	vsel vm0, $0x0, v11  }
0xc5: {  	v10 =	vadd.f32 v11, v10;
	_ =	sdelay $0x1  }
0xc6: {  	[tilespmem:$0x2FA0] =	vst v10  }
0xc7: {  	v11 =	vld.idx.msk [tilespmem:v4+s11+$0x0], $0xffff;
	_ =	sdelay $0x4  }
0xc8: {  	v11 =	vsel vm1, $0x0, v11  }
0xc9: {  	v10 =	vadd.f32 v11, v10;
	_ =	sdelay $0x1  }
0xca: {  	[tilespmem:$0x2FA0] =	vst v10  }
0xcb: {  	v11 =	vld.idx.msk [tilespmem:v6+s11+$0x0], $0xffff;
	_ =	sdelay $0x4  }
0xcc: {  	v11 =	vsel vm2, $0x0, v11  }
0xcd: {  	v8 =	vadd.f32 v9, v8;
	v9 =	vadd.f32 v11, v10;
	_ =	sdelay $0x1  }
0xce: {  	v10 =	vadd.f32 v9, v8;
	_ =	sdelay $0x1  }
0xcf: {  	v10 =	vadd.f32 $-1.000000000e+00, v10;
	_ =	sdelay $0x1  }
0xd0: {  	v11 =	vld [tilespmem:$0x80];
	v10 =	vtrunc.f32 v10  }
0xd1: {  	v10 =	vcvt.f32.s32 v10;
	_ =	sdelay $0x1  }
0xd2: {  	vm15 =	vgt.f32 v47, $0.0e+00;
	vm8 =	vlt.s32 v10, $0x800  }
0xd3: {  	[tilespmem:$0x2FA0] =	vst v9;
	vm4 =	vmand vm15, vm8  }
0xd4: {  	v9 =	vld.idx.msk [tilespmem:v7+s11+$0x0], $0xffff;
	[tilespmem:$0x2FA0] =	vst v11;
	v10 =	vsel vm4, v10, v2  }
0xd5: {  	[tilespmem:$0x570] =	vst v10  }
0xd6: {  	v10 =	vld.idx.msk [tilespmem:v1+s11+$0x0], $0xffff;
	_ =	sdelay $0x4  }
0xd7: {  	v10 =	vsel vm3, $0x0, v10  }
0xd8: {  	v10 =	vadd.f32 v10, v11;
	_ =	sdelay $0x1  }
0xd9: {  	[tilespmem:$0x2FA0] =	vst v10  }
0xda: {  	v48 =	vld.idx.msk [tilespmem:v3+s11+$0x0], $0xffff;
	_ =	sdelay $0x4  }
0xdb: {  	v12 =	vsel vm0, $0x0, v48  }
0xdc: {  	v10 =	vadd.f32 v12, v10;
	_ =	sdelay $0x1  }
0xdd: {  	[tilespmem:$0x2FA0] =	vst v10  }
0xde: {  	v49 =	vld.idx.msk [tilespmem:v4+s11+$0x0], $0xffff;
	_ =	sdelay $0x4  }
0xdf: {  	v12 =	vsel vm1, $0x0, v49  }
0xe0: {  	v10 =	vadd.f32 v12, v10;
	_ =	sdelay $0x1  }
0xe1: {  	[tilespmem:$0x2FA0] =	vst v10  }
0xe2: {  	v50 =	vld.idx.msk [tilespmem:v6+s11+$0x0], $0xffff;
	_ =	sdelay $0x4  }
0xe3: {  	v12 =	vsel vm2, $0x0, v50  }
0xe4: {  	v8 =	vadd.f32 v9, v8;
	v9 =	vadd.f32 v12, v10;
	_ =	sdelay $0x1  }
0xe5: {  	v10 =	vadd.f32 v9, v8;
	_ =	sdelay $0x1  }
0xe6: {  	v10 =	vadd.f32 $-1.000000000e+00, v10;
	_ =	sdelay $0x1  }
0xe7: {  	v51 =	vld [tilespmem:$0x90];
	v10 =	vtrunc.f32 v10  }
0xe8: {  	v10 =	vcvt.f32.s32 v10;
	_ =	sdelay $0x1  }
0xe9: {  	vm9 =	vgt.f32 v11, $0.0e+00;
	vm10 =	vlt.s32 v10, $0x800  }
0xea: {  	[tilespmem:$0x2FA0] =	vst v9;
	vm4 =	vmand vm9, vm10  }
0xeb: {  	v9 =	vld.idx.msk [tilespmem:v7+s11+$0x0], $0xffff;
	[tilespmem:$0x2FA0] =	vst v51;
	v10 =	vsel vm4, v10, v2  }
0xec: {  	[tilespmem:$0x580] =	vst v10  }
0xed: {  	v10 =	vld.idx.msk [tilespmem:v1+s11+$0x0], $0xffff;
	_ =	sdelay $0x4  }
0xee: {  	v10 =	vsel vm3, $0x0, v10  }
0xef: {  	v10 =	vadd.f32 v10, v51;
	_ =	sdelay $0x1  }
0xf0: {  	[tilespmem:$0x2FA0] =	vst v10  }
0xf1: {  	v11 =	vld.idx.msk [tilespmem:v3+s11+$0x0], $0xffff;
	_ =	sdelay $0x4  }
0xf2: {  	v11 =	vsel vm0, $0x0, v11  }
0xf3: {  	v10 =	vadd.f32 v11, v10;
	_ =	sdelay $0x1  }
0xf4: {  	[tilespmem:$0x2FA0] =	vst v10  }
0xf5: {  	v11 =	vld.idx.msk [tilespmem:v4+s11+$0x0], $0xffff;
	_ =	sdelay $0x4  }
0xf6: {  	v11 =	vsel vm1, $0x0, v11  }
0xf7: {  	v10 =	vadd.f32 v11, v10;
	_ =	sdelay $0x1  }
0xf8: {  	[tilespmem:$0x2FA0] =	vst v10  }
0xf9: {  	v11 =	vld.idx.msk [tilespmem:v6+s11+$0x0], $0xffff;
	_ =	sdelay $0x4  }
0xfa: {  	v11 =	vsel vm2, $0x0, v11  }
0xfb: {  	v8 =	vadd.f32 v9, v8;
	v9 =	vadd.f32 v11, v10;
	_ =	sdelay $0x1  }
0xfc: {  	v10 =	vadd.f32 v9, v8;
	_ =	sdelay $0x1  }
0xfd: {  	v10 =	vadd.f32 $-1.000000000e+00, v10;
	_ =	sdelay $0x1  }
0xfe: {  	v11 =	vld [tilespmem:$0xA0];
	v10 =	vtrunc.f32 v10  }
0xff: {  	v10 =	vcvt.f32.s32 v10;
	_ =	sdelay $0x1  }
0x100: {  	vm11 =	vgt.f32 v51, $0.0e+00;
	vm12 =	vlt.s32 v10, $0x800  }
0x101: {  	[tilespmem:$0x2FA0] =	vst v9;
	vm4 =	vmand vm11, vm12  }
0x102: {  	v9 =	vld.idx.msk [tilespmem:v7+s11+$0x0], $0xffff;
	[tilespmem:$0x2FA0] =	vst v11;
	v10 =	vsel vm4, v10, v2  }
0x103: {  	[tilespmem:$0x590] =	vst v10  }
0x104: {  	v10 =	vld.idx.msk [tilespmem:v1+s11+$0x0], $0xffff;
	_ =	sdelay $0x4  }
0x105: {  	v10 =	vsel vm3, $0x0, v10  }
0x106: {  	v10 =	vadd.f32 v10, v11;
	_ =	sdelay $0x1  }
0x107: {  	[tilespmem:$0x2FA0] =	vst v10  }
0x108: {  	v52 =	vld.idx.msk [tilespmem:v3+s11+$0x0], $0xffff;
	_ =	sdelay $0x4  }
0x109: {  	v12 =	vsel vm0, $0x0, v52  }
0x10a: {  	v10 =	vadd.f32 v12, v10;
	_ =	sdelay $0x1  }
0x10b: {  	[tilespmem:$0x2FA0] =	vst v10  }
0x10c: {  	v53 =	vld.idx.msk [tilespmem:v4+s11+$0x0], $0xffff;
	_ =	sdelay $0x4  }
0x10d: {  	v12 =	vsel vm1, $0x0, v53  }
0x10e: {  	v10 =	vadd.f32 v12, v10;
	_ =	sdelay $0x1  }
0x10f: {  	[tilespmem:$0x2FA0] =	vst v10  }
0x110: {  	v54 =	vld.idx.msk [tilespmem:v6+s11+$0x0], $0xffff;
	_ =	sdelay $0x4  }
0x111: {  	v12 =	vsel vm2, $0x0, v54  }
0x112: {  	v8 =	vadd.f32 v9, v8;
	v9 =	vadd.f32 v12, v10;
	_ =	sdelay $0x1  }
0x113: {  	v10 =	vadd.f32 v9, v8;
	_ =	sdelay $0x1  }
0x114: {  	v10 =	vadd.f32 $-1.000000000e+00, v10;
	_ =	sdelay $0x1  }
0x115: {  	v55 =	vld [tilespmem:$0xB0];
	v10 =	vtrunc.f32 v10  }
0x116: {  	v10 =	vcvt.f32.s32 v10;
	_ =	sdelay $0x1  }
0x117: {  	vm13 =	vgt.f32 v11, $0.0e+00;
	vm14 =	vlt.s32 v10, $0x800  }
0x118: {  	[tilespmem:$0x2FA0] =	vst v9;
	vm4 =	vmand vm13, vm14  }
0x119: {  	v9 =	vld.idx.msk [tilespmem:v7+s11+$0x0], $0xffff;
	[tilespmem:$0x2FA0] =	vst v55;
	v10 =	vsel vm4, v10, v2  }
0x11a: {  	[tilespmem:$0x5A0] =	vst v10  }
0x11b: {  	v10 =	vld.idx.msk [tilespmem:v1+s11+$0x0], $0xffff;
	_ =	sdelay $0x4  }
0x11c: {  	v10 =	vsel vm3, $0x0, v10  }
0x11d: {  	v10 =	vadd.f32 v10, v55;
	_ =	sdelay $0x1  }
0x11e: {  	[tilespmem:$0x2FA0] =	vst v10  }
0x11f: {  	v11 =	vld.idx.msk [tilespmem:v3+s11+$0x0], $0xffff;
	_ =	sdelay $0x4  }
0x120: {  	v11 =	vsel vm0, $0x0, v11  }
0x121: {  	v10 =	vadd.f32 v11, v10;
	_ =	sdelay $0x1  }
0x122: {  	[tilespmem:$0x2FA0] =	vst v10  }
0x123: {  	v11 =	vld.idx.msk [tilespmem:v4+s11+$0x0], $0xffff;
	_ =	sdelay $0x4  }
0x124: {  	v11 =	vsel vm1, $0x0, v11  }
0x125: {  	v10 =	vadd.f32 v11, v10;
	_ =	sdelay $0x1  }
0x126: {  	[tilespmem:$0x2FA0] =	vst v10  }
0x127: {  	v11 =	vld.idx.msk [tilespmem:v6+s11+$0x0], $0xffff;
	_ =	sdelay $0x4  }
0x128: {  	v11 =	vsel vm2, $0x0, v11  }
0x129: {  	v8 =	vadd.f32 v9, v8;
	v9 =	vadd.f32 v11, v10;
	_ =	sdelay $0x1  }
0x12a: {  	v10 =	vadd.f32 v9, v8;
	_ =	sdelay $0x1  }
0x12b: {  	v10 =	vadd.f32 $-1.000000000e+00, v10;
	_ =	sdelay $0x1  }
0x12c: {  	v11 =	vld [tilespmem:$0xC0];
	v10 =	vtrunc.f32 v10  }
0x12d: {  	v10 =	vcvt.f32.s32 v10;
	_ =	sdelay $0x1  }
0x12e: {  	vm15 =	vgt.f32 v55, $0.0e+00;
	vm8 =	vlt.s32 v10, $0x800  }
0x12f: {  	[tilespmem:$0x2FA0] =	vst v9;
	vm4 =	vmand vm15, vm8  }
0x130: {  	v9 =	vld.idx.msk [tilespmem:v7+s11+$0x0], $0xffff;
	[tilespmem:$0x2FA0] =	vst v11;
	v10 =	vsel vm4, v10, v2  }
0x131: {  	[tilespmem:$0x5B0] =	vst v10  }
0x132: {  	v10 =	vld.idx.msk [tilespmem:v1+s11+$0x0], $0xffff;
	_ =	sdelay $0x4  }
0x133: {  	v10 =	vsel vm3, $0x0, v10  }
0x134: {  	v10 =	vadd.f32 v10, v11;
	_ =	sdelay $0x1  }
0x135: {  	[tilespmem:$0x2FA0] =	vst v10  }
0x136: {  	v56 =	vld.idx.msk [tilespmem:v3+s11+$0x0], $0xffff;
	_ =	sdelay $0x4  }
0x137: {  	v12 =	vsel vm0, $0x0, v56  }
0x138: {  	v10 =	vadd.f32 v12, v10;
	_ =	sdelay $0x1  }
0x139: {  	[tilespmem:$0x2FA0] =	vst v10  }
0x13a: {  	v57 =	vld.idx.msk [tilespmem:v4+s11+$0x0], $0xffff;
	_ =	sdelay $0x4  }
0x13b: {  	v12 =	vsel vm1, $0x0, v57  }
0x13c: {  	v10 =	vadd.f32 v12, v10;
	_ =	sdelay $0x1  }
0x13d: {  	[tilespmem:$0x2FA0] =	vst v10  }
0x13e: {  	v58 =	vld.idx.msk [tilespmem:v6+s11+$0x0], $0xffff;
	_ =	sdelay $0x4  }
0x13f: {  	v12 =	vsel vm2, $0x0, v58  }
0x140: {  	v8 =	vadd.f32 v9, v8;
	v9 =	vadd.f32 v12, v10;
	_ =	sdelay $0x1  }
0x141: {  	v10 =	vadd.f32 v9, v8;
	_ =	sdelay $0x1  }
0x142: {  	v10 =	vadd.f32 $-1.000000000e+00, v10;
	_ =	sdelay $0x1  }
0x143: {  	v59 =	vld [tilespmem:$0xD0];
	v10 =	vtrunc.f32 v10  }
0x144: {  	v10 =	vcvt.f32.s32 v10;
	_ =	sdelay $0x1  }
0x145: {  	vm9 =	vgt.f32 v11, $0.0e+00;
	vm10 =	vlt.s32 v10, $0x800  }
0x146: {  	[tilespmem:$0x2FA0] =	vst v9;
	vm4 =	vmand vm9, vm10  }
0x147: {  	v9 =	vld.idx.msk [tilespmem:v7+s11+$0x0], $0xffff;
	[tilespmem:$0x2FA0] =	vst v59;
	v10 =	vsel vm4, v10, v2  }
0x148: {  	[tilespmem:$0x5C0] =	vst v10  }
0x149: {  	v10 =	vld.idx.msk [tilespmem:v1+s11+$0x0], $0xffff;
	_ =	sdelay $0x4  }
0x14a: {  	v10 =	vsel vm3, $0x0, v10  }
0x14b: {  	v10 =	vadd.f32 v10, v59;
	_ =	sdelay $0x1  }
0x14c: {  	[tilespmem:$0x2FA0] =	vst v10  }
0x14d: {  	v11 =	vld.idx.msk [tilespmem:v3+s11+$0x0], $0xffff;
	_ =	sdelay $0x4  }
0x14e: {  	v11 =	vsel vm0, $0x0, v11  }
0x14f: {  	v10 =	vadd.f32 v11, v10;
	_ =	sdelay $0x1  }
0x150: {  	[tilespmem:$0x2FA0] =	vst v10  }
0x151: {  	v11 =	vld.idx.msk [tilespmem:v4+s11+$0x0], $0xffff;
	_ =	sdelay $0x4  }
0x152: {  	v11 =	vsel vm1, $0x0, v11  }
0x153: {  	v10 =	vadd.f32 v11, v10;
	_ =	sdelay $0x1  }
0x154: {  	[tilespmem:$0x2FA0] =	vst v10  }
0x155: {  	v11 =	vld.idx.msk [tilespmem:v6+s11+$0x0], $0xffff;
	_ =	sdelay $0x4  }
0x156: {  	v11 =	vsel vm2, $0x0, v11  }
0x157: {  	v8 =	vadd.f32 v9, v8;
	v9 =	vadd.f32 v11, v10;
	_ =	sdelay $0x1  }
0x158: {  	v10 =	vadd.f32 v9, v8;
	_ =	sdelay $0x1  }
0x159: {  	v10 =	vadd.f32 $-1.000000000e+00, v10;
	_ =	sdelay $0x1  }
0x15a: {  	v11 =	vld [tilespmem:$0xE0];
	v10 =	vtrunc.f32 v10  }
0x15b: {  	v10 =	vcvt.f32.s32 v10;
	_ =	sdelay $0x1  }
0x15c: {  	vm11 =	vgt.f32 v59, $0.0e+00;
	vm12 =	vlt.s32 v10, $0x800  }
0x15d: {  	[tilespmem:$0x2FA0] =	vst v9;
	vm4 =	vmand vm11, vm12  }
0x15e: {  	v9 =	vld.idx.msk [tilespmem:v7+s11+$0x0], $0xffff;
	[tilespmem:$0x2FA0] =	vst v11;
	v10 =	vsel vm4, v10, v2  }
0x15f: {  	[tilespmem:$0x5D0] =	vst v10  }
0x160: {  	v10 =	vld.idx.msk [tilespmem:v1+s11+$0x0], $0xffff;
	_ =	sdelay $0x4  }
0x161: {  	v10 =	vsel vm3, $0x0, v10  }
0x162: {  	v10 =	vadd.f32 v10, v11;
	_ =	sdelay $0x1  }
0x163: {  	[tilespmem:$0x2FA0] =	vst v10  }
0x164: {  	v60 =	vld.idx.msk [tilespmem:v3+s11+$0x0], $0xffff;
	_ =	sdelay $0x4  }
0x165: {  	v12 =	vsel vm0, $0x0, v60  }
0x166: {  	v10 =	vadd.f32 v12, v10;
	_ =	sdelay $0x1  }
0x167: {  	[tilespmem:$0x2FA0] =	vst v10  }
0x168: {  	v61 =	vld.idx.msk [tilespmem:v4+s11+$0x0], $0xffff;
	_ =	sdelay $0x4  }
0x169: {  	v12 =	vsel vm1, $0x0, v61  }
0x16a: {  	v10 =	vadd.f32 v12, v10;
	_ =	sdelay $0x1  }
0x16b: {  	[tilespmem:$0x2FA0] =	vst v10  }
0x16c: {  	v62 =	vld.idx.msk [tilespmem:v6+s11+$0x0], $0xffff;
	_ =	sdelay $0x4  }
0x16d: {  	v12 =	vsel vm2, $0x0, v62  }
0x16e: {  	v8 =	vadd.f32 v9, v8;
	v9 =	vadd.f32 v12, v10;
	_ =	sdelay $0x1  }
0x16f: {  	v10 =	vadd.f32 v9, v8;
	_ =	sdelay $0x1  }
0x170: {  	v10 =	vadd.f32 $-1.000000000e+00, v10;
	_ =	sdelay $0x1  }
0x171: {  	v63 =	vld [tilespmem:$0xF0];
	v10 =	vtrunc.f32 v10  }
0x172: {  	v10 =	vcvt.f32.s32 v10;
	_ =	sdelay $0x1  }
0x173: {  	vm13 =	vgt.f32 v11, $0.0e+00;
	vm14 =	vlt.s32 v10, $0x800  }
0x174: {  	[tilespmem:$0x2FA0] =	vst v9;
	vm4 =	vmand vm13, vm14  }
0x175: {  	v9 =	vld.idx.msk [tilespmem:v7+s11+$0x0], $0xffff;
	[tilespmem:$0x2FA0] =	vst v63;
	v10 =	vsel vm4, v10, v2  }
0x176: {  	[tilespmem:$0x5E0] =	vst v10  }
0x177: {  	v10 =	vld.idx.msk [tilespmem:v1+s11+$0x0], $0xffff;
	_ =	sdelay $0x4  }
0x178: {  	v10 =	vsel vm3, $0x0, v10  }
0x179: {  	v10 =	vadd.f32 v10, v63;
	_ =	sdelay $0x1  }
0x17a: {  	[tilespmem:$0x2FA0] =	vst v10  }
0x17b: {  	v11 =	vld.idx.msk [tilespmem:v3+s11+$0x0], $0xffff;
	_ =	sdelay $0x4  }
0x17c: {  	v11 =	vsel vm0, $0x0, v11  }
0x17d: {  	v10 =	vadd.f32 v11, v10;
	_ =	sdelay $0x1  }
0x17e: {  	[tilespmem:$0x2FA0] =	vst v10  }
0x17f: {  	v11 =	vld.idx.msk [tilespmem:v4+s11+$0x0], $0xffff;
	_ =	sdelay $0x4  }
0x180: {  	v11 =	vsel vm1, $0x0, v11  }
0x181: {  	v10 =	vadd.f32 v11, v10;
	_ =	sdelay $0x1  }
0x182: {  	[tilespmem:$0x2FA0] =	vst v10  }
0x183: {  	v11 =	vld.idx.msk [tilespmem:v6+s11+$0x0], $0xffff;
	_ =	sdelay $0x4  }
0x184: {  	v11 =	vsel vm2, $0x0, v11  }
0x185: {  	v8 =	vadd.f32 v9, v8;
	v9 =	vadd.f32 v11, v10;
	_ =	sdelay $0x1  }
0x186: {  	v10 =	vadd.f32 v9, v8;
	_ =	sdelay $0x1  }
0x187: {  	v10 =	vadd.f32 $-1.000000000e+00, v10;
	_ =	sdelay $0x1  }
0x188: {  	v11 =	vld [tilespmem:$0x100];
	v10 =	vtrunc.f32 v10  }
0x189: {  	v10 =	vcvt.f32.s32 v10;
	_ =	sdelay $0x1  }
0x18a: {  	vm15 =	vgt.f32 v63, $0.0e+00;
	vm8 =	vlt.s32 v10, $0x800  }
0x18b: {  	[tilespmem:$0x2FA0] =	vst v9;
	vm4 =	vmand vm15, vm8  }
0x18c: {  	v9 =	vld.idx.msk [tilespmem:v7+s11+$0x0], $0xffff;
	[tilespmem:$0x2FA0] =	vst v11;
	v10 =	vsel vm4, v10, v2  }
0x18d: {  	[tilespmem:$0x5F0] =	vst v10  }
0x18e: {  	v10 =	vld.idx.msk [tilespmem:v1+s11+$0x0], $0xffff;
	_ =	sdelay $0x4  }
0x18f: {  	v10 =	vsel vm3, $0x0, v10  }
0x190: {  	v10 =	vadd.f32 v10, v11;
	_ =	sdelay $0x1  }
0x191: {  	[tilespmem:$0x2FA0] =	vst v10  }
0x192: {  	v16 =	vld.idx.msk [tilespmem:v3+s11+$0x0], $0xffff;
	_ =	sdelay $0x4  }
0x193: {  	v12 =	vsel vm0, $0x0, v16  }
0x194: {  	v10 =	vadd.f32 v12, v10;
	_ =	sdelay $0x1  }
0x195: {  	[tilespmem:$0x2FA0] =	vst v10  }
0x196: {  	v17 =	vld.idx.msk [tilespmem:v4+s11+$0x0], $0xffff;
	_ =	sdelay $0x4  }
0x197: {  	v12 =	vsel vm1, $0x0, v17  }
0x198: {  	v10 =	vadd.f32 v12, v10;
	_ =	sdelay $0x1  }
0x199: {  	[tilespmem:$0x2FA0] =	vst v10  }
0x19a: {  	v18 =	vld.idx.msk [tilespmem:v6+s11+$0x0], $0xffff;
	_ =	sdelay $0x4  }
0x19b: {  	v12 =	vsel vm2, $0x0, v18  }
0x19c: {  	v8 =	vadd.f32 v9, v8;
	v9 =	vadd.f32 v12, v10;
	_ =	sdelay $0x1  }
0x19d: {  	v10 =	vadd.f32 v9, v8;
	_ =	sdelay $0x1  }
0x19e: {  	v10 =	vadd.f32 $-1.000000000e+00, v10;
	_ =	sdelay $0x1  }
0x19f: {  	v19 =	vld [tilespmem:$0x110];
	v10 =	vtrunc.f32 v10  }
0x1a0: {  	v10 =	vcvt.f32.s32 v10;
	_ =	sdelay $0x1  }
0x1a1: {  	vm9 =	vgt.f32 v11, $0.0e+00;
	vm10 =	vlt.s32 v10, $0x800  }
0x1a2: {  	[tilespmem:$0x2FA0] =	vst v9;
	vm4 =	vmand vm9, vm10  }
0x1a3: {  	v9 =	vld.idx.msk [tilespmem:v7+s11+$0x0], $0xffff;
	[tilespmem:$0x2FA0] =	vst v19;
	v10 =	vsel vm4, v10, v2  }
0x1a4: {  	[tilespmem:$0x600] =	vst v10  }
0x1a5: {  	v10 =	vld.idx.msk [tilespmem:v1+s11+$0x0], $0xffff;
	_ =	sdelay $0x4  }
0x1a6: {  	v10 =	vsel vm3, $0x0, v10  }
0x1a7: {  	v10 =	vadd.f32 v10, v19;
	_ =	sdelay $0x1  }
0x1a8: {  	[tilespmem:$0x2FA0] =	vst v10  }
0x1a9: {  	v11 =	vld.idx.msk [tilespmem:v3+s11+$0x0], $0xffff;
	_ =	sdelay $0x4  }
0x1aa: {  	v11 =	vsel vm0, $0x0, v11  }
0x1ab: {  	v10 =	vadd.f32 v11, v10;
	_ =	sdelay $0x1  }
0x1ac: {  	[tilespmem:$0x2FA0] =	vst v10  }
0x1ad: {  	v11 =	vld.idx.msk [tilespmem:v4+s11+$0x0], $0xffff;
	_ =	sdelay $0x4  }
0x1ae: {  	v11 =	vsel vm1, $0x0, v11  }
0x1af: {  	v10 =	vadd.f32 v11, v10;
	_ =	sdelay $0x1  }
0x1b0: {  	[tilespmem:$0x2FA0] =	vst v10  }
0x1b1: {  	v11 =	vld.idx.msk [tilespmem:v6+s11+$0x0], $0xffff;
	_ =	sdelay $0x4  }
0x1b2: {  	v11 =	vsel vm2, $0x0, v11  }
0x1b3: {  	v8 =	vadd.f32 v9, v8;
	v9 =	vadd.f32 v11, v10;
	_ =	sdelay $0x1  }
0x1b4: {  	v10 =	vadd.f32 v9, v8;
	_ =	sdelay $0x1  }
0x1b5: {  	v10 =	vadd.f32 $-1.000000000e+00, v10;
	_ =	sdelay $0x1  }
0x1b6: {  	v11 =	vld [tilespmem:$0x120];
	v10 =	vtrunc.f32 v10  }
0x1b7: {  	v10 =	vcvt.f32.s32 v10;
	_ =	sdelay $0x1  }
0x1b8: {  	vm11 =	vgt.f32 v19, $0.0e+00;
	vm12 =	vlt.s32 v10, $0x800  }
0x1b9: {  	[tilespmem:$0x2FA0] =	vst v9;
	vm4 =	vmand vm11, vm12  }
0x1ba: {  	v9 =	vld.idx.msk [tilespmem:v7+s11+$0x0], $0xffff;
	[tilespmem:$0x2FA0] =	vst v11;
	v10 =	vsel vm4, v10, v2  }
0x1bb: {  	[tilespmem:$0x610] =	vst v10  }
0x1bc: {  	v10 =	vld.idx.msk [tilespmem:v1+s11+$0x0], $0xffff;
	_ =	sdelay $0x4  }
0x1bd: {  	v10 =	vsel vm3, $0x0, v10  }
0x1be: {  	v10 =	vadd.f32 v10, v11;
	_ =	sdelay $0x1  }
0x1bf: {  	[tilespmem:$0x2FA0] =	vst v10  }
0x1c0: {  	v20 =	vld.idx.msk [tilespmem:v3+s11+$0x0], $0xffff;
	_ =	sdelay $0x4  }
0x1c1: {  	v12 =	vsel vm0, $0x0, v20  }
0x1c2: {  	v10 =	vadd.f32 v12, v10;
	_ =	sdelay $0x1  }
0x1c3: {  	[tilespmem:$0x2FA0] =	vst v10  }
0x1c4: {  	v21 =	vld.idx.msk [tilespmem:v4+s11+$0x0], $0xffff;
	_ =	sdelay $0x4  }
0x1c5: {  	v12 =	vsel vm1, $0x0, v21  }
0x1c6: {  	v10 =	vadd.f32 v12, v10;
	_ =	sdelay $0x1  }
0x1c7: {  	[tilespmem:$0x2FA0] =	vst v10  }
0x1c8: {  	v22 =	vld.idx.msk [tilespmem:v6+s11+$0x0], $0xffff;
	_ =	sdelay $0x4  }
0x1c9: {  	v12 =	vsel vm2, $0x0, v22  }
0x1ca: {  	v8 =	vadd.f32 v9, v8;
	v9 =	vadd.f32 v12, v10;
	_ =	sdelay $0x1  }
0x1cb: {  	v10 =	vadd.f32 v9, v8;
	_ =	sdelay $0x1  }
0x1cc: {  	v10 =	vadd.f32 $-1.000000000e+00, v10;
	_ =	sdelay $0x1  }
0x1cd: {  	v23 =	vld [tilespmem:$0x130];
	v10 =	vtrunc.f32 v10  }
0x1ce: {  	v10 =	vcvt.f32.s32 v10;
	_ =	sdelay $0x1  }
0x1cf: {  	vm13 =	vgt.f32 v11, $0.0e+00;
	vm14 =	vlt.s32 v10, $0x800  }
0x1d0: {  	[tilespmem:$0x2FA0] =	vst v9;
	vm4 =	vmand vm13, vm14  }
0x1d1: {  	v9 =	vld.idx.msk [tilespmem:v7+s11+$0x0], $0xffff;
	[tilespmem:$0x2FA0] =	vst v23;
	v10 =	vsel vm4, v10, v2  }
0x1d2: {  	[tilespmem:$0x620] =	vst v10  }
0x1d3: {  	v10 =	vld.idx.msk [tilespmem:v1+s11+$0x0], $0xffff;
	_ =	sdelay $0x4  }
0x1d4: {  	v10 =	vsel vm3, $0x0, v10  }
0x1d5: {  	v10 =	vadd.f32 v10, v23;
	_ =	sdelay $0x1  }
0x1d6: {  	[tilespmem:$0x2FA0] =	vst v10  }
0x1d7: {  	v11 =	vld.idx.msk [tilespmem:v3+s11+$0x0], $0xffff;
	_ =	sdelay $0x4  }
0x1d8: {  	v11 =	vsel vm0, $0x0, v11  }
0x1d9: {  	v10 =	vadd.f32 v11, v10;
	_ =	sdelay $0x1  }
0x1da: {  	[tilespmem:$0x2FA0] =	vst v10  }
0x1db: {  	v11 =	vld.idx.msk [tilespmem:v4+s11+$0x0], $0xffff;
	_ =	sdelay $0x4  }
0x1dc: {  	v11 =	vsel vm1, $0x0, v11  }
0x1dd: {  	v10 =	vadd.f32 v11, v10;
	_ =	sdelay $0x1  }
0x1de: {  	[tilespmem:$0x2FA0] =	vst v10  }
0x1df: {  	v11 =	vld.idx.msk [tilespmem:v6+s11+$0x0], $0xffff;
	_ =	sdelay $0x4  }
0x1e0: {  	v11 =	vsel vm2, $0x0, v11  }
0x1e1: {  	v8 =	vadd.f32 v9, v8;
	v9 =	vadd.f32 v11, v10;
	_ =	sdelay $0x1  }
0x1e2: {  	v10 =	vadd.f32 v9, v8;
	_ =	sdelay $0x1  }
0x1e3: {  	v10 =	vadd.f32 $-1.000000000e+00, v10;
	_ =	sdelay $0x1  }
0x1e4: {  	v11 =	vld [tilespmem:$0x140];
	v10 =	vtrunc.f32 v10  }
0x1e5: {  	v10 =	vcvt.f32.s32 v10;
	_ =	sdelay $0x1  }
0x1e6: {  	vm15 =	vgt.f32 v23, $0.0e+00;
	vm8 =	vlt.s32 v10, $0x800  }
0x1e7: {  	[tilespmem:$0x2FA0] =	vst v9;
	vm4 =	vmand vm15, vm8  }
0x1e8: {  	v9 =	vld.idx.msk [tilespmem:v7+s11+$0x0], $0xffff;
	[tilespmem:$0x2FA0] =	vst v11;
	v10 =	vsel vm4, v10, v2  }
0x1e9: {  	[tilespmem:$0x630] =	vst v10  }
0x1ea: {  	v10 =	vld.idx.msk [tilespmem:v1+s11+$0x0], $0xffff;
	_ =	sdelay $0x4  }
0x1eb: {  	v10 =	vsel vm3, $0x0, v10  }
0x1ec: {  	v10 =	vadd.f32 v10, v11;
	_ =	sdelay $0x1  }
0x1ed: {  	[tilespmem:$0x2FA0] =	vst v10  }
0x1ee: {  	v24 =	vld.idx.msk [tilespmem:v3+s11+$0x0], $0xffff;
	_ =	sdelay $0x4  }
0x1ef: {  	v12 =	vsel vm0, $0x0, v24  }
0x1f0: {  	v10 =	vadd.f32 v12, v10;
	_ =	sdelay $0x1  }
0x1f1: {  	[tilespmem:$0x2FA0] =	vst v10  }
0x1f2: {  	v25 =	vld.idx.msk [tilespmem:v4+s11+$0x0], $0xffff;
	_ =	sdelay $0x4  }
0x1f3: {  	v12 =	vsel vm1, $0x0, v25  }
0x1f4: {  	v10 =	vadd.f32 v12, v10;
	_ =	sdelay $0x1  }
0x1f5: {  	[tilespmem:$0x2FA0] =	vst v10  }
0x1f6: {  	v26 =	vld.idx.msk [tilespmem:v6+s11+$0x0], $0xffff;
	_ =	sdelay $0x4  }
0x1f7: {  	v12 =	vsel vm2, $0x0, v26  }
0x1f8: {  	v8 =	vadd.f32 v9, v8;
	v9 =	vadd.f32 v12, v10;
	_ =	sdelay $0x1  }
0x1f9: {  	v10 =	vadd.f32 v9, v8;
	_ =	sdelay $0x1  }
0x1fa: {  	v10 =	vadd.f32 $-1.000000000e+00, v10;
	_ =	sdelay $0x1  }
0x1fb: {  	v27 =	vld [tilespmem:$0x150];
	v10 =	vtrunc.f32 v10  }
0x1fc: {  	v10 =	vcvt.f32.s32 v10;
	_ =	sdelay $0x1  }
0x1fd: {  	vm9 =	vgt.f32 v11, $0.0e+00;
	vm10 =	vlt.s32 v10, $0x800  }
0x1fe: {  	[tilespmem:$0x2FA0] =	vst v9;
	vm4 =	vmand vm9, vm10  }
0x1ff: {  	v9 =	vld.idx.msk [tilespmem:v7+s11+$0x0], $0xffff;
	[tilespmem:$0x2FA0] =	vst v27;
	v10 =	vsel vm4, v10, v2  }
0x200: {  	[tilespmem:$0x640] =	vst v10  }
0x201: {  	v10 =	vld.idx.msk [tilespmem:v1+s11+$0x0], $0xffff;
	_ =	sdelay $0x4  }
0x202: {  	v10 =	vsel vm3, $0x0, v10  }
0x203: {  	v10 =	vadd.f32 v10, v27;
	_ =	sdelay $0x1  }
0x204: {  	[tilespmem:$0x2FA0] =	vst v10  }
0x205: {  	v11 =	vld.idx.msk [tilespmem:v3+s11+$0x0], $0xffff;
	_ =	sdelay $0x4  }
0x206: {  	v11 =	vsel vm0, $0x0, v11  }
0x207: {  	v10 =	vadd.f32 v11, v10;
	_ =	sdelay $0x1  }
0x208: {  	[tilespmem:$0x2FA0] =	vst v10  }
0x209: {  	v11 =	vld.idx.msk [tilespmem:v4+s11+$0x0], $0xffff;
	_ =	sdelay $0x4  }
0x20a: {  	v11 =	vsel vm1, $0x0, v11  }
0x20b: {  	v10 =	vadd.f32 v11, v10;
	_ =	sdelay $0x1  }
0x20c: {  	[tilespmem:$0x2FA0] =	vst v10  }
0x20d: {  	v11 =	vld.idx.msk [tilespmem:v6+s11+$0x0], $0xffff;
	_ =	sdelay $0x4  }
0x20e: {  	v11 =	vsel vm2, $0x0, v11  }
0x20f: {  	v8 =	vadd.f32 v9, v8;
	v9 =	vadd.f32 v11, v10;
	_ =	sdelay $0x1  }
0x210: {  	v10 =	vadd.f32 v9, v8;
	_ =	sdelay $0x1  }
0x211: {  	v10 =	vadd.f32 $-1.000000000e+00, v10;
	_ =	sdelay $0x1  }
0x212: {  	v11 =	vld [tilespmem:$0x160];
	v10 =	vtrunc.f32 v10  }
0x213: {  	v10 =	vcvt.f32.s32 v10;
	_ =	sdelay $0x1  }
0x214: {  	vm11 =	vgt.f32 v27, $0.0e+00;
	vm12 =	vlt.s32 v10, $0x800  }
0x215: {  	[tilespmem:$0x2FA0] =	vst v9;
	vm4 =	vmand vm11, vm12  }
0x216: {  	v9 =	vld.idx.msk [tilespmem:v7+s11+$0x0], $0xffff;
	[tilespmem:$0x2FA0] =	vst v11;
	v10 =	vsel vm4, v10, v2  }
0x217: {  	[tilespmem:$0x650] =	vst v10  }
0x218: {  	v10 =	vld.idx.msk [tilespmem:v1+s11+$0x0], $0xffff;
	_ =	sdelay $0x4  }
0x219: {  	v10 =	vsel vm3, $0x0, v10  }
0x21a: {  	v10 =	vadd.f32 v10, v11;
	_ =	sdelay $0x1  }
0x21b: {  	[tilespmem:$0x2FA0] =	vst v10  }
0x21c: {  	v28 =	vld.idx.msk [tilespmem:v3+s11+$0x0], $0xffff;
	_ =	sdelay $0x4  }
0x21d: {  	v12 =	vsel vm0, $0x0, v28  }
0x21e: {  	v10 =	vadd.f32 v12, v10;
	_ =	sdelay $0x1  }
0x21f: {  	[tilespmem:$0x2FA0] =	vst v10  }
0x220: {  	v29 =	vld.idx.msk [tilespmem:v4+s11+$0x0], $0xffff;
	_ =	sdelay $0x4  }
0x221: {  	v12 =	vsel vm1, $0x0, v29  }
0x222: {  	v10 =	vadd.f32 v12, v10;
	_ =	sdelay $0x1  }
0x223: {  	[tilespmem:$0x2FA0] =	vst v10  }
0x224: {  	v30 =	vld.idx.msk [tilespmem:v6+s11+$0x0], $0xffff;
	_ =	sdelay $0x4  }
0x225: {  	v12 =	vsel vm2, $0x0, v30  }
0x226: {  	v8 =	vadd.f32 v9, v8;
	v9 =	vadd.f32 v12, v10;
	_ =	sdelay $0x1  }
0x227: {  	v10 =	vadd.f32 v9, v8;
	_ =	sdelay $0x1  }
0x228: {  	v10 =	vadd.f32 $-1.000000000e+00, v10;
	_ =	sdelay $0x1  }
0x229: {  	v31 =	vld [tilespmem:$0x170];
	v10 =	vtrunc.f32 v10  }
0x22a: {  	v10 =	vcvt.f32.s32 v10;
	_ =	sdelay $0x1  }
0x22b: {  	vm13 =	vgt.f32 v11, $0.0e+00;
	vm14 =	vlt.s32 v10, $0x800  }
0x22c: {  	[tilespmem:$0x2FA0] =	vst v9;
	vm4 =	vmand vm13, vm14  }
0x22d: {  	v9 =	vld.idx.msk [tilespmem:v7+s11+$0x0], $0xffff;
	[tilespmem:$0x2FA0] =	vst v31;
	v10 =	vsel vm4, v10, v2  }
0x22e: {  	[tilespmem:$0x660] =	vst v10  }
0x22f: {  	v10 =	vld.idx.msk [tilespmem:v1+s11+$0x0], $0xffff;
	_ =	sdelay $0x4  }
0x230: {  	v10 =	vsel vm3, $0x0, v10  }
0x231: {  	v10 =	vadd.f32 v10, v31;
	_ =	sdelay $0x1  }
0x232: {  	[tilespmem:$0x2FA0] =	vst v10  }
0x233: {  	v11 =	vld.idx.msk [tilespmem:v3+s11+$0x0], $0xffff;
	_ =	sdelay $0x4  }
0x234: {  	v11 =	vsel vm0, $0x0, v11  }
0x235: {  	v10 =	vadd.f32 v11, v10;
	_ =	sdelay $0x1  }
0x236: {  	[tilespmem:$0x2FA0] =	vst v10  }
0x237: {  	v11 =	vld.idx.msk [tilespmem:v4+s11+$0x0], $0xffff;
	_ =	sdelay $0x4  }
0x238: {  	v11 =	vsel vm1, $0x0, v11  }
0x239: {  	v10 =	vadd.f32 v11, v10;
	_ =	sdelay $0x1  }
0x23a: {  	[tilespmem:$0x2FA0] =	vst v10  }
0x23b: {  	v11 =	vld.idx.msk [tilespmem:v6+s11+$0x0], $0xffff;
	_ =	sdelay $0x4  }
0x23c: {  	v11 =	vsel vm2, $0x0, v11  }
0x23d: {  	v8 =	vadd.f32 v9, v8;
	v9 =	vadd.f32 v11, v10;
	_ =	sdelay $0x1  }
0x23e: {  	v10 =	vadd.f32 v9, v8;
	_ =	sdelay $0x1  }
0x23f: {  	v10 =	vadd.f32 $-1.000000000e+00, v10;
	_ =	sdelay $0x1  }
0x240: {  	v11 =	vld [tilespmem:$0x180];
	v10 =	vtrunc.f32 v10  }
0x241: {  	v10 =	vcvt.f32.s32 v10;
	_ =	sdelay $0x1  }
0x242: {  	vm15 =	vgt.f32 v31, $0.0e+00;
	vm8 =	vlt.s32 v10, $0x800  }
0x243: {  	[tilespmem:$0x2FA0] =	vst v9;
	vm4 =	vmand vm15, vm8  }
0x244: {  	v9 =	vld.idx.msk [tilespmem:v7+s11+$0x0], $0xffff;
	[tilespmem:$0x2FA0] =	vst v11;
	v10 =	vsel vm4, v10, v2  }
0x245: {  	[tilespmem:$0x670] =	vst v10  }
0x246: {  	v10 =	vld.idx.msk [tilespmem:v1+s11+$0x0], $0xffff;
	_ =	sdelay $0x4  }
0x247: {  	v10 =	vsel vm3, $0x0, v10  }
0x248: {  	v10 =	vadd.f32 v10, v11;
	_ =	sdelay $0x1  }
0x249: {  	[tilespmem:$0x2FA0] =	vst v10  }
0x24a: {  	v32 =	vld.idx.msk [tilespmem:v3+s11+$0x0], $0xffff;
	_ =	sdelay $0x4  }
0x24b: {  	v12 =	vsel vm0, $0x0, v32  }
0x24c: {  	v10 =	vadd.f32 v12, v10;
	_ =	sdelay $0x1  }
0x24d: {  	[tilespmem:$0x2FA0] =	vst v10  }
0x24e: {  	v33 =	vld.idx.msk [tilespmem:v4+s11+$0x0], $0xffff;
	_ =	sdelay $0x4  }
0x24f: {  	v12 =	vsel vm1, $0x0, v33  }
0x250: {  	v10 =	vadd.f32 v12, v10;
	_ =	sdelay $0x1  }
0x251: {  	[tilespmem:$0x2FA0] =	vst v10  }
0x252: {  	v34 =	vld.idx.msk [tilespmem:v6+s11+$0x0], $0xffff;
	_ =	sdelay $0x4  }
0x253: {  	v12 =	vsel vm2, $0x0, v34  }
0x254: {  	v8 =	vadd.f32 v9, v8;
	v9 =	vadd.f32 v12, v10;
	_ =	sdelay $0x1  }
0x255: {  	v10 =	vadd.f32 v9, v8;
	_ =	sdelay $0x1  }
0x256: {  	v10 =	vadd.f32 $-1.000000000e+00, v10;
	_ =	sdelay $0x1  }
0x257: {  	v35 =	vld [tilespmem:$0x190];
	v10 =	vtrunc.f32 v10  }
0x258: {  	v10 =	vcvt.f32.s32 v10;
	_ =	sdelay $0x1  }
0x259: {  	vm9 =	vgt.f32 v11, $0.0e+00;
	vm10 =	vlt.s32 v10, $0x800  }
0x25a: {  	[tilespmem:$0x2FA0] =	vst v9;
	vm4 =	vmand vm9, vm10  }
0x25b: {  	v9 =	vld.idx.msk [tilespmem:v7+s11+$0x0], $0xffff;
	[tilespmem:$0x2FA0] =	vst v35;
	v10 =	vsel vm4, v10, v2  }
0x25c: {  	[tilespmem:$0x680] =	vst v10  }
0x25d: {  	v10 =	vld.idx.msk [tilespmem:v1+s11+$0x0], $0xffff;
	_ =	sdelay $0x4  }
0x25e: {  	v10 =	vsel vm3, $0x0, v10  }
0x25f: {  	v10 =	vadd.f32 v10, v35;
	_ =	sdelay $0x1  }
0x260: {  	[tilespmem:$0x2FA0] =	vst v10  }
0x261: {  	v11 =	vld.idx.msk [tilespmem:v3+s11+$0x0], $0xffff;
	_ =	sdelay $0x4  }
0x262: {  	v11 =	vsel vm0, $0x0, v11  }
0x263: {  	v10 =	vadd.f32 v11, v10;
	_ =	sdelay $0x1  }
0x264: {  	[tilespmem:$0x2FA0] =	vst v10  }
0x265: {  	v11 =	vld.idx.msk [tilespmem:v4+s11+$0x0], $0xffff;
	_ =	sdelay $0x4  }
0x266: {  	v11 =	vsel vm1, $0x0, v11  }
0x267: {  	v10 =	vadd.f32 v11, v10;
	_ =	sdelay $0x1  }
0x268: {  	[tilespmem:$0x2FA0] =	vst v10  }
0x269: {  	v11 =	vld.idx.msk [tilespmem:v6+s11+$0x0], $0xffff;
	_ =	sdelay $0x4  }
0x26a: {  	v11 =	vsel vm2, $0x0, v11  }
0x26b: {  	v8 =	vadd.f32 v9, v8;
	v9 =	vadd.f32 v11, v10;
	_ =	sdelay $0x1  }
0x26c: {  	v10 =	vadd.f32 v9, v8;
	_ =	sdelay $0x1  }
0x26d: {  	v10 =	vadd.f32 $-1.000000000e+00, v10;
	_ =	sdelay $0x1  }
0x26e: {  	v11 =	vld [tilespmem:$0x1A0];
	v10 =	vtrunc.f32 v10  }
0x26f: {  	v10 =	vcvt.f32.s32 v10;
	_ =	sdelay $0x1  }
0x270: {  	vm11 =	vgt.f32 v35, $0.0e+00;
	vm12 =	vlt.s32 v10, $0x800  }
0x271: {  	[tilespmem:$0x2FA0] =	vst v9;
	vm4 =	vmand vm11, vm12  }
0x272: {  	v9 =	vld.idx.msk [tilespmem:v7+s11+$0x0], $0xffff;
	[tilespmem:$0x2FA0] =	vst v11;
	v10 =	vsel vm4, v10, v2  }
0x273: {  	[tilespmem:$0x690] =	vst v10  }
0x274: {  	v10 =	vld.idx.msk [tilespmem:v1+s11+$0x0], $0xffff;
	_ =	sdelay $0x4  }
0x275: {  	v10 =	vsel vm3, $0x0, v10  }
0x276: {  	v10 =	vadd.f32 v10, v11;
	_ =	sdelay $0x1  }
0x277: {  	[tilespmem:$0x2FA0] =	vst v10  }
0x278: {  	v36 =	vld.idx.msk [tilespmem:v3+s11+$0x0], $0xffff;
	_ =	sdelay $0x4  }
0x279: {  	v12 =	vsel vm0, $0x0, v36  }
0x27a: {  	v10 =	vadd.f32 v12, v10;
	_ =	sdelay $0x1  }
0x27b: {  	[tilespmem:$0x2FA0] =	vst v10  }
0x27c: {  	v37 =	vld.idx.msk [tilespmem:v4+s11+$0x0], $0xffff;
	_ =	sdelay $0x4  }
0x27d: {  	v12 =	vsel vm1, $0x0, v37  }
0x27e: {  	v10 =	vadd.f32 v12, v10;
	_ =	sdelay $0x1  }
0x27f: {  	[tilespmem:$0x2FA0] =	vst v10  }
0x280: {  	v38 =	vld.idx.msk [tilespmem:v6+s11+$0x0], $0xffff;
	_ =	sdelay $0x4  }
0x281: {  	v12 =	vsel vm2, $0x0, v38  }
0x282: {  	v8 =	vadd.f32 v9, v8;
	v9 =	vadd.f32 v12, v10;
	_ =	sdelay $0x1  }
0x283: {  	v10 =	vadd.f32 v9, v8;
	_ =	sdelay $0x1  }
0x284: {  	v10 =	vadd.f32 $-1.000000000e+00, v10;
	_ =	sdelay $0x1  }
0x285: {  	v39 =	vld [tilespmem:$0x1B0];
	v10 =	vtrunc.f32 v10  }
0x286: {  	v10 =	vcvt.f32.s32 v10;
	_ =	sdelay $0x1  }
0x287: {  	vm13 =	vgt.f32 v11, $0.0e+00;
	vm14 =	vlt.s32 v10, $0x800  }
0x288: {  	[tilespmem:$0x2FA0] =	vst v9;
	vm4 =	vmand vm13, vm14  }
0x289: {  	v9 =	vld.idx.msk [tilespmem:v7+s11+$0x0], $0xffff;
	[tilespmem:$0x2FA0] =	vst v39;
	v10 =	vsel vm4, v10, v2  }
0x28a: {  	[tilespmem:$0x6A0] =	vst v10  }
0x28b: {  	v10 =	vld.idx.msk [tilespmem:v1+s11+$0x0], $0xffff;
	_ =	sdelay $0x4  }
0x28c: {  	v10 =	vsel vm3, $0x0, v10  }
0x28d: {  	v10 =	vadd.f32 v10, v39;
	_ =	sdelay $0x1  }
0x28e: {  	[tilespmem:$0x2FA0] =	vst v10  }
0x28f: {  	v11 =	vld.idx.msk [tilespmem:v3+s11+$0x0], $0xffff;
	_ =	sdelay $0x4  }
0x290: {  	v11 =	vsel vm0, $0x0, v11  }
0x291: {  	v10 =	vadd.f32 v11, v10;
	_ =	sdelay $0x1  }
0x292: {  	[tilespmem:$0x2FA0] =	vst v10  }
0x293: {  	v11 =	vld.idx.msk [tilespmem:v4+s11+$0x0], $0xffff;
	_ =	sdelay $0x4  }
0x294: {  	v11 =	vsel vm1, $0x0, v11  }
0x295: {  	v10 =	vadd.f32 v11, v10;
	_ =	sdelay $0x1  }
0x296: {  	[tilespmem:$0x2FA0] =	vst v10  }
0x297: {  	v11 =	vld.idx.msk [tilespmem:v6+s11+$0x0], $0xffff;
	_ =	sdelay $0x4  }
0x298: {  	v11 =	vsel vm2, $0x0, v11  }
0x299: {  	v8 =	vadd.f32 v9, v8;
	v9 =	vadd.f32 v11, v10;
	_ =	sdelay $0x1  }
0x29a: {  	v10 =	vadd.f32 v9, v8;
	_ =	sdelay $0x1  }
0x29b: {  	v10 =	vadd.f32 $-1.000000000e+00, v10;
	_ =	sdelay $0x1  }
0x29c: {  	v11 =	vld [tilespmem:$0x1C0];
	v10 =	vtrunc.f32 v10  }
0x29d: {  	v10 =	vcvt.f32.s32 v10;
	_ =	sdelay $0x1  }
0x29e: {  	vm15 =	vgt.f32 v39, $0.0e+00;
	vm8 =	vlt.s32 v10, $0x800  }
0x29f: {  	[tilespmem:$0x2FA0] =	vst v9;
	vm4 =	vmand vm15, vm8  }
0x2a0: {  	v9 =	vld.idx.msk [tilespmem:v7+s11+$0x0], $0xffff;
	[tilespmem:$0x2FA0] =	vst v11;
	v10 =	vsel vm4, v10, v2  }
0x2a1: {  	[tilespmem:$0x6B0] =	vst v10  }
0x2a2: {  	v10 =	vld.idx.msk [tilespmem:v1+s11+$0x0], $0xffff;
	_ =	sdelay $0x4  }
0x2a3: {  	v10 =	vsel vm3, $0x0, v10  }
0x2a4: {  	v10 =	vadd.f32 v10, v11;
	_ =	sdelay $0x1  }
0x2a5: {  	[tilespmem:$0x2FA0] =	vst v10  }
0x2a6: {  	v40 =	vld.idx.msk [tilespmem:v3+s11+$0x0], $0xffff;
	_ =	sdelay $0x4  }
0x2a7: {  	v12 =	vsel vm0, $0x0, v40  }
0x2a8: {  	v10 =	vadd.f32 v12, v10;
	_ =	sdelay $0x1  }
0x2a9: {  	[tilespmem:$0x2FA0] =	vst v10  }
0x2aa: {  	v41 =	vld.idx.msk [tilespmem:v4+s11+$0x0], $0xffff;
	_ =	sdelay $0x4  }
0x2ab: {  	v12 =	vsel vm1, $0x0, v41  }
0x2ac: {  	v10 =	vadd.f32 v12, v10;
	_ =	sdelay $0x1  }
0x2ad: {  	[tilespmem:$0x2FA0] =	vst v10  }
0x2ae: {  	v42 =	vld.idx.msk [tilespmem:v6+s11+$0x0], $0xffff;
	_ =	sdelay $0x4  }
0x2af: {  	v12 =	vsel vm2, $0x0, v42  }
0x2b0: {  	v8 =	vadd.f32 v9, v8;
	v9 =	vadd.f32 v12, v10;
	_ =	sdelay $0x1  }
0x2b1: {  	v10 =	vadd.f32 v9, v8;
	_ =	sdelay $0x1  }
0x2b2: {  	v10 =	vadd.f32 $-1.000000000e+00, v10;
	_ =	sdelay $0x1  }
0x2b3: {  	v43 =	vld [tilespmem:$0x1D0];
	v10 =	vtrunc.f32 v10  }
0x2b4: {  	v10 =	vcvt.f32.s32 v10;
	_ =	sdelay $0x1  }
0x2b5: {  	vm9 =	vgt.f32 v11, $0.0e+00;
	vm10 =	vlt.s32 v10, $0x800  }
0x2b6: {  	[tilespmem:$0x2FA0] =	vst v9;
	vm4 =	vmand vm9, vm10  }
0x2b7: {  	v9 =	vld.idx.msk [tilespmem:v7+s11+$0x0], $0xffff;
	[tilespmem:$0x2FA0] =	vst v43;
	v10 =	vsel vm4, v10, v2  }
0x2b8: {  	[tilespmem:$0x6C0] =	vst v10  }
0x2b9: {  	v10 =	vld.idx.msk [tilespmem:v1+s11+$0x0], $0xffff;
	_ =	sdelay $0x4  }
0x2ba: {  	v10 =	vsel vm3, $0x0, v10  }
0x2bb: {  	v10 =	vadd.f32 v10, v43;
	_ =	sdelay $0x1  }
0x2bc: {  	[tilespmem:$0x2FA0] =	vst v10  }
0x2bd: {  	v11 =	vld.idx.msk [tilespmem:v3+s11+$0x0], $0xffff;
	_ =	sdelay $0x4  }
0x2be: {  	v11 =	vsel vm0, $0x0, v11  }
0x2bf: {  	v10 =	vadd.f32 v11, v10;
	_ =	sdelay $0x1  }
0x2c0: {  	[tilespmem:$0x2FA0] =	vst v10  }
0x2c1: {  	v11 =	vld.idx.msk [tilespmem:v4+s11+$0x0], $0xffff;
	_ =	sdelay $0x4  }
0x2c2: {  	v11 =	vsel vm1, $0x0, v11  }
0x2c3: {  	v10 =	vadd.f32 v11, v10;
	_ =	sdelay $0x1  }
0x2c4: {  	[tilespmem:$0x2FA0] =	vst v10  }
0x2c5: {  	v11 =	vld.idx.msk [tilespmem:v6+s11+$0x0], $0xffff;
	_ =	sdelay $0x4  }
0x2c6: {  	v11 =	vsel vm2, $0x0, v11  }
0x2c7: {  	v8 =	vadd.f32 v9, v8;
	v9 =	vadd.f32 v11, v10;
	_ =	sdelay $0x1  }
0x2c8: {  	v10 =	vadd.f32 v9, v8;
	_ =	sdelay $0x1  }
0x2c9: {  	v10 =	vadd.f32 $-1.000000000e+00, v10;
	_ =	sdelay $0x1  }
0x2ca: {  	v11 =	vld [tilespmem:$0x1E0];
	v10 =	vtrunc.f32 v10  }
0x2cb: {  	v10 =	vcvt.f32.s32 v10;
	_ =	sdelay $0x1  }
0x2cc: {  	vm11 =	vgt.f32 v43, $0.0e+00;
	vm12 =	vlt.s32 v10, $0x800  }
0x2cd: {  	[tilespmem:$0x2FA0] =	vst v9;
	vm4 =	vmand vm11, vm12  }
0x2ce: {  	v9 =	vld.idx.msk [tilespmem:v7+s11+$0x0], $0xffff;
	[tilespmem:$0x2FA0] =	vst v11;
	v10 =	vsel vm4, v10, v2  }
0x2cf: {  	[tilespmem:$0x6D0] =	vst v10  }
0x2d0: {  	v10 =	vld.idx.msk [tilespmem:v1+s11+$0x0], $0xffff;
	_ =	sdelay $0x4  }
0x2d1: {  	v10 =	vsel vm3, $0x0, v10  }
0x2d2: {  	v10 =	vadd.f32 v10, v11;
	_ =	sdelay $0x1  }
0x2d3: {  	[tilespmem:$0x2FA0] =	vst v10  }
0x2d4: {  	v44 =	vld.idx.msk [tilespmem:v3+s11+$0x0], $0xffff;
	_ =	sdelay $0x4  }
0x2d5: {  	v12 =	vsel vm0, $0x0, v44  }
0x2d6: {  	v10 =	vadd.f32 v12, v10;
	_ =	sdelay $0x1  }
0x2d7: {  	[tilespmem:$0x2FA0] =	vst v10  }
0x2d8: {  	v45 =	vld.idx.msk [tilespmem:v4+s11+$0x0], $0xffff;
	_ =	sdelay $0x4  }
0x2d9: {  	v12 =	vsel vm1, $0x0, v45  }
0x2da: {  	v10 =	vadd.f32 v12, v10;
	_ =	sdelay $0x1  }
0x2db: {  	[tilespmem:$0x2FA0] =	vst v10  }
0x2dc: {  	v46 =	vld.idx.msk [tilespmem:v6+s11+$0x0], $0xffff;
	_ =	sdelay $0x4  }
0x2dd: {  	v12 =	vsel vm2, $0x0, v46  }
0x2de: {  	v8 =	vadd.f32 v9, v8;
	v9 =	vadd.f32 v12, v10;
	_ =	sdelay $0x1  }
0x2df: {  	v10 =	vadd.f32 v9, v8;
	_ =	sdelay $0x1  }
0x2e0: {  	v10 =	vadd.f32 $-1.000000000e+00, v10;
	_ =	sdelay $0x1  }
0x2e1: {  	v47 =	vld [tilespmem:$0x1F0];
	v10 =	vtrunc.f32 v10  }
0x2e2: {  	v10 =	vcvt.f32.s32 v10;
	_ =	sdelay $0x1  }
0x2e3: {  	vm13 =	vgt.f32 v11, $0.0e+00;
	vm14 =	vlt.s32 v10, $0x800  }
0x2e4: {  	[tilespmem:$0x2FA0] =	vst v9;
	vm4 =	vmand vm13, vm14  }
0x2e5: {  	v9 =	vld.idx.msk [tilespmem:v7+s11+$0x0], $0xffff;
	[tilespmem:$0x2FA0] =	vst v47;
	v10 =	vsel vm4, v10, v2  }
0x2e6: {  	[tilespmem:$0x6E0] =	vst v10  }
0x2e7: {  	v10 =	vld.idx.msk [tilespmem:v1+s11+$0x0], $0xffff;
	_ =	sdelay $0x4  }
0x2e8: {  	v10 =	vsel vm3, $0x0, v10  }
0x2e9: {  	v10 =	vadd.f32 v10, v47;
	_ =	sdelay $0x1  }
0x2ea: {  	[tilespmem:$0x2FA0] =	vst v10  }
0x2eb: {  	v11 =	vld.idx.msk [tilespmem:v3+s11+$0x0], $0xffff;
	_ =	sdelay $0x4  }
0x2ec: {  	v11 =	vsel vm0, $0x0, v11  }
0x2ed: {  	v10 =	vadd.f32 v11, v10;
	_ =	sdelay $0x1  }
0x2ee: {  	[tilespmem:$0x2FA0] =	vst v10  }
0x2ef: {  	v11 =	vld.idx.msk [tilespmem:v4+s11+$0x0], $0xffff;
	_ =	sdelay $0x4  }
0x2f0: {  	v11 =	vsel vm1, $0x0, v11  }
0x2f1: {  	v10 =	vadd.f32 v11, v10;
	_ =	sdelay $0x1  }
0x2f2: {  	[tilespmem:$0x2FA0] =	vst v10  }
0x2f3: {  	v11 =	vld.idx.msk [tilespmem:v6+s11+$0x0], $0xffff;
	_ =	sdelay $0x4  }
0x2f4: {  	v11 =	vsel vm2, $0x0, v11  }
0x2f5: {  	v8 =	vadd.f32 v9, v8;
	v9 =	vadd.f32 v11, v10;
	_ =	sdelay $0x1  }
0x2f6: {  	v10 =	vadd.f32 v9, v8;
	_ =	sdelay $0x1  }
0x2f7: {  	v10 =	vadd.f32 $-1.000000000e+00, v10;
	_ =	sdelay $0x1  }
0x2f8: {  	v11 =	vld [tilespmem:$0x200];
	v10 =	vtrunc.f32 v10  }
0x2f9: {  	v10 =	vcvt.f32.s32 v10;
	_ =	sdelay $0x1  }
0x2fa: {  	vm15 =	vgt.f32 v47, $0.0e+00;
	vm8 =	vlt.s32 v10, $0x800  }
0x2fb: {  	[tilespmem:$0x2FA0] =	vst v9;
	vm4 =	vmand vm15, vm8  }
0x2fc: {  	v9 =	vld.idx.msk [tilespmem:v7+s11+$0x0], $0xffff;
	[tilespmem:$0x2FA0] =	vst v11;
	v10 =	vsel vm4, v10, v2  }
0x2fd: {  	[tilespmem:$0x6F0] =	vst v10  }
0x2fe: {  	v10 =	vld.idx.msk [tilespmem:v1+s11+$0x0], $0xffff;
	_ =	sdelay $0x4  }
0x2ff: {  	v10 =	vsel vm3, $0x0, v10  }
0x300: {  	v10 =	vadd.f32 v10, v11;
	_ =	sdelay $0x1  }
0x301: {  	[tilespmem:$0x2FA0] =	vst v10  }
0x302: {  	v48 =	vld.idx.msk [tilespmem:v3+s11+$0x0], $0xffff;
	_ =	sdelay $0x4  }
0x303: {  	v12 =	vsel vm0, $0x0, v48  }
0x304: {  	v10 =	vadd.f32 v12, v10;
	_ =	sdelay $0x1  }
0x305: {  	[tilespmem:$0x2FA0] =	vst v10  }
0x306: {  	v49 =	vld.idx.msk [tilespmem:v4+s11+$0x0], $0xffff;
	_ =	sdelay $0x4  }
0x307: {  	v12 =	vsel vm1, $0x0, v49  }
0x308: {  	v10 =	vadd.f32 v12, v10;
	_ =	sdelay $0x1  }
0x309: {  	[tilespmem:$0x2FA0] =	vst v10  }
0x30a: {  	v50 =	vld.idx.msk [tilespmem:v6+s11+$0x0], $0xffff;
	_ =	sdelay $0x4  }
0x30b: {  	v12 =	vsel vm2, $0x0, v50  }
0x30c: {  	v8 =	vadd.f32 v9, v8;
	v9 =	vadd.f32 v12, v10;
	_ =	sdelay $0x1  }
0x30d: {  	v10 =	vadd.f32 v9, v8;
	_ =	sdelay $0x1  }
0x30e: {  	v10 =	vadd.f32 $-1.000000000e+00, v10;
	_ =	sdelay $0x1  }
0x30f: {  	v51 =	vld [tilespmem:$0x210];
	v10 =	vtrunc.f32 v10  }
0x310: {  	v10 =	vcvt.f32.s32 v10;
	_ =	sdelay $0x1  }
0x311: {  	vm9 =	vgt.f32 v11, $0.0e+00;
	vm10 =	vlt.s32 v10, $0x800  }
0x312: {  	[tilespmem:$0x2FA0] =	vst v9;
	vm4 =	vmand vm9, vm10  }
0x313: {  	v9 =	vld.idx.msk [tilespmem:v7+s11+$0x0], $0xffff;
	[tilespmem:$0x2FA0] =	vst v51;
	v10 =	vsel vm4, v10, v2  }
0x314: {  	[tilespmem:$0x700] =	vst v10  }
0x315: {  	v10 =	vld.idx.msk [tilespmem:v1+s11+$0x0], $0xffff;
	_ =	sdelay $0x4  }
0x316: {  	v10 =	vsel vm3, $0x0, v10  }
0x317: {  	v10 =	vadd.f32 v10, v51;
	_ =	sdelay $0x1  }
0x318: {  	[tilespmem:$0x2FA0] =	vst v10  }
0x319: {  	v11 =	vld.idx.msk [tilespmem:v3+s11+$0x0], $0xffff;
	_ =	sdelay $0x4  }
0x31a: {  	v11 =	vsel vm0, $0x0, v11  }
0x31b: {  	v10 =	vadd.f32 v11, v10;
	_ =	sdelay $0x1  }
0x31c: {  	[tilespmem:$0x2FA0] =	vst v10  }
0x31d: {  	v11 =	vld.idx.msk [tilespmem:v4+s11+$0x0], $0xffff;
	_ =	sdelay $0x4  }
0x31e: {  	v11 =	vsel vm1, $0x0, v11  }
0x31f: {  	v10 =	vadd.f32 v11, v10;
	_ =	sdelay $0x1  }
0x320: {  	[tilespmem:$0x2FA0] =	vst v10  }
0x321: {  	v11 =	vld.idx.msk [tilespmem:v6+s11+$0x0], $0xffff;
	_ =	sdelay $0x4  }
0x322: {  	v11 =	vsel vm2, $0x0, v11  }
0x323: {  	v8 =	vadd.f32 v9, v8;
	v9 =	vadd.f32 v11, v10;
	_ =	sdelay $0x1  }
0x324: {  	v10 =	vadd.f32 v9, v8;
	_ =	sdelay $0x1  }
0x325: {  	v10 =	vadd.f32 $-1.000000000e+00, v10;
	_ =	sdelay $0x1  }
0x326: {  	v11 =	vld [tilespmem:$0x220];
	v10 =	vtrunc.f32 v10  }
0x327: {  	v10 =	vcvt.f32.s32 v10;
	_ =	sdelay $0x1  }
0x328: {  	vm11 =	vgt.f32 v51, $0.0e+00;
	vm12 =	vlt.s32 v10, $0x800  }
0x329: {  	[tilespmem:$0x2FA0] =	vst v9;
	vm4 =	vmand vm11, vm12  }
0x32a: {  	v9 =	vld.idx.msk [tilespmem:v7+s11+$0x0], $0xffff;
	[tilespmem:$0x2FA0] =	vst v11;
	v10 =	vsel vm4, v10, v2  }
0x32b: {  	[tilespmem:$0x710] =	vst v10  }
0x32c: {  	v10 =	vld.idx.msk [tilespmem:v1+s11+$0x0], $0xffff;
	_ =	sdelay $0x4  }
0x32d: {  	v10 =	vsel vm3, $0x0, v10  }
0x32e: {  	v10 =	vadd.f32 v10, v11;
	_ =	sdelay $0x1  }
0x32f: {  	[tilespmem:$0x2FA0] =	vst v10  }
0x330: {  	v52 =	vld.idx.msk [tilespmem:v3+s11+$0x0], $0xffff;
	_ =	sdelay $0x4  }
0x331: {  	v12 =	vsel vm0, $0x0, v52  }
0x332: {  	v10 =	vadd.f32 v12, v10;
	_ =	sdelay $0x1  }
0x333: {  	[tilespmem:$0x2FA0] =	vst v10  }
0x334: {  	v53 =	vld.idx.msk [tilespmem:v4+s11+$0x0], $0xffff;
	_ =	sdelay $0x4  }
0x335: {  	v12 =	vsel vm1, $0x0, v53  }
0x336: {  	v10 =	vadd.f32 v12, v10;
	_ =	sdelay $0x1  }
0x337: {  	[tilespmem:$0x2FA0] =	vst v10  }
0x338: {  	v54 =	vld.idx.msk [tilespmem:v6+s11+$0x0], $0xffff;
	_ =	sdelay $0x4  }
0x339: {  	v12 =	vsel vm2, $0x0, v54  }
0x33a: {  	v8 =	vadd.f32 v9, v8;
	v9 =	vadd.f32 v12, v10;
	_ =	sdelay $0x1  }
0x33b: {  	v10 =	vadd.f32 v9, v8;
	_ =	sdelay $0x1  }
0x33c: {  	v10 =	vadd.f32 $-1.000000000e+00, v10;
	_ =	sdelay $0x1  }
0x33d: {  	v55 =	vld [tilespmem:$0x230];
	v10 =	vtrunc.f32 v10  }
0x33e: {  	v10 =	vcvt.f32.s32 v10;
	_ =	sdelay $0x1  }
0x33f: {  	vm13 =	vgt.f32 v11, $0.0e+00;
	vm14 =	vlt.s32 v10, $0x800  }
0x340: {  	[tilespmem:$0x2FA0] =	vst v9;
	vm4 =	vmand vm13, vm14  }
0x341: {  	v9 =	vld.idx.msk [tilespmem:v7+s11+$0x0], $0xffff;
	[tilespmem:$0x2FA0] =	vst v55;
	v10 =	vsel vm4, v10, v2  }
0x342: {  	[tilespmem:$0x720] =	vst v10  }
0x343: {  	v10 =	vld.idx.msk [tilespmem:v1+s11+$0x0], $0xffff;
	_ =	sdelay $0x4  }
0x344: {  	v10 =	vsel vm3, $0x0, v10  }
0x345: {  	v10 =	vadd.f32 v10, v55;
	_ =	sdelay $0x1  }
0x346: {  	[tilespmem:$0x2FA0] =	vst v10  }
0x347: {  	v11 =	vld.idx.msk [tilespmem:v3+s11+$0x0], $0xffff;
	_ =	sdelay $0x4  }
0x348: {  	v11 =	vsel vm0, $0x0, v11  }
0x349: {  	v10 =	vadd.f32 v11, v10;
	_ =	sdelay $0x1  }
0x34a: {  	[tilespmem:$0x2FA0] =	vst v10  }
0x34b: {  	v11 =	vld.idx.msk [tilespmem:v4+s11+$0x0], $0xffff;
	_ =	sdelay $0x4  }
0x34c: {  	v11 =	vsel vm1, $0x0, v11  }
0x34d: {  	v10 =	vadd.f32 v11, v10;
	_ =	sdelay $0x1  }
0x34e: {  	[tilespmem:$0x2FA0] =	vst v10  }
0x34f: {  	v11 =	vld.idx.msk [tilespmem:v6+s11+$0x0], $0xffff;
	_ =	sdelay $0x4  }
0x350: {  	v11 =	vsel vm2, $0x0, v11  }
0x351: {  	v8 =	vadd.f32 v9, v8;
	v9 =	vadd.f32 v11, v10;
	_ =	sdelay $0x1  }
0x352: {  	v10 =	vadd.f32 v9, v8;
	_ =	sdelay $0x1  }
0x353: {  	v10 =	vadd.f32 $-1.000000000e+00, v10;
	_ =	sdelay $0x1  }
0x354: {  	v11 =	vld [tilespmem:$0x240];
	v10 =	vtrunc.f32 v10  }
0x355: {  	v10 =	vcvt.f32.s32 v10;
	_ =	sdelay $0x1  }
0x356: {  	vm15 =	vgt.f32 v55, $0.0e+00;
	vm8 =	vlt.s32 v10, $0x800  }
0x357: {  	[tilespmem:$0x2FA0] =	vst v9;
	vm4 =	vmand vm15, vm8  }
0x358: {  	v9 =	vld.idx.msk [tilespmem:v7+s11+$0x0], $0xffff;
	[tilespmem:$0x2FA0] =	vst v11;
	v10 =	vsel vm4, v10, v2  }
0x359: {  	[tilespmem:$0x730] =	vst v10  }
0x35a: {  	v10 =	vld.idx.msk [tilespmem:v1+s11+$0x0], $0xffff;
	_ =	sdelay $0x4  }
0x35b: {  	v10 =	vsel vm3, $0x0, v10  }
0x35c: {  	v10 =	vadd.f32 v10, v11;
	_ =	sdelay $0x1  }
0x35d: {  	[tilespmem:$0x2FA0] =	vst v10  }
0x35e: {  	v56 =	vld.idx.msk [tilespmem:v3+s11+$0x0], $0xffff;
	_ =	sdelay $0x4  }
0x35f: {  	v12 =	vsel vm0, $0x0, v56  }
0x360: {  	v10 =	vadd.f32 v12, v10;
	_ =	sdelay $0x1  }
0x361: {  	[tilespmem:$0x2FA0] =	vst v10  }
0x362: {  	v57 =	vld.idx.msk [tilespmem:v4+s11+$0x0], $0xffff;
	_ =	sdelay $0x4  }
0x363: {  	v12 =	vsel vm1, $0x0, v57  }
0x364: {  	v10 =	vadd.f32 v12, v10;
	_ =	sdelay $0x1  }
0x365: {  	[tilespmem:$0x2FA0] =	vst v10  }
0x366: {  	v58 =	vld.idx.msk [tilespmem:v6+s11+$0x0], $0xffff;
	_ =	sdelay $0x4  }
0x367: {  	v12 =	vsel vm2, $0x0, v58  }
0x368: {  	v8 =	vadd.f32 v9, v8;
	v9 =	vadd.f32 v12, v10;
	_ =	sdelay $0x1  }
0x369: {  	v10 =	vadd.f32 v9, v8;
	_ =	sdelay $0x1  }
0x36a: {  	v10 =	vadd.f32 $-1.000000000e+00, v10;
	_ =	sdelay $0x1  }
0x36b: {  	v59 =	vld [tilespmem:$0x250];
	v10 =	vtrunc.f32 v10  }
0x36c: {  	v10 =	vcvt.f32.s32 v10;
	_ =	sdelay $0x1  }
0x36d: {  	vm9 =	vgt.f32 v11, $0.0e+00;
	vm10 =	vlt.s32 v10, $0x800  }
0x36e: {  	[tilespmem:$0x2FA0] =	vst v9;
	vm4 =	vmand vm9, vm10  }
0x36f: {  	v9 =	vld.idx.msk [tilespmem:v7+s11+$0x0], $0xffff;
	[tilespmem:$0x2FA0] =	vst v59;
	v10 =	vsel vm4, v10, v2  }
0x370: {  	[tilespmem:$0x740] =	vst v10  }
0x371: {  	v10 =	vld.idx.msk [tilespmem:v1+s11+$0x0], $0xffff;
	_ =	sdelay $0x4  }
0x372: {  	v10 =	vsel vm3, $0x0, v10  }
0x373: {  	v10 =	vadd.f32 v10, v59;
	_ =	sdelay $0x1  }
0x374: {  	[tilespmem:$0x2FA0] =	vst v10  }
0x375: {  	v11 =	vld.idx.msk [tilespmem:v3+s11+$0x0], $0xffff;
	_ =	sdelay $0x4  }
0x376: {  	v11 =	vsel vm0, $0x0, v11  }
0x377: {  	v10 =	vadd.f32 v11, v10;
	_ =	sdelay $0x1  }
0x378: {  	[tilespmem:$0x2FA0] =	vst v10  }
0x379: {  	v11 =	vld.idx.msk [tilespmem:v4+s11+$0x0], $0xffff;
	_ =	sdelay $0x4  }
0x37a: {  	v11 =	vsel vm1, $0x0, v11  }
0x37b: {  	v10 =	vadd.f32 v11, v10;
	_ =	sdelay $0x1  }
0x37c: {  	[tilespmem:$0x2FA0] =	vst v10  }
0x37d: {  	v11 =	vld.idx.msk [tilespmem:v6+s11+$0x0], $0xffff;
	_ =	sdelay $0x4  }
0x37e: {  	v11 =	vsel vm2, $0x0, v11  }
0x37f: {  	v8 =	vadd.f32 v9, v8;
	v9 =	vadd.f32 v11, v10;
	_ =	sdelay $0x1  }
0x380: {  	v10 =	vadd.f32 v9, v8;
	_ =	sdelay $0x1  }
0x381: {  	v10 =	vadd.f32 $-1.000000000e+00, v10;
	_ =	sdelay $0x1  }
0x382: {  	v11 =	vld [tilespmem:$0x260];
	v10 =	vtrunc.f32 v10  }
0x383: {  	v10 =	vcvt.f32.s32 v10;
	_ =	sdelay $0x1  }
0x384: {  	vm11 =	vgt.f32 v59, $0.0e+00;
	vm12 =	vlt.s32 v10, $0x800  }
0x385: {  	[tilespmem:$0x2FA0] =	vst v9;
	vm4 =	vmand vm11, vm12  }
0x386: {  	v9 =	vld.idx.msk [tilespmem:v7+s11+$0x0], $0xffff;
	[tilespmem:$0x2FA0] =	vst v11;
	v10 =	vsel vm4, v10, v2  }
0x387: {  	[tilespmem:$0x750] =	vst v10  }
0x388: {  	v10 =	vld.idx.msk [tilespmem:v1+s11+$0x0], $0xffff;
	_ =	sdelay $0x4  }
0x389: {  	v10 =	vsel vm3, $0x0, v10  }
0x38a: {  	v10 =	vadd.f32 v10, v11;
	_ =	sdelay $0x1  }
0x38b: {  	[tilespmem:$0x2FA0] =	vst v10  }
0x38c: {  	v60 =	vld.idx.msk [tilespmem:v3+s11+$0x0], $0xffff;
	_ =	sdelay $0x4  }
0x38d: {  	v12 =	vsel vm0, $0x0, v60  }
0x38e: {  	v10 =	vadd.f32 v12, v10;
	_ =	sdelay $0x1  }
0x38f: {  	[tilespmem:$0x2FA0] =	vst v10  }
0x390: {  	v61 =	vld.idx.msk [tilespmem:v4+s11+$0x0], $0xffff;
	_ =	sdelay $0x4  }
0x391: {  	v12 =	vsel vm1, $0x0, v61  }
0x392: {  	v10 =	vadd.f32 v12, v10;
	_ =	sdelay $0x1  }
0x393: {  	[tilespmem:$0x2FA0] =	vst v10  }
0x394: {  	v62 =	vld.idx.msk [tilespmem:v6+s11+$0x0], $0xffff;
	_ =	sdelay $0x4  }
0x395: {  	v12 =	vsel vm2, $0x0, v62  }
0x396: {  	v8 =	vadd.f32 v9, v8;
	v9 =	vadd.f32 v12, v10;
	_ =	sdelay $0x1  }
0x397: {  	v10 =	vadd.f32 v9, v8;
	_ =	sdelay $0x1  }
0x398: {  	v10 =	vadd.f32 $-1.000000000e+00, v10;
	_ =	sdelay $0x1  }
0x399: {  	v63 =	vld [tilespmem:$0x270];
	v10 =	vtrunc.f32 v10  }
0x39a: {  	v10 =	vcvt.f32.s32 v10;
	_ =	sdelay $0x1  }
0x39b: {  	vm13 =	vgt.f32 v11, $0.0e+00;
	vm14 =	vlt.s32 v10, $0x800  }
0x39c: {  	[tilespmem:$0x2FA0] =	vst v9;
	vm4 =	vmand vm13, vm14  }
0x39d: {  	v9 =	vld.idx.msk [tilespmem:v7+s11+$0x0], $0xffff;
	[tilespmem:$0x2FA0] =	vst v63;
	v10 =	vsel vm4, v10, v2  }
0x39e: {  	[tilespmem:$0x760] =	vst v10  }
0x39f: {  	v10 =	vld.idx.msk [tilespmem:v1+s11+$0x0], $0xffff;
	_ =	sdelay $0x4  }
0x3a0: {  	v10 =	vsel vm3, $0x0, v10  }
0x3a1: {  	v10 =	vadd.f32 v10, v63;
	_ =	sdelay $0x1  }
0x3a2: {  	[tilespmem:$0x2FA0] =	vst v10  }
0x3a3: {  	v11 =	vld.idx.msk [tilespmem:v3+s11+$0x0], $0xffff;
	_ =	sdelay $0x4  }
0x3a4: {  	v11 =	vsel vm0, $0x0, v11  }
0x3a5: {  	v10 =	vadd.f32 v11, v10;
	_ =	sdelay $0x1  }
0x3a6: {  	[tilespmem:$0x2FA0] =	vst v10  }
0x3a7: {  	v11 =	vld.idx.msk [tilespmem:v4+s11+$0x0], $0xffff;
	_ =	sdelay $0x4  }
0x3a8: {  	v11 =	vsel vm1, $0x0, v11  }
0x3a9: {  	v10 =	vadd.f32 v11, v10;
	_ =	sdelay $0x1  }
0x3aa: {  	[tilespmem:$0x2FA0] =	vst v10  }
0x3ab: {  	v11 =	vld.idx.msk [tilespmem:v6+s11+$0x0], $0xffff;
	_ =	sdelay $0x4  }
0x3ac: {  	v11 =	vsel vm2, $0x0, v11  }
0x3ad: {  	v8 =	vadd.f32 v9, v8;
	v9 =	vadd.f32 v11, v10;
	_ =	sdelay $0x1  }
0x3ae: {  	v8 =	vadd.f32 v9, v8;
	_ =	sdelay $0x1  }
0x3af: {  	v8 =	vadd.f32 $-1.000000000e+00, v8;
	_ =	sdelay $0x1  }
0x3b0: {  	v8 =	vtrunc.f32 v8  }
0x3b1: {  	v8 =	vcvt.f32.s32 v8;
	_ =	sdelay $0x1  }
0x3b2: {  	vm3 =	vgt.f32 v63, $0.0e+00;
	vm15 =	vlt.s32 v8, $0x800  }
0x3b3: {  	vm3 =	vmand vm3, vm15  }
0x3b4: {  	[tilespmem:$0x2FA0] =	vst v9;
	v8 =	vsel vm3, v8, v2  }
0x3b5: {  	[tilespmem:$0x770] =	vst v8  }
0x3b6: {  	[tilespmem:s13], [sflag:$0x1] =	stream.indirect.gather [hbm4b:s4+s12], $0x10, s30, s12, $0xb8;
	[tilespmem:$0x2FB0] =	vst v63  }
0x3b7: {  	_ =	swait.ge [sflag:s14], $0x800  }
0x3b8: {  	[sflag:s14] =	ssyncset.done $0x0  }
0x3b9: {  	[sflag:s14] =	ssyncadd.s32 $0xFFFFF800  }
0x3ba: {  	[tilespmem:s16], [sflag:$0x1] =	stream.indirect.gather [hbm4b:s4+s12], $0x10, s15, s12, $0xb8;
	[tilespmem:$0x2FB0] =	vst v63  }
0x3bb: {  	_ =	swait.ge [sflag:s14], $0x800  }
0x3bc: {  	[sflag:s14] =	ssyncset.done $0x0  }
0x3bd: {  	[sflag:s14] =	ssyncadd.s32 $0xFFFFF800  }
0x3be: {  	[tilespmem:s18], [sflag:$0x1] =	stream.indirect.gather [hbm4b:s4+s12], $0x10, s17, s12, $0xb8;
	[tilespmem:$0x2FB0] =	vst v63  }
0x3bf: {  	_ =	swait.ge [sflag:s14], $0x800  }
0x3c0: {  	[sflag:s14] =	ssyncset.done $0x0  }
0x3c1: {  	[sflag:s14] =	ssyncadd.s32 $0xFFFFF800  }
0x3c2: {  	[tilespmem:s20], [sflag:$0x1] =	stream.indirect.gather [hbm4b:s4+s12], $0x10, s19, s12, $0xb8;
	[tilespmem:$0x2FB0] =	vst v63  }
0x3c3: {  	_ =	swait.ge [sflag:s14], $0x800  }
0x3c4: {  	[sflag:s14] =	ssyncset.done $0x0  }
0x3c5: {  	[sflag:s14] =	ssyncadd.s32 $0xFFFFF800  }
0x3c6: {  	[tilespmem:s22], [sflag:$0x1] =	stream.indirect.gather [hbm4b:s4+s12], $0x10, s21, s12, $0xb8;
	[tilespmem:$0x2FB0] =	vst v63  }
0x3c7: {  	_ =	swait.ge [sflag:s14], $0x800  }
0x3c8: {  	[sflag:s14] =	ssyncset.done $0x0  }
0x3c9: {  	[sflag:s14] =	ssyncadd.s32 $0xFFFFF800  }
0x3ca: {  	s31 =	simm.s32 $0x10;
	v10 =	vmov s3;
	v8 =	vmul.u32 $0x10, v5;
	v9 =	vld [tilespmem:s30+$0x0]  }
.LBB2_2:
0x3cb: {  	p0 =	sne.s32 s31, $0x270;
	v10 =	vshll.u32 v10, $0x4  }
0x3cc: {  	v10 =	vor.u32 v8, v10;
	_ =	sdelay $0x1  }
.Ltmp0:
0x3cd: {  	(pc) =	sbr.rel @p0 .LBB2_2-.Ltmp0, $3  }
0x3ce: {  	v9 =	vcvt.s32.f32 v9;
	_ =	sdelay $0x1  }
0x3cf: {  	s30 =	sadd.s32 $0x10, s30;
	[tilespmem:v10+s13+$0x0] =	vst.idx.msk $0xffff, v9  }
0x3d0: {  	v10 =	vmov s31;
	s31 =	sadd.s32 $0x10, s31;
	v9 =	vld [tilespmem:s30+$0x0]  }
0x3d1: {  	v10 =	vshll.u32 v10, $0x4  }
0x3d2: {  	v8 =	vor.u32 v8, v10;
	_ =	sdelay $0x2  }
0x3d3: {  	v9 =	vcvt.s32.f32 v9;
	_ =	sdelay $0x1  }
0x3d4: {  	[tilespmem:v8+s13+$0x0] =	vst.idx.msk $0xffff, v9  }
0x3d5: {  	[hbm4b:s5+s12] =	stream.indirect.scatter [tilespmem:s13], [sflag:$0x1], $0x10, s23, s12, $0xb8;
	[tilespmem:$0x2FB0] =	vst v63  }
0x3d6: {  	_ =	swait.ge [sflag:s14], $0x800  }
0x3d7: {  	[sflag:s14] =	ssyncset.done $0x0  }
0x3d8: {  	[sflag:s14] =	ssyncadd.s32 $0xFFFFF800  }
0x3d9: {  	[hbm4b:s5+s12] =	stream.indirect.scatter [tilespmem:s16], [sflag:$0x1], $0x10, s24, s12, $0xb8;
	[tilespmem:$0x2FB0] =	vst v63  }
0x3da: {  	_ =	swait.ge [sflag:s14], $0x800  }
0x3db: {  	[sflag:s14] =	ssyncset.done $0x0  }
0x3dc: {  	[sflag:s14] =	ssyncadd.s32 $0xFFFFF800  }
0x3dd: {  	[hbm4b:s5+s12] =	stream.indirect.scatter [tilespmem:s18], [sflag:$0x1], $0x10, s25, s12, $0xb8;
	[tilespmem:$0x2FB0] =	vst v63  }
0x3de: {  	_ =	swait.ge [sflag:s14], $0x800  }
0x3df: {  	[sflag:s14] =	ssyncset.done $0x0  }
0x3e0: {  	[sflag:s14] =	ssyncadd.s32 $0xFFFFF800  }
0x3e1: {  	[hbm4b:s5+s12] =	stream.indirect.scatter [tilespmem:s20], [sflag:$0x1], $0x10, s26, s12, $0xb8;
	[tilespmem:$0x2FB0] =	vst v63  }
0x3e2: {  	s29 =	sadd.s32 $0x1, s29;
	_ =	swait.ge [sflag:s14], $0x800  }
0x3e3: {  	p0 =	sne.s32 s29, s8;
	[sflag:s14] =	ssyncset.done $0x0  }
.Ltmp1:
0x3e4: {  	[sflag:s14] =	ssyncadd.s32 $0xFFFFF800;
	(pc) =	sbr.rel @p0 .LBB2_1-.Ltmp1, $4  }
0x3e5: {  	[hbm4b:s5+s12] =	stream.indirect.scatter [tilespmem:s22], [sflag:$0x1], $0x10, s28, s12, $0xb8;
	[tilespmem:$0x2FB0] =	vst v63  }
0x3e6: {  	_ =	swait.ge [sflag:s14], $0x800  }
0x3e7: {  	[sflag:s14] =	ssyncset.done $0x0  }
0x3e8: {  	[sflag:s14] =	ssyncadd.s32 $0xFFFFF800  }
0x3e9: {  	_ =	sfence.sel $0x180000  }
0x3ea: {  	[bflag:$0x0] =	sbarrier.arrive $0xFFFF  }
0x3eb: {  	p0 =	sne.s32 s0, $0x0;
	_ =	strace $0x90000050  }
0x3ec: {  	s0 =	sadd.s32 @!p0 $0x100000, s1;
	[bflag:$0x2] =	sbarrier.arrive $0xFFFF  }
0x3ed: {  	[sflag:s0] =	ssyncadd.tile.s32 @!p0 $0x1;
	_ =	shalt  }
.Lfunc_end2:
_tile_overlayer_lowered:
.L_overlay_start_2:
0x3ee: {  	(tag) =	ssettag $0x2  }
0x3ef: {  	s0 =	rddreg [dreg:$0x0];
	s2 =	stileid.u32  }
0x3f0: {  	s1 =	rddreg [dreg:$0x1];
	p0 =	sne.s32 s2, $0x0  }
0x3f1: {  	s3 =	rddreg [dreg:$0x2];
	[bflag:$0x3] =	sbarrier.arrive $0xFFFF;
	s2 =	simm.s32 @!p0 $0x1C02  }
0x3f2: {  	[timem:s3], [sflag:s2] =	dma.local @!p0 [hbm:s0], s1  }
0x3f3: {  	s0 =	simm.s32 @!p0 $0x2  }
0x3f4: {  	_ =	swait.ge @!p0 [sflag:s0], s1  }
0x3f5: {  	s1 =	ssub.s32 @!p0 $0x0, s1;
	[sflag:s0] =	ssyncset.done @!p0 $0x0  }
0x3f6: {  	[sflag:s0] =	ssyncadd.s32 @!p0 s1  }
0x3f7: {  	[bflag:$0x3] =	sbarrier.arrive $0xFFFF  }
0x3f8: {  	_ =	shalt  }

</sc_bundles>
